<compile_context>
chip_gen: v7x
topology: tpu7x:2x2x1
jax: 0.10.2.dev20260603
libtpu: 0.0.44.dev20260713+nightly
codegen_flags: <defaults>
</compile_context>

<pallas_src>
import functools

import jax
import jax.numpy as jnp
from jax import lax
from jax.experimental import pallas as pl
from jax.experimental.pallas import tpu as pltpu
from jax.experimental.pallas import tpu_sc as plsc

N_NODES = 10000
DIM = 128
HALF = DIM // 2
NC, NS = 2, 16
CHUNK = 64
DW = 80
N_PAD = 10112
RPT = N_PAD // NS
RPT_LAST = N_NODES - (NS - 1) * RPT
PASS_CHUNKS = 40


def _transform_body(x_ref, w_ref, b_ref, o_ref):
    blk = x_ref.shape[0]
    prop = lax.dot_general(
        x_ref[...], w_ref[...],
        dimension_numbers=(((1,), (1,)), ((), ())),
        preferred_element_type=jnp.float32,
    ) + b_ref[...]
    col = lax.broadcasted_iota(jnp.int32, (blk, DW - HALF), 1)
    cnt_pad = jnp.where(col == 0, jnp.float32(1.0), jnp.float32(0.0))
    o_ref[0] = jnp.concatenate([prop[:, :HALF], cnt_pad], axis=1)
    o_ref[1] = jnp.concatenate([prop[:, HALF:], cnt_pad], axis=1)


def _transform(node_states, w, b):
    blk = 1264
    grid = N_PAD // blk
    return pl.pallas_call(
        _transform_body,
        grid=(grid,),
        in_specs=[
            pl.BlockSpec((blk, DIM), lambda i: (i, 0)),
            pl.BlockSpec((DIM, DIM), lambda i: (0, 0)),
            pl.BlockSpec((1, DIM), lambda i: (0, 0)),
        ],
        out_specs=pl.BlockSpec((NC, blk, DW), lambda i: (0, i, 0)),
        out_shape=jax.ShapeDtypeStruct((NC, N_PAD, DW), jnp.float32),
    )(node_states, w, b.reshape(1, DIM))


def _make_scatter(cpt):
    mesh = plsc.VectorSubcoreMesh(core_axis_name="c", subcore_axis_name="s",
                                  num_cores=NC, num_subcores=NS)
    npass = cpt // PASS_CHUNKS

    @functools.partial(
        pl.kernel,
        out_type=jax.ShapeDtypeStruct((N_NODES, DIM), jnp.float32),
        mesh=mesh,
        scratch_types=[
            pltpu.VMEM((PASS_CHUNKS, 2, CHUNK), jnp.int32),
            pltpu.VMEM((CHUNK, DW), jnp.float32),
            pltpu.VMEM((CHUNK, DW), jnp.float32),
            pltpu.VMEM((CHUNK, HALF), jnp.float32),
            pltpu.VMEM_SHARED((N_PAD, DW), jnp.float32),
            pltpu.VMEM_SHARED((N_PAD, DW), jnp.float32),
            pltpu.SemaphoreType.DMA,
            pltpu.SemaphoreType.DMA,
        ],
        compiler_params=pltpu.CompilerParams(use_tc_tiling_on_sc=False),
    )
    def scatter_kernel(st_hbm, prop_hbm, out_hbm,
                       idx_blk, rows_a, rows_b, obuf, tab, acc,
                       sem_a, sem_b):
        c = lax.axis_index("c")
        s = lax.axis_index("s")
        base = s * RPT

        tab_cp = pltpu.async_copy(prop_hbm.at[c, pl.ds(base, RPT)],
                                  tab.at[pl.ds(base, RPT)], sem_b)

        def zrow(r, carry):
            def zcol(cc, carry2):
                rows_a[r, pl.ds(cc * 16, 16)] = jnp.zeros((16,), jnp.float32)
                return carry2
            return lax.fori_loop(0, DW // 16, zcol, carry)
        lax.fori_loop(0, CHUNK, zrow, 0)

        nfull = RPT // CHUNK
        for k in range(nfull):
            pltpu.sync_copy(rows_a, acc.at[pl.ds(base + k * CHUNK, CHUNK)])
        rem = RPT - nfull * CHUNK
        if rem:
            pltpu.sync_copy(rows_a.at[pl.ds(0, rem)],
                            acc.at[pl.ds(base + nfull * CHUNK, rem)])
        tab_cp.wait()
        plsc.subcore_barrier()

        def pass_body(p, carry):
            pltpu.sync_copy(
                st_hbm.at[pl.ds(s * cpt + p * PASS_CHUNKS, PASS_CHUNKS)],
                idx_blk)
            pltpu.async_copy(tab.at[idx_blk.at[0, 0]], rows_a, sem_a)

            def body(kk, c2):
                k = kk * 2
                pltpu.async_copy(tab.at[idx_blk.at[k + 1, 0]], rows_b, sem_b)
                pltpu.make_async_copy(tab.at[idx_blk.at[k, 0]], rows_a,
                                      sem_a).wait()
                pltpu.sync_copy(rows_a, acc.at[idx_blk.at[k, 1]], add=True)

                @pl.when(k + 2 < PASS_CHUNKS)
                def _():
                    pltpu.async_copy(tab.at[idx_blk.at[k + 2, 0]], rows_a,
                                     sem_a)
                pltpu.make_async_copy(tab.at[idx_blk.at[k + 1, 0]], rows_b,
                                      sem_b).wait()
                pltpu.sync_copy(rows_b, acc.at[idx_blk.at[k + 1, 1]],
                                add=True)
                return c2
            lax.fori_loop(0, PASS_CHUNKS // 2, body, 0)
            return carry
        lax.fori_loop(0, npass, pass_body, 0)

        plsc.subcore_barrier()

        one16 = jnp.full((16,), 1.0, jnp.float32)

        def emit_block(r0, nrows):
            pltpu.sync_copy(acc.at[pl.ds(r0, nrows)],
                            rows_a.at[pl.ds(0, nrows)])

            def drow(r, carry):
                cnt = jnp.full(
                    (16,), rows_a[r, pl.ds(HALF, 16)][0], jnp.float32)
                inv = one16 / jnp.maximum(cnt, one16)
                for q in range(HALF // 16):
                    obuf[r, pl.ds(q * 16, 16)] = (
                        rows_a[r, pl.ds(q * 16, 16)] * inv)
                return carry
            lax.fori_loop(0, nrows, drow, 0)
            pltpu.sync_copy(obuf.at[pl.ds(0, nrows)],
                            out_hbm.at[pl.ds(r0, nrows),
                                       pl.ds(c * HALF, HALF)])

        def emit_rows(total):
            nb = total // CHUNK
            for k in range(nb):
                emit_block(base + k * CHUNK, CHUNK)
            tail = total - nb * CHUNK
            if tail:
                emit_block(base + nb * CHUNK, tail)

        @pl.when(s < NS - 1)
        def _():
            emit_rows(RPT)

        @pl.when(s == NS - 1)
        def _():
            emit_rows(RPT_LAST)

    return scatter_kernel


def kernel(edge_lists, node_states, W, b):
    e = edge_lists.shape[1]
    cpt = -(-e // (NS * CHUNK))
    cpt = -(-cpt // PASS_CHUNKS) * PASS_CHUNKS
    e_pad = NS * cpt * CHUNK
    src = edge_lists[0, :, 0].astype(jnp.int32)
    tgt = edge_lists[0, :, 1].astype(jnp.int32)
    pad = e_pad - e
    src = jnp.concatenate([src, jnp.zeros((pad,), jnp.int32)])
    tgt = jnp.concatenate([tgt, jnp.full((pad,), N_NODES, jnp.int32)])
    st = jnp.stack([src.reshape(e_pad // CHUNK, CHUNK),
                    tgt.reshape(e_pad // CHUNK, CHUNK)], axis=1)

    prop = _transform(node_states, W, b)
    return _make_scatter(cpt)(st, prop)

# --- scband reference (transcript-rebuilt; emitter-appended) ---
"""Pipeline reference for scband-messaging-layer-13443247636587 (READ-ONLY COPY).

The authoritative reference and input builder live on the scoring server;
editing this copy changes nothing except your own understanding.
"""

import jax, jax.numpy as jnp
import numpy as np

N_NODES = 10000
N_EDGES = 320000
DIM = 128
T = 1  # forward_and_backward_edge_type_count


def setup_inputs(seed: int = 0) -> dict:
    key = jax.random.key(seed)
    k1, k2, k3 = jax.random.split(key, 3)
    node_states = jax.random.normal(k1, (N_NODES, DIM), dtype=jnp.float32)
    edge_lists = jax.random.randint(k2, (T, N_EDGES, 2), 0, N_NODES, dtype=jnp.int64)
    # LinearNet: weight [out_features, in_features] = [DIM*T, DIM], xavier uniform
    fan_in, fan_out = DIM, DIM * T
    limit = float(np.sqrt(6.0 / (fan_in + fan_out)))
    W = jax.random.uniform(k3, (DIM * T, DIM), minval=-limit, maxval=limit, dtype=jnp.float32)
    b = jnp.zeros((DIM * T,), dtype=jnp.float32)
    return {"edge_lists": edge_lists, "node_states": node_states, "W": W, "b": b}


def reference(edge_lists, node_states, W, b):
    N = node_states.shape[0]
    # transform(node_states).transpose(0,1).view(T, DIM, N)
    prop = node_states @ W.T + b            # [N, T*DIM]
    prop = prop.T.reshape(T, DIM, N)        # [T, DIM, N]
    messages = jnp.zeros_like(node_states)  # [N, DIM]
    bincount = jnp.zeros((N,), dtype=jnp.int32)
    for i in range(T):
        el = edge_lists[i]
        src = el[:, 0]
        tgt = el[:, 1]
        # F.embedding(src, prop[i].T) -> gather rows
        states_by_source = jnp.take(prop[i].T, src, axis=0)  # [E, DIM]
        messages = messages.at[tgt].add(states_by_source)
        bincount = bincount + jnp.bincount(tgt, length=N)
    divisor = bincount.astype(jnp.float32)
    divisor = jnp.where(bincount == 0, jnp.float32(1.0), divisor)
    messages = messages / divisor[:, None]
    return messages

if __name__ == "__main__":
    import jax
    _d = setup_inputs()
    print(jax.jit(kernel)(*tuple(_d.values())))

</pallas_src>

<mosaic_0001>
#map = affine_map<(d0, d1) -> (0, 0, 0)>
#map1 = affine_map<(d0, d1) -> (0, 0)>
module attributes {stable_mosaic.version = 14 : i64} {
  func.func @scatter_kernel(%arg0: i32, %arg1: i32, %arg2: memref<5120x2x64xi32, #tpu.memory_space<hbm>>, %arg3: memref<2x10112x80xf32, #tpu.memory_space<hbm>>, %arg4: memref<10000x128xf32, #tpu.memory_space<hbm>>, %arg5: memref<40x2x64xi32, #tpu.memory_space<vmem>>, %arg6: memref<64x80xf32, #tpu.memory_space<vmem>>, %arg7: memref<64x80xf32, #tpu.memory_space<vmem>>, %arg8: memref<64x64xf32, #tpu.memory_space<vmem>>, %arg9: memref<10112x80xf32, #tpu.memory_space<vmem_shared>>, %arg10: memref<10112x80xf32, #tpu.memory_space<vmem_shared>>, %arg11: memref<!tpu.dma_semaphore, #tpu.memory_space<semaphore_mem>>, %arg12: memref<!tpu.dma_semaphore, #tpu.memory_space<semaphore_mem>>) attributes {dimension_semantics = [#tpu.dimension_semantics<core_parallel>, #tpu.dimension_semantics<subcore_parallel>], iteration_bounds = array<i64: 2, 16>, scalar_prefetch = 0 : i64, scratch_operands = 8 : i64, tpu.core_type = #tpu.core_type<sc_vector_subcore>, window_params = [{transform_indices = #map}, {transform_indices = #map}, {transform_indices = #map1}]} {
    %mul3A = arith.constant 632 : i32
    %mul3A_0 = arith.muli %arg1, %mul3A : i32
    %dma_start3A = arith.constant 0 : i32
    %dma_start3A_1 = tpu.memref_slice %arg9[%mul3A_0, %dma_start3A] : memref<10112x80xf32, #tpu.memory_space<vmem_shared>> -> memref<632x80xf32, #tpu.memory_space<vmem_shared>>
    %dma_start3A_2 = arith.constant 0 : i32
    %dma_start3A_3 = tpu.memref_slice %arg3[%arg0, %mul3A_0, %dma_start3A_2] : memref<2x10112x80xf32, #tpu.memory_space<hbm>> -> memref<1x632x80xf32, #tpu.memory_space<hbm>>
    %dma_start3A_4 = tpu.memref_squeeze %dma_start3A_3 : memref<1x632x80xf32, #tpu.memory_space<hbm>> -> memref<632x80xf32, #tpu.memory_space<hbm>>
    tpu.enqueue_dma source(%dma_start3A_4 : memref<632x80xf32, #tpu.memory_space<hbm>>) target(%dma_start3A_1 : memref<632x80xf32, #tpu.memory_space<vmem_shared>>) target_semaphore(%arg12 : memref<!tpu.dma_semaphore, #tpu.memory_space<semaphore_mem>>)
    %scan3A = arith.constant 0 : i32
    %scan3A_5 = arith.constant 0 : i32
    %scan3A_6 = arith.constant 64 : i32
    %scan3A_7 = arith.addi %scan3A_5, %scan3A_6 : i32
    %scan3A_8 = arith.constant 1 : i32
    scf.for %scan3A_47 = %scan3A_5 to %scan3A_7 step %scan3A_8  : i32 {
      %scan3A_48 = arith.constant 0 : i32
      %scan3A_49 = arith.constant 5 : i32
      %scan3A_50 = arith.addi %scan3A_48, %scan3A_49 : i32
      %scan3A_51 = arith.constant 1 : i32
      scf.for %scan3A_53 = %scan3A_48 to %scan3A_50 step %scan3A_51  : i32 {
        %broadcast_in_dim3A_54 = arith.constant 0.000000e+00 : f32
        %broadcast_in_dim3A_55 = vector.broadcast %broadcast_in_dim3A_54 : f32 to vector<16xf32>
        %mul3A_56 = arith.constant 16 : i32
        %mul3A_57 = arith.muli %scan3A_53, %mul3A_56 : i32
        %swap3A = arith.index_cast %scan3A_47 : i32 to index
        %swap3A_58 = arith.index_cast %mul3A_57 : i32 to index
        %swap3A_59 = tpu.vector_load %arg6[%swap3A, %swap3A_58] {strides = array<i32>} : memref<64x80xf32, #tpu.memory_space<vmem>>, vector<1x16xf32>,
        %swap3A_60 = vector.shape_cast %swap3A_59 : vector<1x16xf32> to vector<16xf32>
        %swap3A_61 = vector.shape_cast %broadcast_in_dim3A_55 : vector<16xf32> to vector<1x16xf32>
        tpu.vector_store %arg6[%swap3A, %swap3A_58], %swap3A_61 {strides = array<i32>} : memref<64x80xf32, #tpu.memory_space<vmem>>, vector<1x16xf32>,
      }
      %scan3A_52 = arith.constant 5 : i32
    }
    %scan3A_9 = arith.constant 64 : i32
    %add3A = arith.constant 0 : i32
    %add3A_10 = arith.addi %mul3A_0, %add3A : i32
    "tpu.region"() ({
      %run_scoped3A = tpu.sem_alloc : memref<!tpu.dma_semaphore, #tpu.memory_space<semaphore_mem>>
      %dma_start3A_47 = arith.constant 0 : i32
      %dma_start3A_48 = tpu.memref_slice %arg10[%add3A_10, %dma_start3A_47] : memref<10112x80xf32, #tpu.memory_space<vmem_shared>> -> memref<64x80xf32, #tpu.memory_space<vmem_shared>>
      %dma_start3A_49 = arith.constant 0 : i32
      %dma_start3A_50 = tpu.memref_slice %arg10[%add3A_10, %dma_start3A_49] : memref<10112x80xf32, #tpu.memory_space<vmem_shared>> -> memref<64x80xf32, #tpu.memory_space<vmem_shared>>
      tpu.enqueue_dma source(%arg6 : memref<64x80xf32, #tpu.memory_space<vmem>>) target(%dma_start3A_50 : memref<64x80xf32, #tpu.memory_space<vmem_shared>>) target_semaphore(%run_scoped3A : memref<!tpu.dma_semaphore, #tpu.memory_space<semaphore_mem>>)
      %dma_wait3A_51 = arith.constant 0 : i32
      %dma_wait3A_52 = tpu.memref_slice %arg10[%add3A_10, %dma_wait3A_51] : memref<10112x80xf32, #tpu.memory_space<vmem_shared>> -> memref<64x80xf32, #tpu.memory_space<vmem_shared>>
      %dma_wait3A_53 = arith.constant 0 : i32
      %dma_wait3A_54 = tpu.memref_slice %arg10[%add3A_10, %dma_wait3A_53] : memref<10112x80xf32, #tpu.memory_space<vmem_shared>> -> memref<64x80xf32, #tpu.memory_space<vmem_shared>>
      tpu.wait_dma2 semaphore(%run_scoped3A : memref<!tpu.dma_semaphore, #tpu.memory_space<semaphore_mem>>) src(%arg6 : memref<64x80xf32, #tpu.memory_space<vmem>>) dst(%dma_wait3A_54 : memref<64x80xf32, #tpu.memory_space<vmem_shared>>)
      tpu.yield
    }) : () -> ()
    %add3A_11 = arith.constant 64 : i32
    %add3A_12 = arith.addi %mul3A_0, %add3A_11 : i32
    "tpu.region"() ({
      %run_scoped3A = tpu.sem_alloc : memref<!tpu.dma_semaphore, #tpu.memory_space<semaphore_mem>>
      %dma_start3A_47 = arith.constant 0 : i32
      %dma_start3A_48 = tpu.memref_slice %arg10[%add3A_12, %dma_start3A_47] : memref<10112x80xf32, #tpu.memory_space<vmem_shared>> -> memref<64x80xf32, #tpu.memory_space<vmem_shared>>
      %dma_start3A_49 = arith.constant 0 : i32
      %dma_start3A_50 = tpu.memref_slice %arg10[%add3A_12, %dma_start3A_49] : memref<10112x80xf32, #tpu.memory_space<vmem_shared>> -> memref<64x80xf32, #tpu.memory_space<vmem_shared>>
      tpu.enqueue_dma source(%arg6 : memref<64x80xf32, #tpu.memory_space<vmem>>) target(%dma_start3A_50 : memref<64x80xf32, #tpu.memory_space<vmem_shared>>) target_semaphore(%run_scoped3A : memref<!tpu.dma_semaphore, #tpu.memory_space<semaphore_mem>>)
      %dma_wait3A_51 = arith.constant 0 : i32
      %dma_wait3A_52 = tpu.memref_slice %arg10[%add3A_12, %dma_wait3A_51] : memref<10112x80xf32, #tpu.memory_space<vmem_shared>> -> memref<64x80xf32, #tpu.memory_space<vmem_shared>>
      %dma_wait3A_53 = arith.constant 0 : i32
      %dma_wait3A_54 = tpu.memref_slice %arg10[%add3A_12, %dma_wait3A_53] : memref<10112x80xf32, #tpu.memory_space<vmem_shared>> -> memref<64x80xf32, #tpu.memory_space<vmem_shared>>
      tpu.wait_dma2 semaphore(%run_scoped3A : memref<!tpu.dma_semaphore, #tpu.memory_space<semaphore_mem>>) src(%arg6 : memref<64x80xf32, #tpu.memory_space<vmem>>) dst(%dma_wait3A_54 : memref<64x80xf32, #tpu.memory_space<vmem_shared>>)
      tpu.yield
    }) : () -> ()
    %add3A_13 = arith.constant 128 : i32
    %add3A_14 = arith.addi %mul3A_0, %add3A_13 : i32
    "tpu.region"() ({
      %run_scoped3A = tpu.sem_alloc : memref<!tpu.dma_semaphore, #tpu.memory_space<semaphore_mem>>
      %dma_start3A_47 = arith.constant 0 : i32
      %dma_start3A_48 = tpu.memref_slice %arg10[%add3A_14, %dma_start3A_47] : memref<10112x80xf32, #tpu.memory_space<vmem_shared>> -> memref<64x80xf32, #tpu.memory_space<vmem_shared>>
      %dma_start3A_49 = arith.constant 0 : i32
      %dma_start3A_50 = tpu.memref_slice %arg10[%add3A_14, %dma_start3A_49] : memref<10112x80xf32, #tpu.memory_space<vmem_shared>> -> memref<64x80xf32, #tpu.memory_space<vmem_shared>>
      tpu.enqueue_dma source(%arg6 : memref<64x80xf32, #tpu.memory_space<vmem>>) target(%dma_start3A_50 : memref<64x80xf32, #tpu.memory_space<vmem_shared>>) target_semaphore(%run_scoped3A : memref<!tpu.dma_semaphore, #tpu.memory_space<semaphore_mem>>)
      %dma_wait3A_51 = arith.constant 0 : i32
      %dma_wait3A_52 = tpu.memref_slice %arg10[%add3A_14, %dma_wait3A_51] : memref<10112x80xf32, #tpu.memory_space<vmem_shared>> -> memref<64x80xf32, #tpu.memory_space<vmem_shared>>
      %dma_wait3A_53 = arith.constant 0 : i32
      %dma_wait3A_54 = tpu.memref_slice %arg10[%add3A_14, %dma_wait3A_53] : memref<10112x80xf32, #tpu.memory_space<vmem_shared>> -> memref<64x80xf32, #tpu.memory_space<vmem_shared>>
      tpu.wait_dma2 semaphore(%run_scoped3A : memref<!tpu.dma_semaphore, #tpu.memory_space<semaphore_mem>>) src(%arg6 : memref<64x80xf32, #tpu.memory_space<vmem>>) dst(%dma_wait3A_54 : memref<64x80xf32, #tpu.memory_space<vmem_shared>>)
      tpu.yield
    }) : () -> ()
    %add3A_15 = arith.constant 192 : i32
    %add3A_16 = arith.addi %mul3A_0, %add3A_15 : i32
    "tpu.region"() ({
      %run_scoped3A = tpu.sem_alloc : memref<!tpu.dma_semaphore, #tpu.memory_space<semaphore_mem>>
      %dma_start3A_47 = arith.constant 0 : i32
      %dma_start3A_48 = tpu.memref_slice %arg10[%add3A_16, %dma_start3A_47] : memref<10112x80xf32, #tpu.memory_space<vmem_shared>> -> memref<64x80xf32, #tpu.memory_space<vmem_shared>>
      %dma_start3A_49 = arith.constant 0 : i32
      %dma_start3A_50 = tpu.memref_slice %arg10[%add3A_16, %dma_start3A_49] : memref<10112x80xf32, #tpu.memory_space<vmem_shared>> -> memref<64x80xf32, #tpu.memory_space<vmem_shared>>
      tpu.enqueue_dma source(%arg6 : memref<64x80xf32, #tpu.memory_space<vmem>>) target(%dma_start3A_50 : memref<64x80xf32, #tpu.memory_space<vmem_shared>>) target_semaphore(%run_scoped3A : memref<!tpu.dma_semaphore, #tpu.memory_space<semaphore_mem>>)
      %dma_wait3A_51 = arith.constant 0 : i32
      %dma_wait3A_52 = tpu.memref_slice %arg10[%add3A_16, %dma_wait3A_51] : memref<10112x80xf32, #tpu.memory_space<vmem_shared>> -> memref<64x80xf32, #tpu.memory_space<vmem_shared>>
      %dma_wait3A_53 = arith.constant 0 : i32
      %dma_wait3A_54 = tpu.memref_slice %arg10[%add3A_16, %dma_wait3A_53] : memref<10112x80xf32, #tpu.memory_space<vmem_shared>> -> memref<64x80xf32, #tpu.memory_space<vmem_shared>>
      tpu.wait_dma2 semaphore(%run_scoped3A : memref<!tpu.dma_semaphore, #tpu.memory_space<semaphore_mem>>) src(%arg6 : memref<64x80xf32, #tpu.memory_space<vmem>>) dst(%dma_wait3A_54 : memref<64x80xf32, #tpu.memory_space<vmem_shared>>)
      tpu.yield
    }) : () -> ()
    %add3A_17 = arith.constant 256 : i32
    %add3A_18 = arith.addi %mul3A_0, %add3A_17 : i32
    "tpu.region"() ({
      %run_scoped3A = tpu.sem_alloc : memref<!tpu.dma_semaphore, #tpu.memory_space<semaphore_mem>>
      %dma_start3A_47 = arith.constant 0 : i32
      %dma_start3A_48 = tpu.memref_slice %arg10[%add3A_18, %dma_start3A_47] : memref<10112x80xf32, #tpu.memory_space<vmem_shared>> -> memref<64x80xf32, #tpu.memory_space<vmem_shared>>
      %dma_start3A_49 = arith.constant 0 : i32
      %dma_start3A_50 = tpu.memref_slice %arg10[%add3A_18, %dma_start3A_49] : memref<10112x80xf32, #tpu.memory_space<vmem_shared>> -> memref<64x80xf32, #tpu.memory_space<vmem_shared>>
      tpu.enqueue_dma source(%arg6 : memref<64x80xf32, #tpu.memory_space<vmem>>) target(%dma_start3A_50 : memref<64x80xf32, #tpu.memory_space<vmem_shared>>) target_semaphore(%run_scoped3A : memref<!tpu.dma_semaphore, #tpu.memory_space<semaphore_mem>>)
      %dma_wait3A_51 = arith.constant 0 : i32
      %dma_wait3A_52 = tpu.memref_slice %arg10[%add3A_18, %dma_wait3A_51] : memref<10112x80xf32, #tpu.memory_space<vmem_shared>> -> memref<64x80xf32, #tpu.memory_space<vmem_shared>>
      %dma_wait3A_53 = arith.constant 0 : i32
      %dma_wait3A_54 = tpu.memref_slice %arg10[%add3A_18, %dma_wait3A_53] : memref<10112x80xf32, #tpu.memory_space<vmem_shared>> -> memref<64x80xf32, #tpu.memory_space<vmem_shared>>
      tpu.wait_dma2 semaphore(%run_scoped3A : memref<!tpu.dma_semaphore, #tpu.memory_space<semaphore_mem>>) src(%arg6 : memref<64x80xf32, #tpu.memory_space<vmem>>) dst(%dma_wait3A_54 : memref<64x80xf32, #tpu.memory_space<vmem_shared>>)
      tpu.yield
    }) : () -> ()
    %add3A_19 = arith.constant 320 : i32
    %add3A_20 = arith.addi %mul3A_0, %add3A_19 : i32
    "tpu.region"() ({
      %run_scoped3A = tpu.sem_alloc : memref<!tpu.dma_semaphore, #tpu.memory_space<semaphore_mem>>
      %dma_start3A_47 = arith.constant 0 : i32
      %dma_start3A_48 = tpu.memref_slice %arg10[%add3A_20, %dma_start3A_47] : memref<10112x80xf32, #tpu.memory_space<vmem_shared>> -> memref<64x80xf32, #tpu.memory_space<vmem_shared>>
      %dma_start3A_49 = arith.constant 0 : i32
      %dma_start3A_50 = tpu.memref_slice %arg10[%add3A_20, %dma_start3A_49] : memref<10112x80xf32, #tpu.memory_space<vmem_shared>> -> memref<64x80xf32, #tpu.memory_space<vmem_shared>>
      tpu.enqueue_dma source(%arg6 : memref<64x80xf32, #tpu.memory_space<vmem>>) target(%dma_start3A_50 : memref<64x80xf32, #tpu.memory_space<vmem_shared>>) target_semaphore(%run_scoped3A : memref<!tpu.dma_semaphore, #tpu.memory_space<semaphore_mem>>)
      %dma_wait3A_51 = arith.constant 0 : i32
      %dma_wait3A_52 = tpu.memref_slice %arg10[%add3A_20, %dma_wait3A_51] : memref<10112x80xf32, #tpu.memory_space<vmem_shared>> -> memref<64x80xf32, #tpu.memory_space<vmem_shared>>
      %dma_wait3A_53 = arith.constant 0 : i32
      %dma_wait3A_54 = tpu.memref_slice %arg10[%add3A_20, %dma_wait3A_53] : memref<10112x80xf32, #tpu.memory_space<vmem_shared>> -> memref<64x80xf32, #tpu.memory_space<vmem_shared>>
      tpu.wait_dma2 semaphore(%run_scoped3A : memref<!tpu.dma_semaphore, #tpu.memory_space<semaphore_mem>>) src(%arg6 : memref<64x80xf32, #tpu.memory_space<vmem>>) dst(%dma_wait3A_54 : memref<64x80xf32, #tpu.memory_space<vmem_shared>>)
      tpu.yield
    }) : () -> ()
    %add3A_21 = arith.constant 384 : i32
    %add3A_22 = arith.addi %mul3A_0, %add3A_21 : i32
    "tpu.region"() ({
      %run_scoped3A = tpu.sem_alloc : memref<!tpu.dma_semaphore, #tpu.memory_space<semaphore_mem>>
      %dma_start3A_47 = arith.constant 0 : i32
      %dma_start3A_48 = tpu.memref_slice %arg10[%add3A_22, %dma_start3A_47] : memref<10112x80xf32, #tpu.memory_space<vmem_shared>> -> memref<64x80xf32, #tpu.memory_space<vmem_shared>>
      %dma_start3A_49 = arith.constant 0 : i32
      %dma_start3A_50 = tpu.memref_slice %arg10[%add3A_22, %dma_start3A_49] : memref<10112x80xf32, #tpu.memory_space<vmem_shared>> -> memref<64x80xf32, #tpu.memory_space<vmem_shared>>
      tpu.enqueue_dma source(%arg6 : memref<64x80xf32, #tpu.memory_space<vmem>>) target(%dma_start3A_50 : memref<64x80xf32, #tpu.memory_space<vmem_shared>>) target_semaphore(%run_scoped3A : memref<!tpu.dma_semaphore, #tpu.memory_space<semaphore_mem>>)
      %dma_wait3A_51 = arith.constant 0 : i32
      %dma_wait3A_52 = tpu.memref_slice %arg10[%add3A_22, %dma_wait3A_51] : memref<10112x80xf32, #tpu.memory_space<vmem_shared>> -> memref<64x80xf32, #tpu.memory_space<vmem_shared>>
      %dma_wait3A_53 = arith.constant 0 : i32
      %dma_wait3A_54 = tpu.memref_slice %arg10[%add3A_22, %dma_wait3A_53] : memref<10112x80xf32, #tpu.memory_space<vmem_shared>> -> memref<64x80xf32, #tpu.memory_space<vmem_shared>>
      tpu.wait_dma2 semaphore(%run_scoped3A : memref<!tpu.dma_semaphore, #tpu.memory_space<semaphore_mem>>) src(%arg6 : memref<64x80xf32, #tpu.memory_space<vmem>>) dst(%dma_wait3A_54 : memref<64x80xf32, #tpu.memory_space<vmem_shared>>)
      tpu.yield
    }) : () -> ()
    %add3A_23 = arith.constant 448 : i32
    %add3A_24 = arith.addi %mul3A_0, %add3A_23 : i32
    "tpu.region"() ({
      %run_scoped3A = tpu.sem_alloc : memref<!tpu.dma_semaphore, #tpu.memory_space<semaphore_mem>>
      %dma_start3A_47 = arith.constant 0 : i32
      %dma_start3A_48 = tpu.memref_slice %arg10[%add3A_24, %dma_start3A_47] : memref<10112x80xf32, #tpu.memory_space<vmem_shared>> -> memref<64x80xf32, #tpu.memory_space<vmem_shared>>
      %dma_start3A_49 = arith.constant 0 : i32
      %dma_start3A_50 = tpu.memref_slice %arg10[%add3A_24, %dma_start3A_49] : memref<10112x80xf32, #tpu.memory_space<vmem_shared>> -> memref<64x80xf32, #tpu.memory_space<vmem_shared>>
      tpu.enqueue_dma source(%arg6 : memref<64x80xf32, #tpu.memory_space<vmem>>) target(%dma_start3A_50 : memref<64x80xf32, #tpu.memory_space<vmem_shared>>) target_semaphore(%run_scoped3A : memref<!tpu.dma_semaphore, #tpu.memory_space<semaphore_mem>>)
      %dma_wait3A_51 = arith.constant 0 : i32
      %dma_wait3A_52 = tpu.memref_slice %arg10[%add3A_24, %dma_wait3A_51] : memref<10112x80xf32, #tpu.memory_space<vmem_shared>> -> memref<64x80xf32, #tpu.memory_space<vmem_shared>>
      %dma_wait3A_53 = arith.constant 0 : i32
      %dma_wait3A_54 = tpu.memref_slice %arg10[%add3A_24, %dma_wait3A_53] : memref<10112x80xf32, #tpu.memory_space<vmem_shared>> -> memref<64x80xf32, #tpu.memory_space<vmem_shared>>
      tpu.wait_dma2 semaphore(%run_scoped3A : memref<!tpu.dma_semaphore, #tpu.memory_space<semaphore_mem>>) src(%arg6 : memref<64x80xf32, #tpu.memory_space<vmem>>) dst(%dma_wait3A_54 : memref<64x80xf32, #tpu.memory_space<vmem_shared>>)
      tpu.yield
    }) : () -> ()
    %add3A_25 = arith.constant 512 : i32
    %add3A_26 = arith.addi %mul3A_0, %add3A_25 : i32
    "tpu.region"() ({
      %run_scoped3A = tpu.sem_alloc : memref<!tpu.dma_semaphore, #tpu.memory_space<semaphore_mem>>
      %dma_start3A_47 = arith.constant 0 : i32
      %dma_start3A_48 = tpu.memref_slice %arg10[%add3A_26, %dma_start3A_47] : memref<10112x80xf32, #tpu.memory_space<vmem_shared>> -> memref<64x80xf32, #tpu.memory_space<vmem_shared>>
      %dma_start3A_49 = arith.constant 0 : i32
      %dma_start3A_50 = tpu.memref_slice %arg10[%add3A_26, %dma_start3A_49] : memref<10112x80xf32, #tpu.memory_space<vmem_shared>> -> memref<64x80xf32, #tpu.memory_space<vmem_shared>>
      tpu.enqueue_dma source(%arg6 : memref<64x80xf32, #tpu.memory_space<vmem>>) target(%dma_start3A_50 : memref<64x80xf32, #tpu.memory_space<vmem_shared>>) target_semaphore(%run_scoped3A : memref<!tpu.dma_semaphore, #tpu.memory_space<semaphore_mem>>)
      %dma_wait3A_51 = arith.constant 0 : i32
      %dma_wait3A_52 = tpu.memref_slice %arg10[%add3A_26, %dma_wait3A_51] : memref<10112x80xf32, #tpu.memory_space<vmem_shared>> -> memref<64x80xf32, #tpu.memory_space<vmem_shared>>
      %dma_wait3A_53 = arith.constant 0 : i32
      %dma_wait3A_54 = tpu.memref_slice %arg10[%add3A_26, %dma_wait3A_53] : memref<10112x80xf32, #tpu.memory_space<vmem_shared>> -> memref<64x80xf32, #tpu.memory_space<vmem_shared>>
      tpu.wait_dma2 semaphore(%run_scoped3A : memref<!tpu.dma_semaphore, #tpu.memory_space<semaphore_mem>>) src(%arg6 : memref<64x80xf32, #tpu.memory_space<vmem>>) dst(%dma_wait3A_54 : memref<64x80xf32, #tpu.memory_space<vmem_shared>>)
      tpu.yield
    }) : () -> ()
    %add3A_27 = arith.constant 576 : i32
    %add3A_28 = arith.addi %mul3A_0, %add3A_27 : i32
    "tpu.region"() ({
      %run_scoped3A = tpu.sem_alloc : memref<!tpu.dma_semaphore, #tpu.memory_space<semaphore_mem>>
      %dma_start3A_47 = arith.constant 0 : i32
      %dma_start3A_48 = arith.constant 0 : i32
      %dma_start3A_49 = tpu.memref_slice %arg6[%dma_start3A_47, %dma_start3A_48] : memref<64x80xf32, #tpu.memory_space<vmem>> -> memref<56x80xf32, #tpu.memory_space<vmem>>
      %dma_start3A_50 = arith.constant 0 : i32
      %dma_start3A_51 = tpu.memref_slice %arg10[%add3A_28, %dma_start3A_50] : memref<10112x80xf32, #tpu.memory_space<vmem_shared>> -> memref<56x80xf32, #tpu.memory_space<vmem_shared>>
      %dma_start3A_52 = arith.constant 0 : i32
      %dma_start3A_53 = tpu.memref_slice %arg10[%add3A_28, %dma_start3A_52] : memref<10112x80xf32, #tpu.memory_space<vmem_shared>> -> memref<56x80xf32, #tpu.memory_space<vmem_shared>>
      %dma_start3A_54 = arith.constant 0 : i32
      %dma_start3A_55 = arith.constant 0 : i32
      %dma_start3A_56 = tpu.memref_slice %arg6[%dma_start3A_54, %dma_start3A_55] : memref<64x80xf32, #tpu.memory_space<vmem>> -> memref<56x80xf32, #tpu.memory_space<vmem>>
      tpu.enqueue_dma source(%dma_start3A_56 : memref<56x80xf32, #tpu.memory_space<vmem>>) target(%dma_start3A_53 : memref<56x80xf32, #tpu.memory_space<vmem_shared>>) target_semaphore(%run_scoped3A : memref<!tpu.dma_semaphore, #tpu.memory_space<semaphore_mem>>)
      %dma_wait3A_57 = arith.constant 0 : i32
      %dma_wait3A_58 = arith.constant 0 : i32
      %dma_wait3A_59 = tpu.memref_slice %arg6[%dma_wait3A_57, %dma_wait3A_58] : memref<64x80xf32, #tpu.memory_space<vmem>> -> memref<56x80xf32, #tpu.memory_space<vmem>>
      %dma_wait3A_60 = arith.constant 0 : i32
      %dma_wait3A_61 = tpu.memref_slice %arg10[%add3A_28, %dma_wait3A_60] : memref<10112x80xf32, #tpu.memory_space<vmem_shared>> -> memref<56x80xf32, #tpu.memory_space<vmem_shared>>
      %dma_wait3A_62 = arith.constant 0 : i32
      %dma_wait3A_63 = tpu.memref_slice %arg10[%add3A_28, %dma_wait3A_62] : memref<10112x80xf32, #tpu.memory_space<vmem_shared>> -> memref<56x80xf32, #tpu.memory_space<vmem_shared>>
      %dma_wait3A_64 = arith.constant 0 : i32
      %dma_wait3A_65 = arith.constant 0 : i32
      %dma_wait3A_66 = tpu.memref_slice %arg6[%dma_wait3A_64, %dma_wait3A_65] : memref<64x80xf32, #tpu.memory_space<vmem>> -> memref<56x80xf32, #tpu.memory_space<vmem>>
      tpu.wait_dma2 semaphore(%run_scoped3A : memref<!tpu.dma_semaphore, #tpu.memory_space<semaphore_mem>>) src(%dma_wait3A_66 : memref<56x80xf32, #tpu.memory_space<vmem>>) dst(%dma_wait3A_63 : memref<56x80xf32, #tpu.memory_space<vmem_shared>>)
      tpu.yield
    }) : () -> ()
    %dma_wait3A = arith.constant 0 : i32
    %dma_wait3A_29 = tpu.memref_slice %arg9[%mul3A_0, %dma_wait3A] : memref<10112x80xf32, #tpu.memory_space<vmem_shared>> -> memref<632x80xf32, #tpu.memory_space<vmem_shared>>
    %dma_wait3A_30 = arith.constant 0 : i32
    %dma_wait3A_31 = tpu.memref_slice %arg3[%arg0, %mul3A_0, %dma_wait3A_30] : memref<2x10112x80xf32, #tpu.memory_space<hbm>> -> memref<1x632x80xf32, #tpu.memory_space<hbm>>
    %dma_wait3A_32 = tpu.memref_squeeze %dma_wait3A_31 : memref<1x632x80xf32, #tpu.memory_space<hbm>> -> memref<632x80xf32, #tpu.memory_space<hbm>>
    tpu.wait_dma2 semaphore(%arg12 : memref<!tpu.dma_semaphore, #tpu.memory_space<semaphore_mem>>) src(%dma_wait3A_32 : memref<632x80xf32, #tpu.memory_space<hbm>>) dst(%dma_wait3A_29 : memref<632x80xf32, #tpu.memory_space<vmem_shared>>)
    %barrier3A = arith.constant 0 : index
    tpu.barrier barrier_id(%barrier3A)
    %scan3A_33 = arith.constant 0 : i32
    %scan3A_34 = arith.constant 0 : i32
    %scan3A_35 = arith.constant 8 : i32
    %scan3A_36 = arith.addi %scan3A_34, %scan3A_35 : i32
    %scan3A_37 = arith.constant 1 : i32
    scf.for %scan3A_47 = %scan3A_34 to %scan3A_36 step %scan3A_37  : i32 {
      %mul3A_48 = arith.constant 320 : i32
      %mul3A_49 = arith.muli %arg1, %mul3A_48 : i32
      %mul3A_50 = arith.constant 40 : i32
      %mul3A_51 = arith.muli %scan3A_47, %mul3A_50 : i32
      %add3A_52 = arith.addi %mul3A_49, %mul3A_51 : i32
      "tpu.region"() ({
        %run_scoped3A = tpu.sem_alloc : memref<!tpu.dma_semaphore, #tpu.memory_space<semaphore_mem>>
        %dma_start3A_67 = arith.constant 0 : i32
        %dma_start3A_68 = arith.constant 0 : i32
        %dma_start3A_69 = tpu.memref_slice %arg2[%add3A_52, %dma_start3A_67, %dma_start3A_68] : memref<5120x2x64xi32, #tpu.memory_space<hbm>> -> memref<40x2x64xi32, #tpu.memory_space<hbm>>
        %dma_start3A_70 = arith.constant 0 : i32
        %dma_start3A_71 = arith.constant 0 : i32
        %dma_start3A_72 = tpu.memref_slice %arg2[%add3A_52, %dma_start3A_70, %dma_start3A_71] : memref<5120x2x64xi32, #tpu.memory_space<hbm>> -> memref<40x2x64xi32, #tpu.memory_space<hbm>>
        tpu.enqueue_dma source(%dma_start3A_72 : memref<40x2x64xi32, #tpu.memory_space<hbm>>) target(%arg5 : memref<40x2x64xi32, #tpu.memory_space<vmem>>) target_semaphore(%run_scoped3A : memref<!tpu.dma_semaphore, #tpu.memory_space<semaphore_mem>>)
        %dma_wait3A_73 = arith.constant 0 : i32
        %dma_wait3A_74 = arith.constant 0 : i32
        %dma_wait3A_75 = tpu.memref_slice %arg2[%add3A_52, %dma_wait3A_73, %dma_wait3A_74] : memref<5120x2x64xi32, #tpu.memory_space<hbm>> -> memref<40x2x64xi32, #tpu.memory_space<hbm>>
        %dma_wait3A_76 = arith.constant 0 : i32
        %dma_wait3A_77 = arith.constant 0 : i32
        %dma_wait3A_78 = tpu.memref_slice %arg2[%add3A_52, %dma_wait3A_76, %dma_wait3A_77] : memref<5120x2x64xi32, #tpu.memory_space<hbm>> -> memref<40x2x64xi32, #tpu.memory_space<hbm>>
        tpu.wait_dma2 semaphore(%run_scoped3A : memref<!tpu.dma_semaphore, #tpu.memory_space<semaphore_mem>>) src(%dma_wait3A_78 : memref<40x2x64xi32, #tpu.memory_space<hbm>>) dst(%arg5 : memref<40x2x64xi32, #tpu.memory_space<vmem>>)
        tpu.yield
      }) : () -> ()
      %dma_start3A_53 = arith.constant 0 : i32
      %dma_start3A_54 = arith.constant 0 : i32
      %dma_start3A_55 = arith.constant 0 : i32
      %dma_start3A_56 = tpu.memref_slice %arg5[%dma_start3A_53, %dma_start3A_54, %dma_start3A_55] : memref<40x2x64xi32, #tpu.memory_space<vmem>> -> memref<1x1x64xi32, #tpu.memory_space<vmem>>
      %dma_start3A_57 = tpu.memref_squeeze %dma_start3A_56 : memref<1x1x64xi32, #tpu.memory_space<vmem>> -> memref<64xi32, #tpu.memory_space<vmem>>
      %dma_start3A_58 = arith.constant 0 : i32
      %dma_start3A_59 = arith.constant 0 : i32
      %dma_start3A_60 = tpu.memref_slice %arg9[%dma_start3A_58, %dma_start3A_59] : memref<10112x80xf32, #tpu.memory_space<vmem_shared>> -> memref<10112x80xf32, #tpu.memory_space<vmem_shared>>
      tpu.enqueue_indirect_dma source(%dma_start3A_60 : memref<10112x80xf32, #tpu.memory_space<vmem_shared>>) target(%arg6 : memref<64x80xf32, #tpu.memory_space<vmem>>) offsets(%dma_start3A_57 : memref<64xi32, #tpu.memory_space<vmem>>) semaphore(%arg11 : memref<!tpu.dma_semaphore, #tpu.memory_space<semaphore_mem>>)
      %scan3A_61 = arith.constant 0 : i32
      %scan3A_62 = arith.constant 0 : i32
      %scan3A_63 = arith.constant 20 : i32
      %scan3A_64 = arith.addi %scan3A_62, %scan3A_63 : i32
      %scan3A_65 = arith.constant 1 : i32
      scf.for %scan3A_67 = %scan3A_62 to %scan3A_64 step %scan3A_65  : i32 {
        %mul3A_68 = arith.constant 2 : i32
        %mul3A_69 = arith.muli %scan3A_67, %mul3A_68 : i32
        %add3A_70 = arith.constant 1 : i32
        %add3A_71 = arith.addi %mul3A_69, %add3A_70 : i32
        %dma_start3A_72 = arith.constant 0 : i32
        %dma_start3A_73 = arith.constant 0 : i32
        %dma_start3A_74 = tpu.memref_slice %arg5[%add3A_71, %dma_start3A_72, %dma_start3A_73] : memref<40x2x64xi32, #tpu.memory_space<vmem>> -> memref<1x1x64xi32, #tpu.memory_space<vmem>>
        %dma_start3A_75 = tpu.memref_squeeze %dma_start3A_74 : memref<1x1x64xi32, #tpu.memory_space<vmem>> -> memref<64xi32, #tpu.memory_space<vmem>>
        %dma_start3A_76 = arith.constant 0 : i32
        %dma_start3A_77 = arith.constant 0 : i32
        %dma_start3A_78 = tpu.memref_slice %arg9[%dma_start3A_76, %dma_start3A_77] : memref<10112x80xf32, #tpu.memory_space<vmem_shared>> -> memref<10112x80xf32, #tpu.memory_space<vmem_shared>>
        tpu.enqueue_indirect_dma source(%dma_start3A_78 : memref<10112x80xf32, #tpu.memory_space<vmem_shared>>) target(%arg7 : memref<64x80xf32, #tpu.memory_space<vmem>>) offsets(%dma_start3A_75 : memref<64xi32, #tpu.memory_space<vmem>>) semaphore(%arg12 : memref<!tpu.dma_semaphore, #tpu.memory_space<semaphore_mem>>)
        %dma_wait3A_79 = arith.constant 0 : i32
        %dma_wait3A_80 = arith.constant 0 : i32
        %dma_wait3A_81 = tpu.memref_slice %arg5[%mul3A_69, %dma_wait3A_79, %dma_wait3A_80] : memref<40x2x64xi32, #tpu.memory_space<vmem>> -> memref<1x1x64xi32, #tpu.memory_space<vmem>>
        %dma_wait3A_82 = tpu.memref_squeeze %dma_wait3A_81 : memref<1x1x64xi32, #tpu.memory_space<vmem>> -> memref<64xi32, #tpu.memory_space<vmem>>
        %dma_wait3A_83 = arith.constant 0 : i32
        %dma_wait3A_84 = arith.constant 0 : i32
        %dma_wait3A_85 = tpu.memref_slice %arg9[%dma_wait3A_83, %dma_wait3A_84] : memref<10112x80xf32, #tpu.memory_space<vmem_shared>> -> memref<10112x80xf32, #tpu.memory_space<vmem_shared>>
        tpu.wait_indirect_dma semaphore(%arg11 : memref<!tpu.dma_semaphore, #tpu.memory_space<semaphore_mem>>) src(%dma_wait3A_85 : memref<10112x80xf32, #tpu.memory_space<vmem_shared>>) dst(%arg6 : memref<64x80xf32, #tpu.memory_space<vmem>>)
        %run_scoped3A = arith.constant 1 : i32
        "tpu.region"() ({
          %run_scoped3A_105 = tpu.sem_alloc : memref<!tpu.dma_semaphore, #tpu.memory_space<semaphore_mem>>
          %dma_start3A_106 = arith.constant 0 : i32
          %dma_start3A_107 = tpu.memref_slice %arg5[%mul3A_69, %run_scoped3A, %dma_start3A_106] : memref<40x2x64xi32, #tpu.memory_space<vmem>> -> memref<1x1x64xi32, #tpu.memory_space<vmem>>
          %dma_start3A_108 = tpu.memref_squeeze %dma_start3A_107 : memref<1x1x64xi32, #tpu.memory_space<vmem>> -> memref<64xi32, #tpu.memory_space<vmem>>
          %dma_start3A_109 = arith.constant 0 : i32
          %dma_start3A_110 = arith.constant 0 : i32
          %dma_start3A_111 = tpu.memref_slice %arg10[%dma_start3A_109, %dma_start3A_110] : memref<10112x80xf32, #tpu.memory_space<vmem_shared>> -> memref<10112x80xf32, #tpu.memory_space<vmem_shared>>
          tpu.enqueue_indirect_dma source(%arg6 : memref<64x80xf32, #tpu.memory_space<vmem>>) target(%dma_start3A_111 : memref<10112x80xf32, #tpu.memory_space<vmem_shared>>) offsets(%dma_start3A_108 : memref<64xi32, #tpu.memory_space<vmem>>) semaphore(%run_scoped3A_105 : memref<!tpu.dma_semaphore, #tpu.memory_space<semaphore_mem>>) {add = true}
          %dma_wait3A_112 = arith.constant 0 : i32
          %dma_wait3A_113 = tpu.memref_slice %arg5[%mul3A_69, %run_scoped3A, %dma_wait3A_112] : memref<40x2x64xi32, #tpu.memory_space<vmem>> -> memref<1x1x64xi32, #tpu.memory_space<vmem>>
          %dma_wait3A_114 = tpu.memref_squeeze %dma_wait3A_113 : memref<1x1x64xi32, #tpu.memory_space<vmem>> -> memref<64xi32, #tpu.memory_space<vmem>>
          %dma_wait3A_115 = arith.constant 0 : i32
          %dma_wait3A_116 = arith.constant 0 : i32
          %dma_wait3A_117 = tpu.memref_slice %arg10[%dma_wait3A_115, %dma_wait3A_116] : memref<10112x80xf32, #tpu.memory_space<vmem_shared>> -> memref<10112x80xf32, #tpu.memory_space<vmem_shared>>
          tpu.wait_indirect_dma semaphore(%run_scoped3A_105 : memref<!tpu.dma_semaphore, #tpu.memory_space<semaphore_mem>>) src(%arg6 : memref<64x80xf32, #tpu.memory_space<vmem>>) dst(%dma_wait3A_117 : memref<10112x80xf32, #tpu.memory_space<vmem_shared>>)
          tpu.yield
        }) : () -> ()
        %add3A_86 = arith.constant 2 : i32
        %add3A_87 = arith.addi %mul3A_69, %add3A_86 : i32
        %lt3A_88 = arith.constant 40 : i32
        %lt3A_89 = arith.cmpi slt, %add3A_87, %lt3A_88 : i32
        %convert_element_type3A_90 = arith.extui %lt3A_89 : i1 to i32
        %cond3A_91 = arith.constant 0 : i32
        %cond3A_92 = arith.cmpi ne, %convert_element_type3A_90, %cond3A_91 : i32
        scf.if %cond3A_92 {
          %add3A_105 = arith.constant 2 : i32
          %add3A_106 = arith.addi %mul3A_69, %add3A_105 : i32
          %dma_start3A_107 = arith.constant 0 : i32
          %dma_start3A_108 = arith.constant 0 : i32
          %dma_start3A_109 = tpu.memref_slice %arg5[%add3A_106, %dma_start3A_107, %dma_start3A_108] : memref<40x2x64xi32, #tpu.memory_space<vmem>> -> memref<1x1x64xi32, #tpu.memory_space<vmem>>
          %dma_start3A_110 = tpu.memref_squeeze %dma_start3A_109 : memref<1x1x64xi32, #tpu.memory_space<vmem>> -> memref<64xi32, #tpu.memory_space<vmem>>
          %dma_start3A_111 = arith.constant 0 : i32
          %dma_start3A_112 = arith.constant 0 : i32
          %dma_start3A_113 = tpu.memref_slice %arg9[%dma_start3A_111, %dma_start3A_112] : memref<10112x80xf32, #tpu.memory_space<vmem_shared>> -> memref<10112x80xf32, #tpu.memory_space<vmem_shared>>
          tpu.enqueue_indirect_dma source(%dma_start3A_113 : memref<10112x80xf32, #tpu.memory_space<vmem_shared>>) target(%arg6 : memref<64x80xf32, #tpu.memory_space<vmem>>) offsets(%dma_start3A_110 : memref<64xi32, #tpu.memory_space<vmem>>) semaphore(%arg11 : memref<!tpu.dma_semaphore, #tpu.memory_space<semaphore_mem>>)
        } else {
        }
        %add3A_93 = arith.constant 1 : i32
        %add3A_94 = arith.addi %mul3A_69, %add3A_93 : i32
        %dma_wait3A_95 = arith.constant 0 : i32
        %dma_wait3A_96 = arith.constant 0 : i32
        %dma_wait3A_97 = tpu.memref_slice %arg5[%add3A_94, %dma_wait3A_95, %dma_wait3A_96] : memref<40x2x64xi32, #tpu.memory_space<vmem>> -> memref<1x1x64xi32, #tpu.memory_space<vmem>>
        %dma_wait3A_98 = tpu.memref_squeeze %dma_wait3A_97 : memref<1x1x64xi32, #tpu.memory_space<vmem>> -> memref<64xi32, #tpu.memory_space<vmem>>
        %dma_wait3A_99 = arith.constant 0 : i32
        %dma_wait3A_100 = arith.constant 0 : i32
        %dma_wait3A_101 = tpu.memref_slice %arg9[%dma_wait3A_99, %dma_wait3A_100] : memref<10112x80xf32, #tpu.memory_space<vmem_shared>> -> memref<10112x80xf32, #tpu.memory_space<vmem_shared>>
        tpu.wait_indirect_dma semaphore(%arg12 : memref<!tpu.dma_semaphore, #tpu.memory_space<semaphore_mem>>) src(%dma_wait3A_101 : memref<10112x80xf32, #tpu.memory_space<vmem_shared>>) dst(%arg7 : memref<64x80xf32, #tpu.memory_space<vmem>>)
        %add3A_102 = arith.constant 1 : i32
        %add3A_103 = arith.addi %mul3A_69, %add3A_102 : i32
        %run_scoped3A_104 = arith.constant 1 : i32
        "tpu.region"() ({
          %run_scoped3A_105 = tpu.sem_alloc : memref<!tpu.dma_semaphore, #tpu.memory_space<semaphore_mem>>
          %dma_start3A_106 = arith.constant 0 : i32
          %dma_start3A_107 = tpu.memref_slice %arg5[%add3A_103, %run_scoped3A_104, %dma_start3A_106] : memref<40x2x64xi32, #tpu.memory_space<vmem>> -> memref<1x1x64xi32, #tpu.memory_space<vmem>>
          %dma_start3A_108 = tpu.memref_squeeze %dma_start3A_107 : memref<1x1x64xi32, #tpu.memory_space<vmem>> -> memref<64xi32, #tpu.memory_space<vmem>>
          %dma_start3A_109 = arith.constant 0 : i32
          %dma_start3A_110 = arith.constant 0 : i32
          %dma_start3A_111 = tpu.memref_slice %arg10[%dma_start3A_109, %dma_start3A_110] : memref<10112x80xf32, #tpu.memory_space<vmem_shared>> -> memref<10112x80xf32, #tpu.memory_space<vmem_shared>>
          tpu.enqueue_indirect_dma source(%arg7 : memref<64x80xf32, #tpu.memory_space<vmem>>) target(%dma_start3A_111 : memref<10112x80xf32, #tpu.memory_space<vmem_shared>>) offsets(%dma_start3A_108 : memref<64xi32, #tpu.memory_space<vmem>>) semaphore(%run_scoped3A_105 : memref<!tpu.dma_semaphore, #tpu.memory_space<semaphore_mem>>) {add = true}
          %dma_wait3A_112 = arith.constant 0 : i32
          %dma_wait3A_113 = tpu.memref_slice %arg5[%add3A_103, %run_scoped3A_104, %dma_wait3A_112] : memref<40x2x64xi32, #tpu.memory_space<vmem>> -> memref<1x1x64xi32, #tpu.memory_space<vmem>>
          %dma_wait3A_114 = tpu.memref_squeeze %dma_wait3A_113 : memref<1x1x64xi32, #tpu.memory_space<vmem>> -> memref<64xi32, #tpu.memory_space<vmem>>
          %dma_wait3A_115 = arith.constant 0 : i32
          %dma_wait3A_116 = arith.constant 0 : i32
          %dma_wait3A_117 = tpu.memref_slice %arg10[%dma_wait3A_115, %dma_wait3A_116] : memref<10112x80xf32, #tpu.memory_space<vmem_shared>> -> memref<10112x80xf32, #tpu.memory_space<vmem_shared>>
          tpu.wait_indirect_dma semaphore(%run_scoped3A_105 : memref<!tpu.dma_semaphore, #tpu.memory_space<semaphore_mem>>) src(%arg7 : memref<64x80xf32, #tpu.memory_space<vmem>>) dst(%dma_wait3A_117 : memref<10112x80xf32, #tpu.memory_space<vmem_shared>>)
          tpu.yield
        }) : () -> ()
      }
      %scan3A_66 = arith.constant 20 : i32
    }
    %scan3A_38 = arith.constant 8 : i32
    %barrier3A_39 = arith.constant 0 : index
    tpu.barrier barrier_id(%barrier3A_39)
    %broadcast_in_dim3A = arith.constant 1.000000e+00 : f32
    %broadcast_in_dim3A_40 = vector.broadcast %broadcast_in_dim3A : f32 to vector<16xf32>
    %lt3A = arith.constant 15 : i32
    %lt3A_41 = arith.cmpi slt, %arg1, %lt3A : i32
    %convert_element_type3A = arith.extui %lt3A_41 : i1 to i32
    %cond3A = arith.constant 0 : i32
    %cond3A_42 = arith.cmpi ne, %convert_element_type3A, %cond3A : i32
    scf.if %cond3A_42 {
      %add3A_47 = arith.constant 0 : i32
      %add3A_48 = arith.addi %mul3A_0, %add3A_47 : i32
      "tpu.region"() ({
        %run_scoped3A = tpu.sem_alloc : memref<!tpu.dma_semaphore, #tpu.memory_space<semaphore_mem>>
        %dma_start3A_147 = arith.constant 0 : i32
        %dma_start3A_148 = arith.constant 0 : i32
        %dma_start3A_149 = tpu.memref_slice %arg6[%dma_start3A_147, %dma_start3A_148] : memref<64x80xf32, #tpu.memory_space<vmem>> -> memref<64x80xf32, #tpu.memory_space<vmem>>
        %dma_start3A_150 = arith.constant 0 : i32
        %dma_start3A_151 = tpu.memref_slice %arg10[%add3A_48, %dma_start3A_150] : memref<10112x80xf32, #tpu.memory_space<vmem_shared>> -> memref<64x80xf32, #tpu.memory_space<vmem_shared>>
        %dma_start3A_152 = arith.constant 0 : i32
        %dma_start3A_153 = arith.constant 0 : i32
        %dma_start3A_154 = tpu.memref_slice %arg6[%dma_start3A_152, %dma_start3A_153] : memref<64x80xf32, #tpu.memory_space<vmem>> -> memref<64x80xf32, #tpu.memory_space<vmem>>
        %dma_start3A_155 = arith.constant 0 : i32
        %dma_start3A_156 = tpu.memref_slice %arg10[%add3A_48, %dma_start3A_155] : memref<10112x80xf32, #tpu.memory_space<vmem_shared>> -> memref<64x80xf32, #tpu.memory_space<vmem_shared>>
        tpu.enqueue_dma source(%dma_start3A_156 : memref<64x80xf32, #tpu.memory_space<vmem_shared>>) target(%dma_start3A_154 : memref<64x80xf32, #tpu.memory_space<vmem>>) target_semaphore(%run_scoped3A : memref<!tpu.dma_semaphore, #tpu.memory_space<semaphore_mem>>)
        %dma_wait3A_157 = arith.constant 0 : i32
        %dma_wait3A_158 = arith.constant 0 : i32
        %dma_wait3A_159 = tpu.memref_slice %arg6[%dma_wait3A_157, %dma_wait3A_158] : memref<64x80xf32, #tpu.memory_space<vmem>> -> memref<64x80xf32, #tpu.memory_space<vmem>>
        %dma_wait3A_160 = arith.constant 0 : i32
        %dma_wait3A_161 = tpu.memref_slice %arg10[%add3A_48, %dma_wait3A_160] : memref<10112x80xf32, #tpu.memory_space<vmem_shared>> -> memref<64x80xf32, #tpu.memory_space<vmem_shared>>
        %dma_wait3A_162 = arith.constant 0 : i32
        %dma_wait3A_163 = arith.constant 0 : i32
        %dma_wait3A_164 = tpu.memref_slice %arg6[%dma_wait3A_162, %dma_wait3A_163] : memref<64x80xf32, #tpu.memory_space<vmem>> -> memref<64x80xf32, #tpu.memory_space<vmem>>
        %dma_wait3A_165 = arith.constant 0 : i32
        %dma_wait3A_166 = tpu.memref_slice %arg10[%add3A_48, %dma_wait3A_165] : memref<10112x80xf32, #tpu.memory_space<vmem_shared>> -> memref<64x80xf32, #tpu.memory_space<vmem_shared>>
        tpu.wait_dma2 semaphore(%run_scoped3A : memref<!tpu.dma_semaphore, #tpu.memory_space<semaphore_mem>>) src(%dma_wait3A_166 : memref<64x80xf32, #tpu.memory_space<vmem_shared>>) dst(%dma_wait3A_164 : memref<64x80xf32, #tpu.memory_space<vmem>>)
        tpu.yield
      }) : () -> ()
      %scan3A_49 = arith.constant 0 : i32
      %scan3A_50 = arith.constant 0 : i32
      %scan3A_51 = arith.constant 64 : i32
      %scan3A_52 = arith.addi %scan3A_50, %scan3A_51 : i32
      %scan3A_53 = arith.constant 1 : i32
      scf.for %scan3A_147 = %scan3A_50 to %scan3A_52 step %scan3A_53  : i32 {
        %get3A = arith.index_cast %scan3A_147 : i32 to index
        %get3A_148 = arith.constant 64 : index
        %get3A_149 = tpu.vector_load %arg6[%get3A, %get3A_148] {strides = array<i32>} : memref<64x80xf32, #tpu.memory_space<vmem>>, vector<1x16xf32>,
        %get3A_150 = vector.shape_cast %get3A_149 : vector<1x16xf32> to vector<16xf32>
        %slice3A = vector.extract_strided_slice %get3A_150 {offsets = [0], sizes = [1], strides = [1]} : vector<16xf32> to vector<1xf32>
        %squeeze3A = vector.extract %slice3A[0] : f32 from vector<1xf32>
        %broadcast_in_dim3A_151 = vector.broadcast %squeeze3A : f32 to vector<16xf32>
        %max3A = arith.maximumf %broadcast_in_dim3A_151, %broadcast_in_dim3A_40 : vector<16xf32>
        %div3A = arith.divf %broadcast_in_dim3A_40, %max3A : vector<16xf32>
        %get3A_152 = arith.index_cast %scan3A_147 : i32 to index
        %get3A_153 = arith.constant 0 : index
        %get3A_154 = tpu.vector_load %arg6[%get3A_152, %get3A_153] {strides = array<i32>} : memref<64x80xf32, #tpu.memory_space<vmem>>, vector<1x16xf32>,
        %get3A_155 = vector.shape_cast %get3A_154 : vector<1x16xf32> to vector<16xf32>
        %mul3A_156 = arith.mulf %get3A_155, %div3A : vector<16xf32>
        %swap3A = arith.index_cast %scan3A_147 : i32 to index
        %swap3A_157 = arith.constant 0 : index
        %swap3A_158 = tpu.vector_load %arg8[%swap3A, %swap3A_157] {strides = array<i32>} : memref<64x64xf32, #tpu.memory_space<vmem>>, vector<1x16xf32>,
        %swap3A_159 = vector.shape_cast %swap3A_158 : vector<1x16xf32> to vector<16xf32>
        %swap3A_160 = vector.shape_cast %mul3A_156 : vector<16xf32> to vector<1x16xf32>
        tpu.vector_store %arg8[%swap3A, %swap3A_157], %swap3A_160 {strides = array<i32>} : memref<64x64xf32, #tpu.memory_space<vmem>>, vector<1x16xf32>,
        %get3A_161 = arith.index_cast %scan3A_147 : i32 to index
        %get3A_162 = arith.constant 16 : index
        %get3A_163 = tpu.vector_load %arg6[%get3A_161, %get3A_162] {strides = array<i32>} : memref<64x80xf32, #tpu.memory_space<vmem>>, vector<1x16xf32>,
        %get3A_164 = vector.shape_cast %get3A_163 : vector<1x16xf32> to vector<16xf32>
        %mul3A_165 = arith.mulf %get3A_164, %div3A : vector<16xf32>
        %swap3A_166 = arith.index_cast %scan3A_147 : i32 to index
        %swap3A_167 = arith.constant 16 : index
        %swap3A_168 = tpu.vector_load %arg8[%swap3A_166, %swap3A_167] {strides = array<i32>} : memref<64x64xf32, #tpu.memory_space<vmem>>, vector<1x16xf32>,
        %swap3A_169 = vector.shape_cast %swap3A_168 : vector<1x16xf32> to vector<16xf32>
        %swap3A_170 = vector.shape_cast %mul3A_165 : vector<16xf32> to vector<1x16xf32>
        tpu.vector_store %arg8[%swap3A_166, %swap3A_167], %swap3A_170 {strides = array<i32>} : memref<64x64xf32, #tpu.memory_space<vmem>>, vector<1x16xf32>,
        %get3A_171 = arith.index_cast %scan3A_147 : i32 to index
        %get3A_172 = arith.constant 32 : index
        %get3A_173 = tpu.vector_load %arg6[%get3A_171, %get3A_172] {strides = array<i32>} : memref<64x80xf32, #tpu.memory_space<vmem>>, vector<1x16xf32>,
        %get3A_174 = vector.shape_cast %get3A_173 : vector<1x16xf32> to vector<16xf32>
        %mul3A_175 = arith.mulf %get3A_174, %div3A : vector<16xf32>
        %swap3A_176 = arith.index_cast %scan3A_147 : i32 to index
        %swap3A_177 = arith.constant 32 : index
        %swap3A_178 = tpu.vector_load %arg8[%swap3A_176, %swap3A_177] {strides = array<i32>} : memref<64x64xf32, #tpu.memory_space<vmem>>, vector<1x16xf32>,
        %swap3A_179 = vector.shape_cast %swap3A_178 : vector<1x16xf32> to vector<16xf32>
        %swap3A_180 = vector.shape_cast %mul3A_175 : vector<16xf32> to vector<1x16xf32>
        tpu.vector_store %arg8[%swap3A_176, %swap3A_177], %swap3A_180 {strides = array<i32>} : memref<64x64xf32, #tpu.memory_space<vmem>>, vector<1x16xf32>,
        %get3A_181 = arith.index_cast %scan3A_147 : i32 to index
        %get3A_182 = arith.constant 48 : index
        %get3A_183 = tpu.vector_load %arg6[%get3A_181, %get3A_182] {strides = array<i32>} : memref<64x80xf32, #tpu.memory_space<vmem>>, vector<1x16xf32>,
        %get3A_184 = vector.shape_cast %get3A_183 : vector<1x16xf32> to vector<16xf32>
        %mul3A_185 = arith.mulf %get3A_184, %div3A : vector<16xf32>
        %swap3A_186 = arith.index_cast %scan3A_147 : i32 to index
        %swap3A_187 = arith.constant 48 : index
        %swap3A_188 = tpu.vector_load %arg8[%swap3A_186, %swap3A_187] {strides = array<i32>} : memref<64x64xf32, #tpu.memory_space<vmem>>, vector<1x16xf32>,
        %swap3A_189 = vector.shape_cast %swap3A_188 : vector<1x16xf32> to vector<16xf32>
        %swap3A_190 = vector.shape_cast %mul3A_185 : vector<16xf32> to vector<1x16xf32>
        tpu.vector_store %arg8[%swap3A_186, %swap3A_187], %swap3A_190 {strides = array<i32>} : memref<64x64xf32, #tpu.memory_space<vmem>>, vector<1x16xf32>,
      }
      %scan3A_54 = arith.constant 64 : i32
      %mul3A_55 = arith.constant 64 : i32
      %mul3A_56 = arith.muli %arg0, %mul3A_55 : i32
      "tpu.region"() ({
        %run_scoped3A = tpu.sem_alloc : memref<!tpu.dma_semaphore, #tpu.memory_space<semaphore_mem>>
        %dma_start3A_147 = arith.constant 0 : i32
        %dma_start3A_148 = arith.constant 0 : i32
        %dma_start3A_149 = tpu.memref_slice %arg8[%dma_start3A_147, %dma_start3A_148] : memref<64x64xf32, #tpu.memory_space<vmem>> -> memref<64x64xf32, #tpu.memory_space<vmem>>
        %dma_start3A_150 = tpu.memref_slice %arg4[%add3A_48, %mul3A_56] : memref<10000x128xf32, #tpu.memory_space<hbm>> -> memref<64x64xf32, #tpu.memory_space<hbm>>
        %dma_start3A_151 = tpu.memref_slice %arg4[%add3A_48, %mul3A_56] : memref<10000x128xf32, #tpu.memory_space<hbm>> -> memref<64x64xf32, #tpu.memory_space<hbm>>
        %dma_start3A_152 = arith.constant 0 : i32
        %dma_start3A_153 = arith.constant 0 : i32
        %dma_start3A_154 = tpu.memref_slice %arg8[%dma_start3A_152, %dma_start3A_153] : memref<64x64xf32, #tpu.memory_space<vmem>> -> memref<64x64xf32, #tpu.memory_space<vmem>>
        tpu.enqueue_dma source(%dma_start3A_154 : memref<64x64xf32, #tpu.memory_space<vmem>>) target(%dma_start3A_151 : memref<64x64xf32, #tpu.memory_space<hbm>>) target_semaphore(%run_scoped3A : memref<!tpu.dma_semaphore, #tpu.memory_space<semaphore_mem>>)
        %dma_wait3A_155 = arith.constant 0 : i32
        %dma_wait3A_156 = arith.constant 0 : i32
        %dma_wait3A_157 = tpu.memref_slice %arg8[%dma_wait3A_155, %dma_wait3A_156] : memref<64x64xf32, #tpu.memory_space<vmem>> -> memref<64x64xf32, #tpu.memory_space<vmem>>
        %dma_wait3A_158 = tpu.memref_slice %arg4[%add3A_48, %mul3A_56] : memref<10000x128xf32, #tpu.memory_space<hbm>> -> memref<64x64xf32, #tpu.memory_space<hbm>>
        %dma_wait3A_159 = tpu.memref_slice %arg4[%add3A_48, %mul3A_56] : memref<10000x128xf32, #tpu.memory_space<hbm>> -> memref<64x64xf32, #tpu.memory_space<hbm>>
        %dma_wait3A_160 = arith.constant 0 : i32
        %dma_wait3A_161 = arith.constant 0 : i32
        %dma_wait3A_162 = tpu.memref_slice %arg8[%dma_wait3A_160, %dma_wait3A_161] : memref<64x64xf32, #tpu.memory_space<vmem>> -> memref<64x64xf32, #tpu.memory_space<vmem>>
        tpu.wait_dma2 semaphore(%run_scoped3A : memref<!tpu.dma_semaphore, #tpu.memory_space<semaphore_mem>>) src(%dma_wait3A_162 : memref<64x64xf32, #tpu.memory_space<vmem>>) dst(%dma_wait3A_159 : memref<64x64xf32, #tpu.memory_space<hbm>>)
        tpu.yield
      }) : () -> ()
      %add3A_57 = arith.constant 64 : i32
      %add3A_58 = arith.addi %mul3A_0, %add3A_57 : i32
      "tpu.region"() ({
        %run_scoped3A = tpu.sem_alloc : memref<!tpu.dma_semaphore, #tpu.memory_space<semaphore_mem>>
        %dma_start3A_147 = arith.constant 0 : i32
        %dma_start3A_148 = arith.constant 0 : i32
        %dma_start3A_149 = tpu.memref_slice %arg6[%dma_start3A_147, %dma_start3A_148] : memref<64x80xf32, #tpu.memory_space<vmem>> -> memref<64x80xf32, #tpu.memory_space<vmem>>
        %dma_start3A_150 = arith.constant 0 : i32
        %dma_start3A_151 = tpu.memref_slice %arg10[%add3A_58, %dma_start3A_150] : memref<10112x80xf32, #tpu.memory_space<vmem_shared>> -> memref<64x80xf32, #tpu.memory_space<vmem_shared>>
        %dma_start3A_152 = arith.constant 0 : i32
        %dma_start3A_153 = arith.constant 0 : i32
        %dma_start3A_154 = tpu.memref_slice %arg6[%dma_start3A_152, %dma_start3A_153] : memref<64x80xf32, #tpu.memory_space<vmem>> -> memref<64x80xf32, #tpu.memory_space<vmem>>
        %dma_start3A_155 = arith.constant 0 : i32
        %dma_start3A_156 = tpu.memref_slice %arg10[%add3A_58, %dma_start3A_155] : memref<10112x80xf32, #tpu.memory_space<vmem_shared>> -> memref<64x80xf32, #tpu.memory_space<vmem_shared>>
        tpu.enqueue_dma source(%dma_start3A_156 : memref<64x80xf32, #tpu.memory_space<vmem_shared>>) target(%dma_start3A_154 : memref<64x80xf32, #tpu.memory_space<vmem>>) target_semaphore(%run_scoped3A : memref<!tpu.dma_semaphore, #tpu.memory_space<semaphore_mem>>)
        %dma_wait3A_157 = arith.constant 0 : i32
        %dma_wait3A_158 = arith.constant 0 : i32
        %dma_wait3A_159 = tpu.memref_slice %arg6[%dma_wait3A_157, %dma_wait3A_158] : memref<64x80xf32, #tpu.memory_space<vmem>> -> memref<64x80xf32, #tpu.memory_space<vmem>>
        %dma_wait3A_160 = arith.constant 0 : i32
        %dma_wait3A_161 = tpu.memref_slice %arg10[%add3A_58, %dma_wait3A_160] : memref<10112x80xf32, #tpu.memory_space<vmem_shared>> -> memref<64x80xf32, #tpu.memory_space<vmem_shared>>
        %dma_wait3A_162 = arith.constant 0 : i32
        %dma_wait3A_163 = arith.constant 0 : i32
        %dma_wait3A_164 = tpu.memref_slice %arg6[%dma_wait3A_162, %dma_wait3A_163] : memref<64x80xf32, #tpu.memory_space<vmem>> -> memref<64x80xf32, #tpu.memory_space<vmem>>
        %dma_wait3A_165 = arith.constant 0 : i32
        %dma_wait3A_166 = tpu.memref_slice %arg10[%add3A_58, %dma_wait3A_165] : memref<10112x80xf32, #tpu.memory_space<vmem_shared>> -> memref<64x80xf32, #tpu.memory_space<vmem_shared>>
        tpu.wait_dma2 semaphore(%run_scoped3A : memref<!tpu.dma_semaphore, #tpu.memory_space<semaphore_mem>>) src(%dma_wait3A_166 : memref<64x80xf32, #tpu.memory_space<vmem_shared>>) dst(%dma_wait3A_164 : memref<64x80xf32, #tpu.memory_space<vmem>>)
        tpu.yield
      }) : () -> ()
      %scan3A_59 = arith.constant 0 : i32
      %scan3A_60 = arith.constant 0 : i32
      %scan3A_61 = arith.constant 64 : i32
      %scan3A_62 = arith.addi %scan3A_60, %scan3A_61 : i32
      %scan3A_63 = arith.constant 1 : i32
      scf.for %scan3A_147 = %scan3A_60 to %scan3A_62 step %scan3A_63  : i32 {
        %get3A = arith.index_cast %scan3A_147 : i32 to index
        %get3A_148 = arith.constant 64 : index
        %get3A_149 = tpu.vector_load %arg6[%get3A, %get3A_148] {strides = array<i32>} : memref<64x80xf32, #tpu.memory_space<vmem>>, vector<1x16xf32>,
        %get3A_150 = vector.shape_cast %get3A_149 : vector<1x16xf32> to vector<16xf32>
        %slice3A = vector.extract_strided_slice %get3A_150 {offsets = [0], sizes = [1], strides = [1]} : vector<16xf32> to vector<1xf32>
        %squeeze3A = vector.extract %slice3A[0] : f32 from vector<1xf32>
        %broadcast_in_dim3A_151 = vector.broadcast %squeeze3A : f32 to vector<16xf32>
        %max3A = arith.maximumf %broadcast_in_dim3A_151, %broadcast_in_dim3A_40 : vector<16xf32>
        %div3A = arith.divf %broadcast_in_dim3A_40, %max3A : vector<16xf32>
        %get3A_152 = arith.index_cast %scan3A_147 : i32 to index
        %get3A_153 = arith.constant 0 : index
        %get3A_154 = tpu.vector_load %arg6[%get3A_152, %get3A_153] {strides = array<i32>} : memref<64x80xf32, #tpu.memory_space<vmem>>, vector<1x16xf32>,
        %get3A_155 = vector.shape_cast %get3A_154 : vector<1x16xf32> to vector<16xf32>
        %mul3A_156 = arith.mulf %get3A_155, %div3A : vector<16xf32>
        %swap3A = arith.index_cast %scan3A_147 : i32 to index
        %swap3A_157 = arith.constant 0 : index
        %swap3A_158 = tpu.vector_load %arg8[%swap3A, %swap3A_157] {strides = array<i32>} : memref<64x64xf32, #tpu.memory_space<vmem>>, vector<1x16xf32>,
        %swap3A_159 = vector.shape_cast %swap3A_158 : vector<1x16xf32> to vector<16xf32>
        %swap3A_160 = vector.shape_cast %mul3A_156 : vector<16xf32> to vector<1x16xf32>
        tpu.vector_store %arg8[%swap3A, %swap3A_157], %swap3A_160 {strides = array<i32>} : memref<64x64xf32, #tpu.memory_space<vmem>>, vector<1x16xf32>,
        %get3A_161 = arith.index_cast %scan3A_147 : i32 to index
        %get3A_162 = arith.constant 16 : index
        %get3A_163 = tpu.vector_load %arg6[%get3A_161, %get3A_162] {strides = array<i32>} : memref<64x80xf32, #tpu.memory_space<vmem>>, vector<1x16xf32>,
        %get3A_164 = vector.shape_cast %get3A_163 : vector<1x16xf32> to vector<16xf32>
        %mul3A_165 = arith.mulf %get3A_164, %div3A : vector<16xf32>
        %swap3A_166 = arith.index_cast %scan3A_147 : i32 to index
        %swap3A_167 = arith.constant 16 : index
        %swap3A_168 = tpu.vector_load %arg8[%swap3A_166, %swap3A_167] {strides = array<i32>} : memref<64x64xf32, #tpu.memory_space<vmem>>, vector<1x16xf32>,
        %swap3A_169 = vector.shape_cast %swap3A_168 : vector<1x16xf32> to vector<16xf32>
        %swap3A_170 = vector.shape_cast %mul3A_165 : vector<16xf32> to vector<1x16xf32>
        tpu.vector_store %arg8[%swap3A_166, %swap3A_167], %swap3A_170 {strides = array<i32>} : memref<64x64xf32, #tpu.memory_space<vmem>>, vector<1x16xf32>,
        %get3A_171 = arith.index_cast %scan3A_147 : i32 to index
        %get3A_172 = arith.constant 32 : index
        %get3A_173 = tpu.vector_load %arg6[%get3A_171, %get3A_172] {strides = array<i32>} : memref<64x80xf32, #tpu.memory_space<vmem>>, vector<1x16xf32>,
        %get3A_174 = vector.shape_cast %get3A_173 : vector<1x16xf32> to vector<16xf32>
        %mul3A_175 = arith.mulf %get3A_174, %div3A : vector<16xf32>
        %swap3A_176 = arith.index_cast %scan3A_147 : i32 to index
        %swap3A_177 = arith.constant 32 : index
        %swap3A_178 = tpu.vector_load %arg8[%swap3A_176, %swap3A_177] {strides = array<i32>} : memref<64x64xf32, #tpu.memory_space<vmem>>, vector<1x16xf32>,
        %swap3A_179 = vector.shape_cast %swap3A_178 : vector<1x16xf32> to vector<16xf32>
        %swap3A_180 = vector.shape_cast %mul3A_175 : vector<16xf32> to vector<1x16xf32>
        tpu.vector_store %arg8[%swap3A_176, %swap3A_177], %swap3A_180 {strides = array<i32>} : memref<64x64xf32, #tpu.memory_space<vmem>>, vector<1x16xf32>,
        %get3A_181 = arith.index_cast %scan3A_147 : i32 to index
        %get3A_182 = arith.constant 48 : index
        %get3A_183 = tpu.vector_load %arg6[%get3A_181, %get3A_182] {strides = array<i32>} : memref<64x80xf32, #tpu.memory_space<vmem>>, vector<1x16xf32>,
        %get3A_184 = vector.shape_cast %get3A_183 : vector<1x16xf32> to vector<16xf32>
        %mul3A_185 = arith.mulf %get3A_184, %div3A : vector<16xf32>
        %swap3A_186 = arith.index_cast %scan3A_147 : i32 to index
        %swap3A_187 = arith.constant 48 : index
        %swap3A_188 = tpu.vector_load %arg8[%swap3A_186, %swap3A_187] {strides = array<i32>} : memref<64x64xf32, #tpu.memory_space<vmem>>, vector<1x16xf32>,
        %swap3A_189 = vector.shape_cast %swap3A_188 : vector<1x16xf32> to vector<16xf32>
        %swap3A_190 = vector.shape_cast %mul3A_185 : vector<16xf32> to vector<1x16xf32>
        tpu.vector_store %arg8[%swap3A_186, %swap3A_187], %swap3A_190 {strides = array<i32>} : memref<64x64xf32, #tpu.memory_space<vmem>>, vector<1x16xf32>,
      }
      %scan3A_64 = arith.constant 64 : i32
      %mul3A_65 = arith.constant 64 : i32
      %mul3A_66 = arith.muli %arg0, %mul3A_65 : i32
      "tpu.region"() ({
        %run_scoped3A = tpu.sem_alloc : memref<!tpu.dma_semaphore, #tpu.memory_space<semaphore_mem>>
        %dma_start3A_147 = arith.constant 0 : i32
        %dma_start3A_148 = arith.constant 0 : i32
        %dma_start3A_149 = tpu.memref_slice %arg8[%dma_start3A_147, %dma_start3A_148] : memref<64x64xf32, #tpu.memory_space<vmem>> -> memref<64x64xf32, #tpu.memory_space<vmem>>
        %dma_start3A_150 = tpu.memref_slice %arg4[%add3A_58, %mul3A_66] : memref<10000x128xf32, #tpu.memory_space<hbm>> -> memref<64x64xf32, #tpu.memory_space<hbm>>
        %dma_start3A_151 = tpu.memref_slice %arg4[%add3A_58, %mul3A_66] : memref<10000x128xf32, #tpu.memory_space<hbm>> -> memref<64x64xf32, #tpu.memory_space<hbm>>
        %dma_start3A_152 = arith.constant 0 : i32
        %dma_start3A_153 = arith.constant 0 : i32
        %dma_start3A_154 = tpu.memref_slice %arg8[%dma_start3A_152, %dma_start3A_153] : memref<64x64xf32, #tpu.memory_space<vmem>> -> memref<64x64xf32, #tpu.memory_space<vmem>>
        tpu.enqueue_dma source(%dma_start3A_154 : memref<64x64xf32, #tpu.memory_space<vmem>>) target(%dma_start3A_151 : memref<64x64xf32, #tpu.memory_space<hbm>>) target_semaphore(%run_scoped3A : memref<!tpu.dma_semaphore, #tpu.memory_space<semaphore_mem>>)
        %dma_wait3A_155 = arith.constant 0 : i32
        %dma_wait3A_156 = arith.constant 0 : i32
        %dma_wait3A_157 = tpu.memref_slice %arg8[%dma_wait3A_155, %dma_wait3A_156] : memref<64x64xf32, #tpu.memory_space<vmem>> -> memref<64x64xf32, #tpu.memory_space<vmem>>
        %dma_wait3A_158 = tpu.memref_slice %arg4[%add3A_58, %mul3A_66] : memref<10000x128xf32, #tpu.memory_space<hbm>> -> memref<64x64xf32, #tpu.memory_space<hbm>>
        %dma_wait3A_159 = tpu.memref_slice %arg4[%add3A_58, %mul3A_66] : memref<10000x128xf32, #tpu.memory_space<hbm>> -> memref<64x64xf32, #tpu.memory_space<hbm>>
        %dma_wait3A_160 = arith.constant 0 : i32
        %dma_wait3A_161 = arith.constant 0 : i32
        %dma_wait3A_162 = tpu.memref_slice %arg8[%dma_wait3A_160, %dma_wait3A_161] : memref<64x64xf32, #tpu.memory_space<vmem>> -> memref<64x64xf32, #tpu.memory_space<vmem>>
        tpu.wait_dma2 semaphore(%run_scoped3A : memref<!tpu.dma_semaphore, #tpu.memory_space<semaphore_mem>>) src(%dma_wait3A_162 : memref<64x64xf32, #tpu.memory_space<vmem>>) dst(%dma_wait3A_159 : memref<64x64xf32, #tpu.memory_space<hbm>>)
        tpu.yield
      }) : () -> ()
      %add3A_67 = arith.constant 128 : i32
      %add3A_68 = arith.addi %mul3A_0, %add3A_67 : i32
      "tpu.region"() ({
        %run_scoped3A = tpu.sem_alloc : memref<!tpu.dma_semaphore, #tpu.memory_space<semaphore_mem>>
        %dma_start3A_147 = arith.constant 0 : i32
        %dma_start3A_148 = arith.constant 0 : i32
        %dma_start3A_149 = tpu.memref_slice %arg6[%dma_start3A_147, %dma_start3A_148] : memref<64x80xf32, #tpu.memory_space<vmem>> -> memref<64x80xf32, #tpu.memory_space<vmem>>
        %dma_start3A_150 = arith.constant 0 : i32
        %dma_start3A_151 = tpu.memref_slice %arg10[%add3A_68, %dma_start3A_150] : memref<10112x80xf32, #tpu.memory_space<vmem_shared>> -> memref<64x80xf32, #tpu.memory_space<vmem_shared>>
        %dma_start3A_152 = arith.constant 0 : i32
        %dma_start3A_153 = arith.constant 0 : i32
        %dma_start3A_154 = tpu.memref_slice %arg6[%dma_start3A_152, %dma_start3A_153] : memref<64x80xf32, #tpu.memory_space<vmem>> -> memref<64x80xf32, #tpu.memory_space<vmem>>
        %dma_start3A_155 = arith.constant 0 : i32
        %dma_start3A_156 = tpu.memref_slice %arg10[%add3A_68, %dma_start3A_155] : memref<10112x80xf32, #tpu.memory_space<vmem_shared>> -> memref<64x80xf32, #tpu.memory_space<vmem_shared>>
        tpu.enqueue_dma source(%dma_start3A_156 : memref<64x80xf32, #tpu.memory_space<vmem_shared>>) target(%dma_start3A_154 : memref<64x80xf32, #tpu.memory_space<vmem>>) target_semaphore(%run_scoped3A : memref<!tpu.dma_semaphore, #tpu.memory_space<semaphore_mem>>)
        %dma_wait3A_157 = arith.constant 0 : i32
        %dma_wait3A_158 = arith.constant 0 : i32
        %dma_wait3A_159 = tpu.memref_slice %arg6[%dma_wait3A_157, %dma_wait3A_158] : memref<64x80xf32, #tpu.memory_space<vmem>> -> memref<64x80xf32, #tpu.memory_space<vmem>>
        %dma_wait3A_160 = arith.constant 0 : i32
        %dma_wait3A_161 = tpu.memref_slice %arg10[%add3A_68, %dma_wait3A_160] : memref<10112x80xf32, #tpu.memory_space<vmem_shared>> -> memref<64x80xf32, #tpu.memory_space<vmem_shared>>
        %dma_wait3A_162 = arith.constant 0 : i32
        %dma_wait3A_163 = arith.constant 0 : i32
        %dma_wait3A_164 = tpu.memref_slice %arg6[%dma_wait3A_162, %dma_wait3A_163] : memref<64x80xf32, #tpu.memory_space<vmem>> -> memref<64x80xf32, #tpu.memory_space<vmem>>
        %dma_wait3A_165 = arith.constant 0 : i32
        %dma_wait3A_166 = tpu.memref_slice %arg10[%add3A_68, %dma_wait3A_165] : memref<10112x80xf32, #tpu.memory_space<vmem_shared>> -> memref<64x80xf32, #tpu.memory_space<vmem_shared>>
        tpu.wait_dma2 semaphore(%run_scoped3A : memref<!tpu.dma_semaphore, #tpu.memory_space<semaphore_mem>>) src(%dma_wait3A_166 : memref<64x80xf32, #tpu.memory_space<vmem_shared>>) dst(%dma_wait3A_164 : memref<64x80xf32, #tpu.memory_space<vmem>>)
        tpu.yield
      }) : () -> ()
      %scan3A_69 = arith.constant 0 : i32
      %scan3A_70 = arith.constant 0 : i32
      %scan3A_71 = arith.constant 64 : i32
      %scan3A_72 = arith.addi %scan3A_70, %scan3A_71 : i32
      %scan3A_73 = arith.constant 1 : i32
      scf.for %scan3A_147 = %scan3A_70 to %scan3A_72 step %scan3A_73  : i32 {
        %get3A = arith.index_cast %scan3A_147 : i32 to index
        %get3A_148 = arith.constant 64 : index
        %get3A_149 = tpu.vector_load %arg6[%get3A, %get3A_148] {strides = array<i32>} : memref<64x80xf32, #tpu.memory_space<vmem>>, vector<1x16xf32>,
        %get3A_150 = vector.shape_cast %get3A_149 : vector<1x16xf32> to vector<16xf32>
        %slice3A = vector.extract_strided_slice %get3A_150 {offsets = [0], sizes = [1], strides = [1]} : vector<16xf32> to vector<1xf32>
        %squeeze3A = vector.extract %slice3A[0] : f32 from vector<1xf32>
        %broadcast_in_dim3A_151 = vector.broadcast %squeeze3A : f32 to vector<16xf32>
        %max3A = arith.maximumf %broadcast_in_dim3A_151, %broadcast_in_dim3A_40 : vector<16xf32>
        %div3A = arith.divf %broadcast_in_dim3A_40, %max3A : vector<16xf32>
        %get3A_152 = arith.index_cast %scan3A_147 : i32 to index
        %get3A_153 = arith.constant 0 : index
        %get3A_154 = tpu.vector_load %arg6[%get3A_152, %get3A_153] {strides = array<i32>} : memref<64x80xf32, #tpu.memory_space<vmem>>, vector<1x16xf32>,
        %get3A_155 = vector.shape_cast %get3A_154 : vector<1x16xf32> to vector<16xf32>
        %mul3A_156 = arith.mulf %get3A_155, %div3A : vector<16xf32>
        %swap3A = arith.index_cast %scan3A_147 : i32 to index
        %swap3A_157 = arith.constant 0 : index
        %swap3A_158 = tpu.vector_load %arg8[%swap3A, %swap3A_157] {strides = array<i32>} : memref<64x64xf32, #tpu.memory_space<vmem>>, vector<1x16xf32>,
        %swap3A_159 = vector.shape_cast %swap3A_158 : vector<1x16xf32> to vector<16xf32>
        %swap3A_160 = vector.shape_cast %mul3A_156 : vector<16xf32> to vector<1x16xf32>
        tpu.vector_store %arg8[%swap3A, %swap3A_157], %swap3A_160 {strides = array<i32>} : memref<64x64xf32, #tpu.memory_space<vmem>>, vector<1x16xf32>,
        %get3A_161 = arith.index_cast %scan3A_147 : i32 to index
        %get3A_162 = arith.constant 16 : index
        %get3A_163 = tpu.vector_load %arg6[%get3A_161, %get3A_162] {strides = array<i32>} : memref<64x80xf32, #tpu.memory_space<vmem>>, vector<1x16xf32>,
        %get3A_164 = vector.shape_cast %get3A_163 : vector<1x16xf32> to vector<16xf32>
        %mul3A_165 = arith.mulf %get3A_164, %div3A : vector<16xf32>
        %swap3A_166 = arith.index_cast %scan3A_147 : i32 to index
        %swap3A_167 = arith.constant 16 : index
        %swap3A_168 = tpu.vector_load %arg8[%swap3A_166, %swap3A_167] {strides = array<i32>} : memref<64x64xf32, #tpu.memory_space<vmem>>, vector<1x16xf32>,
        %swap3A_169 = vector.shape_cast %swap3A_168 : vector<1x16xf32> to vector<16xf32>
        %swap3A_170 = vector.shape_cast %mul3A_165 : vector<16xf32> to vector<1x16xf32>
        tpu.vector_store %arg8[%swap3A_166, %swap3A_167], %swap3A_170 {strides = array<i32>} : memref<64x64xf32, #tpu.memory_space<vmem>>, vector<1x16xf32>,
        %get3A_171 = arith.index_cast %scan3A_147 : i32 to index
        %get3A_172 = arith.constant 32 : index
        %get3A_173 = tpu.vector_load %arg6[%get3A_171, %get3A_172] {strides = array<i32>} : memref<64x80xf32, #tpu.memory_space<vmem>>, vector<1x16xf32>,
        %get3A_174 = vector.shape_cast %get3A_173 : vector<1x16xf32> to vector<16xf32>
        %mul3A_175 = arith.mulf %get3A_174, %div3A : vector<16xf32>
        %swap3A_176 = arith.index_cast %scan3A_147 : i32 to index
        %swap3A_177 = arith.constant 32 : index
        %swap3A_178 = tpu.vector_load %arg8[%swap3A_176, %swap3A_177] {strides = array<i32>} : memref<64x64xf32, #tpu.memory_space<vmem>>, vector<1x16xf32>,
        %swap3A_179 = vector.shape_cast %swap3A_178 : vector<1x16xf32> to vector<16xf32>
        %swap3A_180 = vector.shape_cast %mul3A_175 : vector<16xf32> to vector<1x16xf32>
        tpu.vector_store %arg8[%swap3A_176, %swap3A_177], %swap3A_180 {strides = array<i32>} : memref<64x64xf32, #tpu.memory_space<vmem>>, vector<1x16xf32>,
        %get3A_181 = arith.index_cast %scan3A_147 : i32 to index
        %get3A_182 = arith.constant 48 : index
        %get3A_183 = tpu.vector_load %arg6[%get3A_181, %get3A_182] {strides = array<i32>} : memref<64x80xf32, #tpu.memory_space<vmem>>, vector<1x16xf32>,
        %get3A_184 = vector.shape_cast %get3A_183 : vector<1x16xf32> to vector<16xf32>
        %mul3A_185 = arith.mulf %get3A_184, %div3A : vector<16xf32>
        %swap3A_186 = arith.index_cast %scan3A_147 : i32 to index
        %swap3A_187 = arith.constant 48 : index
        %swap3A_188 = tpu.vector_load %arg8[%swap3A_186, %swap3A_187] {strides = array<i32>} : memref<64x64xf32, #tpu.memory_space<vmem>>, vector<1x16xf32>,
        %swap3A_189 = vector.shape_cast %swap3A_188 : vector<1x16xf32> to vector<16xf32>
        %swap3A_190 = vector.shape_cast %mul3A_185 : vector<16xf32> to vector<1x16xf32>
        tpu.vector_store %arg8[%swap3A_186, %swap3A_187], %swap3A_190 {strides = array<i32>} : memref<64x64xf32, #tpu.memory_space<vmem>>, vector<1x16xf32>,
      }
      %scan3A_74 = arith.constant 64 : i32
      %mul3A_75 = arith.constant 64 : i32
      %mul3A_76 = arith.muli %arg0, %mul3A_75 : i32
      "tpu.region"() ({
        %run_scoped3A = tpu.sem_alloc : memref<!tpu.dma_semaphore, #tpu.memory_space<semaphore_mem>>
        %dma_start3A_147 = arith.constant 0 : i32
        %dma_start3A_148 = arith.constant 0 : i32
        %dma_start3A_149 = tpu.memref_slice %arg8[%dma_start3A_147, %dma_start3A_148] : memref<64x64xf32, #tpu.memory_space<vmem>> -> memref<64x64xf32, #tpu.memory_space<vmem>>
        %dma_start3A_150 = tpu.memref_slice %arg4[%add3A_68, %mul3A_76] : memref<10000x128xf32, #tpu.memory_space<hbm>> -> memref<64x64xf32, #tpu.memory_space<hbm>>
        %dma_start3A_151 = tpu.memref_slice %arg4[%add3A_68, %mul3A_76] : memref<10000x128xf32, #tpu.memory_space<hbm>> -> memref<64x64xf32, #tpu.memory_space<hbm>>
        %dma_start3A_152 = arith.constant 0 : i32
        %dma_start3A_153 = arith.constant 0 : i32
        %dma_start3A_154 = tpu.memref_slice %arg8[%dma_start3A_152, %dma_start3A_153] : memref<64x64xf32, #tpu.memory_space<vmem>> -> memref<64x64xf32, #tpu.memory_space<vmem>>
        tpu.enqueue_dma source(%dma_start3A_154 : memref<64x64xf32, #tpu.memory_space<vmem>>) target(%dma_start3A_151 : memref<64x64xf32, #tpu.memory_space<hbm>>) target_semaphore(%run_scoped3A : memref<!tpu.dma_semaphore, #tpu.memory_space<semaphore_mem>>)
        %dma_wait3A_155 = arith.constant 0 : i32
        %dma_wait3A_156 = arith.constant 0 : i32
        %dma_wait3A_157 = tpu.memref_slice %arg8[%dma_wait3A_155, %dma_wait3A_156] : memref<64x64xf32, #tpu.memory_space<vmem>> -> memref<64x64xf32, #tpu.memory_space<vmem>>
        %dma_wait3A_158 = tpu.memref_slice %arg4[%add3A_68, %mul3A_76] : memref<10000x128xf32, #tpu.memory_space<hbm>> -> memref<64x64xf32, #tpu.memory_space<hbm>>
        %dma_wait3A_159 = tpu.memref_slice %arg4[%add3A_68, %mul3A_76] : memref<10000x128xf32, #tpu.memory_space<hbm>> -> memref<64x64xf32, #tpu.memory_space<hbm>>
        %dma_wait3A_160 = arith.constant 0 : i32
        %dma_wait3A_161 = arith.constant 0 : i32
        %dma_wait3A_162 = tpu.memref_slice %arg8[%dma_wait3A_160, %dma_wait3A_161] : memref<64x64xf32, #tpu.memory_space<vmem>> -> memref<64x64xf32, #tpu.memory_space<vmem>>
        tpu.wait_dma2 semaphore(%run_scoped3A : memref<!tpu.dma_semaphore, #tpu.memory_space<semaphore_mem>>) src(%dma_wait3A_162 : memref<64x64xf32, #tpu.memory_space<vmem>>) dst(%dma_wait3A_159 : memref<64x64xf32, #tpu.memory_space<hbm>>)
        tpu.yield
      }) : () -> ()
      %add3A_77 = arith.constant 192 : i32
      %add3A_78 = arith.addi %mul3A_0, %add3A_77 : i32
      "tpu.region"() ({
        %run_scoped3A = tpu.sem_alloc : memref<!tpu.dma_semaphore, #tpu.memory_space<semaphore_mem>>
        %dma_start3A_147 = arith.constant 0 : i32
        %dma_start3A_148 = arith.constant 0 : i32
        %dma_start3A_149 = tpu.memref_slice %arg6[%dma_start3A_147, %dma_start3A_148] : memref<64x80xf32, #tpu.memory_space<vmem>> -> memref<64x80xf32, #tpu.memory_space<vmem>>
        %dma_start3A_150 = arith.constant 0 : i32
        %dma_start3A_151 = tpu.memref_slice %arg10[%add3A_78, %dma_start3A_150] : memref<10112x80xf32, #tpu.memory_space<vmem_shared>> -> memref<64x80xf32, #tpu.memory_space<vmem_shared>>
        %dma_start3A_152 = arith.constant 0 : i32
        %dma_start3A_153 = arith.constant 0 : i32
        %dma_start3A_154 = tpu.memref_slice %arg6[%dma_start3A_152, %dma_start3A_153] : memref<64x80xf32, #tpu.memory_space<vmem>> -> memref<64x80xf32, #tpu.memory_space<vmem>>
        %dma_start3A_155 = arith.constant 0 : i32
        %dma_start3A_156 = tpu.memref_slice %arg10[%add3A_78, %dma_start3A_155] : memref<10112x80xf32, #tpu.memory_space<vmem_shared>> -> memref<64x80xf32, #tpu.memory_space<vmem_shared>>
        tpu.enqueue_dma source(%dma_start3A_156 : memref<64x80xf32, #tpu.memory_space<vmem_shared>>) target(%dma_start3A_154 : memref<64x80xf32, #tpu.memory_space<vmem>>) target_semaphore(%run_scoped3A : memref<!tpu.dma_semaphore, #tpu.memory_space<semaphore_mem>>)
        %dma_wait3A_157 = arith.constant 0 : i32
        %dma_wait3A_158 = arith.constant 0 : i32
        %dma_wait3A_159 = tpu.memref_slice %arg6[%dma_wait3A_157, %dma_wait3A_158] : memref<64x80xf32, #tpu.memory_space<vmem>> -> memref<64x80xf32, #tpu.memory_space<vmem>>
        %dma_wait3A_160 = arith.constant 0 : i32
        %dma_wait3A_161 = tpu.memref_slice %arg10[%add3A_78, %dma_wait3A_160] : memref<10112x80xf32, #tpu.memory_space<vmem_shared>> -> memref<64x80xf32, #tpu.memory_space<vmem_shared>>
        %dma_wait3A_162 = arith.constant 0 : i32
        %dma_wait3A_163 = arith.constant 0 : i32
        %dma_wait3A_164 = tpu.memref_slice %arg6[%dma_wait3A_162, %dma_wait3A_163] : memref<64x80xf32, #tpu.memory_space<vmem>> -> memref<64x80xf32, #tpu.memory_space<vmem>>
        %dma_wait3A_165 = arith.constant 0 : i32
        %dma_wait3A_166 = tpu.memref_slice %arg10[%add3A_78, %dma_wait3A_165] : memref<10112x80xf32, #tpu.memory_space<vmem_shared>> -> memref<64x80xf32, #tpu.memory_space<vmem_shared>>
        tpu.wait_dma2 semaphore(%run_scoped3A : memref<!tpu.dma_semaphore, #tpu.memory_space<semaphore_mem>>) src(%dma_wait3A_166 : memref<64x80xf32, #tpu.memory_space<vmem_shared>>) dst(%dma_wait3A_164 : memref<64x80xf32, #tpu.memory_space<vmem>>)
        tpu.yield
      }) : () -> ()
      %scan3A_79 = arith.constant 0 : i32
      %scan3A_80 = arith.constant 0 : i32
      %scan3A_81 = arith.constant 64 : i32
      %scan3A_82 = arith.addi %scan3A_80, %scan3A_81 : i32
      %scan3A_83 = arith.constant 1 : i32
      scf.for %scan3A_147 = %scan3A_80 to %scan3A_82 step %scan3A_83  : i32 {
        %get3A = arith.index_cast %scan3A_147 : i32 to index
        %get3A_148 = arith.constant 64 : index
        %get3A_149 = tpu.vector_load %arg6[%get3A, %get3A_148] {strides = array<i32>} : memref<64x80xf32, #tpu.memory_space<vmem>>, vector<1x16xf32>,
        %get3A_150 = vector.shape_cast %get3A_149 : vector<1x16xf32> to vector<16xf32>
        %slice3A = vector.extract_strided_slice %get3A_150 {offsets = [0], sizes = [1], strides = [1]} : vector<16xf32> to vector<1xf32>
        %squeeze3A = vector.extract %slice3A[0] : f32 from vector<1xf32>
        %broadcast_in_dim3A_151 = vector.broadcast %squeeze3A : f32 to vector<16xf32>
        %max3A = arith.maximumf %broadcast_in_dim3A_151, %broadcast_in_dim3A_40 : vector<16xf32>
        %div3A = arith.divf %broadcast_in_dim3A_40, %max3A : vector<16xf32>
        %get3A_152 = arith.index_cast %scan3A_147 : i32 to index
        %get3A_153 = arith.constant 0 : index
        %get3A_154 = tpu.vector_load %arg6[%get3A_152, %get3A_153] {strides = array<i32>} : memref<64x80xf32, #tpu.memory_space<vmem>>, vector<1x16xf32>,
        %get3A_155 = vector.shape_cast %get3A_154 : vector<1x16xf32> to vector<16xf32>
        %mul3A_156 = arith.mulf %get3A_155, %div3A : vector<16xf32>
        %swap3A = arith.index_cast %scan3A_147 : i32 to index
        %swap3A_157 = arith.constant 0 : index
        %swap3A_158 = tpu.vector_load %arg8[%swap3A, %swap3A_157] {strides = array<i32>} : memref<64x64xf32, #tpu.memory_space<vmem>>, vector<1x16xf32>,
        %swap3A_159 = vector.shape_cast %swap3A_158 : vector<1x16xf32> to vector<16xf32>
        %swap3A_160 = vector.shape_cast %mul3A_156 : vector<16xf32> to vector<1x16xf32>
        tpu.vector_store %arg8[%swap3A, %swap3A_157], %swap3A_160 {strides = array<i32>} : memref<64x64xf32, #tpu.memory_space<vmem>>, vector<1x16xf32>,
        %get3A_161 = arith.index_cast %scan3A_147 : i32 to index
        %get3A_162 = arith.constant 16 : index
        %get3A_163 = tpu.vector_load %arg6[%get3A_161, %get3A_162] {strides = array<i32>} : memref<64x80xf32, #tpu.memory_space<vmem>>, vector<1x16xf32>,
        %get3A_164 = vector.shape_cast %get3A_163 : vector<1x16xf32> to vector<16xf32>
        %mul3A_165 = arith.mulf %get3A_164, %div3A : vector<16xf32>
        %swap3A_166 = arith.index_cast %scan3A_147 : i32 to index
        %swap3A_167 = arith.constant 16 : index
        %swap3A_168 = tpu.vector_load %arg8[%swap3A_166, %swap3A_167] {strides = array<i32>} : memref<64x64xf32, #tpu.memory_space<vmem>>, vector<1x16xf32>,
        %swap3A_169 = vector.shape_cast %swap3A_168 : vector<1x16xf32> to vector<16xf32>
        %swap3A_170 = vector.shape_cast %mul3A_165 : vector<16xf32> to vector<1x16xf32>
        tpu.vector_store %arg8[%swap3A_166, %swap3A_167], %swap3A_170 {strides = array<i32>} : memref<64x64xf32, #tpu.memory_space<vmem>>, vector<1x16xf32>,
        %get3A_171 = arith.index_cast %scan3A_147 : i32 to index
        %get3A_172 = arith.constant 32 : index
        %get3A_173 = tpu.vector_load %arg6[%get3A_171, %get3A_172] {strides = array<i32>} : memref<64x80xf32, #tpu.memory_space<vmem>>, vector<1x16xf32>,
        %get3A_174 = vector.shape_cast %get3A_173 : vector<1x16xf32> to vector<16xf32>
        %mul3A_175 = arith.mulf %get3A_174, %div3A : vector<16xf32>
        %swap3A_176 = arith.index_cast %scan3A_147 : i32 to index
        %swap3A_177 = arith.constant 32 : index
        %swap3A_178 = tpu.vector_load %arg8[%swap3A_176, %swap3A_177] {strides = array<i32>} : memref<64x64xf32, #tpu.memory_space<vmem>>, vector<1x16xf32>,
        %swap3A_179 = vector.shape_cast %swap3A_178 : vector<1x16xf32> to vector<16xf32>
        %swap3A_180 = vector.shape_cast %mul3A_175 : vector<16xf32> to vector<1x16xf32>
        tpu.vector_store %arg8[%swap3A_176, %swap3A_177], %swap3A_180 {strides = array<i32>} : memref<64x64xf32, #tpu.memory_space<vmem>>, vector<1x16xf32>,
        %get3A_181 = arith.index_cast %scan3A_147 : i32 to index
        %get3A_182 = arith.constant 48 : index
        %get3A_183 = tpu.vector_load %arg6[%get3A_181, %get3A_182] {strides = array<i32>} : memref<64x80xf32, #tpu.memory_space<vmem>>, vector<1x16xf32>,
        %get3A_184 = vector.shape_cast %get3A_183 : vector<1x16xf32> to vector<16xf32>
        %mul3A_185 = arith.mulf %get3A_184, %div3A : vector<16xf32>
        %swap3A_186 = arith.index_cast %scan3A_147 : i32 to index
        %swap3A_187 = arith.constant 48 : index
        %swap3A_188 = tpu.vector_load %arg8[%swap3A_186, %swap3A_187] {strides = array<i32>} : memref<64x64xf32, #tpu.memory_space<vmem>>, vector<1x16xf32>,
        %swap3A_189 = vector.shape_cast %swap3A_188 : vector<1x16xf32> to vector<16xf32>
        %swap3A_190 = vector.shape_cast %mul3A_185 : vector<16xf32> to vector<1x16xf32>
        tpu.vector_store %arg8[%swap3A_186, %swap3A_187], %swap3A_190 {strides = array<i32>} : memref<64x64xf32, #tpu.memory_space<vmem>>, vector<1x16xf32>,
      }
      %scan3A_84 = arith.constant 64 : i32
      %mul3A_85 = arith.constant 64 : i32
      %mul3A_86 = arith.muli %arg0, %mul3A_85 : i32
      "tpu.region"() ({
        %run_scoped3A = tpu.sem_alloc : memref<!tpu.dma_semaphore, #tpu.memory_space<semaphore_mem>>
        %dma_start3A_147 = arith.constant 0 : i32
        %dma_start3A_148 = arith.constant 0 : i32
        %dma_start3A_149 = tpu.memref_slice %arg8[%dma_start3A_147, %dma_start3A_148] : memref<64x64xf32, #tpu.memory_space<vmem>> -> memref<64x64xf32, #tpu.memory_space<vmem>>
        %dma_start3A_150 = tpu.memref_slice %arg4[%add3A_78, %mul3A_86] : memref<10000x128xf32, #tpu.memory_space<hbm>> -> memref<64x64xf32, #tpu.memory_space<hbm>>
        %dma_start3A_151 = tpu.memref_slice %arg4[%add3A_78, %mul3A_86] : memref<10000x128xf32, #tpu.memory_space<hbm>> -> memref<64x64xf32, #tpu.memory_space<hbm>>
        %dma_start3A_152 = arith.constant 0 : i32
        %dma_start3A_153 = arith.constant 0 : i32
        %dma_start3A_154 = tpu.memref_slice %arg8[%dma_start3A_152, %dma_start3A_153] : memref<64x64xf32, #tpu.memory_space<vmem>> -> memref<64x64xf32, #tpu.memory_space<vmem>>
        tpu.enqueue_dma source(%dma_start3A_154 : memref<64x64xf32, #tpu.memory_space<vmem>>) target(%dma_start3A_151 : memref<64x64xf32, #tpu.memory_space<hbm>>) target_semaphore(%run_scoped3A : memref<!tpu.dma_semaphore, #tpu.memory_space<semaphore_mem>>)
        %dma_wait3A_155 = arith.constant 0 : i32
        %dma_wait3A_156 = arith.constant 0 : i32
        %dma_wait3A_157 = tpu.memref_slice %arg8[%dma_wait3A_155, %dma_wait3A_156] : memref<64x64xf32, #tpu.memory_space<vmem>> -> memref<64x64xf32, #tpu.memory_space<vmem>>
        %dma_wait3A_158 = tpu.memref_slice %arg4[%add3A_78, %mul3A_86] : memref<10000x128xf32, #tpu.memory_space<hbm>> -> memref<64x64xf32, #tpu.memory_space<hbm>>
        %dma_wait3A_159 = tpu.memref_slice %arg4[%add3A_78, %mul3A_86] : memref<10000x128xf32, #tpu.memory_space<hbm>> -> memref<64x64xf32, #tpu.memory_space<hbm>>
        %dma_wait3A_160 = arith.constant 0 : i32
        %dma_wait3A_161 = arith.constant 0 : i32
        %dma_wait3A_162 = tpu.memref_slice %arg8[%dma_wait3A_160, %dma_wait3A_161] : memref<64x64xf32, #tpu.memory_space<vmem>> -> memref<64x64xf32, #tpu.memory_space<vmem>>
        tpu.wait_dma2 semaphore(%run_scoped3A : memref<!tpu.dma_semaphore, #tpu.memory_space<semaphore_mem>>) src(%dma_wait3A_162 : memref<64x64xf32, #tpu.memory_space<vmem>>) dst(%dma_wait3A_159 : memref<64x64xf32, #tpu.memory_space<hbm>>)
        tpu.yield
      }) : () -> ()
      %add3A_87 = arith.constant 256 : i32
      %add3A_88 = arith.addi %mul3A_0, %add3A_87 : i32
      "tpu.region"() ({
        %run_scoped3A = tpu.sem_alloc : memref<!tpu.dma_semaphore, #tpu.memory_space<semaphore_mem>>
        %dma_start3A_147 = arith.constant 0 : i32
        %dma_start3A_148 = arith.constant 0 : i32
        %dma_start3A_149 = tpu.memref_slice %arg6[%dma_start3A_147, %dma_start3A_148] : memref<64x80xf32, #tpu.memory_space<vmem>> -> memref<64x80xf32, #tpu.memory_space<vmem>>
        %dma_start3A_150 = arith.constant 0 : i32
        %dma_start3A_151 = tpu.memref_slice %arg10[%add3A_88, %dma_start3A_150] : memref<10112x80xf32, #tpu.memory_space<vmem_shared>> -> memref<64x80xf32, #tpu.memory_space<vmem_shared>>
        %dma_start3A_152 = arith.constant 0 : i32
        %dma_start3A_153 = arith.constant 0 : i32
        %dma_start3A_154 = tpu.memref_slice %arg6[%dma_start3A_152, %dma_start3A_153] : memref<64x80xf32, #tpu.memory_space<vmem>> -> memref<64x80xf32, #tpu.memory_space<vmem>>
        %dma_start3A_155 = arith.constant 0 : i32
        %dma_start3A_156 = tpu.memref_slice %arg10[%add3A_88, %dma_start3A_155] : memref<10112x80xf32, #tpu.memory_space<vmem_shared>> -> memref<64x80xf32, #tpu.memory_space<vmem_shared>>
        tpu.enqueue_dma source(%dma_start3A_156 : memref<64x80xf32, #tpu.memory_space<vmem_shared>>) target(%dma_start3A_154 : memref<64x80xf32, #tpu.memory_space<vmem>>) target_semaphore(%run_scoped3A : memref<!tpu.dma_semaphore, #tpu.memory_space<semaphore_mem>>)
        %dma_wait3A_157 = arith.constant 0 : i32
        %dma_wait3A_158 = arith.constant 0 : i32
        %dma_wait3A_159 = tpu.memref_slice %arg6[%dma_wait3A_157, %dma_wait3A_158] : memref<64x80xf32, #tpu.memory_space<vmem>> -> memref<64x80xf32, #tpu.memory_space<vmem>>
        %dma_wait3A_160 = arith.constant 0 : i32
        %dma_wait3A_161 = tpu.memref_slice %arg10[%add3A_88, %dma_wait3A_160] : memref<10112x80xf32, #tpu.memory_space<vmem_shared>> -> memref<64x80xf32, #tpu.memory_space<vmem_shared>>
        %dma_wait3A_162 = arith.constant 0 : i32
        %dma_wait3A_163 = arith.constant 0 : i32
        %dma_wait3A_164 = tpu.memref_slice %arg6[%dma_wait3A_162, %dma_wait3A_163] : memref<64x80xf32, #tpu.memory_space<vmem>> -> memref<64x80xf32, #tpu.memory_space<vmem>>
        %dma_wait3A_165 = arith.constant 0 : i32
        %dma_wait3A_166 = tpu.memref_slice %arg10[%add3A_88, %dma_wait3A_165] : memref<10112x80xf32, #tpu.memory_space<vmem_shared>> -> memref<64x80xf32, #tpu.memory_space<vmem_shared>>
        tpu.wait_dma2 semaphore(%run_scoped3A : memref<!tpu.dma_semaphore, #tpu.memory_space<semaphore_mem>>) src(%dma_wait3A_166 : memref<64x80xf32, #tpu.memory_space<vmem_shared>>) dst(%dma_wait3A_164 : memref<64x80xf32, #tpu.memory_space<vmem>>)
        tpu.yield
      }) : () -> ()
      %scan3A_89 = arith.constant 0 : i32
      %scan3A_90 = arith.constant 0 : i32
      %scan3A_91 = arith.constant 64 : i32
      %scan3A_92 = arith.addi %scan3A_90, %scan3A_91 : i32
      %scan3A_93 = arith.constant 1 : i32
      scf.for %scan3A_147 = %scan3A_90 to %scan3A_92 step %scan3A_93  : i32 {
        %get3A = arith.index_cast %scan3A_147 : i32 to index
        %get3A_148 = arith.constant 64 : index
        %get3A_149 = tpu.vector_load %arg6[%get3A, %get3A_148] {strides = array<i32>} : memref<64x80xf32, #tpu.memory_space<vmem>>, vector<1x16xf32>,
        %get3A_150 = vector.shape_cast %get3A_149 : vector<1x16xf32> to vector<16xf32>
        %slice3A = vector.extract_strided_slice %get3A_150 {offsets = [0], sizes = [1], strides = [1]} : vector<16xf32> to vector<1xf32>
        %squeeze3A = vector.extract %slice3A[0] : f32 from vector<1xf32>
        %broadcast_in_dim3A_151 = vector.broadcast %squeeze3A : f32 to vector<16xf32>
        %max3A = arith.maximumf %broadcast_in_dim3A_151, %broadcast_in_dim3A_40 : vector<16xf32>
        %div3A = arith.divf %broadcast_in_dim3A_40, %max3A : vector<16xf32>
        %get3A_152 = arith.index_cast %scan3A_147 : i32 to index
        %get3A_153 = arith.constant 0 : index
        %get3A_154 = tpu.vector_load %arg6[%get3A_152, %get3A_153] {strides = array<i32>} : memref<64x80xf32, #tpu.memory_space<vmem>>, vector<1x16xf32>,
        %get3A_155 = vector.shape_cast %get3A_154 : vector<1x16xf32> to vector<16xf32>
        %mul3A_156 = arith.mulf %get3A_155, %div3A : vector<16xf32>
        %swap3A = arith.index_cast %scan3A_147 : i32 to index
        %swap3A_157 = arith.constant 0 : index
        %swap3A_158 = tpu.vector_load %arg8[%swap3A, %swap3A_157] {strides = array<i32>} : memref<64x64xf32, #tpu.memory_space<vmem>>, vector<1x16xf32>,
        %swap3A_159 = vector.shape_cast %swap3A_158 : vector<1x16xf32> to vector<16xf32>
        %swap3A_160 = vector.shape_cast %mul3A_156 : vector<16xf32> to vector<1x16xf32>
        tpu.vector_store %arg8[%swap3A, %swap3A_157], %swap3A_160 {strides = array<i32>} : memref<64x64xf32, #tpu.memory_space<vmem>>, vector<1x16xf32>,
        %get3A_161 = arith.index_cast %scan3A_147 : i32 to index
        %get3A_162 = arith.constant 16 : index
        %get3A_163 = tpu.vector_load %arg6[%get3A_161, %get3A_162] {strides = array<i32>} : memref<64x80xf32, #tpu.memory_space<vmem>>, vector<1x16xf32>,
        %get3A_164 = vector.shape_cast %get3A_163 : vector<1x16xf32> to vector<16xf32>
        %mul3A_165 = arith.mulf %get3A_164, %div3A : vector<16xf32>
        %swap3A_166 = arith.index_cast %scan3A_147 : i32 to index
        %swap3A_167 = arith.constant 16 : index
        %swap3A_168 = tpu.vector_load %arg8[%swap3A_166, %swap3A_167] {strides = array<i32>} : memref<64x64xf32, #tpu.memory_space<vmem>>, vector<1x16xf32>,
        %swap3A_169 = vector.shape_cast %swap3A_168 : vector<1x16xf32> to vector<16xf32>
        %swap3A_170 = vector.shape_cast %mul3A_165 : vector<16xf32> to vector<1x16xf32>
        tpu.vector_store %arg8[%swap3A_166, %swap3A_167], %swap3A_170 {strides = array<i32>} : memref<64x64xf32, #tpu.memory_space<vmem>>, vector<1x16xf32>,
        %get3A_171 = arith.index_cast %scan3A_147 : i32 to index
        %get3A_172 = arith.constant 32 : index
        %get3A_173 = tpu.vector_load %arg6[%get3A_171, %get3A_172] {strides = array<i32>} : memref<64x80xf32, #tpu.memory_space<vmem>>, vector<1x16xf32>,
        %get3A_174 = vector.shape_cast %get3A_173 : vector<1x16xf32> to vector<16xf32>
        %mul3A_175 = arith.mulf %get3A_174, %div3A : vector<16xf32>
        %swap3A_176 = arith.index_cast %scan3A_147 : i32 to index
        %swap3A_177 = arith.constant 32 : index
        %swap3A_178 = tpu.vector_load %arg8[%swap3A_176, %swap3A_177] {strides = array<i32>} : memref<64x64xf32, #tpu.memory_space<vmem>>, vector<1x16xf32>,
        %swap3A_179 = vector.shape_cast %swap3A_178 : vector<1x16xf32> to vector<16xf32>
        %swap3A_180 = vector.shape_cast %mul3A_175 : vector<16xf32> to vector<1x16xf32>
        tpu.vector_store %arg8[%swap3A_176, %swap3A_177], %swap3A_180 {strides = array<i32>} : memref<64x64xf32, #tpu.memory_space<vmem>>, vector<1x16xf32>,
        %get3A_181 = arith.index_cast %scan3A_147 : i32 to index
        %get3A_182 = arith.constant 48 : index
        %get3A_183 = tpu.vector_load %arg6[%get3A_181, %get3A_182] {strides = array<i32>} : memref<64x80xf32, #tpu.memory_space<vmem>>, vector<1x16xf32>,
        %get3A_184 = vector.shape_cast %get3A_183 : vector<1x16xf32> to vector<16xf32>
        %mul3A_185 = arith.mulf %get3A_184, %div3A : vector<16xf32>
        %swap3A_186 = arith.index_cast %scan3A_147 : i32 to index
        %swap3A_187 = arith.constant 48 : index
        %swap3A_188 = tpu.vector_load %arg8[%swap3A_186, %swap3A_187] {strides = array<i32>} : memref<64x64xf32, #tpu.memory_space<vmem>>, vector<1x16xf32>,
        %swap3A_189 = vector.shape_cast %swap3A_188 : vector<1x16xf32> to vector<16xf32>
        %swap3A_190 = vector.shape_cast %mul3A_185 : vector<16xf32> to vector<1x16xf32>
        tpu.vector_store %arg8[%swap3A_186, %swap3A_187], %swap3A_190 {strides = array<i32>} : memref<64x64xf32, #tpu.memory_space<vmem>>, vector<1x16xf32>,
      }
      %scan3A_94 = arith.constant 64 : i32
      %mul3A_95 = arith.constant 64 : i32
      %mul3A_96 = arith.muli %arg0, %mul3A_95 : i32
      "tpu.region"() ({
        %run_scoped3A = tpu.sem_alloc : memref<!tpu.dma_semaphore, #tpu.memory_space<semaphore_mem>>
        %dma_start3A_147 = arith.constant 0 : i32
        %dma_start3A_148 = arith.constant 0 : i32
        %dma_start3A_149 = tpu.memref_slice %arg8[%dma_start3A_147, %dma_start3A_148] : memref<64x64xf32, #tpu.memory_space<vmem>> -> memref<64x64xf32, #tpu.memory_space<vmem>>
        %dma_start3A_150 = tpu.memref_slice %arg4[%add3A_88, %mul3A_96] : memref<10000x128xf32, #tpu.memory_space<hbm>> -> memref<64x64xf32, #tpu.memory_space<hbm>>
        %dma_start3A_151 = tpu.memref_slice %arg4[%add3A_88, %mul3A_96] : memref<10000x128xf32, #tpu.memory_space<hbm>> -> memref<64x64xf32, #tpu.memory_space<hbm>>
        %dma_start3A_152 = arith.constant 0 : i32
        %dma_start3A_153 = arith.constant 0 : i32
        %dma_start3A_154 = tpu.memref_slice %arg8[%dma_start3A_152, %dma_start3A_153] : memref<64x64xf32, #tpu.memory_space<vmem>> -> memref<64x64xf32, #tpu.memory_space<vmem>>
        tpu.enqueue_dma source(%dma_start3A_154 : memref<64x64xf32, #tpu.memory_space<vmem>>) target(%dma_start3A_151 : memref<64x64xf32, #tpu.memory_space<hbm>>) target_semaphore(%run_scoped3A : memref<!tpu.dma_semaphore, #tpu.memory_space<semaphore_mem>>)
        %dma_wait3A_155 = arith.constant 0 : i32
        %dma_wait3A_156 = arith.constant 0 : i32
        %dma_wait3A_157 = tpu.memref_slice %arg8[%dma_wait3A_155, %dma_wait3A_156] : memref<64x64xf32, #tpu.memory_space<vmem>> -> memref<64x64xf32, #tpu.memory_space<vmem>>
        %dma_wait3A_158 = tpu.memref_slice %arg4[%add3A_88, %mul3A_96] : memref<10000x128xf32, #tpu.memory_space<hbm>> -> memref<64x64xf32, #tpu.memory_space<hbm>>
        %dma_wait3A_159 = tpu.memref_slice %arg4[%add3A_88, %mul3A_96] : memref<10000x128xf32, #tpu.memory_space<hbm>> -> memref<64x64xf32, #tpu.memory_space<hbm>>
        %dma_wait3A_160 = arith.constant 0 : i32
        %dma_wait3A_161 = arith.constant 0 : i32
        %dma_wait3A_162 = tpu.memref_slice %arg8[%dma_wait3A_160, %dma_wait3A_161] : memref<64x64xf32, #tpu.memory_space<vmem>> -> memref<64x64xf32, #tpu.memory_space<vmem>>
        tpu.wait_dma2 semaphore(%run_scoped3A : memref<!tpu.dma_semaphore, #tpu.memory_space<semaphore_mem>>) src(%dma_wait3A_162 : memref<64x64xf32, #tpu.memory_space<vmem>>) dst(%dma_wait3A_159 : memref<64x64xf32, #tpu.memory_space<hbm>>)
        tpu.yield
      }) : () -> ()
      %add3A_97 = arith.constant 320 : i32
      %add3A_98 = arith.addi %mul3A_0, %add3A_97 : i32
      "tpu.region"() ({
        %run_scoped3A = tpu.sem_alloc : memref<!tpu.dma_semaphore, #tpu.memory_space<semaphore_mem>>
        %dma_start3A_147 = arith.constant 0 : i32
        %dma_start3A_148 = arith.constant 0 : i32
        %dma_start3A_149 = tpu.memref_slice %arg6[%dma_start3A_147, %dma_start3A_148] : memref<64x80xf32, #tpu.memory_space<vmem>> -> memref<64x80xf32, #tpu.memory_space<vmem>>
        %dma_start3A_150 = arith.constant 0 : i32
        %dma_start3A_151 = tpu.memref_slice %arg10[%add3A_98, %dma_start3A_150] : memref<10112x80xf32, #tpu.memory_space<vmem_shared>> -> memref<64x80xf32, #tpu.memory_space<vmem_shared>>
        %dma_start3A_152 = arith.constant 0 : i32
        %dma_start3A_153 = arith.constant 0 : i32
        %dma_start3A_154 = tpu.memref_slice %arg6[%dma_start3A_152, %dma_start3A_153] : memref<64x80xf32, #tpu.memory_space<vmem>> -> memref<64x80xf32, #tpu.memory_space<vmem>>
        %dma_start3A_155 = arith.constant 0 : i32
        %dma_start3A_156 = tpu.memref_slice %arg10[%add3A_98, %dma_start3A_155] : memref<10112x80xf32, #tpu.memory_space<vmem_shared>> -> memref<64x80xf32, #tpu.memory_space<vmem_shared>>
        tpu.enqueue_dma source(%dma_start3A_156 : memref<64x80xf32, #tpu.memory_space<vmem_shared>>) target(%dma_start3A_154 : memref<64x80xf32, #tpu.memory_space<vmem>>) target_semaphore(%run_scoped3A : memref<!tpu.dma_semaphore, #tpu.memory_space<semaphore_mem>>)
        %dma_wait3A_157 = arith.constant 0 : i32
        %dma_wait3A_158 = arith.constant 0 : i32
        %dma_wait3A_159 = tpu.memref_slice %arg6[%dma_wait3A_157, %dma_wait3A_158] : memref<64x80xf32, #tpu.memory_space<vmem>> -> memref<64x80xf32, #tpu.memory_space<vmem>>
        %dma_wait3A_160 = arith.constant 0 : i32
        %dma_wait3A_161 = tpu.memref_slice %arg10[%add3A_98, %dma_wait3A_160] : memref<10112x80xf32, #tpu.memory_space<vmem_shared>> -> memref<64x80xf32, #tpu.memory_space<vmem_shared>>
        %dma_wait3A_162 = arith.constant 0 : i32
        %dma_wait3A_163 = arith.constant 0 : i32
        %dma_wait3A_164 = tpu.memref_slice %arg6[%dma_wait3A_162, %dma_wait3A_163] : memref<64x80xf32, #tpu.memory_space<vmem>> -> memref<64x80xf32, #tpu.memory_space<vmem>>
        %dma_wait3A_165 = arith.constant 0 : i32
        %dma_wait3A_166 = tpu.memref_slice %arg10[%add3A_98, %dma_wait3A_165] : memref<10112x80xf32, #tpu.memory_space<vmem_shared>> -> memref<64x80xf32, #tpu.memory_space<vmem_shared>>
        tpu.wait_dma2 semaphore(%run_scoped3A : memref<!tpu.dma_semaphore, #tpu.memory_space<semaphore_mem>>) src(%dma_wait3A_166 : memref<64x80xf32, #tpu.memory_space<vmem_shared>>) dst(%dma_wait3A_164 : memref<64x80xf32, #tpu.memory_space<vmem>>)
        tpu.yield
      }) : () -> ()
      %scan3A_99 = arith.constant 0 : i32
      %scan3A_100 = arith.constant 0 : i32
      %scan3A_101 = arith.constant 64 : i32
      %scan3A_102 = arith.addi %scan3A_100, %scan3A_101 : i32
      %scan3A_103 = arith.constant 1 : i32
      scf.for %scan3A_147 = %scan3A_100 to %scan3A_102 step %scan3A_103  : i32 {
        %get3A = arith.index_cast %scan3A_147 : i32 to index
        %get3A_148 = arith.constant 64 : index
        %get3A_149 = tpu.vector_load %arg6[%get3A, %get3A_148] {strides = array<i32>} : memref<64x80xf32, #tpu.memory_space<vmem>>, vector<1x16xf32>,
        %get3A_150 = vector.shape_cast %get3A_149 : vector<1x16xf32> to vector<16xf32>
        %slice3A = vector.extract_strided_slice %get3A_150 {offsets = [0], sizes = [1], strides = [1]} : vector<16xf32> to vector<1xf32>
        %squeeze3A = vector.extract %slice3A[0] : f32 from vector<1xf32>
        %broadcast_in_dim3A_151 = vector.broadcast %squeeze3A : f32 to vector<16xf32>
        %max3A = arith.maximumf %broadcast_in_dim3A_151, %broadcast_in_dim3A_40 : vector<16xf32>
        %div3A = arith.divf %broadcast_in_dim3A_40, %max3A : vector<16xf32>
        %get3A_152 = arith.index_cast %scan3A_147 : i32 to index
        %get3A_153 = arith.constant 0 : index
        %get3A_154 = tpu.vector_load %arg6[%get3A_152, %get3A_153] {strides = array<i32>} : memref<64x80xf32, #tpu.memory_space<vmem>>, vector<1x16xf32>,
        %get3A_155 = vector.shape_cast %get3A_154 : vector<1x16xf32> to vector<16xf32>
        %mul3A_156 = arith.mulf %get3A_155, %div3A : vector<16xf32>
        %swap3A = arith.index_cast %scan3A_147 : i32 to index
        %swap3A_157 = arith.constant 0 : index
        %swap3A_158 = tpu.vector_load %arg8[%swap3A, %swap3A_157] {strides = array<i32>} : memref<64x64xf32, #tpu.memory_space<vmem>>, vector<1x16xf32>,
        %swap3A_159 = vector.shape_cast %swap3A_158 : vector<1x16xf32> to vector<16xf32>
        %swap3A_160 = vector.shape_cast %mul3A_156 : vector<16xf32> to vector<1x16xf32>
        tpu.vector_store %arg8[%swap3A, %swap3A_157], %swap3A_160 {strides = array<i32>} : memref<64x64xf32, #tpu.memory_space<vmem>>, vector<1x16xf32>,
        %get3A_161 = arith.index_cast %scan3A_147 : i32 to index
        %get3A_162 = arith.constant 16 : index
        %get3A_163 = tpu.vector_load %arg6[%get3A_161, %get3A_162] {strides = array<i32>} : memref<64x80xf32, #tpu.memory_space<vmem>>, vector<1x16xf32>,
        %get3A_164 = vector.shape_cast %get3A_163 : vector<1x16xf32> to vector<16xf32>
        %mul3A_165 = arith.mulf %get3A_164, %div3A : vector<16xf32>
        %swap3A_166 = arith.index_cast %scan3A_147 : i32 to index
        %swap3A_167 = arith.constant 16 : index
        %swap3A_168 = tpu.vector_load %arg8[%swap3A_166, %swap3A_167] {strides = array<i32>} : memref<64x64xf32, #tpu.memory_space<vmem>>, vector<1x16xf32>,
        %swap3A_169 = vector.shape_cast %swap3A_168 : vector<1x16xf32> to vector<16xf32>
        %swap3A_170 = vector.shape_cast %mul3A_165 : vector<16xf32> to vector<1x16xf32>
        tpu.vector_store %arg8[%swap3A_166, %swap3A_167], %swap3A_170 {strides = array<i32>} : memref<64x64xf32, #tpu.memory_space<vmem>>, vector<1x16xf32>,
        %get3A_171 = arith.index_cast %scan3A_147 : i32 to index
        %get3A_172 = arith.constant 32 : index
        %get3A_173 = tpu.vector_load %arg6[%get3A_171, %get3A_172] {strides = array<i32>} : memref<64x80xf32, #tpu.memory_space<vmem>>, vector<1x16xf32>,
        %get3A_174 = vector.shape_cast %get3A_173 : vector<1x16xf32> to vector<16xf32>
        %mul3A_175 = arith.mulf %get3A_174, %div3A : vector<16xf32>
        %swap3A_176 = arith.index_cast %scan3A_147 : i32 to index
        %swap3A_177 = arith.constant 32 : index
        %swap3A_178 = tpu.vector_load %arg8[%swap3A_176, %swap3A_177] {strides = array<i32>} : memref<64x64xf32, #tpu.memory_space<vmem>>, vector<1x16xf32>,
        %swap3A_179 = vector.shape_cast %swap3A_178 : vector<1x16xf32> to vector<16xf32>
        %swap3A_180 = vector.shape_cast %mul3A_175 : vector<16xf32> to vector<1x16xf32>
        tpu.vector_store %arg8[%swap3A_176, %swap3A_177], %swap3A_180 {strides = array<i32>} : memref<64x64xf32, #tpu.memory_space<vmem>>, vector<1x16xf32>,
        %get3A_181 = arith.index_cast %scan3A_147 : i32 to index
        %get3A_182 = arith.constant 48 : index
        %get3A_183 = tpu.vector_load %arg6[%get3A_181, %get3A_182] {strides = array<i32>} : memref<64x80xf32, #tpu.memory_space<vmem>>, vector<1x16xf32>,
        %get3A_184 = vector.shape_cast %get3A_183 : vector<1x16xf32> to vector<16xf32>
        %mul3A_185 = arith.mulf %get3A_184, %div3A : vector<16xf32>
        %swap3A_186 = arith.index_cast %scan3A_147 : i32 to index
        %swap3A_187 = arith.constant 48 : index
        %swap3A_188 = tpu.vector_load %arg8[%swap3A_186, %swap3A_187] {strides = array<i32>} : memref<64x64xf32, #tpu.memory_space<vmem>>, vector<1x16xf32>,
        %swap3A_189 = vector.shape_cast %swap3A_188 : vector<1x16xf32> to vector<16xf32>
        %swap3A_190 = vector.shape_cast %mul3A_185 : vector<16xf32> to vector<1x16xf32>
        tpu.vector_store %arg8[%swap3A_186, %swap3A_187], %swap3A_190 {strides = array<i32>} : memref<64x64xf32, #tpu.memory_space<vmem>>, vector<1x16xf32>,
      }
      %scan3A_104 = arith.constant 64 : i32
      %mul3A_105 = arith.constant 64 : i32
      %mul3A_106 = arith.muli %arg0, %mul3A_105 : i32
      "tpu.region"() ({
        %run_scoped3A = tpu.sem_alloc : memref<!tpu.dma_semaphore, #tpu.memory_space<semaphore_mem>>
        %dma_start3A_147 = arith.constant 0 : i32
        %dma_start3A_148 = arith.constant 0 : i32
        %dma_start3A_149 = tpu.memref_slice %arg8[%dma_start3A_147, %dma_start3A_148] : memref<64x64xf32, #tpu.memory_space<vmem>> -> memref<64x64xf32, #tpu.memory_space<vmem>>
        %dma_start3A_150 = tpu.memref_slice %arg4[%add3A_98, %mul3A_106] : memref<10000x128xf32, #tpu.memory_space<hbm>> -> memref<64x64xf32, #tpu.memory_space<hbm>>
        %dma_start3A_151 = tpu.memref_slice %arg4[%add3A_98, %mul3A_106] : memref<10000x128xf32, #tpu.memory_space<hbm>> -> memref<64x64xf32, #tpu.memory_space<hbm>>
        %dma_start3A_152 = arith.constant 0 : i32
        %dma_start3A_153 = arith.constant 0 : i32
        %dma_start3A_154 = tpu.memref_slice %arg8[%dma_start3A_152, %dma_start3A_153] : memref<64x64xf32, #tpu.memory_space<vmem>> -> memref<64x64xf32, #tpu.memory_space<vmem>>
        tpu.enqueue_dma source(%dma_start3A_154 : memref<64x64xf32, #tpu.memory_space<vmem>>) target(%dma_start3A_151 : memref<64x64xf32, #tpu.memory_space<hbm>>) target_semaphore(%run_scoped3A : memref<!tpu.dma_semaphore, #tpu.memory_space<semaphore_mem>>)
        %dma_wait3A_155 = arith.constant 0 : i32
        %dma_wait3A_156 = arith.constant 0 : i32
        %dma_wait3A_157 = tpu.memref_slice %arg8[%dma_wait3A_155, %dma_wait3A_156] : memref<64x64xf32, #tpu.memory_space<vmem>> -> memref<64x64xf32, #tpu.memory_space<vmem>>
        %dma_wait3A_158 = tpu.memref_slice %arg4[%add3A_98, %mul3A_106] : memref<10000x128xf32, #tpu.memory_space<hbm>> -> memref<64x64xf32, #tpu.memory_space<hbm>>
        %dma_wait3A_159 = tpu.memref_slice %arg4[%add3A_98, %mul3A_106] : memref<10000x128xf32, #tpu.memory_space<hbm>> -> memref<64x64xf32, #tpu.memory_space<hbm>>
        %dma_wait3A_160 = arith.constant 0 : i32
        %dma_wait3A_161 = arith.constant 0 : i32
        %dma_wait3A_162 = tpu.memref_slice %arg8[%dma_wait3A_160, %dma_wait3A_161] : memref<64x64xf32, #tpu.memory_space<vmem>> -> memref<64x64xf32, #tpu.memory_space<vmem>>
        tpu.wait_dma2 semaphore(%run_scoped3A : memref<!tpu.dma_semaphore, #tpu.memory_space<semaphore_mem>>) src(%dma_wait3A_162 : memref<64x64xf32, #tpu.memory_space<vmem>>) dst(%dma_wait3A_159 : memref<64x64xf32, #tpu.memory_space<hbm>>)
        tpu.yield
      }) : () -> ()
      %add3A_107 = arith.constant 384 : i32
      %add3A_108 = arith.addi %mul3A_0, %add3A_107 : i32
      "tpu.region"() ({
        %run_scoped3A = tpu.sem_alloc : memref<!tpu.dma_semaphore, #tpu.memory_space<semaphore_mem>>
        %dma_start3A_147 = arith.constant 0 : i32
        %dma_start3A_148 = arith.constant 0 : i32
        %dma_start3A_149 = tpu.memref_slice %arg6[%dma_start3A_147, %dma_start3A_148] : memref<64x80xf32, #tpu.memory_space<vmem>> -> memref<64x80xf32, #tpu.memory_space<vmem>>
        %dma_start3A_150 = arith.constant 0 : i32
        %dma_start3A_151 = tpu.memref_slice %arg10[%add3A_108, %dma_start3A_150] : memref<10112x80xf32, #tpu.memory_space<vmem_shared>> -> memref<64x80xf32, #tpu.memory_space<vmem_shared>>
        %dma_start3A_152 = arith.constant 0 : i32
        %dma_start3A_153 = arith.constant 0 : i32
        %dma_start3A_154 = tpu.memref_slice %arg6[%dma_start3A_152, %dma_start3A_153] : memref<64x80xf32, #tpu.memory_space<vmem>> -> memref<64x80xf32, #tpu.memory_space<vmem>>
        %dma_start3A_155 = arith.constant 0 : i32
        %dma_start3A_156 = tpu.memref_slice %arg10[%add3A_108, %dma_start3A_155] : memref<10112x80xf32, #tpu.memory_space<vmem_shared>> -> memref<64x80xf32, #tpu.memory_space<vmem_shared>>
        tpu.enqueue_dma source(%dma_start3A_156 : memref<64x80xf32, #tpu.memory_space<vmem_shared>>) target(%dma_start3A_154 : memref<64x80xf32, #tpu.memory_space<vmem>>) target_semaphore(%run_scoped3A : memref<!tpu.dma_semaphore, #tpu.memory_space<semaphore_mem>>)
        %dma_wait3A_157 = arith.constant 0 : i32
        %dma_wait3A_158 = arith.constant 0 : i32
        %dma_wait3A_159 = tpu.memref_slice %arg6[%dma_wait3A_157, %dma_wait3A_158] : memref<64x80xf32, #tpu.memory_space<vmem>> -> memref<64x80xf32, #tpu.memory_space<vmem>>
        %dma_wait3A_160 = arith.constant 0 : i32
        %dma_wait3A_161 = tpu.memref_slice %arg10[%add3A_108, %dma_wait3A_160] : memref<10112x80xf32, #tpu.memory_space<vmem_shared>> -> memref<64x80xf32, #tpu.memory_space<vmem_shared>>
        %dma_wait3A_162 = arith.constant 0 : i32
        %dma_wait3A_163 = arith.constant 0 : i32
        %dma_wait3A_164 = tpu.memref_slice %arg6[%dma_wait3A_162, %dma_wait3A_163] : memref<64x80xf32, #tpu.memory_space<vmem>> -> memref<64x80xf32, #tpu.memory_space<vmem>>
        %dma_wait3A_165 = arith.constant 0 : i32
        %dma_wait3A_166 = tpu.memref_slice %arg10[%add3A_108, %dma_wait3A_165] : memref<10112x80xf32, #tpu.memory_space<vmem_shared>> -> memref<64x80xf32, #tpu.memory_space<vmem_shared>>
        tpu.wait_dma2 semaphore(%run_scoped3A : memref<!tpu.dma_semaphore, #tpu.memory_space<semaphore_mem>>) src(%dma_wait3A_166 : memref<64x80xf32, #tpu.memory_space<vmem_shared>>) dst(%dma_wait3A_164 : memref<64x80xf32, #tpu.memory_space<vmem>>)
        tpu.yield
      }) : () -> ()
      %scan3A_109 = arith.constant 0 : i32
      %scan3A_110 = arith.constant 0 : i32
      %scan3A_111 = arith.constant 64 : i32
      %scan3A_112 = arith.addi %scan3A_110, %scan3A_111 : i32
      %scan3A_113 = arith.constant 1 : i32
      scf.for %scan3A_147 = %scan3A_110 to %scan3A_112 step %scan3A_113  : i32 {
        %get3A = arith.index_cast %scan3A_147 : i32 to index
        %get3A_148 = arith.constant 64 : index
        %get3A_149 = tpu.vector_load %arg6[%get3A, %get3A_148] {strides = array<i32>} : memref<64x80xf32, #tpu.memory_space<vmem>>, vector<1x16xf32>,
        %get3A_150 = vector.shape_cast %get3A_149 : vector<1x16xf32> to vector<16xf32>
        %slice3A = vector.extract_strided_slice %get3A_150 {offsets = [0], sizes = [1], strides = [1]} : vector<16xf32> to vector<1xf32>
        %squeeze3A = vector.extract %slice3A[0] : f32 from vector<1xf32>
        %broadcast_in_dim3A_151 = vector.broadcast %squeeze3A : f32 to vector<16xf32>
        %max3A = arith.maximumf %broadcast_in_dim3A_151, %broadcast_in_dim3A_40 : vector<16xf32>
        %div3A = arith.divf %broadcast_in_dim3A_40, %max3A : vector<16xf32>
        %get3A_152 = arith.index_cast %scan3A_147 : i32 to index
        %get3A_153 = arith.constant 0 : index
        %get3A_154 = tpu.vector_load %arg6[%get3A_152, %get3A_153] {strides = array<i32>} : memref<64x80xf32, #tpu.memory_space<vmem>>, vector<1x16xf32>,
        %get3A_155 = vector.shape_cast %get3A_154 : vector<1x16xf32> to vector<16xf32>
        %mul3A_156 = arith.mulf %get3A_155, %div3A : vector<16xf32>
        %swap3A = arith.index_cast %scan3A_147 : i32 to index
        %swap3A_157 = arith.constant 0 : index
        %swap3A_158 = tpu.vector_load %arg8[%swap3A, %swap3A_157] {strides = array<i32>} : memref<64x64xf32, #tpu.memory_space<vmem>>, vector<1x16xf32>,
        %swap3A_159 = vector.shape_cast %swap3A_158 : vector<1x16xf32> to vector<16xf32>
        %swap3A_160 = vector.shape_cast %mul3A_156 : vector<16xf32> to vector<1x16xf32>
        tpu.vector_store %arg8[%swap3A, %swap3A_157], %swap3A_160 {strides = array<i32>} : memref<64x64xf32, #tpu.memory_space<vmem>>, vector<1x16xf32>,
        %get3A_161 = arith.index_cast %scan3A_147 : i32 to index
        %get3A_162 = arith.constant 16 : index
        %get3A_163 = tpu.vector_load %arg6[%get3A_161, %get3A_162] {strides = array<i32>} : memref<64x80xf32, #tpu.memory_space<vmem>>, vector<1x16xf32>,
        %get3A_164 = vector.shape_cast %get3A_163 : vector<1x16xf32> to vector<16xf32>
        %mul3A_165 = arith.mulf %get3A_164, %div3A : vector<16xf32>
        %swap3A_166 = arith.index_cast %scan3A_147 : i32 to index
        %swap3A_167 = arith.constant 16 : index
        %swap3A_168 = tpu.vector_load %arg8[%swap3A_166, %swap3A_167] {strides = array<i32>} : memref<64x64xf32, #tpu.memory_space<vmem>>, vector<1x16xf32>,
        %swap3A_169 = vector.shape_cast %swap3A_168 : vector<1x16xf32> to vector<16xf32>
        %swap3A_170 = vector.shape_cast %mul3A_165 : vector<16xf32> to vector<1x16xf32>
        tpu.vector_store %arg8[%swap3A_166, %swap3A_167], %swap3A_170 {strides = array<i32>} : memref<64x64xf32, #tpu.memory_space<vmem>>, vector<1x16xf32>,
        %get3A_171 = arith.index_cast %scan3A_147 : i32 to index
        %get3A_172 = arith.constant 32 : index
        %get3A_173 = tpu.vector_load %arg6[%get3A_171, %get3A_172] {strides = array<i32>} : memref<64x80xf32, #tpu.memory_space<vmem>>, vector<1x16xf32>,
        %get3A_174 = vector.shape_cast %get3A_173 : vector<1x16xf32> to vector<16xf32>
        %mul3A_175 = arith.mulf %get3A_174, %div3A : vector<16xf32>
        %swap3A_176 = arith.index_cast %scan3A_147 : i32 to index
        %swap3A_177 = arith.constant 32 : index
        %swap3A_178 = tpu.vector_load %arg8[%swap3A_176, %swap3A_177] {strides = array<i32>} : memref<64x64xf32, #tpu.memory_space<vmem>>, vector<1x16xf32>,
        %swap3A_179 = vector.shape_cast %swap3A_178 : vector<1x16xf32> to vector<16xf32>
        %swap3A_180 = vector.shape_cast %mul3A_175 : vector<16xf32> to vector<1x16xf32>
        tpu.vector_store %arg8[%swap3A_176, %swap3A_177], %swap3A_180 {strides = array<i32>} : memref<64x64xf32, #tpu.memory_space<vmem>>, vector<1x16xf32>,
        %get3A_181 = arith.index_cast %scan3A_147 : i32 to index
        %get3A_182 = arith.constant 48 : index
        %get3A_183 = tpu.vector_load %arg6[%get3A_181, %get3A_182] {strides = array<i32>} : memref<64x80xf32, #tpu.memory_space<vmem>>, vector<1x16xf32>,
        %get3A_184 = vector.shape_cast %get3A_183 : vector<1x16xf32> to vector<16xf32>
        %mul3A_185 = arith.mulf %get3A_184, %div3A : vector<16xf32>
        %swap3A_186 = arith.index_cast %scan3A_147 : i32 to index
        %swap3A_187 = arith.constant 48 : index
        %swap3A_188 = tpu.vector_load %arg8[%swap3A_186, %swap3A_187] {strides = array<i32>} : memref<64x64xf32, #tpu.memory_space<vmem>>, vector<1x16xf32>,
        %swap3A_189 = vector.shape_cast %swap3A_188 : vector<1x16xf32> to vector<16xf32>
        %swap3A_190 = vector.shape_cast %mul3A_185 : vector<16xf32> to vector<1x16xf32>
        tpu.vector_store %arg8[%swap3A_186, %swap3A_187], %swap3A_190 {strides = array<i32>} : memref<64x64xf32, #tpu.memory_space<vmem>>, vector<1x16xf32>,
      }
      %scan3A_114 = arith.constant 64 : i32
      %mul3A_115 = arith.constant 64 : i32
      %mul3A_116 = arith.muli %arg0, %mul3A_115 : i32
      "tpu.region"() ({
        %run_scoped3A = tpu.sem_alloc : memref<!tpu.dma_semaphore, #tpu.memory_space<semaphore_mem>>
        %dma_start3A_147 = arith.constant 0 : i32
        %dma_start3A_148 = arith.constant 0 : i32
        %dma_start3A_149 = tpu.memref_slice %arg8[%dma_start3A_147, %dma_start3A_148] : memref<64x64xf32, #tpu.memory_space<vmem>> -> memref<64x64xf32, #tpu.memory_space<vmem>>
        %dma_start3A_150 = tpu.memref_slice %arg4[%add3A_108, %mul3A_116] : memref<10000x128xf32, #tpu.memory_space<hbm>> -> memref<64x64xf32, #tpu.memory_space<hbm>>
        %dma_start3A_151 = tpu.memref_slice %arg4[%add3A_108, %mul3A_116] : memref<10000x128xf32, #tpu.memory_space<hbm>> -> memref<64x64xf32, #tpu.memory_space<hbm>>
        %dma_start3A_152 = arith.constant 0 : i32
        %dma_start3A_153 = arith.constant 0 : i32
        %dma_start3A_154 = tpu.memref_slice %arg8[%dma_start3A_152, %dma_start3A_153] : memref<64x64xf32, #tpu.memory_space<vmem>> -> memref<64x64xf32, #tpu.memory_space<vmem>>
        tpu.enqueue_dma source(%dma_start3A_154 : memref<64x64xf32, #tpu.memory_space<vmem>>) target(%dma_start3A_151 : memref<64x64xf32, #tpu.memory_space<hbm>>) target_semaphore(%run_scoped3A : memref<!tpu.dma_semaphore, #tpu.memory_space<semaphore_mem>>)
        %dma_wait3A_155 = arith.constant 0 : i32
        %dma_wait3A_156 = arith.constant 0 : i32
        %dma_wait3A_157 = tpu.memref_slice %arg8[%dma_wait3A_155, %dma_wait3A_156] : memref<64x64xf32, #tpu.memory_space<vmem>> -> memref<64x64xf32, #tpu.memory_space<vmem>>
        %dma_wait3A_158 = tpu.memref_slice %arg4[%add3A_108, %mul3A_116] : memref<10000x128xf32, #tpu.memory_space<hbm>> -> memref<64x64xf32, #tpu.memory_space<hbm>>
        %dma_wait3A_159 = tpu.memref_slice %arg4[%add3A_108, %mul3A_116] : memref<10000x128xf32, #tpu.memory_space<hbm>> -> memref<64x64xf32, #tpu.memory_space<hbm>>
        %dma_wait3A_160 = arith.constant 0 : i32
        %dma_wait3A_161 = arith.constant 0 : i32
        %dma_wait3A_162 = tpu.memref_slice %arg8[%dma_wait3A_160, %dma_wait3A_161] : memref<64x64xf32, #tpu.memory_space<vmem>> -> memref<64x64xf32, #tpu.memory_space<vmem>>
        tpu.wait_dma2 semaphore(%run_scoped3A : memref<!tpu.dma_semaphore, #tpu.memory_space<semaphore_mem>>) src(%dma_wait3A_162 : memref<64x64xf32, #tpu.memory_space<vmem>>) dst(%dma_wait3A_159 : memref<64x64xf32, #tpu.memory_space<hbm>>)
        tpu.yield
      }) : () -> ()
      %add3A_117 = arith.constant 448 : i32
      %add3A_118 = arith.addi %mul3A_0, %add3A_117 : i32
      "tpu.region"() ({
        %run_scoped3A = tpu.sem_alloc : memref<!tpu.dma_semaphore, #tpu.memory_space<semaphore_mem>>
        %dma_start3A_147 = arith.constant 0 : i32
        %dma_start3A_148 = arith.constant 0 : i32
        %dma_start3A_149 = tpu.memref_slice %arg6[%dma_start3A_147, %dma_start3A_148] : memref<64x80xf32, #tpu.memory_space<vmem>> -> memref<64x80xf32, #tpu.memory_space<vmem>>
        %dma_start3A_150 = arith.constant 0 : i32
        %dma_start3A_151 = tpu.memref_slice %arg10[%add3A_118, %dma_start3A_150] : memref<10112x80xf32, #tpu.memory_space<vmem_shared>> -> memref<64x80xf32, #tpu.memory_space<vmem_shared>>
        %dma_start3A_152 = arith.constant 0 : i32
        %dma_start3A_153 = arith.constant 0 : i32
        %dma_start3A_154 = tpu.memref_slice %arg6[%dma_start3A_152, %dma_start3A_153] : memref<64x80xf32, #tpu.memory_space<vmem>> -> memref<64x80xf32, #tpu.memory_space<vmem>>
        %dma_start3A_155 = arith.constant 0 : i32
        %dma_start3A_156 = tpu.memref_slice %arg10[%add3A_118, %dma_start3A_155] : memref<10112x80xf32, #tpu.memory_space<vmem_shared>> -> memref<64x80xf32, #tpu.memory_space<vmem_shared>>
        tpu.enqueue_dma source(%dma_start3A_156 : memref<64x80xf32, #tpu.memory_space<vmem_shared>>) target(%dma_start3A_154 : memref<64x80xf32, #tpu.memory_space<vmem>>) target_semaphore(%run_scoped3A : memref<!tpu.dma_semaphore, #tpu.memory_space<semaphore_mem>>)
        %dma_wait3A_157 = arith.constant 0 : i32
        %dma_wait3A_158 = arith.constant 0 : i32
        %dma_wait3A_159 = tpu.memref_slice %arg6[%dma_wait3A_157, %dma_wait3A_158] : memref<64x80xf32, #tpu.memory_space<vmem>> -> memref<64x80xf32, #tpu.memory_space<vmem>>
        %dma_wait3A_160 = arith.constant 0 : i32
        %dma_wait3A_161 = tpu.memref_slice %arg10[%add3A_118, %dma_wait3A_160] : memref<10112x80xf32, #tpu.memory_space<vmem_shared>> -> memref<64x80xf32, #tpu.memory_space<vmem_shared>>
        %dma_wait3A_162 = arith.constant 0 : i32
        %dma_wait3A_163 = arith.constant 0 : i32
        %dma_wait3A_164 = tpu.memref_slice %arg6[%dma_wait3A_162, %dma_wait3A_163] : memref<64x80xf32, #tpu.memory_space<vmem>> -> memref<64x80xf32, #tpu.memory_space<vmem>>
        %dma_wait3A_165 = arith.constant 0 : i32
        %dma_wait3A_166 = tpu.memref_slice %arg10[%add3A_118, %dma_wait3A_165] : memref<10112x80xf32, #tpu.memory_space<vmem_shared>> -> memref<64x80xf32, #tpu.memory_space<vmem_shared>>
        tpu.wait_dma2 semaphore(%run_scoped3A : memref<!tpu.dma_semaphore, #tpu.memory_space<semaphore_mem>>) src(%dma_wait3A_166 : memref<64x80xf32, #tpu.memory_space<vmem_shared>>) dst(%dma_wait3A_164 : memref<64x80xf32, #tpu.memory_space<vmem>>)
        tpu.yield
      }) : () -> ()
      %scan3A_119 = arith.constant 0 : i32
      %scan3A_120 = arith.constant 0 : i32
      %scan3A_121 = arith.constant 64 : i32
      %scan3A_122 = arith.addi %scan3A_120, %scan3A_121 : i32
      %scan3A_123 = arith.constant 1 : i32
      scf.for %scan3A_147 = %scan3A_120 to %scan3A_122 step %scan3A_123  : i32 {
        %get3A = arith.index_cast %scan3A_147 : i32 to index
        %get3A_148 = arith.constant 64 : index
        %get3A_149 = tpu.vector_load %arg6[%get3A, %get3A_148] {strides = array<i32>} : memref<64x80xf32, #tpu.memory_space<vmem>>, vector<1x16xf32>,
        %get3A_150 = vector.shape_cast %get3A_149 : vector<1x16xf32> to vector<16xf32>
        %slice3A = vector.extract_strided_slice %get3A_150 {offsets = [0], sizes = [1], strides = [1]} : vector<16xf32> to vector<1xf32>
        %squeeze3A = vector.extract %slice3A[0] : f32 from vector<1xf32>
        %broadcast_in_dim3A_151 = vector.broadcast %squeeze3A : f32 to vector<16xf32>
        %max3A = arith.maximumf %broadcast_in_dim3A_151, %broadcast_in_dim3A_40 : vector<16xf32>
        %div3A = arith.divf %broadcast_in_dim3A_40, %max3A : vector<16xf32>
        %get3A_152 = arith.index_cast %scan3A_147 : i32 to index
        %get3A_153 = arith.constant 0 : index
        %get3A_154 = tpu.vector_load %arg6[%get3A_152, %get3A_153] {strides = array<i32>} : memref<64x80xf32, #tpu.memory_space<vmem>>, vector<1x16xf32>,
        %get3A_155 = vector.shape_cast %get3A_154 : vector<1x16xf32> to vector<16xf32>
        %mul3A_156 = arith.mulf %get3A_155, %div3A : vector<16xf32>
        %swap3A = arith.index_cast %scan3A_147 : i32 to index
        %swap3A_157 = arith.constant 0 : index
        %swap3A_158 = tpu.vector_load %arg8[%swap3A, %swap3A_157] {strides = array<i32>} : memref<64x64xf32, #tpu.memory_space<vmem>>, vector<1x16xf32>,
        %swap3A_159 = vector.shape_cast %swap3A_158 : vector<1x16xf32> to vector<16xf32>
        %swap3A_160 = vector.shape_cast %mul3A_156 : vector<16xf32> to vector<1x16xf32>
        tpu.vector_store %arg8[%swap3A, %swap3A_157], %swap3A_160 {strides = array<i32>} : memref<64x64xf32, #tpu.memory_space<vmem>>, vector<1x16xf32>,
        %get3A_161 = arith.index_cast %scan3A_147 : i32 to index
        %get3A_162 = arith.constant 16 : index
        %get3A_163 = tpu.vector_load %arg6[%get3A_161, %get3A_162] {strides = array<i32>} : memref<64x80xf32, #tpu.memory_space<vmem>>, vector<1x16xf32>,
        %get3A_164 = vector.shape_cast %get3A_163 : vector<1x16xf32> to vector<16xf32>
        %mul3A_165 = arith.mulf %get3A_164, %div3A : vector<16xf32>
        %swap3A_166 = arith.index_cast %scan3A_147 : i32 to index
        %swap3A_167 = arith.constant 16 : index
        %swap3A_168 = tpu.vector_load %arg8[%swap3A_166, %swap3A_167] {strides = array<i32>} : memref<64x64xf32, #tpu.memory_space<vmem>>, vector<1x16xf32>,
        %swap3A_169 = vector.shape_cast %swap3A_168 : vector<1x16xf32> to vector<16xf32>
        %swap3A_170 = vector.shape_cast %mul3A_165 : vector<16xf32> to vector<1x16xf32>
        tpu.vector_store %arg8[%swap3A_166, %swap3A_167], %swap3A_170 {strides = array<i32>} : memref<64x64xf32, #tpu.memory_space<vmem>>, vector<1x16xf32>,
        %get3A_171 = arith.index_cast %scan3A_147 : i32 to index
        %get3A_172 = arith.constant 32 : index
        %get3A_173 = tpu.vector_load %arg6[%get3A_171, %get3A_172] {strides = array<i32>} : memref<64x80xf32, #tpu.memory_space<vmem>>, vector<1x16xf32>,
        %get3A_174 = vector.shape_cast %get3A_173 : vector<1x16xf32> to vector<16xf32>
        %mul3A_175 = arith.mulf %get3A_174, %div3A : vector<16xf32>
        %swap3A_176 = arith.index_cast %scan3A_147 : i32 to index
        %swap3A_177 = arith.constant 32 : index
        %swap3A_178 = tpu.vector_load %arg8[%swap3A_176, %swap3A_177] {strides = array<i32>} : memref<64x64xf32, #tpu.memory_space<vmem>>, vector<1x16xf32>,
        %swap3A_179 = vector.shape_cast %swap3A_178 : vector<1x16xf32> to vector<16xf32>
        %swap3A_180 = vector.shape_cast %mul3A_175 : vector<16xf32> to vector<1x16xf32>
        tpu.vector_store %arg8[%swap3A_176, %swap3A_177], %swap3A_180 {strides = array<i32>} : memref<64x64xf32, #tpu.memory_space<vmem>>, vector<1x16xf32>,
        %get3A_181 = arith.index_cast %scan3A_147 : i32 to index
        %get3A_182 = arith.constant 48 : index
        %get3A_183 = tpu.vector_load %arg6[%get3A_181, %get3A_182] {strides = array<i32>} : memref<64x80xf32, #tpu.memory_space<vmem>>, vector<1x16xf32>,
        %get3A_184 = vector.shape_cast %get3A_183 : vector<1x16xf32> to vector<16xf32>
        %mul3A_185 = arith.mulf %get3A_184, %div3A : vector<16xf32>
        %swap3A_186 = arith.index_cast %scan3A_147 : i32 to index
        %swap3A_187 = arith.constant 48 : index
        %swap3A_188 = tpu.vector_load %arg8[%swap3A_186, %swap3A_187] {strides = array<i32>} : memref<64x64xf32, #tpu.memory_space<vmem>>, vector<1x16xf32>,
        %swap3A_189 = vector.shape_cast %swap3A_188 : vector<1x16xf32> to vector<16xf32>
        %swap3A_190 = vector.shape_cast %mul3A_185 : vector<16xf32> to vector<1x16xf32>
        tpu.vector_store %arg8[%swap3A_186, %swap3A_187], %swap3A_190 {strides = array<i32>} : memref<64x64xf32, #tpu.memory_space<vmem>>, vector<1x16xf32>,
      }
      %scan3A_124 = arith.constant 64 : i32
      %mul3A_125 = arith.constant 64 : i32
      %mul3A_126 = arith.muli %arg0, %mul3A_125 : i32
      "tpu.region"() ({
        %run_scoped3A = tpu.sem_alloc : memref<!tpu.dma_semaphore, #tpu.memory_space<semaphore_mem>>
        %dma_start3A_147 = arith.constant 0 : i32
        %dma_start3A_148 = arith.constant 0 : i32
        %dma_start3A_149 = tpu.memref_slice %arg8[%dma_start3A_147, %dma_start3A_148] : memref<64x64xf32, #tpu.memory_space<vmem>> -> memref<64x64xf32, #tpu.memory_space<vmem>>
        %dma_start3A_150 = tpu.memref_slice %arg4[%add3A_118, %mul3A_126] : memref<10000x128xf32, #tpu.memory_space<hbm>> -> memref<64x64xf32, #tpu.memory_space<hbm>>
        %dma_start3A_151 = tpu.memref_slice %arg4[%add3A_118, %mul3A_126] : memref<10000x128xf32, #tpu.memory_space<hbm>> -> memref<64x64xf32, #tpu.memory_space<hbm>>
        %dma_start3A_152 = arith.constant 0 : i32
        %dma_start3A_153 = arith.constant 0 : i32
        %dma_start3A_154 = tpu.memref_slice %arg8[%dma_start3A_152, %dma_start3A_153] : memref<64x64xf32, #tpu.memory_space<vmem>> -> memref<64x64xf32, #tpu.memory_space<vmem>>
        tpu.enqueue_dma source(%dma_start3A_154 : memref<64x64xf32, #tpu.memory_space<vmem>>) target(%dma_start3A_151 : memref<64x64xf32, #tpu.memory_space<hbm>>) target_semaphore(%run_scoped3A : memref<!tpu.dma_semaphore, #tpu.memory_space<semaphore_mem>>)
        %dma_wait3A_155 = arith.constant 0 : i32
        %dma_wait3A_156 = arith.constant 0 : i32
        %dma_wait3A_157 = tpu.memref_slice %arg8[%dma_wait3A_155, %dma_wait3A_156] : memref<64x64xf32, #tpu.memory_space<vmem>> -> memref<64x64xf32, #tpu.memory_space<vmem>>
        %dma_wait3A_158 = tpu.memref_slice %arg4[%add3A_118, %mul3A_126] : memref<10000x128xf32, #tpu.memory_space<hbm>> -> memref<64x64xf32, #tpu.memory_space<hbm>>
        %dma_wait3A_159 = tpu.memref_slice %arg4[%add3A_118, %mul3A_126] : memref<10000x128xf32, #tpu.memory_space<hbm>> -> memref<64x64xf32, #tpu.memory_space<hbm>>
        %dma_wait3A_160 = arith.constant 0 : i32
        %dma_wait3A_161 = arith.constant 0 : i32
        %dma_wait3A_162 = tpu.memref_slice %arg8[%dma_wait3A_160, %dma_wait3A_161] : memref<64x64xf32, #tpu.memory_space<vmem>> -> memref<64x64xf32, #tpu.memory_space<vmem>>
        tpu.wait_dma2 semaphore(%run_scoped3A : memref<!tpu.dma_semaphore, #tpu.memory_space<semaphore_mem>>) src(%dma_wait3A_162 : memref<64x64xf32, #tpu.memory_space<vmem>>) dst(%dma_wait3A_159 : memref<64x64xf32, #tpu.memory_space<hbm>>)
        tpu.yield
      }) : () -> ()
      %add3A_127 = arith.constant 512 : i32
      %add3A_128 = arith.addi %mul3A_0, %add3A_127 : i32
      "tpu.region"() ({
        %run_scoped3A = tpu.sem_alloc : memref<!tpu.dma_semaphore, #tpu.memory_space<semaphore_mem>>
        %dma_start3A_147 = arith.constant 0 : i32
        %dma_start3A_148 = arith.constant 0 : i32
        %dma_start3A_149 = tpu.memref_slice %arg6[%dma_start3A_147, %dma_start3A_148] : memref<64x80xf32, #tpu.memory_space<vmem>> -> memref<64x80xf32, #tpu.memory_space<vmem>>
        %dma_start3A_150 = arith.constant 0 : i32
        %dma_start3A_151 = tpu.memref_slice %arg10[%add3A_128, %dma_start3A_150] : memref<10112x80xf32, #tpu.memory_space<vmem_shared>> -> memref<64x80xf32, #tpu.memory_space<vmem_shared>>
        %dma_start3A_152 = arith.constant 0 : i32
        %dma_start3A_153 = arith.constant 0 : i32
        %dma_start3A_154 = tpu.memref_slice %arg6[%dma_start3A_152, %dma_start3A_153] : memref<64x80xf32, #tpu.memory_space<vmem>> -> memref<64x80xf32, #tpu.memory_space<vmem>>
        %dma_start3A_155 = arith.constant 0 : i32
        %dma_start3A_156 = tpu.memref_slice %arg10[%add3A_128, %dma_start3A_155] : memref<10112x80xf32, #tpu.memory_space<vmem_shared>> -> memref<64x80xf32, #tpu.memory_space<vmem_shared>>
        tpu.enqueue_dma source(%dma_start3A_156 : memref<64x80xf32, #tpu.memory_space<vmem_shared>>) target(%dma_start3A_154 : memref<64x80xf32, #tpu.memory_space<vmem>>) target_semaphore(%run_scoped3A : memref<!tpu.dma_semaphore, #tpu.memory_space<semaphore_mem>>)
        %dma_wait3A_157 = arith.constant 0 : i32
        %dma_wait3A_158 = arith.constant 0 : i32
        %dma_wait3A_159 = tpu.memref_slice %arg6[%dma_wait3A_157, %dma_wait3A_158] : memref<64x80xf32, #tpu.memory_space<vmem>> -> memref<64x80xf32, #tpu.memory_space<vmem>>
        %dma_wait3A_160 = arith.constant 0 : i32
        %dma_wait3A_161 = tpu.memref_slice %arg10[%add3A_128, %dma_wait3A_160] : memref<10112x80xf32, #tpu.memory_space<vmem_shared>> -> memref<64x80xf32, #tpu.memory_space<vmem_shared>>
        %dma_wait3A_162 = arith.constant 0 : i32
        %dma_wait3A_163 = arith.constant 0 : i32
        %dma_wait3A_164 = tpu.memref_slice %arg6[%dma_wait3A_162, %dma_wait3A_163] : memref<64x80xf32, #tpu.memory_space<vmem>> -> memref<64x80xf32, #tpu.memory_space<vmem>>
        %dma_wait3A_165 = arith.constant 0 : i32
        %dma_wait3A_166 = tpu.memref_slice %arg10[%add3A_128, %dma_wait3A_165] : memref<10112x80xf32, #tpu.memory_space<vmem_shared>> -> memref<64x80xf32, #tpu.memory_space<vmem_shared>>
        tpu.wait_dma2 semaphore(%run_scoped3A : memref<!tpu.dma_semaphore, #tpu.memory_space<semaphore_mem>>) src(%dma_wait3A_166 : memref<64x80xf32, #tpu.memory_space<vmem_shared>>) dst(%dma_wait3A_164 : memref<64x80xf32, #tpu.memory_space<vmem>>)
        tpu.yield
      }) : () -> ()
      %scan3A_129 = arith.constant 0 : i32
      %scan3A_130 = arith.constant 0 : i32
      %scan3A_131 = arith.constant 64 : i32
      %scan3A_132 = arith.addi %scan3A_130, %scan3A_131 : i32
      %scan3A_133 = arith.constant 1 : i32
      scf.for %scan3A_147 = %scan3A_130 to %scan3A_132 step %scan3A_133  : i32 {
        %get3A = arith.index_cast %scan3A_147 : i32 to index
        %get3A_148 = arith.constant 64 : index
        %get3A_149 = tpu.vector_load %arg6[%get3A, %get3A_148] {strides = array<i32>} : memref<64x80xf32, #tpu.memory_space<vmem>>, vector<1x16xf32>,
        %get3A_150 = vector.shape_cast %get3A_149 : vector<1x16xf32> to vector<16xf32>
        %slice3A = vector.extract_strided_slice %get3A_150 {offsets = [0], sizes = [1], strides = [1]} : vector<16xf32> to vector<1xf32>
        %squeeze3A = vector.extract %slice3A[0] : f32 from vector<1xf32>
        %broadcast_in_dim3A_151 = vector.broadcast %squeeze3A : f32 to vector<16xf32>
        %max3A = arith.maximumf %broadcast_in_dim3A_151, %broadcast_in_dim3A_40 : vector<16xf32>
        %div3A = arith.divf %broadcast_in_dim3A_40, %max3A : vector<16xf32>
        %get3A_152 = arith.index_cast %scan3A_147 : i32 to index
        %get3A_153 = arith.constant 0 : index
        %get3A_154 = tpu.vector_load %arg6[%get3A_152, %get3A_153] {strides = array<i32>} : memref<64x80xf32, #tpu.memory_space<vmem>>, vector<1x16xf32>,
        %get3A_155 = vector.shape_cast %get3A_154 : vector<1x16xf32> to vector<16xf32>
        %mul3A_156 = arith.mulf %get3A_155, %div3A : vector<16xf32>
        %swap3A = arith.index_cast %scan3A_147 : i32 to index
        %swap3A_157 = arith.constant 0 : index
        %swap3A_158 = tpu.vector_load %arg8[%swap3A, %swap3A_157] {strides = array<i32>} : memref<64x64xf32, #tpu.memory_space<vmem>>, vector<1x16xf32>,
        %swap3A_159 = vector.shape_cast %swap3A_158 : vector<1x16xf32> to vector<16xf32>
        %swap3A_160 = vector.shape_cast %mul3A_156 : vector<16xf32> to vector<1x16xf32>
        tpu.vector_store %arg8[%swap3A, %swap3A_157], %swap3A_160 {strides = array<i32>} : memref<64x64xf32, #tpu.memory_space<vmem>>, vector<1x16xf32>,
        %get3A_161 = arith.index_cast %scan3A_147 : i32 to index
        %get3A_162 = arith.constant 16 : index
        %get3A_163 = tpu.vector_load %arg6[%get3A_161, %get3A_162] {strides = array<i32>} : memref<64x80xf32, #tpu.memory_space<vmem>>, vector<1x16xf32>,
        %get3A_164 = vector.shape_cast %get3A_163 : vector<1x16xf32> to vector<16xf32>
        %mul3A_165 = arith.mulf %get3A_164, %div3A : vector<16xf32>
        %swap3A_166 = arith.index_cast %scan3A_147 : i32 to index
        %swap3A_167 = arith.constant 16 : index
        %swap3A_168 = tpu.vector_load %arg8[%swap3A_166, %swap3A_167] {strides = array<i32>} : memref<64x64xf32, #tpu.memory_space<vmem>>, vector<1x16xf32>,
        %swap3A_169 = vector.shape_cast %swap3A_168 : vector<1x16xf32> to vector<16xf32>
        %swap3A_170 = vector.shape_cast %mul3A_165 : vector<16xf32> to vector<1x16xf32>
        tpu.vector_store %arg8[%swap3A_166, %swap3A_167], %swap3A_170 {strides = array<i32>} : memref<64x64xf32, #tpu.memory_space<vmem>>, vector<1x16xf32>,
        %get3A_171 = arith.index_cast %scan3A_147 : i32 to index
        %get3A_172 = arith.constant 32 : index
        %get3A_173 = tpu.vector_load %arg6[%get3A_171, %get3A_172] {strides = array<i32>} : memref<64x80xf32, #tpu.memory_space<vmem>>, vector<1x16xf32>,
        %get3A_174 = vector.shape_cast %get3A_173 : vector<1x16xf32> to vector<16xf32>
        %mul3A_175 = arith.mulf %get3A_174, %div3A : vector<16xf32>
        %swap3A_176 = arith.index_cast %scan3A_147 : i32 to index
        %swap3A_177 = arith.constant 32 : index
        %swap3A_178 = tpu.vector_load %arg8[%swap3A_176, %swap3A_177] {strides = array<i32>} : memref<64x64xf32, #tpu.memory_space<vmem>>, vector<1x16xf32>,
        %swap3A_179 = vector.shape_cast %swap3A_178 : vector<1x16xf32> to vector<16xf32>
        %swap3A_180 = vector.shape_cast %mul3A_175 : vector<16xf32> to vector<1x16xf32>
        tpu.vector_store %arg8[%swap3A_176, %swap3A_177], %swap3A_180 {strides = array<i32>} : memref<64x64xf32, #tpu.memory_space<vmem>>, vector<1x16xf32>,
        %get3A_181 = arith.index_cast %scan3A_147 : i32 to index
        %get3A_182 = arith.constant 48 : index
        %get3A_183 = tpu.vector_load %arg6[%get3A_181, %get3A_182] {strides = array<i32>} : memref<64x80xf32, #tpu.memory_space<vmem>>, vector<1x16xf32>,
        %get3A_184 = vector.shape_cast %get3A_183 : vector<1x16xf32> to vector<16xf32>
        %mul3A_185 = arith.mulf %get3A_184, %div3A : vector<16xf32>
        %swap3A_186 = arith.index_cast %scan3A_147 : i32 to index
        %swap3A_187 = arith.constant 48 : index
        %swap3A_188 = tpu.vector_load %arg8[%swap3A_186, %swap3A_187] {strides = array<i32>} : memref<64x64xf32, #tpu.memory_space<vmem>>, vector<1x16xf32>,
        %swap3A_189 = vector.shape_cast %swap3A_188 : vector<1x16xf32> to vector<16xf32>
        %swap3A_190 = vector.shape_cast %mul3A_185 : vector<16xf32> to vector<1x16xf32>
        tpu.vector_store %arg8[%swap3A_186, %swap3A_187], %swap3A_190 {strides = array<i32>} : memref<64x64xf32, #tpu.memory_space<vmem>>, vector<1x16xf32>,
      }
      %scan3A_134 = arith.constant 64 : i32
      %mul3A_135 = arith.constant 64 : i32
      %mul3A_136 = arith.muli %arg0, %mul3A_135 : i32
      "tpu.region"() ({
        %run_scoped3A = tpu.sem_alloc : memref<!tpu.dma_semaphore, #tpu.memory_space<semaphore_mem>>
        %dma_start3A_147 = arith.constant 0 : i32
        %dma_start3A_148 = arith.constant 0 : i32
        %dma_start3A_149 = tpu.memref_slice %arg8[%dma_start3A_147, %dma_start3A_148] : memref<64x64xf32, #tpu.memory_space<vmem>> -> memref<64x64xf32, #tpu.memory_space<vmem>>
        %dma_start3A_150 = tpu.memref_slice %arg4[%add3A_128, %mul3A_136] : memref<10000x128xf32, #tpu.memory_space<hbm>> -> memref<64x64xf32, #tpu.memory_space<hbm>>
        %dma_start3A_151 = tpu.memref_slice %arg4[%add3A_128, %mul3A_136] : memref<10000x128xf32, #tpu.memory_space<hbm>> -> memref<64x64xf32, #tpu.memory_space<hbm>>
        %dma_start3A_152 = arith.constant 0 : i32
        %dma_start3A_153 = arith.constant 0 : i32
        %dma_start3A_154 = tpu.memref_slice %arg8[%dma_start3A_152, %dma_start3A_153] : memref<64x64xf32, #tpu.memory_space<vmem>> -> memref<64x64xf32, #tpu.memory_space<vmem>>
        tpu.enqueue_dma source(%dma_start3A_154 : memref<64x64xf32, #tpu.memory_space<vmem>>) target(%dma_start3A_151 : memref<64x64xf32, #tpu.memory_space<hbm>>) target_semaphore(%run_scoped3A : memref<!tpu.dma_semaphore, #tpu.memory_space<semaphore_mem>>)
        %dma_wait3A_155 = arith.constant 0 : i32
        %dma_wait3A_156 = arith.constant 0 : i32
        %dma_wait3A_157 = tpu.memref_slice %arg8[%dma_wait3A_155, %dma_wait3A_156] : memref<64x64xf32, #tpu.memory_space<vmem>> -> memref<64x64xf32, #tpu.memory_space<vmem>>
        %dma_wait3A_158 = tpu.memref_slice %arg4[%add3A_128, %mul3A_136] : memref<10000x128xf32, #tpu.memory_space<hbm>> -> memref<64x64xf32, #tpu.memory_space<hbm>>
        %dma_wait3A_159 = tpu.memref_slice %arg4[%add3A_128, %mul3A_136] : memref<10000x128xf32, #tpu.memory_space<hbm>> -> memref<64x64xf32, #tpu.memory_space<hbm>>
        %dma_wait3A_160 = arith.constant 0 : i32
        %dma_wait3A_161 = arith.constant 0 : i32
        %dma_wait3A_162 = tpu.memref_slice %arg8[%dma_wait3A_160, %dma_wait3A_161] : memref<64x64xf32, #tpu.memory_space<vmem>> -> memref<64x64xf32, #tpu.memory_space<vmem>>
        tpu.wait_dma2 semaphore(%run_scoped3A : memref<!tpu.dma_semaphore, #tpu.memory_space<semaphore_mem>>) src(%dma_wait3A_162 : memref<64x64xf32, #tpu.memory_space<vmem>>) dst(%dma_wait3A_159 : memref<64x64xf32, #tpu.memory_space<hbm>>)
        tpu.yield
      }) : () -> ()
      %add3A_137 = arith.constant 576 : i32
      %add3A_138 = arith.addi %mul3A_0, %add3A_137 : i32
      "tpu.region"() ({
        %run_scoped3A = tpu.sem_alloc : memref<!tpu.dma_semaphore, #tpu.memory_space<semaphore_mem>>
        %dma_start3A_147 = arith.constant 0 : i32
        %dma_start3A_148 = arith.constant 0 : i32
        %dma_start3A_149 = tpu.memref_slice %arg6[%dma_start3A_147, %dma_start3A_148] : memref<64x80xf32, #tpu.memory_space<vmem>> -> memref<56x80xf32, #tpu.memory_space<vmem>>
        %dma_start3A_150 = arith.constant 0 : i32
        %dma_start3A_151 = tpu.memref_slice %arg10[%add3A_138, %dma_start3A_150] : memref<10112x80xf32, #tpu.memory_space<vmem_shared>> -> memref<56x80xf32, #tpu.memory_space<vmem_shared>>
        %dma_start3A_152 = arith.constant 0 : i32
        %dma_start3A_153 = arith.constant 0 : i32
        %dma_start3A_154 = tpu.memref_slice %arg6[%dma_start3A_152, %dma_start3A_153] : memref<64x80xf32, #tpu.memory_space<vmem>> -> memref<56x80xf32, #tpu.memory_space<vmem>>
        %dma_start3A_155 = arith.constant 0 : i32
        %dma_start3A_156 = tpu.memref_slice %arg10[%add3A_138, %dma_start3A_155] : memref<10112x80xf32, #tpu.memory_space<vmem_shared>> -> memref<56x80xf32, #tpu.memory_space<vmem_shared>>
        tpu.enqueue_dma source(%dma_start3A_156 : memref<56x80xf32, #tpu.memory_space<vmem_shared>>) target(%dma_start3A_154 : memref<56x80xf32, #tpu.memory_space<vmem>>) target_semaphore(%run_scoped3A : memref<!tpu.dma_semaphore, #tpu.memory_space<semaphore_mem>>)
        %dma_wait3A_157 = arith.constant 0 : i32
        %dma_wait3A_158 = arith.constant 0 : i32
        %dma_wait3A_159 = tpu.memref_slice %arg6[%dma_wait3A_157, %dma_wait3A_158] : memref<64x80xf32, #tpu.memory_space<vmem>> -> memref<56x80xf32, #tpu.memory_space<vmem>>
        %dma_wait3A_160 = arith.constant 0 : i32
        %dma_wait3A_161 = tpu.memref_slice %arg10[%add3A_138, %dma_wait3A_160] : memref<10112x80xf32, #tpu.memory_space<vmem_shared>> -> memref<56x80xf32, #tpu.memory_space<vmem_shared>>
        %dma_wait3A_162 = arith.constant 0 : i32
        %dma_wait3A_163 = arith.constant 0 : i32
        %dma_wait3A_164 = tpu.memref_slice %arg6[%dma_wait3A_162, %dma_wait3A_163] : memref<64x80xf32, #tpu.memory_space<vmem>> -> memref<56x80xf32, #tpu.memory_space<vmem>>
        %dma_wait3A_165 = arith.constant 0 : i32
        %dma_wait3A_166 = tpu.memref_slice %arg10[%add3A_138, %dma_wait3A_165] : memref<10112x80xf32, #tpu.memory_space<vmem_shared>> -> memref<56x80xf32, #tpu.memory_space<vmem_shared>>
        tpu.wait_dma2 semaphore(%run_scoped3A : memref<!tpu.dma_semaphore, #tpu.memory_space<semaphore_mem>>) src(%dma_wait3A_166 : memref<56x80xf32, #tpu.memory_space<vmem_shared>>) dst(%dma_wait3A_164 : memref<56x80xf32, #tpu.memory_space<vmem>>)
        tpu.yield
      }) : () -> ()
      %scan3A_139 = arith.constant 0 : i32
      %scan3A_140 = arith.constant 0 : i32
      %scan3A_141 = arith.constant 56 : i32
      %scan3A_142 = arith.addi %scan3A_140, %scan3A_141 : i32
      %scan3A_143 = arith.constant 1 : i32
      scf.for %scan3A_147 = %scan3A_140 to %scan3A_142 step %scan3A_143  : i32 {
        %get3A = arith.index_cast %scan3A_147 : i32 to index
        %get3A_148 = arith.constant 64 : index
        %get3A_149 = tpu.vector_load %arg6[%get3A, %get3A_148] {strides = array<i32>} : memref<64x80xf32, #tpu.memory_space<vmem>>, vector<1x16xf32>,
        %get3A_150 = vector.shape_cast %get3A_149 : vector<1x16xf32> to vector<16xf32>
        %slice3A = vector.extract_strided_slice %get3A_150 {offsets = [0], sizes = [1], strides = [1]} : vector<16xf32> to vector<1xf32>
        %squeeze3A = vector.extract %slice3A[0] : f32 from vector<1xf32>
        %broadcast_in_dim3A_151 = vector.broadcast %squeeze3A : f32 to vector<16xf32>
        %max3A = arith.maximumf %broadcast_in_dim3A_151, %broadcast_in_dim3A_40 : vector<16xf32>
        %div3A = arith.divf %broadcast_in_dim3A_40, %max3A : vector<16xf32>
        %get3A_152 = arith.index_cast %scan3A_147 : i32 to index
        %get3A_153 = arith.constant 0 : index
        %get3A_154 = tpu.vector_load %arg6[%get3A_152, %get3A_153] {strides = array<i32>} : memref<64x80xf32, #tpu.memory_space<vmem>>, vector<1x16xf32>,
        %get3A_155 = vector.shape_cast %get3A_154 : vector<1x16xf32> to vector<16xf32>
        %mul3A_156 = arith.mulf %get3A_155, %div3A : vector<16xf32>
        %swap3A = arith.index_cast %scan3A_147 : i32 to index
        %swap3A_157 = arith.constant 0 : index
        %swap3A_158 = tpu.vector_load %arg8[%swap3A, %swap3A_157] {strides = array<i32>} : memref<64x64xf32, #tpu.memory_space<vmem>>, vector<1x16xf32>,
        %swap3A_159 = vector.shape_cast %swap3A_158 : vector<1x16xf32> to vector<16xf32>
        %swap3A_160 = vector.shape_cast %mul3A_156 : vector<16xf32> to vector<1x16xf32>
        tpu.vector_store %arg8[%swap3A, %swap3A_157], %swap3A_160 {strides = array<i32>} : memref<64x64xf32, #tpu.memory_space<vmem>>, vector<1x16xf32>,
        %get3A_161 = arith.index_cast %scan3A_147 : i32 to index
        %get3A_162 = arith.constant 16 : index
        %get3A_163 = tpu.vector_load %arg6[%get3A_161, %get3A_162] {strides = array<i32>} : memref<64x80xf32, #tpu.memory_space<vmem>>, vector<1x16xf32>,
        %get3A_164 = vector.shape_cast %get3A_163 : vector<1x16xf32> to vector<16xf32>
        %mul3A_165 = arith.mulf %get3A_164, %div3A : vector<16xf32>
        %swap3A_166 = arith.index_cast %scan3A_147 : i32 to index
        %swap3A_167 = arith.constant 16 : index
        %swap3A_168 = tpu.vector_load %arg8[%swap3A_166, %swap3A_167] {strides = array<i32>} : memref<64x64xf32, #tpu.memory_space<vmem>>, vector<1x16xf32>,
        %swap3A_169 = vector.shape_cast %swap3A_168 : vector<1x16xf32> to vector<16xf32>
        %swap3A_170 = vector.shape_cast %mul3A_165 : vector<16xf32> to vector<1x16xf32>
        tpu.vector_store %arg8[%swap3A_166, %swap3A_167], %swap3A_170 {strides = array<i32>} : memref<64x64xf32, #tpu.memory_space<vmem>>, vector<1x16xf32>,
        %get3A_171 = arith.index_cast %scan3A_147 : i32 to index
        %get3A_172 = arith.constant 32 : index
        %get3A_173 = tpu.vector_load %arg6[%get3A_171, %get3A_172] {strides = array<i32>} : memref<64x80xf32, #tpu.memory_space<vmem>>, vector<1x16xf32>,
        %get3A_174 = vector.shape_cast %get3A_173 : vector<1x16xf32> to vector<16xf32>
        %mul3A_175 = arith.mulf %get3A_174, %div3A : vector<16xf32>
        %swap3A_176 = arith.index_cast %scan3A_147 : i32 to index
        %swap3A_177 = arith.constant 32 : index
        %swap3A_178 = tpu.vector_load %arg8[%swap3A_176, %swap3A_177] {strides = array<i32>} : memref<64x64xf32, #tpu.memory_space<vmem>>, vector<1x16xf32>,
        %swap3A_179 = vector.shape_cast %swap3A_178 : vector<1x16xf32> to vector<16xf32>
        %swap3A_180 = vector.shape_cast %mul3A_175 : vector<16xf32> to vector<1x16xf32>
        tpu.vector_store %arg8[%swap3A_176, %swap3A_177], %swap3A_180 {strides = array<i32>} : memref<64x64xf32, #tpu.memory_space<vmem>>, vector<1x16xf32>,
        %get3A_181 = arith.index_cast %scan3A_147 : i32 to index
        %get3A_182 = arith.constant 48 : index
        %get3A_183 = tpu.vector_load %arg6[%get3A_181, %get3A_182] {strides = array<i32>} : memref<64x80xf32, #tpu.memory_space<vmem>>, vector<1x16xf32>,
        %get3A_184 = vector.shape_cast %get3A_183 : vector<1x16xf32> to vector<16xf32>
        %mul3A_185 = arith.mulf %get3A_184, %div3A : vector<16xf32>
        %swap3A_186 = arith.index_cast %scan3A_147 : i32 to index
        %swap3A_187 = arith.constant 48 : index
        %swap3A_188 = tpu.vector_load %arg8[%swap3A_186, %swap3A_187] {strides = array<i32>} : memref<64x64xf32, #tpu.memory_space<vmem>>, vector<1x16xf32>,
        %swap3A_189 = vector.shape_cast %swap3A_188 : vector<1x16xf32> to vector<16xf32>
        %swap3A_190 = vector.shape_cast %mul3A_185 : vector<16xf32> to vector<1x16xf32>
        tpu.vector_store %arg8[%swap3A_186, %swap3A_187], %swap3A_190 {strides = array<i32>} : memref<64x64xf32, #tpu.memory_space<vmem>>, vector<1x16xf32>,
      }
      %scan3A_144 = arith.constant 56 : i32
      %mul3A_145 = arith.constant 64 : i32
      %mul3A_146 = arith.muli %arg0, %mul3A_145 : i32
      "tpu.region"() ({
        %run_scoped3A = tpu.sem_alloc : memref<!tpu.dma_semaphore, #tpu.memory_space<semaphore_mem>>
        %dma_start3A_147 = arith.constant 0 : i32
        %dma_start3A_148 = arith.constant 0 : i32
        %dma_start3A_149 = tpu.memref_slice %arg8[%dma_start3A_147, %dma_start3A_148] : memref<64x64xf32, #tpu.memory_space<vmem>> -> memref<56x64xf32, #tpu.memory_space<vmem>>
        %dma_start3A_150 = tpu.memref_slice %arg4[%add3A_138, %mul3A_146] : memref<10000x128xf32, #tpu.memory_space<hbm>> -> memref<56x64xf32, #tpu.memory_space<hbm>>
        %dma_start3A_151 = tpu.memref_slice %arg4[%add3A_138, %mul3A_146] : memref<10000x128xf32, #tpu.memory_space<hbm>> -> memref<56x64xf32, #tpu.memory_space<hbm>>
        %dma_start3A_152 = arith.constant 0 : i32
        %dma_start3A_153 = arith.constant 0 : i32
        %dma_start3A_154 = tpu.memref_slice %arg8[%dma_start3A_152, %dma_start3A_153] : memref<64x64xf32, #tpu.memory_space<vmem>> -> memref<56x64xf32, #tpu.memory_space<vmem>>
        tpu.enqueue_dma source(%dma_start3A_154 : memref<56x64xf32, #tpu.memory_space<vmem>>) target(%dma_start3A_151 : memref<56x64xf32, #tpu.memory_space<hbm>>) target_semaphore(%run_scoped3A : memref<!tpu.dma_semaphore, #tpu.memory_space<semaphore_mem>>)
        %dma_wait3A_155 = arith.constant 0 : i32
        %dma_wait3A_156 = arith.constant 0 : i32
        %dma_wait3A_157 = tpu.memref_slice %arg8[%dma_wait3A_155, %dma_wait3A_156] : memref<64x64xf32, #tpu.memory_space<vmem>> -> memref<56x64xf32, #tpu.memory_space<vmem>>
        %dma_wait3A_158 = tpu.memref_slice %arg4[%add3A_138, %mul3A_146] : memref<10000x128xf32, #tpu.memory_space<hbm>> -> memref<56x64xf32, #tpu.memory_space<hbm>>
        %dma_wait3A_159 = tpu.memref_slice %arg4[%add3A_138, %mul3A_146] : memref<10000x128xf32, #tpu.memory_space<hbm>> -> memref<56x64xf32, #tpu.memory_space<hbm>>
        %dma_wait3A_160 = arith.constant 0 : i32
        %dma_wait3A_161 = arith.constant 0 : i32
        %dma_wait3A_162 = tpu.memref_slice %arg8[%dma_wait3A_160, %dma_wait3A_161] : memref<64x64xf32, #tpu.memory_space<vmem>> -> memref<56x64xf32, #tpu.memory_space<vmem>>
        tpu.wait_dma2 semaphore(%run_scoped3A : memref<!tpu.dma_semaphore, #tpu.memory_space<semaphore_mem>>) src(%dma_wait3A_162 : memref<56x64xf32, #tpu.memory_space<vmem>>) dst(%dma_wait3A_159 : memref<56x64xf32, #tpu.memory_space<hbm>>)
        tpu.yield
      }) : () -> ()
    } else {
    }
    %eq3A = arith.constant 15 : i32
    %eq3A_43 = arith.cmpi eq, %arg1, %eq3A : i32
    %convert_element_type3A_44 = arith.extui %eq3A_43 : i1 to i32
    %cond3A_45 = arith.constant 0 : i32
    %cond3A_46 = arith.cmpi ne, %convert_element_type3A_44, %cond3A_45 : i32
    scf.if %cond3A_46 {
      %add3A_47 = arith.constant 0 : i32
      %add3A_48 = arith.addi %mul3A_0, %add3A_47 : i32
      "tpu.region"() ({
        %run_scoped3A = tpu.sem_alloc : memref<!tpu.dma_semaphore, #tpu.memory_space<semaphore_mem>>
        %dma_start3A_137 = arith.constant 0 : i32
        %dma_start3A_138 = arith.constant 0 : i32
        %dma_start3A_139 = tpu.memref_slice %arg6[%dma_start3A_137, %dma_start3A_138] : memref<64x80xf32, #tpu.memory_space<vmem>> -> memref<64x80xf32, #tpu.memory_space<vmem>>
        %dma_start3A_140 = arith.constant 0 : i32
        %dma_start3A_141 = tpu.memref_slice %arg10[%add3A_48, %dma_start3A_140] : memref<10112x80xf32, #tpu.memory_space<vmem_shared>> -> memref<64x80xf32, #tpu.memory_space<vmem_shared>>
        %dma_start3A_142 = arith.constant 0 : i32
        %dma_start3A_143 = arith.constant 0 : i32
        %dma_start3A_144 = tpu.memref_slice %arg6[%dma_start3A_142, %dma_start3A_143] : memref<64x80xf32, #tpu.memory_space<vmem>> -> memref<64x80xf32, #tpu.memory_space<vmem>>
        %dma_start3A_145 = arith.constant 0 : i32
        %dma_start3A_146 = tpu.memref_slice %arg10[%add3A_48, %dma_start3A_145] : memref<10112x80xf32, #tpu.memory_space<vmem_shared>> -> memref<64x80xf32, #tpu.memory_space<vmem_shared>>
        tpu.enqueue_dma source(%dma_start3A_146 : memref<64x80xf32, #tpu.memory_space<vmem_shared>>) target(%dma_start3A_144 : memref<64x80xf32, #tpu.memory_space<vmem>>) target_semaphore(%run_scoped3A : memref<!tpu.dma_semaphore, #tpu.memory_space<semaphore_mem>>)
        %dma_wait3A_147 = arith.constant 0 : i32
        %dma_wait3A_148 = arith.constant 0 : i32
        %dma_wait3A_149 = tpu.memref_slice %arg6[%dma_wait3A_147, %dma_wait3A_148] : memref<64x80xf32, #tpu.memory_space<vmem>> -> memref<64x80xf32, #tpu.memory_space<vmem>>
        %dma_wait3A_150 = arith.constant 0 : i32
        %dma_wait3A_151 = tpu.memref_slice %arg10[%add3A_48, %dma_wait3A_150] : memref<10112x80xf32, #tpu.memory_space<vmem_shared>> -> memref<64x80xf32, #tpu.memory_space<vmem_shared>>
        %dma_wait3A_152 = arith.constant 0 : i32
        %dma_wait3A_153 = arith.constant 0 : i32
        %dma_wait3A_154 = tpu.memref_slice %arg6[%dma_wait3A_152, %dma_wait3A_153] : memref<64x80xf32, #tpu.memory_space<vmem>> -> memref<64x80xf32, #tpu.memory_space<vmem>>
        %dma_wait3A_155 = arith.constant 0 : i32
        %dma_wait3A_156 = tpu.memref_slice %arg10[%add3A_48, %dma_wait3A_155] : memref<10112x80xf32, #tpu.memory_space<vmem_shared>> -> memref<64x80xf32, #tpu.memory_space<vmem_shared>>
        tpu.wait_dma2 semaphore(%run_scoped3A : memref<!tpu.dma_semaphore, #tpu.memory_space<semaphore_mem>>) src(%dma_wait3A_156 : memref<64x80xf32, #tpu.memory_space<vmem_shared>>) dst(%dma_wait3A_154 : memref<64x80xf32, #tpu.memory_space<vmem>>)
        tpu.yield
      }) : () -> ()
      %scan3A_49 = arith.constant 0 : i32
      %scan3A_50 = arith.constant 0 : i32
      %scan3A_51 = arith.constant 64 : i32
      %scan3A_52 = arith.addi %scan3A_50, %scan3A_51 : i32
      %scan3A_53 = arith.constant 1 : i32
      scf.for %scan3A_137 = %scan3A_50 to %scan3A_52 step %scan3A_53  : i32 {
        %get3A = arith.index_cast %scan3A_137 : i32 to index
        %get3A_138 = arith.constant 64 : index
        %get3A_139 = tpu.vector_load %arg6[%get3A, %get3A_138] {strides = array<i32>} : memref<64x80xf32, #tpu.memory_space<vmem>>, vector<1x16xf32>,
        %get3A_140 = vector.shape_cast %get3A_139 : vector<1x16xf32> to vector<16xf32>
        %slice3A = vector.extract_strided_slice %get3A_140 {offsets = [0], sizes = [1], strides = [1]} : vector<16xf32> to vector<1xf32>
        %squeeze3A = vector.extract %slice3A[0] : f32 from vector<1xf32>
        %broadcast_in_dim3A_141 = vector.broadcast %squeeze3A : f32 to vector<16xf32>
        %max3A = arith.maximumf %broadcast_in_dim3A_141, %broadcast_in_dim3A_40 : vector<16xf32>
        %div3A = arith.divf %broadcast_in_dim3A_40, %max3A : vector<16xf32>
        %get3A_142 = arith.index_cast %scan3A_137 : i32 to index
        %get3A_143 = arith.constant 0 : index
        %get3A_144 = tpu.vector_load %arg6[%get3A_142, %get3A_143] {strides = array<i32>} : memref<64x80xf32, #tpu.memory_space<vmem>>, vector<1x16xf32>,
        %get3A_145 = vector.shape_cast %get3A_144 : vector<1x16xf32> to vector<16xf32>
        %mul3A_146 = arith.mulf %get3A_145, %div3A : vector<16xf32>
        %swap3A = arith.index_cast %scan3A_137 : i32 to index
        %swap3A_147 = arith.constant 0 : index
        %swap3A_148 = tpu.vector_load %arg8[%swap3A, %swap3A_147] {strides = array<i32>} : memref<64x64xf32, #tpu.memory_space<vmem>>, vector<1x16xf32>,
        %swap3A_149 = vector.shape_cast %swap3A_148 : vector<1x16xf32> to vector<16xf32>
        %swap3A_150 = vector.shape_cast %mul3A_146 : vector<16xf32> to vector<1x16xf32>
        tpu.vector_store %arg8[%swap3A, %swap3A_147], %swap3A_150 {strides = array<i32>} : memref<64x64xf32, #tpu.memory_space<vmem>>, vector<1x16xf32>,
        %get3A_151 = arith.index_cast %scan3A_137 : i32 to index
        %get3A_152 = arith.constant 16 : index
        %get3A_153 = tpu.vector_load %arg6[%get3A_151, %get3A_152] {strides = array<i32>} : memref<64x80xf32, #tpu.memory_space<vmem>>, vector<1x16xf32>,
        %get3A_154 = vector.shape_cast %get3A_153 : vector<1x16xf32> to vector<16xf32>
        %mul3A_155 = arith.mulf %get3A_154, %div3A : vector<16xf32>
        %swap3A_156 = arith.index_cast %scan3A_137 : i32 to index
        %swap3A_157 = arith.constant 16 : index
        %swap3A_158 = tpu.vector_load %arg8[%swap3A_156, %swap3A_157] {strides = array<i32>} : memref<64x64xf32, #tpu.memory_space<vmem>>, vector<1x16xf32>,
        %swap3A_159 = vector.shape_cast %swap3A_158 : vector<1x16xf32> to vector<16xf32>
        %swap3A_160 = vector.shape_cast %mul3A_155 : vector<16xf32> to vector<1x16xf32>
        tpu.vector_store %arg8[%swap3A_156, %swap3A_157], %swap3A_160 {strides = array<i32>} : memref<64x64xf32, #tpu.memory_space<vmem>>, vector<1x16xf32>,
        %get3A_161 = arith.index_cast %scan3A_137 : i32 to index
        %get3A_162 = arith.constant 32 : index
        %get3A_163 = tpu.vector_load %arg6[%get3A_161, %get3A_162] {strides = array<i32>} : memref<64x80xf32, #tpu.memory_space<vmem>>, vector<1x16xf32>,
        %get3A_164 = vector.shape_cast %get3A_163 : vector<1x16xf32> to vector<16xf32>
        %mul3A_165 = arith.mulf %get3A_164, %div3A : vector<16xf32>
        %swap3A_166 = arith.index_cast %scan3A_137 : i32 to index
        %swap3A_167 = arith.constant 32 : index
        %swap3A_168 = tpu.vector_load %arg8[%swap3A_166, %swap3A_167] {strides = array<i32>} : memref<64x64xf32, #tpu.memory_space<vmem>>, vector<1x16xf32>,
        %swap3A_169 = vector.shape_cast %swap3A_168 : vector<1x16xf32> to vector<16xf32>
        %swap3A_170 = vector.shape_cast %mul3A_165 : vector<16xf32> to vector<1x16xf32>
        tpu.vector_store %arg8[%swap3A_166, %swap3A_167], %swap3A_170 {strides = array<i32>} : memref<64x64xf32, #tpu.memory_space<vmem>>, vector<1x16xf32>,
        %get3A_171 = arith.index_cast %scan3A_137 : i32 to index
        %get3A_172 = arith.constant 48 : index
        %get3A_173 = tpu.vector_load %arg6[%get3A_171, %get3A_172] {strides = array<i32>} : memref<64x80xf32, #tpu.memory_space<vmem>>, vector<1x16xf32>,
        %get3A_174 = vector.shape_cast %get3A_173 : vector<1x16xf32> to vector<16xf32>
        %mul3A_175 = arith.mulf %get3A_174, %div3A : vector<16xf32>
        %swap3A_176 = arith.index_cast %scan3A_137 : i32 to index
        %swap3A_177 = arith.constant 48 : index
        %swap3A_178 = tpu.vector_load %arg8[%swap3A_176, %swap3A_177] {strides = array<i32>} : memref<64x64xf32, #tpu.memory_space<vmem>>, vector<1x16xf32>,
        %swap3A_179 = vector.shape_cast %swap3A_178 : vector<1x16xf32> to vector<16xf32>
        %swap3A_180 = vector.shape_cast %mul3A_175 : vector<16xf32> to vector<1x16xf32>
        tpu.vector_store %arg8[%swap3A_176, %swap3A_177], %swap3A_180 {strides = array<i32>} : memref<64x64xf32, #tpu.memory_space<vmem>>, vector<1x16xf32>,
      }
      %scan3A_54 = arith.constant 64 : i32
      %mul3A_55 = arith.constant 64 : i32
      %mul3A_56 = arith.muli %arg0, %mul3A_55 : i32
      "tpu.region"() ({
        %run_scoped3A = tpu.sem_alloc : memref<!tpu.dma_semaphore, #tpu.memory_space<semaphore_mem>>
        %dma_start3A_137 = arith.constant 0 : i32
        %dma_start3A_138 = arith.constant 0 : i32
        %dma_start3A_139 = tpu.memref_slice %arg8[%dma_start3A_137, %dma_start3A_138] : memref<64x64xf32, #tpu.memory_space<vmem>> -> memref<64x64xf32, #tpu.memory_space<vmem>>
        %dma_start3A_140 = tpu.memref_slice %arg4[%add3A_48, %mul3A_56] : memref<10000x128xf32, #tpu.memory_space<hbm>> -> memref<64x64xf32, #tpu.memory_space<hbm>>
        %dma_start3A_141 = tpu.memref_slice %arg4[%add3A_48, %mul3A_56] : memref<10000x128xf32, #tpu.memory_space<hbm>> -> memref<64x64xf32, #tpu.memory_space<hbm>>
        %dma_start3A_142 = arith.constant 0 : i32
        %dma_start3A_143 = arith.constant 0 : i32
        %dma_start3A_144 = tpu.memref_slice %arg8[%dma_start3A_142, %dma_start3A_143] : memref<64x64xf32, #tpu.memory_space<vmem>> -> memref<64x64xf32, #tpu.memory_space<vmem>>
        tpu.enqueue_dma source(%dma_start3A_144 : memref<64x64xf32, #tpu.memory_space<vmem>>) target(%dma_start3A_141 : memref<64x64xf32, #tpu.memory_space<hbm>>) target_semaphore(%run_scoped3A : memref<!tpu.dma_semaphore, #tpu.memory_space<semaphore_mem>>)
        %dma_wait3A_145 = arith.constant 0 : i32
        %dma_wait3A_146 = arith.constant 0 : i32
        %dma_wait3A_147 = tpu.memref_slice %arg8[%dma_wait3A_145, %dma_wait3A_146] : memref<64x64xf32, #tpu.memory_space<vmem>> -> memref<64x64xf32, #tpu.memory_space<vmem>>
        %dma_wait3A_148 = tpu.memref_slice %arg4[%add3A_48, %mul3A_56] : memref<10000x128xf32, #tpu.memory_space<hbm>> -> memref<64x64xf32, #tpu.memory_space<hbm>>
        %dma_wait3A_149 = tpu.memref_slice %arg4[%add3A_48, %mul3A_56] : memref<10000x128xf32, #tpu.memory_space<hbm>> -> memref<64x64xf32, #tpu.memory_space<hbm>>
        %dma_wait3A_150 = arith.constant 0 : i32
        %dma_wait3A_151 = arith.constant 0 : i32
        %dma_wait3A_152 = tpu.memref_slice %arg8[%dma_wait3A_150, %dma_wait3A_151] : memref<64x64xf32, #tpu.memory_space<vmem>> -> memref<64x64xf32, #tpu.memory_space<vmem>>
        tpu.wait_dma2 semaphore(%run_scoped3A : memref<!tpu.dma_semaphore, #tpu.memory_space<semaphore_mem>>) src(%dma_wait3A_152 : memref<64x64xf32, #tpu.memory_space<vmem>>) dst(%dma_wait3A_149 : memref<64x64xf32, #tpu.memory_space<hbm>>)
        tpu.yield
      }) : () -> ()
      %add3A_57 = arith.constant 64 : i32
      %add3A_58 = arith.addi %mul3A_0, %add3A_57 : i32
      "tpu.region"() ({
        %run_scoped3A = tpu.sem_alloc : memref<!tpu.dma_semaphore, #tpu.memory_space<semaphore_mem>>
        %dma_start3A_137 = arith.constant 0 : i32
        %dma_start3A_138 = arith.constant 0 : i32
        %dma_start3A_139 = tpu.memref_slice %arg6[%dma_start3A_137, %dma_start3A_138] : memref<64x80xf32, #tpu.memory_space<vmem>> -> memref<64x80xf32, #tpu.memory_space<vmem>>
        %dma_start3A_140 = arith.constant 0 : i32
        %dma_start3A_141 = tpu.memref_slice %arg10[%add3A_58, %dma_start3A_140] : memref<10112x80xf32, #tpu.memory_space<vmem_shared>> -> memref<64x80xf32, #tpu.memory_space<vmem_shared>>
        %dma_start3A_142 = arith.constant 0 : i32
        %dma_start3A_143 = arith.constant 0 : i32
        %dma_start3A_144 = tpu.memref_slice %arg6[%dma_start3A_142, %dma_start3A_143] : memref<64x80xf32, #tpu.memory_space<vmem>> -> memref<64x80xf32, #tpu.memory_space<vmem>>
        %dma_start3A_145 = arith.constant 0 : i32
        %dma_start3A_146 = tpu.memref_slice %arg10[%add3A_58, %dma_start3A_145] : memref<10112x80xf32, #tpu.memory_space<vmem_shared>> -> memref<64x80xf32, #tpu.memory_space<vmem_shared>>
        tpu.enqueue_dma source(%dma_start3A_146 : memref<64x80xf32, #tpu.memory_space<vmem_shared>>) target(%dma_start3A_144 : memref<64x80xf32, #tpu.memory_space<vmem>>) target_semaphore(%run_scoped3A : memref<!tpu.dma_semaphore, #tpu.memory_space<semaphore_mem>>)
        %dma_wait3A_147 = arith.constant 0 : i32
        %dma_wait3A_148 = arith.constant 0 : i32
        %dma_wait3A_149 = tpu.memref_slice %arg6[%dma_wait3A_147, %dma_wait3A_148] : memref<64x80xf32, #tpu.memory_space<vmem>> -> memref<64x80xf32, #tpu.memory_space<vmem>>
        %dma_wait3A_150 = arith.constant 0 : i32
        %dma_wait3A_151 = tpu.memref_slice %arg10[%add3A_58, %dma_wait3A_150] : memref<10112x80xf32, #tpu.memory_space<vmem_shared>> -> memref<64x80xf32, #tpu.memory_space<vmem_shared>>
        %dma_wait3A_152 = arith.constant 0 : i32
        %dma_wait3A_153 = arith.constant 0 : i32
        %dma_wait3A_154 = tpu.memref_slice %arg6[%dma_wait3A_152, %dma_wait3A_153] : memref<64x80xf32, #tpu.memory_space<vmem>> -> memref<64x80xf32, #tpu.memory_space<vmem>>
        %dma_wait3A_155 = arith.constant 0 : i32
        %dma_wait3A_156 = tpu.memref_slice %arg10[%add3A_58, %dma_wait3A_155] : memref<10112x80xf32, #tpu.memory_space<vmem_shared>> -> memref<64x80xf32, #tpu.memory_space<vmem_shared>>
        tpu.wait_dma2 semaphore(%run_scoped3A : memref<!tpu.dma_semaphore, #tpu.memory_space<semaphore_mem>>) src(%dma_wait3A_156 : memref<64x80xf32, #tpu.memory_space<vmem_shared>>) dst(%dma_wait3A_154 : memref<64x80xf32, #tpu.memory_space<vmem>>)
        tpu.yield
      }) : () -> ()
      %scan3A_59 = arith.constant 0 : i32
      %scan3A_60 = arith.constant 0 : i32
      %scan3A_61 = arith.constant 64 : i32
      %scan3A_62 = arith.addi %scan3A_60, %scan3A_61 : i32
      %scan3A_63 = arith.constant 1 : i32
      scf.for %scan3A_137 = %scan3A_60 to %scan3A_62 step %scan3A_63  : i32 {
        %get3A = arith.index_cast %scan3A_137 : i32 to index
        %get3A_138 = arith.constant 64 : index
        %get3A_139 = tpu.vector_load %arg6[%get3A, %get3A_138] {strides = array<i32>} : memref<64x80xf32, #tpu.memory_space<vmem>>, vector<1x16xf32>,
        %get3A_140 = vector.shape_cast %get3A_139 : vector<1x16xf32> to vector<16xf32>
        %slice3A = vector.extract_strided_slice %get3A_140 {offsets = [0], sizes = [1], strides = [1]} : vector<16xf32> to vector<1xf32>
        %squeeze3A = vector.extract %slice3A[0] : f32 from vector<1xf32>
        %broadcast_in_dim3A_141 = vector.broadcast %squeeze3A : f32 to vector<16xf32>
        %max3A = arith.maximumf %broadcast_in_dim3A_141, %broadcast_in_dim3A_40 : vector<16xf32>
        %div3A = arith.divf %broadcast_in_dim3A_40, %max3A : vector<16xf32>
        %get3A_142 = arith.index_cast %scan3A_137 : i32 to index
        %get3A_143 = arith.constant 0 : index
        %get3A_144 = tpu.vector_load %arg6[%get3A_142, %get3A_143] {strides = array<i32>} : memref<64x80xf32, #tpu.memory_space<vmem>>, vector<1x16xf32>,
        %get3A_145 = vector.shape_cast %get3A_144 : vector<1x16xf32> to vector<16xf32>
        %mul3A_146 = arith.mulf %get3A_145, %div3A : vector<16xf32>
        %swap3A = arith.index_cast %scan3A_137 : i32 to index
        %swap3A_147 = arith.constant 0 : index
        %swap3A_148 = tpu.vector_load %arg8[%swap3A, %swap3A_147] {strides = array<i32>} : memref<64x64xf32, #tpu.memory_space<vmem>>, vector<1x16xf32>,
        %swap3A_149 = vector.shape_cast %swap3A_148 : vector<1x16xf32> to vector<16xf32>
        %swap3A_150 = vector.shape_cast %mul3A_146 : vector<16xf32> to vector<1x16xf32>
        tpu.vector_store %arg8[%swap3A, %swap3A_147], %swap3A_150 {strides = array<i32>} : memref<64x64xf32, #tpu.memory_space<vmem>>, vector<1x16xf32>,
        %get3A_151 = arith.index_cast %scan3A_137 : i32 to index
        %get3A_152 = arith.constant 16 : index
        %get3A_153 = tpu.vector_load %arg6[%get3A_151, %get3A_152] {strides = array<i32>} : memref<64x80xf32, #tpu.memory_space<vmem>>, vector<1x16xf32>,
        %get3A_154 = vector.shape_cast %get3A_153 : vector<1x16xf32> to vector<16xf32>
        %mul3A_155 = arith.mulf %get3A_154, %div3A : vector<16xf32>
        %swap3A_156 = arith.index_cast %scan3A_137 : i32 to index
        %swap3A_157 = arith.constant 16 : index
        %swap3A_158 = tpu.vector_load %arg8[%swap3A_156, %swap3A_157] {strides = array<i32>} : memref<64x64xf32, #tpu.memory_space<vmem>>, vector<1x16xf32>,
        %swap3A_159 = vector.shape_cast %swap3A_158 : vector<1x16xf32> to vector<16xf32>
        %swap3A_160 = vector.shape_cast %mul3A_155 : vector<16xf32> to vector<1x16xf32>
        tpu.vector_store %arg8[%swap3A_156, %swap3A_157], %swap3A_160 {strides = array<i32>} : memref<64x64xf32, #tpu.memory_space<vmem>>, vector<1x16xf32>,
        %get3A_161 = arith.index_cast %scan3A_137 : i32 to index
        %get3A_162 = arith.constant 32 : index
        %get3A_163 = tpu.vector_load %arg6[%get3A_161, %get3A_162] {strides = array<i32>} : memref<64x80xf32, #tpu.memory_space<vmem>>, vector<1x16xf32>,
        %get3A_164 = vector.shape_cast %get3A_163 : vector<1x16xf32> to vector<16xf32>
        %mul3A_165 = arith.mulf %get3A_164, %div3A : vector<16xf32>
        %swap3A_166 = arith.index_cast %scan3A_137 : i32 to index
        %swap3A_167 = arith.constant 32 : index
        %swap3A_168 = tpu.vector_load %arg8[%swap3A_166, %swap3A_167] {strides = array<i32>} : memref<64x64xf32, #tpu.memory_space<vmem>>, vector<1x16xf32>,
        %swap3A_169 = vector.shape_cast %swap3A_168 : vector<1x16xf32> to vector<16xf32>
        %swap3A_170 = vector.shape_cast %mul3A_165 : vector<16xf32> to vector<1x16xf32>
        tpu.vector_store %arg8[%swap3A_166, %swap3A_167], %swap3A_170 {strides = array<i32>} : memref<64x64xf32, #tpu.memory_space<vmem>>, vector<1x16xf32>,
        %get3A_171 = arith.index_cast %scan3A_137 : i32 to index
        %get3A_172 = arith.constant 48 : index
        %get3A_173 = tpu.vector_load %arg6[%get3A_171, %get3A_172] {strides = array<i32>} : memref<64x80xf32, #tpu.memory_space<vmem>>, vector<1x16xf32>,
        %get3A_174 = vector.shape_cast %get3A_173 : vector<1x16xf32> to vector<16xf32>
        %mul3A_175 = arith.mulf %get3A_174, %div3A : vector<16xf32>
        %swap3A_176 = arith.index_cast %scan3A_137 : i32 to index
        %swap3A_177 = arith.constant 48 : index
        %swap3A_178 = tpu.vector_load %arg8[%swap3A_176, %swap3A_177] {strides = array<i32>} : memref<64x64xf32, #tpu.memory_space<vmem>>, vector<1x16xf32>,
        %swap3A_179 = vector.shape_cast %swap3A_178 : vector<1x16xf32> to vector<16xf32>
        %swap3A_180 = vector.shape_cast %mul3A_175 : vector<16xf32> to vector<1x16xf32>
        tpu.vector_store %arg8[%swap3A_176, %swap3A_177], %swap3A_180 {strides = array<i32>} : memref<64x64xf32, #tpu.memory_space<vmem>>, vector<1x16xf32>,
      }
      %scan3A_64 = arith.constant 64 : i32
      %mul3A_65 = arith.constant 64 : i32
      %mul3A_66 = arith.muli %arg0, %mul3A_65 : i32
      "tpu.region"() ({
        %run_scoped3A = tpu.sem_alloc : memref<!tpu.dma_semaphore, #tpu.memory_space<semaphore_mem>>
        %dma_start3A_137 = arith.constant 0 : i32
        %dma_start3A_138 = arith.constant 0 : i32
        %dma_start3A_139 = tpu.memref_slice %arg8[%dma_start3A_137, %dma_start3A_138] : memref<64x64xf32, #tpu.memory_space<vmem>> -> memref<64x64xf32, #tpu.memory_space<vmem>>
        %dma_start3A_140 = tpu.memref_slice %arg4[%add3A_58, %mul3A_66] : memref<10000x128xf32, #tpu.memory_space<hbm>> -> memref<64x64xf32, #tpu.memory_space<hbm>>
        %dma_start3A_141 = tpu.memref_slice %arg4[%add3A_58, %mul3A_66] : memref<10000x128xf32, #tpu.memory_space<hbm>> -> memref<64x64xf32, #tpu.memory_space<hbm>>
        %dma_start3A_142 = arith.constant 0 : i32
        %dma_start3A_143 = arith.constant 0 : i32
        %dma_start3A_144 = tpu.memref_slice %arg8[%dma_start3A_142, %dma_start3A_143] : memref<64x64xf32, #tpu.memory_space<vmem>> -> memref<64x64xf32, #tpu.memory_space<vmem>>
        tpu.enqueue_dma source(%dma_start3A_144 : memref<64x64xf32, #tpu.memory_space<vmem>>) target(%dma_start3A_141 : memref<64x64xf32, #tpu.memory_space<hbm>>) target_semaphore(%run_scoped3A : memref<!tpu.dma_semaphore, #tpu.memory_space<semaphore_mem>>)
        %dma_wait3A_145 = arith.constant 0 : i32
        %dma_wait3A_146 = arith.constant 0 : i32
        %dma_wait3A_147 = tpu.memref_slice %arg8[%dma_wait3A_145, %dma_wait3A_146] : memref<64x64xf32, #tpu.memory_space<vmem>> -> memref<64x64xf32, #tpu.memory_space<vmem>>
        %dma_wait3A_148 = tpu.memref_slice %arg4[%add3A_58, %mul3A_66] : memref<10000x128xf32, #tpu.memory_space<hbm>> -> memref<64x64xf32, #tpu.memory_space<hbm>>
        %dma_wait3A_149 = tpu.memref_slice %arg4[%add3A_58, %mul3A_66] : memref<10000x128xf32, #tpu.memory_space<hbm>> -> memref<64x64xf32, #tpu.memory_space<hbm>>
        %dma_wait3A_150 = arith.constant 0 : i32
        %dma_wait3A_151 = arith.constant 0 : i32
        %dma_wait3A_152 = tpu.memref_slice %arg8[%dma_wait3A_150, %dma_wait3A_151] : memref<64x64xf32, #tpu.memory_space<vmem>> -> memref<64x64xf32, #tpu.memory_space<vmem>>
        tpu.wait_dma2 semaphore(%run_scoped3A : memref<!tpu.dma_semaphore, #tpu.memory_space<semaphore_mem>>) src(%dma_wait3A_152 : memref<64x64xf32, #tpu.memory_space<vmem>>) dst(%dma_wait3A_149 : memref<64x64xf32, #tpu.memory_space<hbm>>)
        tpu.yield
      }) : () -> ()
      %add3A_67 = arith.constant 128 : i32
      %add3A_68 = arith.addi %mul3A_0, %add3A_67 : i32
      "tpu.region"() ({
        %run_scoped3A = tpu.sem_alloc : memref<!tpu.dma_semaphore, #tpu.memory_space<semaphore_mem>>
        %dma_start3A_137 = arith.constant 0 : i32
        %dma_start3A_138 = arith.constant 0 : i32
        %dma_start3A_139 = tpu.memref_slice %arg6[%dma_start3A_137, %dma_start3A_138] : memref<64x80xf32, #tpu.memory_space<vmem>> -> memref<64x80xf32, #tpu.memory_space<vmem>>
        %dma_start3A_140 = arith.constant 0 : i32
        %dma_start3A_141 = tpu.memref_slice %arg10[%add3A_68, %dma_start3A_140] : memref<10112x80xf32, #tpu.memory_space<vmem_shared>> -> memref<64x80xf32, #tpu.memory_space<vmem_shared>>
        %dma_start3A_142 = arith.constant 0 : i32
        %dma_start3A_143 = arith.constant 0 : i32
        %dma_start3A_144 = tpu.memref_slice %arg6[%dma_start3A_142, %dma_start3A_143] : memref<64x80xf32, #tpu.memory_space<vmem>> -> memref<64x80xf32, #tpu.memory_space<vmem>>
        %dma_start3A_145 = arith.constant 0 : i32
        %dma_start3A_146 = tpu.memref_slice %arg10[%add3A_68, %dma_start3A_145] : memref<10112x80xf32, #tpu.memory_space<vmem_shared>> -> memref<64x80xf32, #tpu.memory_space<vmem_shared>>
        tpu.enqueue_dma source(%dma_start3A_146 : memref<64x80xf32, #tpu.memory_space<vmem_shared>>) target(%dma_start3A_144 : memref<64x80xf32, #tpu.memory_space<vmem>>) target_semaphore(%run_scoped3A : memref<!tpu.dma_semaphore, #tpu.memory_space<semaphore_mem>>)
        %dma_wait3A_147 = arith.constant 0 : i32
        %dma_wait3A_148 = arith.constant 0 : i32
        %dma_wait3A_149 = tpu.memref_slice %arg6[%dma_wait3A_147, %dma_wait3A_148] : memref<64x80xf32, #tpu.memory_space<vmem>> -> memref<64x80xf32, #tpu.memory_space<vmem>>
        %dma_wait3A_150 = arith.constant 0 : i32
        %dma_wait3A_151 = tpu.memref_slice %arg10[%add3A_68, %dma_wait3A_150] : memref<10112x80xf32, #tpu.memory_space<vmem_shared>> -> memref<64x80xf32, #tpu.memory_space<vmem_shared>>
        %dma_wait3A_152 = arith.constant 0 : i32
        %dma_wait3A_153 = arith.constant 0 : i32
        %dma_wait3A_154 = tpu.memref_slice %arg6[%dma_wait3A_152, %dma_wait3A_153] : memref<64x80xf32, #tpu.memory_space<vmem>> -> memref<64x80xf32, #tpu.memory_space<vmem>>
        %dma_wait3A_155 = arith.constant 0 : i32
        %dma_wait3A_156 = tpu.memref_slice %arg10[%add3A_68, %dma_wait3A_155] : memref<10112x80xf32, #tpu.memory_space<vmem_shared>> -> memref<64x80xf32, #tpu.memory_space<vmem_shared>>
        tpu.wait_dma2 semaphore(%run_scoped3A : memref<!tpu.dma_semaphore, #tpu.memory_space<semaphore_mem>>) src(%dma_wait3A_156 : memref<64x80xf32, #tpu.memory_space<vmem_shared>>) dst(%dma_wait3A_154 : memref<64x80xf32, #tpu.memory_space<vmem>>)
        tpu.yield
      }) : () -> ()
      %scan3A_69 = arith.constant 0 : i32
      %scan3A_70 = arith.constant 0 : i32
      %scan3A_71 = arith.constant 64 : i32
      %scan3A_72 = arith.addi %scan3A_70, %scan3A_71 : i32
      %scan3A_73 = arith.constant 1 : i32
      scf.for %scan3A_137 = %scan3A_70 to %scan3A_72 step %scan3A_73  : i32 {
        %get3A = arith.index_cast %scan3A_137 : i32 to index
        %get3A_138 = arith.constant 64 : index
        %get3A_139 = tpu.vector_load %arg6[%get3A, %get3A_138] {strides = array<i32>} : memref<64x80xf32, #tpu.memory_space<vmem>>, vector<1x16xf32>,
        %get3A_140 = vector.shape_cast %get3A_139 : vector<1x16xf32> to vector<16xf32>
        %slice3A = vector.extract_strided_slice %get3A_140 {offsets = [0], sizes = [1], strides = [1]} : vector<16xf32> to vector<1xf32>
        %squeeze3A = vector.extract %slice3A[0] : f32 from vector<1xf32>
        %broadcast_in_dim3A_141 = vector.broadcast %squeeze3A : f32 to vector<16xf32>
        %max3A = arith.maximumf %broadcast_in_dim3A_141, %broadcast_in_dim3A_40 : vector<16xf32>
        %div3A = arith.divf %broadcast_in_dim3A_40, %max3A : vector<16xf32>
        %get3A_142 = arith.index_cast %scan3A_137 : i32 to index
        %get3A_143 = arith.constant 0 : index
        %get3A_144 = tpu.vector_load %arg6[%get3A_142, %get3A_143] {strides = array<i32>} : memref<64x80xf32, #tpu.memory_space<vmem>>, vector<1x16xf32>,
        %get3A_145 = vector.shape_cast %get3A_144 : vector<1x16xf32> to vector<16xf32>
        %mul3A_146 = arith.mulf %get3A_145, %div3A : vector<16xf32>
        %swap3A = arith.index_cast %scan3A_137 : i32 to index
        %swap3A_147 = arith.constant 0 : index
        %swap3A_148 = tpu.vector_load %arg8[%swap3A, %swap3A_147] {strides = array<i32>} : memref<64x64xf32, #tpu.memory_space<vmem>>, vector<1x16xf32>,
        %swap3A_149 = vector.shape_cast %swap3A_148 : vector<1x16xf32> to vector<16xf32>
        %swap3A_150 = vector.shape_cast %mul3A_146 : vector<16xf32> to vector<1x16xf32>
        tpu.vector_store %arg8[%swap3A, %swap3A_147], %swap3A_150 {strides = array<i32>} : memref<64x64xf32, #tpu.memory_space<vmem>>, vector<1x16xf32>,
        %get3A_151 = arith.index_cast %scan3A_137 : i32 to index
        %get3A_152 = arith.constant 16 : index
        %get3A_153 = tpu.vector_load %arg6[%get3A_151, %get3A_152] {strides = array<i32>} : memref<64x80xf32, #tpu.memory_space<vmem>>, vector<1x16xf32>,
        %get3A_154 = vector.shape_cast %get3A_153 : vector<1x16xf32> to vector<16xf32>
        %mul3A_155 = arith.mulf %get3A_154, %div3A : vector<16xf32>
        %swap3A_156 = arith.index_cast %scan3A_137 : i32 to index
        %swap3A_157 = arith.constant 16 : index
        %swap3A_158 = tpu.vector_load %arg8[%swap3A_156, %swap3A_157] {strides = array<i32>} : memref<64x64xf32, #tpu.memory_space<vmem>>, vector<1x16xf32>,
        %swap3A_159 = vector.shape_cast %swap3A_158 : vector<1x16xf32> to vector<16xf32>
        %swap3A_160 = vector.shape_cast %mul3A_155 : vector<16xf32> to vector<1x16xf32>
        tpu.vector_store %arg8[%swap3A_156, %swap3A_157], %swap3A_160 {strides = array<i32>} : memref<64x64xf32, #tpu.memory_space<vmem>>, vector<1x16xf32>,
        %get3A_161 = arith.index_cast %scan3A_137 : i32 to index
        %get3A_162 = arith.constant 32 : index
        %get3A_163 = tpu.vector_load %arg6[%get3A_161, %get3A_162] {strides = array<i32>} : memref<64x80xf32, #tpu.memory_space<vmem>>, vector<1x16xf32>,
        %get3A_164 = vector.shape_cast %get3A_163 : vector<1x16xf32> to vector<16xf32>
        %mul3A_165 = arith.mulf %get3A_164, %div3A : vector<16xf32>
        %swap3A_166 = arith.index_cast %scan3A_137 : i32 to index
        %swap3A_167 = arith.constant 32 : index
        %swap3A_168 = tpu.vector_load %arg8[%swap3A_166, %swap3A_167] {strides = array<i32>} : memref<64x64xf32, #tpu.memory_space<vmem>>, vector<1x16xf32>,
        %swap3A_169 = vector.shape_cast %swap3A_168 : vector<1x16xf32> to vector<16xf32>
        %swap3A_170 = vector.shape_cast %mul3A_165 : vector<16xf32> to vector<1x16xf32>
        tpu.vector_store %arg8[%swap3A_166, %swap3A_167], %swap3A_170 {strides = array<i32>} : memref<64x64xf32, #tpu.memory_space<vmem>>, vector<1x16xf32>,
        %get3A_171 = arith.index_cast %scan3A_137 : i32 to index
        %get3A_172 = arith.constant 48 : index
        %get3A_173 = tpu.vector_load %arg6[%get3A_171, %get3A_172] {strides = array<i32>} : memref<64x80xf32, #tpu.memory_space<vmem>>, vector<1x16xf32>,
        %get3A_174 = vector.shape_cast %get3A_173 : vector<1x16xf32> to vector<16xf32>
        %mul3A_175 = arith.mulf %get3A_174, %div3A : vector<16xf32>
        %swap3A_176 = arith.index_cast %scan3A_137 : i32 to index
        %swap3A_177 = arith.constant 48 : index
        %swap3A_178 = tpu.vector_load %arg8[%swap3A_176, %swap3A_177] {strides = array<i32>} : memref<64x64xf32, #tpu.memory_space<vmem>>, vector<1x16xf32>,
        %swap3A_179 = vector.shape_cast %swap3A_178 : vector<1x16xf32> to vector<16xf32>
        %swap3A_180 = vector.shape_cast %mul3A_175 : vector<16xf32> to vector<1x16xf32>
        tpu.vector_store %arg8[%swap3A_176, %swap3A_177], %swap3A_180 {strides = array<i32>} : memref<64x64xf32, #tpu.memory_space<vmem>>, vector<1x16xf32>,
      }
      %scan3A_74 = arith.constant 64 : i32
      %mul3A_75 = arith.constant 64 : i32
      %mul3A_76 = arith.muli %arg0, %mul3A_75 : i32
      "tpu.region"() ({
        %run_scoped3A = tpu.sem_alloc : memref<!tpu.dma_semaphore, #tpu.memory_space<semaphore_mem>>
        %dma_start3A_137 = arith.constant 0 : i32
        %dma_start3A_138 = arith.constant 0 : i32
        %dma_start3A_139 = tpu.memref_slice %arg8[%dma_start3A_137, %dma_start3A_138] : memref<64x64xf32, #tpu.memory_space<vmem>> -> memref<64x64xf32, #tpu.memory_space<vmem>>
        %dma_start3A_140 = tpu.memref_slice %arg4[%add3A_68, %mul3A_76] : memref<10000x128xf32, #tpu.memory_space<hbm>> -> memref<64x64xf32, #tpu.memory_space<hbm>>
        %dma_start3A_141 = tpu.memref_slice %arg4[%add3A_68, %mul3A_76] : memref<10000x128xf32, #tpu.memory_space<hbm>> -> memref<64x64xf32, #tpu.memory_space<hbm>>
        %dma_start3A_142 = arith.constant 0 : i32
        %dma_start3A_143 = arith.constant 0 : i32
        %dma_start3A_144 = tpu.memref_slice %arg8[%dma_start3A_142, %dma_start3A_143] : memref<64x64xf32, #tpu.memory_space<vmem>> -> memref<64x64xf32, #tpu.memory_space<vmem>>
        tpu.enqueue_dma source(%dma_start3A_144 : memref<64x64xf32, #tpu.memory_space<vmem>>) target(%dma_start3A_141 : memref<64x64xf32, #tpu.memory_space<hbm>>) target_semaphore(%run_scoped3A : memref<!tpu.dma_semaphore, #tpu.memory_space<semaphore_mem>>)
        %dma_wait3A_145 = arith.constant 0 : i32
        %dma_wait3A_146 = arith.constant 0 : i32
        %dma_wait3A_147 = tpu.memref_slice %arg8[%dma_wait3A_145, %dma_wait3A_146] : memref<64x64xf32, #tpu.memory_space<vmem>> -> memref<64x64xf32, #tpu.memory_space<vmem>>
        %dma_wait3A_148 = tpu.memref_slice %arg4[%add3A_68, %mul3A_76] : memref<10000x128xf32, #tpu.memory_space<hbm>> -> memref<64x64xf32, #tpu.memory_space<hbm>>
        %dma_wait3A_149 = tpu.memref_slice %arg4[%add3A_68, %mul3A_76] : memref<10000x128xf32, #tpu.memory_space<hbm>> -> memref<64x64xf32, #tpu.memory_space<hbm>>
        %dma_wait3A_150 = arith.constant 0 : i32
        %dma_wait3A_151 = arith.constant 0 : i32
        %dma_wait3A_152 = tpu.memref_slice %arg8[%dma_wait3A_150, %dma_wait3A_151] : memref<64x64xf32, #tpu.memory_space<vmem>> -> memref<64x64xf32, #tpu.memory_space<vmem>>
        tpu.wait_dma2 semaphore(%run_scoped3A : memref<!tpu.dma_semaphore, #tpu.memory_space<semaphore_mem>>) src(%dma_wait3A_152 : memref<64x64xf32, #tpu.memory_space<vmem>>) dst(%dma_wait3A_149 : memref<64x64xf32, #tpu.memory_space<hbm>>)
        tpu.yield
      }) : () -> ()
      %add3A_77 = arith.constant 192 : i32
      %add3A_78 = arith.addi %mul3A_0, %add3A_77 : i32
      "tpu.region"() ({
        %run_scoped3A = tpu.sem_alloc : memref<!tpu.dma_semaphore, #tpu.memory_space<semaphore_mem>>
        %dma_start3A_137 = arith.constant 0 : i32
        %dma_start3A_138 = arith.constant 0 : i32
        %dma_start3A_139 = tpu.memref_slice %arg6[%dma_start3A_137, %dma_start3A_138] : memref<64x80xf32, #tpu.memory_space<vmem>> -> memref<64x80xf32, #tpu.memory_space<vmem>>
        %dma_start3A_140 = arith.constant 0 : i32
        %dma_start3A_141 = tpu.memref_slice %arg10[%add3A_78, %dma_start3A_140] : memref<10112x80xf32, #tpu.memory_space<vmem_shared>> -> memref<64x80xf32, #tpu.memory_space<vmem_shared>>
        %dma_start3A_142 = arith.constant 0 : i32
        %dma_start3A_143 = arith.constant 0 : i32
        %dma_start3A_144 = tpu.memref_slice %arg6[%dma_start3A_142, %dma_start3A_143] : memref<64x80xf32, #tpu.memory_space<vmem>> -> memref<64x80xf32, #tpu.memory_space<vmem>>
        %dma_start3A_145 = arith.constant 0 : i32
        %dma_start3A_146 = tpu.memref_slice %arg10[%add3A_78, %dma_start3A_145] : memref<10112x80xf32, #tpu.memory_space<vmem_shared>> -> memref<64x80xf32, #tpu.memory_space<vmem_shared>>
        tpu.enqueue_dma source(%dma_start3A_146 : memref<64x80xf32, #tpu.memory_space<vmem_shared>>) target(%dma_start3A_144 : memref<64x80xf32, #tpu.memory_space<vmem>>) target_semaphore(%run_scoped3A : memref<!tpu.dma_semaphore, #tpu.memory_space<semaphore_mem>>)
        %dma_wait3A_147 = arith.constant 0 : i32
        %dma_wait3A_148 = arith.constant 0 : i32
        %dma_wait3A_149 = tpu.memref_slice %arg6[%dma_wait3A_147, %dma_wait3A_148] : memref<64x80xf32, #tpu.memory_space<vmem>> -> memref<64x80xf32, #tpu.memory_space<vmem>>
        %dma_wait3A_150 = arith.constant 0 : i32
        %dma_wait3A_151 = tpu.memref_slice %arg10[%add3A_78, %dma_wait3A_150] : memref<10112x80xf32, #tpu.memory_space<vmem_shared>> -> memref<64x80xf32, #tpu.memory_space<vmem_shared>>
        %dma_wait3A_152 = arith.constant 0 : i32
        %dma_wait3A_153 = arith.constant 0 : i32
        %dma_wait3A_154 = tpu.memref_slice %arg6[%dma_wait3A_152, %dma_wait3A_153] : memref<64x80xf32, #tpu.memory_space<vmem>> -> memref<64x80xf32, #tpu.memory_space<vmem>>
        %dma_wait3A_155 = arith.constant 0 : i32
        %dma_wait3A_156 = tpu.memref_slice %arg10[%add3A_78, %dma_wait3A_155] : memref<10112x80xf32, #tpu.memory_space<vmem_shared>> -> memref<64x80xf32, #tpu.memory_space<vmem_shared>>
        tpu.wait_dma2 semaphore(%run_scoped3A : memref<!tpu.dma_semaphore, #tpu.memory_space<semaphore_mem>>) src(%dma_wait3A_156 : memref<64x80xf32, #tpu.memory_space<vmem_shared>>) dst(%dma_wait3A_154 : memref<64x80xf32, #tpu.memory_space<vmem>>)
        tpu.yield
      }) : () -> ()
      %scan3A_79 = arith.constant 0 : i32
      %scan3A_80 = arith.constant 0 : i32
      %scan3A_81 = arith.constant 64 : i32
      %scan3A_82 = arith.addi %scan3A_80, %scan3A_81 : i32
      %scan3A_83 = arith.constant 1 : i32
      scf.for %scan3A_137 = %scan3A_80 to %scan3A_82 step %scan3A_83  : i32 {
        %get3A = arith.index_cast %scan3A_137 : i32 to index
        %get3A_138 = arith.constant 64 : index
        %get3A_139 = tpu.vector_load %arg6[%get3A, %get3A_138] {strides = array<i32>} : memref<64x80xf32, #tpu.memory_space<vmem>>, vector<1x16xf32>,
        %get3A_140 = vector.shape_cast %get3A_139 : vector<1x16xf32> to vector<16xf32>
        %slice3A = vector.extract_strided_slice %get3A_140 {offsets = [0], sizes = [1], strides = [1]} : vector<16xf32> to vector<1xf32>
        %squeeze3A = vector.extract %slice3A[0] : f32 from vector<1xf32>
        %broadcast_in_dim3A_141 = vector.broadcast %squeeze3A : f32 to vector<16xf32>
        %max3A = arith.maximumf %broadcast_in_dim3A_141, %broadcast_in_dim3A_40 : vector<16xf32>
        %div3A = arith.divf %broadcast_in_dim3A_40, %max3A : vector<16xf32>
        %get3A_142 = arith.index_cast %scan3A_137 : i32 to index
        %get3A_143 = arith.constant 0 : index
        %get3A_144 = tpu.vector_load %arg6[%get3A_142, %get3A_143] {strides = array<i32>} : memref<64x80xf32, #tpu.memory_space<vmem>>, vector<1x16xf32>,
        %get3A_145 = vector.shape_cast %get3A_144 : vector<1x16xf32> to vector<16xf32>
        %mul3A_146 = arith.mulf %get3A_145, %div3A : vector<16xf32>
        %swap3A = arith.index_cast %scan3A_137 : i32 to index
        %swap3A_147 = arith.constant 0 : index
        %swap3A_148 = tpu.vector_load %arg8[%swap3A, %swap3A_147] {strides = array<i32>} : memref<64x64xf32, #tpu.memory_space<vmem>>, vector<1x16xf32>,
        %swap3A_149 = vector.shape_cast %swap3A_148 : vector<1x16xf32> to vector<16xf32>
        %swap3A_150 = vector.shape_cast %mul3A_146 : vector<16xf32> to vector<1x16xf32>
        tpu.vector_store %arg8[%swap3A, %swap3A_147], %swap3A_150 {strides = array<i32>} : memref<64x64xf32, #tpu.memory_space<vmem>>, vector<1x16xf32>,
        %get3A_151 = arith.index_cast %scan3A_137 : i32 to index
        %get3A_152 = arith.constant 16 : index
        %get3A_153 = tpu.vector_load %arg6[%get3A_151, %get3A_152] {strides = array<i32>} : memref<64x80xf32, #tpu.memory_space<vmem>>, vector<1x16xf32>,
        %get3A_154 = vector.shape_cast %get3A_153 : vector<1x16xf32> to vector<16xf32>
        %mul3A_155 = arith.mulf %get3A_154, %div3A : vector<16xf32>
        %swap3A_156 = arith.index_cast %scan3A_137 : i32 to index
        %swap3A_157 = arith.constant 16 : index
        %swap3A_158 = tpu.vector_load %arg8[%swap3A_156, %swap3A_157] {strides = array<i32>} : memref<64x64xf32, #tpu.memory_space<vmem>>, vector<1x16xf32>,
        %swap3A_159 = vector.shape_cast %swap3A_158 : vector<1x16xf32> to vector<16xf32>
        %swap3A_160 = vector.shape_cast %mul3A_155 : vector<16xf32> to vector<1x16xf32>
        tpu.vector_store %arg8[%swap3A_156, %swap3A_157], %swap3A_160 {strides = array<i32>} : memref<64x64xf32, #tpu.memory_space<vmem>>, vector<1x16xf32>,
        %get3A_161 = arith.index_cast %scan3A_137 : i32 to index
        %get3A_162 = arith.constant 32 : index
        %get3A_163 = tpu.vector_load %arg6[%get3A_161, %get3A_162] {strides = array<i32>} : memref<64x80xf32, #tpu.memory_space<vmem>>, vector<1x16xf32>,
        %get3A_164 = vector.shape_cast %get3A_163 : vector<1x16xf32> to vector<16xf32>
        %mul3A_165 = arith.mulf %get3A_164, %div3A : vector<16xf32>
        %swap3A_166 = arith.index_cast %scan3A_137 : i32 to index
        %swap3A_167 = arith.constant 32 : index
        %swap3A_168 = tpu.vector_load %arg8[%swap3A_166, %swap3A_167] {strides = array<i32>} : memref<64x64xf32, #tpu.memory_space<vmem>>, vector<1x16xf32>,
        %swap3A_169 = vector.shape_cast %swap3A_168 : vector<1x16xf32> to vector<16xf32>
        %swap3A_170 = vector.shape_cast %mul3A_165 : vector<16xf32> to vector<1x16xf32>
        tpu.vector_store %arg8[%swap3A_166, %swap3A_167], %swap3A_170 {strides = array<i32>} : memref<64x64xf32, #tpu.memory_space<vmem>>, vector<1x16xf32>,
        %get3A_171 = arith.index_cast %scan3A_137 : i32 to index
        %get3A_172 = arith.constant 48 : index
        %get3A_173 = tpu.vector_load %arg6[%get3A_171, %get3A_172] {strides = array<i32>} : memref<64x80xf32, #tpu.memory_space<vmem>>, vector<1x16xf32>,
        %get3A_174 = vector.shape_cast %get3A_173 : vector<1x16xf32> to vector<16xf32>
        %mul3A_175 = arith.mulf %get3A_174, %div3A : vector<16xf32>
        %swap3A_176 = arith.index_cast %scan3A_137 : i32 to index
        %swap3A_177 = arith.constant 48 : index
        %swap3A_178 = tpu.vector_load %arg8[%swap3A_176, %swap3A_177] {strides = array<i32>} : memref<64x64xf32, #tpu.memory_space<vmem>>, vector<1x16xf32>,
        %swap3A_179 = vector.shape_cast %swap3A_178 : vector<1x16xf32> to vector<16xf32>
        %swap3A_180 = vector.shape_cast %mul3A_175 : vector<16xf32> to vector<1x16xf32>
        tpu.vector_store %arg8[%swap3A_176, %swap3A_177], %swap3A_180 {strides = array<i32>} : memref<64x64xf32, #tpu.memory_space<vmem>>, vector<1x16xf32>,
      }
      %scan3A_84 = arith.constant 64 : i32
      %mul3A_85 = arith.constant 64 : i32
      %mul3A_86 = arith.muli %arg0, %mul3A_85 : i32
      "tpu.region"() ({
        %run_scoped3A = tpu.sem_alloc : memref<!tpu.dma_semaphore, #tpu.memory_space<semaphore_mem>>
        %dma_start3A_137 = arith.constant 0 : i32
        %dma_start3A_138 = arith.constant 0 : i32
        %dma_start3A_139 = tpu.memref_slice %arg8[%dma_start3A_137, %dma_start3A_138] : memref<64x64xf32, #tpu.memory_space<vmem>> -> memref<64x64xf32, #tpu.memory_space<vmem>>
        %dma_start3A_140 = tpu.memref_slice %arg4[%add3A_78, %mul3A_86] : memref<10000x128xf32, #tpu.memory_space<hbm>> -> memref<64x64xf32, #tpu.memory_space<hbm>>
        %dma_start3A_141 = tpu.memref_slice %arg4[%add3A_78, %mul3A_86] : memref<10000x128xf32, #tpu.memory_space<hbm>> -> memref<64x64xf32, #tpu.memory_space<hbm>>
        %dma_start3A_142 = arith.constant 0 : i32
        %dma_start3A_143 = arith.constant 0 : i32
        %dma_start3A_144 = tpu.memref_slice %arg8[%dma_start3A_142, %dma_start3A_143] : memref<64x64xf32, #tpu.memory_space<vmem>> -> memref<64x64xf32, #tpu.memory_space<vmem>>
        tpu.enqueue_dma source(%dma_start3A_144 : memref<64x64xf32, #tpu.memory_space<vmem>>) target(%dma_start3A_141 : memref<64x64xf32, #tpu.memory_space<hbm>>) target_semaphore(%run_scoped3A : memref<!tpu.dma_semaphore, #tpu.memory_space<semaphore_mem>>)
        %dma_wait3A_145 = arith.constant 0 : i32
        %dma_wait3A_146 = arith.constant 0 : i32
        %dma_wait3A_147 = tpu.memref_slice %arg8[%dma_wait3A_145, %dma_wait3A_146] : memref<64x64xf32, #tpu.memory_space<vmem>> -> memref<64x64xf32, #tpu.memory_space<vmem>>
        %dma_wait3A_148 = tpu.memref_slice %arg4[%add3A_78, %mul3A_86] : memref<10000x128xf32, #tpu.memory_space<hbm>> -> memref<64x64xf32, #tpu.memory_space<hbm>>
        %dma_wait3A_149 = tpu.memref_slice %arg4[%add3A_78, %mul3A_86] : memref<10000x128xf32, #tpu.memory_space<hbm>> -> memref<64x64xf32, #tpu.memory_space<hbm>>
        %dma_wait3A_150 = arith.constant 0 : i32
        %dma_wait3A_151 = arith.constant 0 : i32
        %dma_wait3A_152 = tpu.memref_slice %arg8[%dma_wait3A_150, %dma_wait3A_151] : memref<64x64xf32, #tpu.memory_space<vmem>> -> memref<64x64xf32, #tpu.memory_space<vmem>>
        tpu.wait_dma2 semaphore(%run_scoped3A : memref<!tpu.dma_semaphore, #tpu.memory_space<semaphore_mem>>) src(%dma_wait3A_152 : memref<64x64xf32, #tpu.memory_space<vmem>>) dst(%dma_wait3A_149 : memref<64x64xf32, #tpu.memory_space<hbm>>)
        tpu.yield
      }) : () -> ()
      %add3A_87 = arith.constant 256 : i32
      %add3A_88 = arith.addi %mul3A_0, %add3A_87 : i32
      "tpu.region"() ({
        %run_scoped3A = tpu.sem_alloc : memref<!tpu.dma_semaphore, #tpu.memory_space<semaphore_mem>>
        %dma_start3A_137 = arith.constant 0 : i32
        %dma_start3A_138 = arith.constant 0 : i32
        %dma_start3A_139 = tpu.memref_slice %arg6[%dma_start3A_137, %dma_start3A_138] : memref<64x80xf32, #tpu.memory_space<vmem>> -> memref<64x80xf32, #tpu.memory_space<vmem>>
        %dma_start3A_140 = arith.constant 0 : i32
        %dma_start3A_141 = tpu.memref_slice %arg10[%add3A_88, %dma_start3A_140] : memref<10112x80xf32, #tpu.memory_space<vmem_shared>> -> memref<64x80xf32, #tpu.memory_space<vmem_shared>>
        %dma_start3A_142 = arith.constant 0 : i32
        %dma_start3A_143 = arith.constant 0 : i32
        %dma_start3A_144 = tpu.memref_slice %arg6[%dma_start3A_142, %dma_start3A_143] : memref<64x80xf32, #tpu.memory_space<vmem>> -> memref<64x80xf32, #tpu.memory_space<vmem>>
        %dma_start3A_145 = arith.constant 0 : i32
        %dma_start3A_146 = tpu.memref_slice %arg10[%add3A_88, %dma_start3A_145] : memref<10112x80xf32, #tpu.memory_space<vmem_shared>> -> memref<64x80xf32, #tpu.memory_space<vmem_shared>>
        tpu.enqueue_dma source(%dma_start3A_146 : memref<64x80xf32, #tpu.memory_space<vmem_shared>>) target(%dma_start3A_144 : memref<64x80xf32, #tpu.memory_space<vmem>>) target_semaphore(%run_scoped3A : memref<!tpu.dma_semaphore, #tpu.memory_space<semaphore_mem>>)
        %dma_wait3A_147 = arith.constant 0 : i32
        %dma_wait3A_148 = arith.constant 0 : i32
        %dma_wait3A_149 = tpu.memref_slice %arg6[%dma_wait3A_147, %dma_wait3A_148] : memref<64x80xf32, #tpu.memory_space<vmem>> -> memref<64x80xf32, #tpu.memory_space<vmem>>
        %dma_wait3A_150 = arith.constant 0 : i32
        %dma_wait3A_151 = tpu.memref_slice %arg10[%add3A_88, %dma_wait3A_150] : memref<10112x80xf32, #tpu.memory_space<vmem_shared>> -> memref<64x80xf32, #tpu.memory_space<vmem_shared>>
        %dma_wait3A_152 = arith.constant 0 : i32
        %dma_wait3A_153 = arith.constant 0 : i32
        %dma_wait3A_154 = tpu.memref_slice %arg6[%dma_wait3A_152, %dma_wait3A_153] : memref<64x80xf32, #tpu.memory_space<vmem>> -> memref<64x80xf32, #tpu.memory_space<vmem>>
        %dma_wait3A_155 = arith.constant 0 : i32
        %dma_wait3A_156 = tpu.memref_slice %arg10[%add3A_88, %dma_wait3A_155] : memref<10112x80xf32, #tpu.memory_space<vmem_shared>> -> memref<64x80xf32, #tpu.memory_space<vmem_shared>>
        tpu.wait_dma2 semaphore(%run_scoped3A : memref<!tpu.dma_semaphore, #tpu.memory_space<semaphore_mem>>) src(%dma_wait3A_156 : memref<64x80xf32, #tpu.memory_space<vmem_shared>>) dst(%dma_wait3A_154 : memref<64x80xf32, #tpu.memory_space<vmem>>)
        tpu.yield
      }) : () -> ()
      %scan3A_89 = arith.constant 0 : i32
      %scan3A_90 = arith.constant 0 : i32
      %scan3A_91 = arith.constant 64 : i32
      %scan3A_92 = arith.addi %scan3A_90, %scan3A_91 : i32
      %scan3A_93 = arith.constant 1 : i32
      scf.for %scan3A_137 = %scan3A_90 to %scan3A_92 step %scan3A_93  : i32 {
        %get3A = arith.index_cast %scan3A_137 : i32 to index
        %get3A_138 = arith.constant 64 : index
        %get3A_139 = tpu.vector_load %arg6[%get3A, %get3A_138] {strides = array<i32>} : memref<64x80xf32, #tpu.memory_space<vmem>>, vector<1x16xf32>,
        %get3A_140 = vector.shape_cast %get3A_139 : vector<1x16xf32> to vector<16xf32>
        %slice3A = vector.extract_strided_slice %get3A_140 {offsets = [0], sizes = [1], strides = [1]} : vector<16xf32> to vector<1xf32>
        %squeeze3A = vector.extract %slice3A[0] : f32 from vector<1xf32>
        %broadcast_in_dim3A_141 = vector.broadcast %squeeze3A : f32 to vector<16xf32>
        %max3A = arith.maximumf %broadcast_in_dim3A_141, %broadcast_in_dim3A_40 : vector<16xf32>
        %div3A = arith.divf %broadcast_in_dim3A_40, %max3A : vector<16xf32>
        %get3A_142 = arith.index_cast %scan3A_137 : i32 to index
        %get3A_143 = arith.constant 0 : index
        %get3A_144 = tpu.vector_load %arg6[%get3A_142, %get3A_143] {strides = array<i32>} : memref<64x80xf32, #tpu.memory_space<vmem>>, vector<1x16xf32>,
        %get3A_145 = vector.shape_cast %get3A_144 : vector<1x16xf32> to vector<16xf32>
        %mul3A_146 = arith.mulf %get3A_145, %div3A : vector<16xf32>
        %swap3A = arith.index_cast %scan3A_137 : i32 to index
        %swap3A_147 = arith.constant 0 : index
        %swap3A_148 = tpu.vector_load %arg8[%swap3A, %swap3A_147] {strides = array<i32>} : memref<64x64xf32, #tpu.memory_space<vmem>>, vector<1x16xf32>,
        %swap3A_149 = vector.shape_cast %swap3A_148 : vector<1x16xf32> to vector<16xf32>
        %swap3A_150 = vector.shape_cast %mul3A_146 : vector<16xf32> to vector<1x16xf32>
        tpu.vector_store %arg8[%swap3A, %swap3A_147], %swap3A_150 {strides = array<i32>} : memref<64x64xf32, #tpu.memory_space<vmem>>, vector<1x16xf32>,
        %get3A_151 = arith.index_cast %scan3A_137 : i32 to index
        %get3A_152 = arith.constant 16 : index
        %get3A_153 = tpu.vector_load %arg6[%get3A_151, %get3A_152] {strides = array<i32>} : memref<64x80xf32, #tpu.memory_space<vmem>>, vector<1x16xf32>,
        %get3A_154 = vector.shape_cast %get3A_153 : vector<1x16xf32> to vector<16xf32>
        %mul3A_155 = arith.mulf %get3A_154, %div3A : vector<16xf32>
        %swap3A_156 = arith.index_cast %scan3A_137 : i32 to index
        %swap3A_157 = arith.constant 16 : index
        %swap3A_158 = tpu.vector_load %arg8[%swap3A_156, %swap3A_157] {strides = array<i32>} : memref<64x64xf32, #tpu.memory_space<vmem>>, vector<1x16xf32>,
        %swap3A_159 = vector.shape_cast %swap3A_158 : vector<1x16xf32> to vector<16xf32>
        %swap3A_160 = vector.shape_cast %mul3A_155 : vector<16xf32> to vector<1x16xf32>
        tpu.vector_store %arg8[%swap3A_156, %swap3A_157], %swap3A_160 {strides = array<i32>} : memref<64x64xf32, #tpu.memory_space<vmem>>, vector<1x16xf32>,
        %get3A_161 = arith.index_cast %scan3A_137 : i32 to index
        %get3A_162 = arith.constant 32 : index
        %get3A_163 = tpu.vector_load %arg6[%get3A_161, %get3A_162] {strides = array<i32>} : memref<64x80xf32, #tpu.memory_space<vmem>>, vector<1x16xf32>,
        %get3A_164 = vector.shape_cast %get3A_163 : vector<1x16xf32> to vector<16xf32>
        %mul3A_165 = arith.mulf %get3A_164, %div3A : vector<16xf32>
        %swap3A_166 = arith.index_cast %scan3A_137 : i32 to index
        %swap3A_167 = arith.constant 32 : index
        %swap3A_168 = tpu.vector_load %arg8[%swap3A_166, %swap3A_167] {strides = array<i32>} : memref<64x64xf32, #tpu.memory_space<vmem>>, vector<1x16xf32>,
        %swap3A_169 = vector.shape_cast %swap3A_168 : vector<1x16xf32> to vector<16xf32>
        %swap3A_170 = vector.shape_cast %mul3A_165 : vector<16xf32> to vector<1x16xf32>
        tpu.vector_store %arg8[%swap3A_166, %swap3A_167], %swap3A_170 {strides = array<i32>} : memref<64x64xf32, #tpu.memory_space<vmem>>, vector<1x16xf32>,
        %get3A_171 = arith.index_cast %scan3A_137 : i32 to index
        %get3A_172 = arith.constant 48 : index
        %get3A_173 = tpu.vector_load %arg6[%get3A_171, %get3A_172] {strides = array<i32>} : memref<64x80xf32, #tpu.memory_space<vmem>>, vector<1x16xf32>,
        %get3A_174 = vector.shape_cast %get3A_173 : vector<1x16xf32> to vector<16xf32>
        %mul3A_175 = arith.mulf %get3A_174, %div3A : vector<16xf32>
        %swap3A_176 = arith.index_cast %scan3A_137 : i32 to index
        %swap3A_177 = arith.constant 48 : index
        %swap3A_178 = tpu.vector_load %arg8[%swap3A_176, %swap3A_177] {strides = array<i32>} : memref<64x64xf32, #tpu.memory_space<vmem>>, vector<1x16xf32>,
        %swap3A_179 = vector.shape_cast %swap3A_178 : vector<1x16xf32> to vector<16xf32>
        %swap3A_180 = vector.shape_cast %mul3A_175 : vector<16xf32> to vector<1x16xf32>
        tpu.vector_store %arg8[%swap3A_176, %swap3A_177], %swap3A_180 {strides = array<i32>} : memref<64x64xf32, #tpu.memory_space<vmem>>, vector<1x16xf32>,
      }
      %scan3A_94 = arith.constant 64 : i32
      %mul3A_95 = arith.constant 64 : i32
      %mul3A_96 = arith.muli %arg0, %mul3A_95 : i32
      "tpu.region"() ({
        %run_scoped3A = tpu.sem_alloc : memref<!tpu.dma_semaphore, #tpu.memory_space<semaphore_mem>>
        %dma_start3A_137 = arith.constant 0 : i32
        %dma_start3A_138 = arith.constant 0 : i32
        %dma_start3A_139 = tpu.memref_slice %arg8[%dma_start3A_137, %dma_start3A_138] : memref<64x64xf32, #tpu.memory_space<vmem>> -> memref<64x64xf32, #tpu.memory_space<vmem>>
        %dma_start3A_140 = tpu.memref_slice %arg4[%add3A_88, %mul3A_96] : memref<10000x128xf32, #tpu.memory_space<hbm>> -> memref<64x64xf32, #tpu.memory_space<hbm>>
        %dma_start3A_141 = tpu.memref_slice %arg4[%add3A_88, %mul3A_96] : memref<10000x128xf32, #tpu.memory_space<hbm>> -> memref<64x64xf32, #tpu.memory_space<hbm>>
        %dma_start3A_142 = arith.constant 0 : i32
        %dma_start3A_143 = arith.constant 0 : i32
        %dma_start3A_144 = tpu.memref_slice %arg8[%dma_start3A_142, %dma_start3A_143] : memref<64x64xf32, #tpu.memory_space<vmem>> -> memref<64x64xf32, #tpu.memory_space<vmem>>
        tpu.enqueue_dma source(%dma_start3A_144 : memref<64x64xf32, #tpu.memory_space<vmem>>) target(%dma_start3A_141 : memref<64x64xf32, #tpu.memory_space<hbm>>) target_semaphore(%run_scoped3A : memref<!tpu.dma_semaphore, #tpu.memory_space<semaphore_mem>>)
        %dma_wait3A_145 = arith.constant 0 : i32
        %dma_wait3A_146 = arith.constant 0 : i32
        %dma_wait3A_147 = tpu.memref_slice %arg8[%dma_wait3A_145, %dma_wait3A_146] : memref<64x64xf32, #tpu.memory_space<vmem>> -> memref<64x64xf32, #tpu.memory_space<vmem>>
        %dma_wait3A_148 = tpu.memref_slice %arg4[%add3A_88, %mul3A_96] : memref<10000x128xf32, #tpu.memory_space<hbm>> -> memref<64x64xf32, #tpu.memory_space<hbm>>
        %dma_wait3A_149 = tpu.memref_slice %arg4[%add3A_88, %mul3A_96] : memref<10000x128xf32, #tpu.memory_space<hbm>> -> memref<64x64xf32, #tpu.memory_space<hbm>>
        %dma_wait3A_150 = arith.constant 0 : i32
        %dma_wait3A_151 = arith.constant 0 : i32
        %dma_wait3A_152 = tpu.memref_slice %arg8[%dma_wait3A_150, %dma_wait3A_151] : memref<64x64xf32, #tpu.memory_space<vmem>> -> memref<64x64xf32, #tpu.memory_space<vmem>>
        tpu.wait_dma2 semaphore(%run_scoped3A : memref<!tpu.dma_semaphore, #tpu.memory_space<semaphore_mem>>) src(%dma_wait3A_152 : memref<64x64xf32, #tpu.memory_space<vmem>>) dst(%dma_wait3A_149 : memref<64x64xf32, #tpu.memory_space<hbm>>)
        tpu.yield
      }) : () -> ()
      %add3A_97 = arith.constant 320 : i32
      %add3A_98 = arith.addi %mul3A_0, %add3A_97 : i32
      "tpu.region"() ({
        %run_scoped3A = tpu.sem_alloc : memref<!tpu.dma_semaphore, #tpu.memory_space<semaphore_mem>>
        %dma_start3A_137 = arith.constant 0 : i32
        %dma_start3A_138 = arith.constant 0 : i32
        %dma_start3A_139 = tpu.memref_slice %arg6[%dma_start3A_137, %dma_start3A_138] : memref<64x80xf32, #tpu.memory_space<vmem>> -> memref<64x80xf32, #tpu.memory_space<vmem>>
        %dma_start3A_140 = arith.constant 0 : i32
        %dma_start3A_141 = tpu.memref_slice %arg10[%add3A_98, %dma_start3A_140] : memref<10112x80xf32, #tpu.memory_space<vmem_shared>> -> memref<64x80xf32, #tpu.memory_space<vmem_shared>>
        %dma_start3A_142 = arith.constant 0 : i32
        %dma_start3A_143 = arith.constant 0 : i32
        %dma_start3A_144 = tpu.memref_slice %arg6[%dma_start3A_142, %dma_start3A_143] : memref<64x80xf32, #tpu.memory_space<vmem>> -> memref<64x80xf32, #tpu.memory_space<vmem>>
        %dma_start3A_145 = arith.constant 0 : i32
        %dma_start3A_146 = tpu.memref_slice %arg10[%add3A_98, %dma_start3A_145] : memref<10112x80xf32, #tpu.memory_space<vmem_shared>> -> memref<64x80xf32, #tpu.memory_space<vmem_shared>>
        tpu.enqueue_dma source(%dma_start3A_146 : memref<64x80xf32, #tpu.memory_space<vmem_shared>>) target(%dma_start3A_144 : memref<64x80xf32, #tpu.memory_space<vmem>>) target_semaphore(%run_scoped3A : memref<!tpu.dma_semaphore, #tpu.memory_space<semaphore_mem>>)
        %dma_wait3A_147 = arith.constant 0 : i32
        %dma_wait3A_148 = arith.constant 0 : i32
        %dma_wait3A_149 = tpu.memref_slice %arg6[%dma_wait3A_147, %dma_wait3A_148] : memref<64x80xf32, #tpu.memory_space<vmem>> -> memref<64x80xf32, #tpu.memory_space<vmem>>
        %dma_wait3A_150 = arith.constant 0 : i32
        %dma_wait3A_151 = tpu.memref_slice %arg10[%add3A_98, %dma_wait3A_150] : memref<10112x80xf32, #tpu.memory_space<vmem_shared>> -> memref<64x80xf32, #tpu.memory_space<vmem_shared>>
        %dma_wait3A_152 = arith.constant 0 : i32
        %dma_wait3A_153 = arith.constant 0 : i32
        %dma_wait3A_154 = tpu.memref_slice %arg6[%dma_wait3A_152, %dma_wait3A_153] : memref<64x80xf32, #tpu.memory_space<vmem>> -> memref<64x80xf32, #tpu.memory_space<vmem>>
        %dma_wait3A_155 = arith.constant 0 : i32
        %dma_wait3A_156 = tpu.memref_slice %arg10[%add3A_98, %dma_wait3A_155] : memref<10112x80xf32, #tpu.memory_space<vmem_shared>> -> memref<64x80xf32, #tpu.memory_space<vmem_shared>>
        tpu.wait_dma2 semaphore(%run_scoped3A : memref<!tpu.dma_semaphore, #tpu.memory_space<semaphore_mem>>) src(%dma_wait3A_156 : memref<64x80xf32, #tpu.memory_space<vmem_shared>>) dst(%dma_wait3A_154 : memref<64x80xf32, #tpu.memory_space<vmem>>)
        tpu.yield
      }) : () -> ()
      %scan3A_99 = arith.constant 0 : i32
      %scan3A_100 = arith.constant 0 : i32
      %scan3A_101 = arith.constant 64 : i32
      %scan3A_102 = arith.addi %scan3A_100, %scan3A_101 : i32
      %scan3A_103 = arith.constant 1 : i32
      scf.for %scan3A_137 = %scan3A_100 to %scan3A_102 step %scan3A_103  : i32 {
        %get3A = arith.index_cast %scan3A_137 : i32 to index
        %get3A_138 = arith.constant 64 : index
        %get3A_139 = tpu.vector_load %arg6[%get3A, %get3A_138] {strides = array<i32>} : memref<64x80xf32, #tpu.memory_space<vmem>>, vector<1x16xf32>,
        %get3A_140 = vector.shape_cast %get3A_139 : vector<1x16xf32> to vector<16xf32>
        %slice3A = vector.extract_strided_slice %get3A_140 {offsets = [0], sizes = [1], strides = [1]} : vector<16xf32> to vector<1xf32>
        %squeeze3A = vector.extract %slice3A[0] : f32 from vector<1xf32>
        %broadcast_in_dim3A_141 = vector.broadcast %squeeze3A : f32 to vector<16xf32>
        %max3A = arith.maximumf %broadcast_in_dim3A_141, %broadcast_in_dim3A_40 : vector<16xf32>
        %div3A = arith.divf %broadcast_in_dim3A_40, %max3A : vector<16xf32>
        %get3A_142 = arith.index_cast %scan3A_137 : i32 to index
        %get3A_143 = arith.constant 0 : index
        %get3A_144 = tpu.vector_load %arg6[%get3A_142, %get3A_143] {strides = array<i32>} : memref<64x80xf32, #tpu.memory_space<vmem>>, vector<1x16xf32>,
        %get3A_145 = vector.shape_cast %get3A_144 : vector<1x16xf32> to vector<16xf32>
        %mul3A_146 = arith.mulf %get3A_145, %div3A : vector<16xf32>
        %swap3A = arith.index_cast %scan3A_137 : i32 to index
        %swap3A_147 = arith.constant 0 : index
        %swap3A_148 = tpu.vector_load %arg8[%swap3A, %swap3A_147] {strides = array<i32>} : memref<64x64xf32, #tpu.memory_space<vmem>>, vector<1x16xf32>,
        %swap3A_149 = vector.shape_cast %swap3A_148 : vector<1x16xf32> to vector<16xf32>
        %swap3A_150 = vector.shape_cast %mul3A_146 : vector<16xf32> to vector<1x16xf32>
        tpu.vector_store %arg8[%swap3A, %swap3A_147], %swap3A_150 {strides = array<i32>} : memref<64x64xf32, #tpu.memory_space<vmem>>, vector<1x16xf32>,
        %get3A_151 = arith.index_cast %scan3A_137 : i32 to index
        %get3A_152 = arith.constant 16 : index
        %get3A_153 = tpu.vector_load %arg6[%get3A_151, %get3A_152] {strides = array<i32>} : memref<64x80xf32, #tpu.memory_space<vmem>>, vector<1x16xf32>,
        %get3A_154 = vector.shape_cast %get3A_153 : vector<1x16xf32> to vector<16xf32>
        %mul3A_155 = arith.mulf %get3A_154, %div3A : vector<16xf32>
        %swap3A_156 = arith.index_cast %scan3A_137 : i32 to index
        %swap3A_157 = arith.constant 16 : index
        %swap3A_158 = tpu.vector_load %arg8[%swap3A_156, %swap3A_157] {strides = array<i32>} : memref<64x64xf32, #tpu.memory_space<vmem>>, vector<1x16xf32>,
        %swap3A_159 = vector.shape_cast %swap3A_158 : vector<1x16xf32> to vector<16xf32>
        %swap3A_160 = vector.shape_cast %mul3A_155 : vector<16xf32> to vector<1x16xf32>
        tpu.vector_store %arg8[%swap3A_156, %swap3A_157], %swap3A_160 {strides = array<i32>} : memref<64x64xf32, #tpu.memory_space<vmem>>, vector<1x16xf32>,
        %get3A_161 = arith.index_cast %scan3A_137 : i32 to index
        %get3A_162 = arith.constant 32 : index
        %get3A_163 = tpu.vector_load %arg6[%get3A_161, %get3A_162] {strides = array<i32>} : memref<64x80xf32, #tpu.memory_space<vmem>>, vector<1x16xf32>,
        %get3A_164 = vector.shape_cast %get3A_163 : vector<1x16xf32> to vector<16xf32>
        %mul3A_165 = arith.mulf %get3A_164, %div3A : vector<16xf32>
        %swap3A_166 = arith.index_cast %scan3A_137 : i32 to index
        %swap3A_167 = arith.constant 32 : index
        %swap3A_168 = tpu.vector_load %arg8[%swap3A_166, %swap3A_167] {strides = array<i32>} : memref<64x64xf32, #tpu.memory_space<vmem>>, vector<1x16xf32>,
        %swap3A_169 = vector.shape_cast %swap3A_168 : vector<1x16xf32> to vector<16xf32>
        %swap3A_170 = vector.shape_cast %mul3A_165 : vector<16xf32> to vector<1x16xf32>
        tpu.vector_store %arg8[%swap3A_166, %swap3A_167], %swap3A_170 {strides = array<i32>} : memref<64x64xf32, #tpu.memory_space<vmem>>, vector<1x16xf32>,
        %get3A_171 = arith.index_cast %scan3A_137 : i32 to index
        %get3A_172 = arith.constant 48 : index
        %get3A_173 = tpu.vector_load %arg6[%get3A_171, %get3A_172] {strides = array<i32>} : memref<64x80xf32, #tpu.memory_space<vmem>>, vector<1x16xf32>,
        %get3A_174 = vector.shape_cast %get3A_173 : vector<1x16xf32> to vector<16xf32>
        %mul3A_175 = arith.mulf %get3A_174, %div3A : vector<16xf32>
        %swap3A_176 = arith.index_cast %scan3A_137 : i32 to index
        %swap3A_177 = arith.constant 48 : index
        %swap3A_178 = tpu.vector_load %arg8[%swap3A_176, %swap3A_177] {strides = array<i32>} : memref<64x64xf32, #tpu.memory_space<vmem>>, vector<1x16xf32>,
        %swap3A_179 = vector.shape_cast %swap3A_178 : vector<1x16xf32> to vector<16xf32>
        %swap3A_180 = vector.shape_cast %mul3A_175 : vector<16xf32> to vector<1x16xf32>
        tpu.vector_store %arg8[%swap3A_176, %swap3A_177], %swap3A_180 {strides = array<i32>} : memref<64x64xf32, #tpu.memory_space<vmem>>, vector<1x16xf32>,
      }
      %scan3A_104 = arith.constant 64 : i32
      %mul3A_105 = arith.constant 64 : i32
      %mul3A_106 = arith.muli %arg0, %mul3A_105 : i32
      "tpu.region"() ({
        %run_scoped3A = tpu.sem_alloc : memref<!tpu.dma_semaphore, #tpu.memory_space<semaphore_mem>>
        %dma_start3A_137 = arith.constant 0 : i32
        %dma_start3A_138 = arith.constant 0 : i32
        %dma_start3A_139 = tpu.memref_slice %arg8[%dma_start3A_137, %dma_start3A_138] : memref<64x64xf32, #tpu.memory_space<vmem>> -> memref<64x64xf32, #tpu.memory_space<vmem>>
        %dma_start3A_140 = tpu.memref_slice %arg4[%add3A_98, %mul3A_106] : memref<10000x128xf32, #tpu.memory_space<hbm>> -> memref<64x64xf32, #tpu.memory_space<hbm>>
        %dma_start3A_141 = tpu.memref_slice %arg4[%add3A_98, %mul3A_106] : memref<10000x128xf32, #tpu.memory_space<hbm>> -> memref<64x64xf32, #tpu.memory_space<hbm>>
        %dma_start3A_142 = arith.constant 0 : i32
        %dma_start3A_143 = arith.constant 0 : i32
        %dma_start3A_144 = tpu.memref_slice %arg8[%dma_start3A_142, %dma_start3A_143] : memref<64x64xf32, #tpu.memory_space<vmem>> -> memref<64x64xf32, #tpu.memory_space<vmem>>
        tpu.enqueue_dma source(%dma_start3A_144 : memref<64x64xf32, #tpu.memory_space<vmem>>) target(%dma_start3A_141 : memref<64x64xf32, #tpu.memory_space<hbm>>) target_semaphore(%run_scoped3A : memref<!tpu.dma_semaphore, #tpu.memory_space<semaphore_mem>>)
        %dma_wait3A_145 = arith.constant 0 : i32
        %dma_wait3A_146 = arith.constant 0 : i32
        %dma_wait3A_147 = tpu.memref_slice %arg8[%dma_wait3A_145, %dma_wait3A_146] : memref<64x64xf32, #tpu.memory_space<vmem>> -> memref<64x64xf32, #tpu.memory_space<vmem>>
        %dma_wait3A_148 = tpu.memref_slice %arg4[%add3A_98, %mul3A_106] : memref<10000x128xf32, #tpu.memory_space<hbm>> -> memref<64x64xf32, #tpu.memory_space<hbm>>
        %dma_wait3A_149 = tpu.memref_slice %arg4[%add3A_98, %mul3A_106] : memref<10000x128xf32, #tpu.memory_space<hbm>> -> memref<64x64xf32, #tpu.memory_space<hbm>>
        %dma_wait3A_150 = arith.constant 0 : i32
        %dma_wait3A_151 = arith.constant 0 : i32
        %dma_wait3A_152 = tpu.memref_slice %arg8[%dma_wait3A_150, %dma_wait3A_151] : memref<64x64xf32, #tpu.memory_space<vmem>> -> memref<64x64xf32, #tpu.memory_space<vmem>>
        tpu.wait_dma2 semaphore(%run_scoped3A : memref<!tpu.dma_semaphore, #tpu.memory_space<semaphore_mem>>) src(%dma_wait3A_152 : memref<64x64xf32, #tpu.memory_space<vmem>>) dst(%dma_wait3A_149 : memref<64x64xf32, #tpu.memory_space<hbm>>)
        tpu.yield
      }) : () -> ()
      %add3A_107 = arith.constant 384 : i32
      %add3A_108 = arith.addi %mul3A_0, %add3A_107 : i32
      "tpu.region"() ({
        %run_scoped3A = tpu.sem_alloc : memref<!tpu.dma_semaphore, #tpu.memory_space<semaphore_mem>>
        %dma_start3A_137 = arith.constant 0 : i32
        %dma_start3A_138 = arith.constant 0 : i32
        %dma_start3A_139 = tpu.memref_slice %arg6[%dma_start3A_137, %dma_start3A_138] : memref<64x80xf32, #tpu.memory_space<vmem>> -> memref<64x80xf32, #tpu.memory_space<vmem>>
        %dma_start3A_140 = arith.constant 0 : i32
        %dma_start3A_141 = tpu.memref_slice %arg10[%add3A_108, %dma_start3A_140] : memref<10112x80xf32, #tpu.memory_space<vmem_shared>> -> memref<64x80xf32, #tpu.memory_space<vmem_shared>>
        %dma_start3A_142 = arith.constant 0 : i32
        %dma_start3A_143 = arith.constant 0 : i32
        %dma_start3A_144 = tpu.memref_slice %arg6[%dma_start3A_142, %dma_start3A_143] : memref<64x80xf32, #tpu.memory_space<vmem>> -> memref<64x80xf32, #tpu.memory_space<vmem>>
        %dma_start3A_145 = arith.constant 0 : i32
        %dma_start3A_146 = tpu.memref_slice %arg10[%add3A_108, %dma_start3A_145] : memref<10112x80xf32, #tpu.memory_space<vmem_shared>> -> memref<64x80xf32, #tpu.memory_space<vmem_shared>>
        tpu.enqueue_dma source(%dma_start3A_146 : memref<64x80xf32, #tpu.memory_space<vmem_shared>>) target(%dma_start3A_144 : memref<64x80xf32, #tpu.memory_space<vmem>>) target_semaphore(%run_scoped3A : memref<!tpu.dma_semaphore, #tpu.memory_space<semaphore_mem>>)
        %dma_wait3A_147 = arith.constant 0 : i32
        %dma_wait3A_148 = arith.constant 0 : i32
        %dma_wait3A_149 = tpu.memref_slice %arg6[%dma_wait3A_147, %dma_wait3A_148] : memref<64x80xf32, #tpu.memory_space<vmem>> -> memref<64x80xf32, #tpu.memory_space<vmem>>
        %dma_wait3A_150 = arith.constant 0 : i32
        %dma_wait3A_151 = tpu.memref_slice %arg10[%add3A_108, %dma_wait3A_150] : memref<10112x80xf32, #tpu.memory_space<vmem_shared>> -> memref<64x80xf32, #tpu.memory_space<vmem_shared>>
        %dma_wait3A_152 = arith.constant 0 : i32
        %dma_wait3A_153 = arith.constant 0 : i32
        %dma_wait3A_154 = tpu.memref_slice %arg6[%dma_wait3A_152, %dma_wait3A_153] : memref<64x80xf32, #tpu.memory_space<vmem>> -> memref<64x80xf32, #tpu.memory_space<vmem>>
        %dma_wait3A_155 = arith.constant 0 : i32
        %dma_wait3A_156 = tpu.memref_slice %arg10[%add3A_108, %dma_wait3A_155] : memref<10112x80xf32, #tpu.memory_space<vmem_shared>> -> memref<64x80xf32, #tpu.memory_space<vmem_shared>>
        tpu.wait_dma2 semaphore(%run_scoped3A : memref<!tpu.dma_semaphore, #tpu.memory_space<semaphore_mem>>) src(%dma_wait3A_156 : memref<64x80xf32, #tpu.memory_space<vmem_shared>>) dst(%dma_wait3A_154 : memref<64x80xf32, #tpu.memory_space<vmem>>)
        tpu.yield
      }) : () -> ()
      %scan3A_109 = arith.constant 0 : i32
      %scan3A_110 = arith.constant 0 : i32
      %scan3A_111 = arith.constant 64 : i32
      %scan3A_112 = arith.addi %scan3A_110, %scan3A_111 : i32
      %scan3A_113 = arith.constant 1 : i32
      scf.for %scan3A_137 = %scan3A_110 to %scan3A_112 step %scan3A_113  : i32 {
        %get3A = arith.index_cast %scan3A_137 : i32 to index
        %get3A_138 = arith.constant 64 : index
        %get3A_139 = tpu.vector_load %arg6[%get3A, %get3A_138] {strides = array<i32>} : memref<64x80xf32, #tpu.memory_space<vmem>>, vector<1x16xf32>,
        %get3A_140 = vector.shape_cast %get3A_139 : vector<1x16xf32> to vector<16xf32>
        %slice3A = vector.extract_strided_slice %get3A_140 {offsets = [0], sizes = [1], strides = [1]} : vector<16xf32> to vector<1xf32>
        %squeeze3A = vector.extract %slice3A[0] : f32 from vector<1xf32>
        %broadcast_in_dim3A_141 = vector.broadcast %squeeze3A : f32 to vector<16xf32>
        %max3A = arith.maximumf %broadcast_in_dim3A_141, %broadcast_in_dim3A_40 : vector<16xf32>
        %div3A = arith.divf %broadcast_in_dim3A_40, %max3A : vector<16xf32>
        %get3A_142 = arith.index_cast %scan3A_137 : i32 to index
        %get3A_143 = arith.constant 0 : index
        %get3A_144 = tpu.vector_load %arg6[%get3A_142, %get3A_143] {strides = array<i32>} : memref<64x80xf32, #tpu.memory_space<vmem>>, vector<1x16xf32>,
        %get3A_145 = vector.shape_cast %get3A_144 : vector<1x16xf32> to vector<16xf32>
        %mul3A_146 = arith.mulf %get3A_145, %div3A : vector<16xf32>
        %swap3A = arith.index_cast %scan3A_137 : i32 to index
        %swap3A_147 = arith.constant 0 : index
        %swap3A_148 = tpu.vector_load %arg8[%swap3A, %swap3A_147] {strides = array<i32>} : memref<64x64xf32, #tpu.memory_space<vmem>>, vector<1x16xf32>,
        %swap3A_149 = vector.shape_cast %swap3A_148 : vector<1x16xf32> to vector<16xf32>
        %swap3A_150 = vector.shape_cast %mul3A_146 : vector<16xf32> to vector<1x16xf32>
        tpu.vector_store %arg8[%swap3A, %swap3A_147], %swap3A_150 {strides = array<i32>} : memref<64x64xf32, #tpu.memory_space<vmem>>, vector<1x16xf32>,
        %get3A_151 = arith.index_cast %scan3A_137 : i32 to index
        %get3A_152 = arith.constant 16 : index
        %get3A_153 = tpu.vector_load %arg6[%get3A_151, %get3A_152] {strides = array<i32>} : memref<64x80xf32, #tpu.memory_space<vmem>>, vector<1x16xf32>,
        %get3A_154 = vector.shape_cast %get3A_153 : vector<1x16xf32> to vector<16xf32>
        %mul3A_155 = arith.mulf %get3A_154, %div3A : vector<16xf32>
        %swap3A_156 = arith.index_cast %scan3A_137 : i32 to index
        %swap3A_157 = arith.constant 16 : index
        %swap3A_158 = tpu.vector_load %arg8[%swap3A_156, %swap3A_157] {strides = array<i32>} : memref<64x64xf32, #tpu.memory_space<vmem>>, vector<1x16xf32>,
        %swap3A_159 = vector.shape_cast %swap3A_158 : vector<1x16xf32> to vector<16xf32>
        %swap3A_160 = vector.shape_cast %mul3A_155 : vector<16xf32> to vector<1x16xf32>
        tpu.vector_store %arg8[%swap3A_156, %swap3A_157], %swap3A_160 {strides = array<i32>} : memref<64x64xf32, #tpu.memory_space<vmem>>, vector<1x16xf32>,
        %get3A_161 = arith.index_cast %scan3A_137 : i32 to index
        %get3A_162 = arith.constant 32 : index
        %get3A_163 = tpu.vector_load %arg6[%get3A_161, %get3A_162] {strides = array<i32>} : memref<64x80xf32, #tpu.memory_space<vmem>>, vector<1x16xf32>,
        %get3A_164 = vector.shape_cast %get3A_163 : vector<1x16xf32> to vector<16xf32>
        %mul3A_165 = arith.mulf %get3A_164, %div3A : vector<16xf32>
        %swap3A_166 = arith.index_cast %scan3A_137 : i32 to index
        %swap3A_167 = arith.constant 32 : index
        %swap3A_168 = tpu.vector_load %arg8[%swap3A_166, %swap3A_167] {strides = array<i32>} : memref<64x64xf32, #tpu.memory_space<vmem>>, vector<1x16xf32>,
        %swap3A_169 = vector.shape_cast %swap3A_168 : vector<1x16xf32> to vector<16xf32>
        %swap3A_170 = vector.shape_cast %mul3A_165 : vector<16xf32> to vector<1x16xf32>
        tpu.vector_store %arg8[%swap3A_166, %swap3A_167], %swap3A_170 {strides = array<i32>} : memref<64x64xf32, #tpu.memory_space<vmem>>, vector<1x16xf32>,
        %get3A_171 = arith.index_cast %scan3A_137 : i32 to index
        %get3A_172 = arith.constant 48 : index
        %get3A_173 = tpu.vector_load %arg6[%get3A_171, %get3A_172] {strides = array<i32>} : memref<64x80xf32, #tpu.memory_space<vmem>>, vector<1x16xf32>,
        %get3A_174 = vector.shape_cast %get3A_173 : vector<1x16xf32> to vector<16xf32>
        %mul3A_175 = arith.mulf %get3A_174, %div3A : vector<16xf32>
        %swap3A_176 = arith.index_cast %scan3A_137 : i32 to index
        %swap3A_177 = arith.constant 48 : index
        %swap3A_178 = tpu.vector_load %arg8[%swap3A_176, %swap3A_177] {strides = array<i32>} : memref<64x64xf32, #tpu.memory_space<vmem>>, vector<1x16xf32>,
        %swap3A_179 = vector.shape_cast %swap3A_178 : vector<1x16xf32> to vector<16xf32>
        %swap3A_180 = vector.shape_cast %mul3A_175 : vector<16xf32> to vector<1x16xf32>
        tpu.vector_store %arg8[%swap3A_176, %swap3A_177], %swap3A_180 {strides = array<i32>} : memref<64x64xf32, #tpu.memory_space<vmem>>, vector<1x16xf32>,
      }
      %scan3A_114 = arith.constant 64 : i32
      %mul3A_115 = arith.constant 64 : i32
      %mul3A_116 = arith.muli %arg0, %mul3A_115 : i32
      "tpu.region"() ({
        %run_scoped3A = tpu.sem_alloc : memref<!tpu.dma_semaphore, #tpu.memory_space<semaphore_mem>>
        %dma_start3A_137 = arith.constant 0 : i32
        %dma_start3A_138 = arith.constant 0 : i32
        %dma_start3A_139 = tpu.memref_slice %arg8[%dma_start3A_137, %dma_start3A_138] : memref<64x64xf32, #tpu.memory_space<vmem>> -> memref<64x64xf32, #tpu.memory_space<vmem>>
        %dma_start3A_140 = tpu.memref_slice %arg4[%add3A_108, %mul3A_116] : memref<10000x128xf32, #tpu.memory_space<hbm>> -> memref<64x64xf32, #tpu.memory_space<hbm>>
        %dma_start3A_141 = tpu.memref_slice %arg4[%add3A_108, %mul3A_116] : memref<10000x128xf32, #tpu.memory_space<hbm>> -> memref<64x64xf32, #tpu.memory_space<hbm>>
        %dma_start3A_142 = arith.constant 0 : i32
        %dma_start3A_143 = arith.constant 0 : i32
        %dma_start3A_144 = tpu.memref_slice %arg8[%dma_start3A_142, %dma_start3A_143] : memref<64x64xf32, #tpu.memory_space<vmem>> -> memref<64x64xf32, #tpu.memory_space<vmem>>
        tpu.enqueue_dma source(%dma_start3A_144 : memref<64x64xf32, #tpu.memory_space<vmem>>) target(%dma_start3A_141 : memref<64x64xf32, #tpu.memory_space<hbm>>) target_semaphore(%run_scoped3A : memref<!tpu.dma_semaphore, #tpu.memory_space<semaphore_mem>>)
        %dma_wait3A_145 = arith.constant 0 : i32
        %dma_wait3A_146 = arith.constant 0 : i32
        %dma_wait3A_147 = tpu.memref_slice %arg8[%dma_wait3A_145, %dma_wait3A_146] : memref<64x64xf32, #tpu.memory_space<vmem>> -> memref<64x64xf32, #tpu.memory_space<vmem>>
        %dma_wait3A_148 = tpu.memref_slice %arg4[%add3A_108, %mul3A_116] : memref<10000x128xf32, #tpu.memory_space<hbm>> -> memref<64x64xf32, #tpu.memory_space<hbm>>
        %dma_wait3A_149 = tpu.memref_slice %arg4[%add3A_108, %mul3A_116] : memref<10000x128xf32, #tpu.memory_space<hbm>> -> memref<64x64xf32, #tpu.memory_space<hbm>>
        %dma_wait3A_150 = arith.constant 0 : i32
        %dma_wait3A_151 = arith.constant 0 : i32
        %dma_wait3A_152 = tpu.memref_slice %arg8[%dma_wait3A_150, %dma_wait3A_151] : memref<64x64xf32, #tpu.memory_space<vmem>> -> memref<64x64xf32, #tpu.memory_space<vmem>>
        tpu.wait_dma2 semaphore(%run_scoped3A : memref<!tpu.dma_semaphore, #tpu.memory_space<semaphore_mem>>) src(%dma_wait3A_152 : memref<64x64xf32, #tpu.memory_space<vmem>>) dst(%dma_wait3A_149 : memref<64x64xf32, #tpu.memory_space<hbm>>)
        tpu.yield
      }) : () -> ()
      %add3A_117 = arith.constant 448 : i32
      %add3A_118 = arith.addi %mul3A_0, %add3A_117 : i32
      "tpu.region"() ({
        %run_scoped3A = tpu.sem_alloc : memref<!tpu.dma_semaphore, #tpu.memory_space<semaphore_mem>>
        %dma_start3A_137 = arith.constant 0 : i32
        %dma_start3A_138 = arith.constant 0 : i32
        %dma_start3A_139 = tpu.memref_slice %arg6[%dma_start3A_137, %dma_start3A_138] : memref<64x80xf32, #tpu.memory_space<vmem>> -> memref<64x80xf32, #tpu.memory_space<vmem>>
        %dma_start3A_140 = arith.constant 0 : i32
        %dma_start3A_141 = tpu.memref_slice %arg10[%add3A_118, %dma_start3A_140] : memref<10112x80xf32, #tpu.memory_space<vmem_shared>> -> memref<64x80xf32, #tpu.memory_space<vmem_shared>>
        %dma_start3A_142 = arith.constant 0 : i32
        %dma_start3A_143 = arith.constant 0 : i32
        %dma_start3A_144 = tpu.memref_slice %arg6[%dma_start3A_142, %dma_start3A_143] : memref<64x80xf32, #tpu.memory_space<vmem>> -> memref<64x80xf32, #tpu.memory_space<vmem>>
        %dma_start3A_145 = arith.constant 0 : i32
        %dma_start3A_146 = tpu.memref_slice %arg10[%add3A_118, %dma_start3A_145] : memref<10112x80xf32, #tpu.memory_space<vmem_shared>> -> memref<64x80xf32, #tpu.memory_space<vmem_shared>>
        tpu.enqueue_dma source(%dma_start3A_146 : memref<64x80xf32, #tpu.memory_space<vmem_shared>>) target(%dma_start3A_144 : memref<64x80xf32, #tpu.memory_space<vmem>>) target_semaphore(%run_scoped3A : memref<!tpu.dma_semaphore, #tpu.memory_space<semaphore_mem>>)
        %dma_wait3A_147 = arith.constant 0 : i32
        %dma_wait3A_148 = arith.constant 0 : i32
        %dma_wait3A_149 = tpu.memref_slice %arg6[%dma_wait3A_147, %dma_wait3A_148] : memref<64x80xf32, #tpu.memory_space<vmem>> -> memref<64x80xf32, #tpu.memory_space<vmem>>
        %dma_wait3A_150 = arith.constant 0 : i32
        %dma_wait3A_151 = tpu.memref_slice %arg10[%add3A_118, %dma_wait3A_150] : memref<10112x80xf32, #tpu.memory_space<vmem_shared>> -> memref<64x80xf32, #tpu.memory_space<vmem_shared>>
        %dma_wait3A_152 = arith.constant 0 : i32
        %dma_wait3A_153 = arith.constant 0 : i32
        %dma_wait3A_154 = tpu.memref_slice %arg6[%dma_wait3A_152, %dma_wait3A_153] : memref<64x80xf32, #tpu.memory_space<vmem>> -> memref<64x80xf32, #tpu.memory_space<vmem>>
        %dma_wait3A_155 = arith.constant 0 : i32
        %dma_wait3A_156 = tpu.memref_slice %arg10[%add3A_118, %dma_wait3A_155] : memref<10112x80xf32, #tpu.memory_space<vmem_shared>> -> memref<64x80xf32, #tpu.memory_space<vmem_shared>>
        tpu.wait_dma2 semaphore(%run_scoped3A : memref<!tpu.dma_semaphore, #tpu.memory_space<semaphore_mem>>) src(%dma_wait3A_156 : memref<64x80xf32, #tpu.memory_space<vmem_shared>>) dst(%dma_wait3A_154 : memref<64x80xf32, #tpu.memory_space<vmem>>)
        tpu.yield
      }) : () -> ()
      %scan3A_119 = arith.constant 0 : i32
      %scan3A_120 = arith.constant 0 : i32
      %scan3A_121 = arith.constant 64 : i32
      %scan3A_122 = arith.addi %scan3A_120, %scan3A_121 : i32
      %scan3A_123 = arith.constant 1 : i32
      scf.for %scan3A_137 = %scan3A_120 to %scan3A_122 step %scan3A_123  : i32 {
        %get3A = arith.index_cast %scan3A_137 : i32 to index
        %get3A_138 = arith.constant 64 : index
        %get3A_139 = tpu.vector_load %arg6[%get3A, %get3A_138] {strides = array<i32>} : memref<64x80xf32, #tpu.memory_space<vmem>>, vector<1x16xf32>,
        %get3A_140 = vector.shape_cast %get3A_139 : vector<1x16xf32> to vector<16xf32>
        %slice3A = vector.extract_strided_slice %get3A_140 {offsets = [0], sizes = [1], strides = [1]} : vector<16xf32> to vector<1xf32>
        %squeeze3A = vector.extract %slice3A[0] : f32 from vector<1xf32>
        %broadcast_in_dim3A_141 = vector.broadcast %squeeze3A : f32 to vector<16xf32>
        %max3A = arith.maximumf %broadcast_in_dim3A_141, %broadcast_in_dim3A_40 : vector<16xf32>
        %div3A = arith.divf %broadcast_in_dim3A_40, %max3A : vector<16xf32>
        %get3A_142 = arith.index_cast %scan3A_137 : i32 to index
        %get3A_143 = arith.constant 0 : index
        %get3A_144 = tpu.vector_load %arg6[%get3A_142, %get3A_143] {strides = array<i32>} : memref<64x80xf32, #tpu.memory_space<vmem>>, vector<1x16xf32>,
        %get3A_145 = vector.shape_cast %get3A_144 : vector<1x16xf32> to vector<16xf32>
        %mul3A_146 = arith.mulf %get3A_145, %div3A : vector<16xf32>
        %swap3A = arith.index_cast %scan3A_137 : i32 to index
        %swap3A_147 = arith.constant 0 : index
        %swap3A_148 = tpu.vector_load %arg8[%swap3A, %swap3A_147] {strides = array<i32>} : memref<64x64xf32, #tpu.memory_space<vmem>>, vector<1x16xf32>,
        %swap3A_149 = vector.shape_cast %swap3A_148 : vector<1x16xf32> to vector<16xf32>
        %swap3A_150 = vector.shape_cast %mul3A_146 : vector<16xf32> to vector<1x16xf32>
        tpu.vector_store %arg8[%swap3A, %swap3A_147], %swap3A_150 {strides = array<i32>} : memref<64x64xf32, #tpu.memory_space<vmem>>, vector<1x16xf32>,
        %get3A_151 = arith.index_cast %scan3A_137 : i32 to index
        %get3A_152 = arith.constant 16 : index
        %get3A_153 = tpu.vector_load %arg6[%get3A_151, %get3A_152] {strides = array<i32>} : memref<64x80xf32, #tpu.memory_space<vmem>>, vector<1x16xf32>,
        %get3A_154 = vector.shape_cast %get3A_153 : vector<1x16xf32> to vector<16xf32>
        %mul3A_155 = arith.mulf %get3A_154, %div3A : vector<16xf32>
        %swap3A_156 = arith.index_cast %scan3A_137 : i32 to index
        %swap3A_157 = arith.constant 16 : index
        %swap3A_158 = tpu.vector_load %arg8[%swap3A_156, %swap3A_157] {strides = array<i32>} : memref<64x64xf32, #tpu.memory_space<vmem>>, vector<1x16xf32>,
        %swap3A_159 = vector.shape_cast %swap3A_158 : vector<1x16xf32> to vector<16xf32>
        %swap3A_160 = vector.shape_cast %mul3A_155 : vector<16xf32> to vector<1x16xf32>
        tpu.vector_store %arg8[%swap3A_156, %swap3A_157], %swap3A_160 {strides = array<i32>} : memref<64x64xf32, #tpu.memory_space<vmem>>, vector<1x16xf32>,
        %get3A_161 = arith.index_cast %scan3A_137 : i32 to index
        %get3A_162 = arith.constant 32 : index
        %get3A_163 = tpu.vector_load %arg6[%get3A_161, %get3A_162] {strides = array<i32>} : memref<64x80xf32, #tpu.memory_space<vmem>>, vector<1x16xf32>,
        %get3A_164 = vector.shape_cast %get3A_163 : vector<1x16xf32> to vector<16xf32>
        %mul3A_165 = arith.mulf %get3A_164, %div3A : vector<16xf32>
        %swap3A_166 = arith.index_cast %scan3A_137 : i32 to index
        %swap3A_167 = arith.constant 32 : index
        %swap3A_168 = tpu.vector_load %arg8[%swap3A_166, %swap3A_167] {strides = array<i32>} : memref<64x64xf32, #tpu.memory_space<vmem>>, vector<1x16xf32>,
        %swap3A_169 = vector.shape_cast %swap3A_168 : vector<1x16xf32> to vector<16xf32>
        %swap3A_170 = vector.shape_cast %mul3A_165 : vector<16xf32> to vector<1x16xf32>
        tpu.vector_store %arg8[%swap3A_166, %swap3A_167], %swap3A_170 {strides = array<i32>} : memref<64x64xf32, #tpu.memory_space<vmem>>, vector<1x16xf32>,
        %get3A_171 = arith.index_cast %scan3A_137 : i32 to index
        %get3A_172 = arith.constant 48 : index
        %get3A_173 = tpu.vector_load %arg6[%get3A_171, %get3A_172] {strides = array<i32>} : memref<64x80xf32, #tpu.memory_space<vmem>>, vector<1x16xf32>,
        %get3A_174 = vector.shape_cast %get3A_173 : vector<1x16xf32> to vector<16xf32>
        %mul3A_175 = arith.mulf %get3A_174, %div3A : vector<16xf32>
        %swap3A_176 = arith.index_cast %scan3A_137 : i32 to index
        %swap3A_177 = arith.constant 48 : index
        %swap3A_178 = tpu.vector_load %arg8[%swap3A_176, %swap3A_177] {strides = array<i32>} : memref<64x64xf32, #tpu.memory_space<vmem>>, vector<1x16xf32>,
        %swap3A_179 = vector.shape_cast %swap3A_178 : vector<1x16xf32> to vector<16xf32>
        %swap3A_180 = vector.shape_cast %mul3A_175 : vector<16xf32> to vector<1x16xf32>
        tpu.vector_store %arg8[%swap3A_176, %swap3A_177], %swap3A_180 {strides = array<i32>} : memref<64x64xf32, #tpu.memory_space<vmem>>, vector<1x16xf32>,
      }
      %scan3A_124 = arith.constant 64 : i32
      %mul3A_125 = arith.constant 64 : i32
      %mul3A_126 = arith.muli %arg0, %mul3A_125 : i32
      "tpu.region"() ({
        %run_scoped3A = tpu.sem_alloc : memref<!tpu.dma_semaphore, #tpu.memory_space<semaphore_mem>>
        %dma_start3A_137 = arith.constant 0 : i32
        %dma_start3A_138 = arith.constant 0 : i32
        %dma_start3A_139 = tpu.memref_slice %arg8[%dma_start3A_137, %dma_start3A_138] : memref<64x64xf32, #tpu.memory_space<vmem>> -> memref<64x64xf32, #tpu.memory_space<vmem>>
        %dma_start3A_140 = tpu.memref_slice %arg4[%add3A_118, %mul3A_126] : memref<10000x128xf32, #tpu.memory_space<hbm>> -> memref<64x64xf32, #tpu.memory_space<hbm>>
        %dma_start3A_141 = tpu.memref_slice %arg4[%add3A_118, %mul3A_126] : memref<10000x128xf32, #tpu.memory_space<hbm>> -> memref<64x64xf32, #tpu.memory_space<hbm>>
        %dma_start3A_142 = arith.constant 0 : i32
        %dma_start3A_143 = arith.constant 0 : i32
        %dma_start3A_144 = tpu.memref_slice %arg8[%dma_start3A_142, %dma_start3A_143] : memref<64x64xf32, #tpu.memory_space<vmem>> -> memref<64x64xf32, #tpu.memory_space<vmem>>
        tpu.enqueue_dma source(%dma_start3A_144 : memref<64x64xf32, #tpu.memory_space<vmem>>) target(%dma_start3A_141 : memref<64x64xf32, #tpu.memory_space<hbm>>) target_semaphore(%run_scoped3A : memref<!tpu.dma_semaphore, #tpu.memory_space<semaphore_mem>>)
        %dma_wait3A_145 = arith.constant 0 : i32
        %dma_wait3A_146 = arith.constant 0 : i32
        %dma_wait3A_147 = tpu.memref_slice %arg8[%dma_wait3A_145, %dma_wait3A_146] : memref<64x64xf32, #tpu.memory_space<vmem>> -> memref<64x64xf32, #tpu.memory_space<vmem>>
        %dma_wait3A_148 = tpu.memref_slice %arg4[%add3A_118, %mul3A_126] : memref<10000x128xf32, #tpu.memory_space<hbm>> -> memref<64x64xf32, #tpu.memory_space<hbm>>
        %dma_wait3A_149 = tpu.memref_slice %arg4[%add3A_118, %mul3A_126] : memref<10000x128xf32, #tpu.memory_space<hbm>> -> memref<64x64xf32, #tpu.memory_space<hbm>>
        %dma_wait3A_150 = arith.constant 0 : i32
        %dma_wait3A_151 = arith.constant 0 : i32
        %dma_wait3A_152 = tpu.memref_slice %arg8[%dma_wait3A_150, %dma_wait3A_151] : memref<64x64xf32, #tpu.memory_space<vmem>> -> memref<64x64xf32, #tpu.memory_space<vmem>>
        tpu.wait_dma2 semaphore(%run_scoped3A : memref<!tpu.dma_semaphore, #tpu.memory_space<semaphore_mem>>) src(%dma_wait3A_152 : memref<64x64xf32, #tpu.memory_space<vmem>>) dst(%dma_wait3A_149 : memref<64x64xf32, #tpu.memory_space<hbm>>)
        tpu.yield
      }) : () -> ()
      %add3A_127 = arith.constant 512 : i32
      %add3A_128 = arith.addi %mul3A_0, %add3A_127 : i32
      "tpu.region"() ({
        %run_scoped3A = tpu.sem_alloc : memref<!tpu.dma_semaphore, #tpu.memory_space<semaphore_mem>>
        %dma_start3A_137 = arith.constant 0 : i32
        %dma_start3A_138 = arith.constant 0 : i32
        %dma_start3A_139 = tpu.memref_slice %arg6[%dma_start3A_137, %dma_start3A_138] : memref<64x80xf32, #tpu.memory_space<vmem>> -> memref<8x80xf32, #tpu.memory_space<vmem>>
        %dma_start3A_140 = arith.constant 0 : i32
        %dma_start3A_141 = tpu.memref_slice %arg10[%add3A_128, %dma_start3A_140] : memref<10112x80xf32, #tpu.memory_space<vmem_shared>> -> memref<8x80xf32, #tpu.memory_space<vmem_shared>>
        %dma_start3A_142 = arith.constant 0 : i32
        %dma_start3A_143 = arith.constant 0 : i32
        %dma_start3A_144 = tpu.memref_slice %arg6[%dma_start3A_142, %dma_start3A_143] : memref<64x80xf32, #tpu.memory_space<vmem>> -> memref<8x80xf32, #tpu.memory_space<vmem>>
        %dma_start3A_145 = arith.constant 0 : i32
        %dma_start3A_146 = tpu.memref_slice %arg10[%add3A_128, %dma_start3A_145] : memref<10112x80xf32, #tpu.memory_space<vmem_shared>> -> memref<8x80xf32, #tpu.memory_space<vmem_shared>>
        tpu.enqueue_dma source(%dma_start3A_146 : memref<8x80xf32, #tpu.memory_space<vmem_shared>>) target(%dma_start3A_144 : memref<8x80xf32, #tpu.memory_space<vmem>>) target_semaphore(%run_scoped3A : memref<!tpu.dma_semaphore, #tpu.memory_space<semaphore_mem>>)
        %dma_wait3A_147 = arith.constant 0 : i32
        %dma_wait3A_148 = arith.constant 0 : i32
        %dma_wait3A_149 = tpu.memref_slice %arg6[%dma_wait3A_147, %dma_wait3A_148] : memref<64x80xf32, #tpu.memory_space<vmem>> -> memref<8x80xf32, #tpu.memory_space<vmem>>
        %dma_wait3A_150 = arith.constant 0 : i32
        %dma_wait3A_151 = tpu.memref_slice %arg10[%add3A_128, %dma_wait3A_150] : memref<10112x80xf32, #tpu.memory_space<vmem_shared>> -> memref<8x80xf32, #tpu.memory_space<vmem_shared>>
        %dma_wait3A_152 = arith.constant 0 : i32
        %dma_wait3A_153 = arith.constant 0 : i32
        %dma_wait3A_154 = tpu.memref_slice %arg6[%dma_wait3A_152, %dma_wait3A_153] : memref<64x80xf32, #tpu.memory_space<vmem>> -> memref<8x80xf32, #tpu.memory_space<vmem>>
        %dma_wait3A_155 = arith.constant 0 : i32
        %dma_wait3A_156 = tpu.memref_slice %arg10[%add3A_128, %dma_wait3A_155] : memref<10112x80xf32, #tpu.memory_space<vmem_shared>> -> memref<8x80xf32, #tpu.memory_space<vmem_shared>>
        tpu.wait_dma2 semaphore(%run_scoped3A : memref<!tpu.dma_semaphore, #tpu.memory_space<semaphore_mem>>) src(%dma_wait3A_156 : memref<8x80xf32, #tpu.memory_space<vmem_shared>>) dst(%dma_wait3A_154 : memref<8x80xf32, #tpu.memory_space<vmem>>)
        tpu.yield
      }) : () -> ()
      %scan3A_129 = arith.constant 0 : i32
      %scan3A_130 = arith.constant 0 : i32
      %scan3A_131 = arith.constant 8 : i32
      %scan3A_132 = arith.addi %scan3A_130, %scan3A_131 : i32
      %scan3A_133 = arith.constant 1 : i32
      scf.for %scan3A_137 = %scan3A_130 to %scan3A_132 step %scan3A_133  : i32 {
        %get3A = arith.index_cast %scan3A_137 : i32 to index
        %get3A_138 = arith.constant 64 : index
        %get3A_139 = tpu.vector_load %arg6[%get3A, %get3A_138] {strides = array<i32>} : memref<64x80xf32, #tpu.memory_space<vmem>>, vector<1x16xf32>,
        %get3A_140 = vector.shape_cast %get3A_139 : vector<1x16xf32> to vector<16xf32>
        %slice3A = vector.extract_strided_slice %get3A_140 {offsets = [0], sizes = [1], strides = [1]} : vector<16xf32> to vector<1xf32>
        %squeeze3A = vector.extract %slice3A[0] : f32 from vector<1xf32>
        %broadcast_in_dim3A_141 = vector.broadcast %squeeze3A : f32 to vector<16xf32>
        %max3A = arith.maximumf %broadcast_in_dim3A_141, %broadcast_in_dim3A_40 : vector<16xf32>
        %div3A = arith.divf %broadcast_in_dim3A_40, %max3A : vector<16xf32>
        %get3A_142 = arith.index_cast %scan3A_137 : i32 to index
        %get3A_143 = arith.constant 0 : index
        %get3A_144 = tpu.vector_load %arg6[%get3A_142, %get3A_143] {strides = array<i32>} : memref<64x80xf32, #tpu.memory_space<vmem>>, vector<1x16xf32>,
        %get3A_145 = vector.shape_cast %get3A_144 : vector<1x16xf32> to vector<16xf32>
        %mul3A_146 = arith.mulf %get3A_145, %div3A : vector<16xf32>
        %swap3A = arith.index_cast %scan3A_137 : i32 to index
        %swap3A_147 = arith.constant 0 : index
        %swap3A_148 = tpu.vector_load %arg8[%swap3A, %swap3A_147] {strides = array<i32>} : memref<64x64xf32, #tpu.memory_space<vmem>>, vector<1x16xf32>,
        %swap3A_149 = vector.shape_cast %swap3A_148 : vector<1x16xf32> to vector<16xf32>
        %swap3A_150 = vector.shape_cast %mul3A_146 : vector<16xf32> to vector<1x16xf32>
        tpu.vector_store %arg8[%swap3A, %swap3A_147], %swap3A_150 {strides = array<i32>} : memref<64x64xf32, #tpu.memory_space<vmem>>, vector<1x16xf32>,
        %get3A_151 = arith.index_cast %scan3A_137 : i32 to index
        %get3A_152 = arith.constant 16 : index
        %get3A_153 = tpu.vector_load %arg6[%get3A_151, %get3A_152] {strides = array<i32>} : memref<64x80xf32, #tpu.memory_space<vmem>>, vector<1x16xf32>,
        %get3A_154 = vector.shape_cast %get3A_153 : vector<1x16xf32> to vector<16xf32>
        %mul3A_155 = arith.mulf %get3A_154, %div3A : vector<16xf32>
        %swap3A_156 = arith.index_cast %scan3A_137 : i32 to index
        %swap3A_157 = arith.constant 16 : index
        %swap3A_158 = tpu.vector_load %arg8[%swap3A_156, %swap3A_157] {strides = array<i32>} : memref<64x64xf32, #tpu.memory_space<vmem>>, vector<1x16xf32>,
        %swap3A_159 = vector.shape_cast %swap3A_158 : vector<1x16xf32> to vector<16xf32>
        %swap3A_160 = vector.shape_cast %mul3A_155 : vector<16xf32> to vector<1x16xf32>
        tpu.vector_store %arg8[%swap3A_156, %swap3A_157], %swap3A_160 {strides = array<i32>} : memref<64x64xf32, #tpu.memory_space<vmem>>, vector<1x16xf32>,
        %get3A_161 = arith.index_cast %scan3A_137 : i32 to index
        %get3A_162 = arith.constant 32 : index
        %get3A_163 = tpu.vector_load %arg6[%get3A_161, %get3A_162] {strides = array<i32>} : memref<64x80xf32, #tpu.memory_space<vmem>>, vector<1x16xf32>,
        %get3A_164 = vector.shape_cast %get3A_163 : vector<1x16xf32> to vector<16xf32>
        %mul3A_165 = arith.mulf %get3A_164, %div3A : vector<16xf32>
        %swap3A_166 = arith.index_cast %scan3A_137 : i32 to index
        %swap3A_167 = arith.constant 32 : index
        %swap3A_168 = tpu.vector_load %arg8[%swap3A_166, %swap3A_167] {strides = array<i32>} : memref<64x64xf32, #tpu.memory_space<vmem>>, vector<1x16xf32>,
        %swap3A_169 = vector.shape_cast %swap3A_168 : vector<1x16xf32> to vector<16xf32>
        %swap3A_170 = vector.shape_cast %mul3A_165 : vector<16xf32> to vector<1x16xf32>
        tpu.vector_store %arg8[%swap3A_166, %swap3A_167], %swap3A_170 {strides = array<i32>} : memref<64x64xf32, #tpu.memory_space<vmem>>, vector<1x16xf32>,
        %get3A_171 = arith.index_cast %scan3A_137 : i32 to index
        %get3A_172 = arith.constant 48 : index
        %get3A_173 = tpu.vector_load %arg6[%get3A_171, %get3A_172] {strides = array<i32>} : memref<64x80xf32, #tpu.memory_space<vmem>>, vector<1x16xf32>,
        %get3A_174 = vector.shape_cast %get3A_173 : vector<1x16xf32> to vector<16xf32>
        %mul3A_175 = arith.mulf %get3A_174, %div3A : vector<16xf32>
        %swap3A_176 = arith.index_cast %scan3A_137 : i32 to index
        %swap3A_177 = arith.constant 48 : index
        %swap3A_178 = tpu.vector_load %arg8[%swap3A_176, %swap3A_177] {strides = array<i32>} : memref<64x64xf32, #tpu.memory_space<vmem>>, vector<1x16xf32>,
        %swap3A_179 = vector.shape_cast %swap3A_178 : vector<1x16xf32> to vector<16xf32>
        %swap3A_180 = vector.shape_cast %mul3A_175 : vector<16xf32> to vector<1x16xf32>
        tpu.vector_store %arg8[%swap3A_176, %swap3A_177], %swap3A_180 {strides = array<i32>} : memref<64x64xf32, #tpu.memory_space<vmem>>, vector<1x16xf32>,
      }
      %scan3A_134 = arith.constant 8 : i32
      %mul3A_135 = arith.constant 64 : i32
      %mul3A_136 = arith.muli %arg0, %mul3A_135 : i32
      "tpu.region"() ({
        %run_scoped3A = tpu.sem_alloc : memref<!tpu.dma_semaphore, #tpu.memory_space<semaphore_mem>>
        %dma_start3A_137 = arith.constant 0 : i32
        %dma_start3A_138 = arith.constant 0 : i32
        %dma_start3A_139 = tpu.memref_slice %arg8[%dma_start3A_137, %dma_start3A_138] : memref<64x64xf32, #tpu.memory_space<vmem>> -> memref<8x64xf32, #tpu.memory_space<vmem>>
        %dma_start3A_140 = tpu.memref_slice %arg4[%add3A_128, %mul3A_136] : memref<10000x128xf32, #tpu.memory_space<hbm>> -> memref<8x64xf32, #tpu.memory_space<hbm>>
        %dma_start3A_141 = tpu.memref_slice %arg4[%add3A_128, %mul3A_136] : memref<10000x128xf32, #tpu.memory_space<hbm>> -> memref<8x64xf32, #tpu.memory_space<hbm>>
        %dma_start3A_142 = arith.constant 0 : i32
        %dma_start3A_143 = arith.constant 0 : i32
        %dma_start3A_144 = tpu.memref_slice %arg8[%dma_start3A_142, %dma_start3A_143] : memref<64x64xf32, #tpu.memory_space<vmem>> -> memref<8x64xf32, #tpu.memory_space<vmem>>
        tpu.enqueue_dma source(%dma_start3A_144 : memref<8x64xf32, #tpu.memory_space<vmem>>) target(%dma_start3A_141 : memref<8x64xf32, #tpu.memory_space<hbm>>) target_semaphore(%run_scoped3A : memref<!tpu.dma_semaphore, #tpu.memory_space<semaphore_mem>>)
        %dma_wait3A_145 = arith.constant 0 : i32
        %dma_wait3A_146 = arith.constant 0 : i32
        %dma_wait3A_147 = tpu.memref_slice %arg8[%dma_wait3A_145, %dma_wait3A_146] : memref<64x64xf32, #tpu.memory_space<vmem>> -> memref<8x64xf32, #tpu.memory_space<vmem>>
        %dma_wait3A_148 = tpu.memref_slice %arg4[%add3A_128, %mul3A_136] : memref<10000x128xf32, #tpu.memory_space<hbm>> -> memref<8x64xf32, #tpu.memory_space<hbm>>
        %dma_wait3A_149 = tpu.memref_slice %arg4[%add3A_128, %mul3A_136] : memref<10000x128xf32, #tpu.memory_space<hbm>> -> memref<8x64xf32, #tpu.memory_space<hbm>>
        %dma_wait3A_150 = arith.constant 0 : i32
        %dma_wait3A_151 = arith.constant 0 : i32
        %dma_wait3A_152 = tpu.memref_slice %arg8[%dma_wait3A_150, %dma_wait3A_151] : memref<64x64xf32, #tpu.memory_space<vmem>> -> memref<8x64xf32, #tpu.memory_space<vmem>>
        tpu.wait_dma2 semaphore(%run_scoped3A : memref<!tpu.dma_semaphore, #tpu.memory_space<semaphore_mem>>) src(%dma_wait3A_152 : memref<8x64xf32, #tpu.memory_space<vmem>>) dst(%dma_wait3A_149 : memref<8x64xf32, #tpu.memory_space<hbm>>)
        tpu.yield
      }) : () -> ()
    } else {
    }
    return
  }
}

module attributes {stable_mosaic.version = 14 : i64} {
  func.func @_transform_body(%arg0: i32, %arg1: memref<1264x128xf32, #tpu.memory_space<vmem>>, %arg2: memref<128x128xf32, #tpu.memory_space<vmem>>, %arg3: memref<1x128xf32, #tpu.memory_space<vmem>>, %arg4: memref<2x1264x80xf32, #tpu.memory_space<vmem>>) attributes {dimension_semantics = [#tpu.dimension_semantics<arbitrary>], iteration_bounds = array<i64: 8>, scalar_prefetch = 0 : i64, scratch_operands = 0 : i64, tpu.core_type = #tpu.core_type<tc>, window_params = [{transform_indices = @transform_0, window_bounds = array<i64: 1264, 128>}, {pipeline_mode = #tpu.pipeline_mode<synchronous>, transform_indices = @transform_1, window_bounds = array<i64: 128, 128>}, {pipeline_mode = #tpu.pipeline_mode<synchronous>, transform_indices = @transform_2, window_bounds = array<i64: 1, 128>}, {transform_indices = @transform_3, window_bounds = array<i64: 2, 1264, 80>}]} {
    %get3A = arith.constant 0 : index
    %get3A_0 = arith.constant 0 : index
    %get3A_1 = vector.load %arg1[%get3A, %get3A_0] : memref<1264x128xf32, #tpu.memory_space<vmem>>, vector<1264x128xf32>
    %get3A_2 = arith.constant 0 : index
    %get3A_3 = arith.constant 0 : index
    %get3A_4 = vector.load %arg2[%get3A_2, %get3A_3] : memref<128x128xf32, #tpu.memory_space<vmem>>, vector<128x128xf32>
    %dot_general3A = arith.constant dense<0.000000e+00> : vector<1264x128xf32>
    %dot_general3A_5 = tpu.matmul %get3A_1, %get3A_4, %dot_general3A {dimension_numbers = #tpu.dot_dimension_numbers<[1], [1], [0], [0], [0, 0, 1, 0], [], []>, transpose_lhs_hint = false} : vector<1264x128xf32>, vector<128x128xf32>, vector<1264x128xf32> -> vector<1264x128xf32>
    %get3A_6 = arith.constant 0 : index
    %get3A_7 = arith.constant 0 : index
    %get3A_8 = vector.load %arg3[%get3A_6, %get3A_7] : memref<1x128xf32, #tpu.memory_space<vmem>>, vector<1x128xf32>
    %add3A = vector.broadcast %get3A_8 : vector<1x128xf32> to vector<1264x128xf32>
    %add3A_9 = arith.addf %dot_general3A_5, %add3A : vector<1264x128xf32>
    %iota3A = tpu.iota {dimensions = array<i32: 1>} : vector<1264x16xi32>
    %eq3A = arith.constant 0 : i32
    %eq3A_10 = vector.broadcast %eq3A : i32 to vector<1264x16xi32>
    %eq3A_11 = arith.cmpi eq, %iota3A, %eq3A_10 : vector<1264x16xi32>
    %jit3A = arith.constant 1.000000e+00 : f32
    %jit3A_12 = arith.constant 0.000000e+00 : f32
    %broadcast_in_dim3A = vector.broadcast %jit3A : f32 to vector<1264x16xf32>
    %broadcast_in_dim3A_13 = vector.broadcast %jit3A_12 : f32 to vector<1264x16xf32>
    %select_n3A = arith.select %eq3A_11, %broadcast_in_dim3A, %broadcast_in_dim3A_13 : vector<1264x16xi1>, vector<1264x16xf32>
    %slice3A = vector.extract_strided_slice %add3A_9 {offsets = [0, 0], sizes = [1264, 64], strides = [1, 1]} : vector<1264x128xf32> to vector<1264x64xf32>
    %concatenate3A = tpu.concatenate %slice3A, %select_n3A in 1 : vector<1264x64xf32>, vector<1264x16xf32> -> vector<1264x80xf32>
    %swap3A = arith.constant 0 : index
    %swap3A_14 = arith.constant 0 : index
    %swap3A_15 = arith.constant 0 : index
    %swap3A_16 = vector.load %arg4[%swap3A, %swap3A_14, %swap3A_15] : memref<2x1264x80xf32, #tpu.memory_space<vmem>>, vector<1x1264x80xf32>
    %swap3A_17 = vector.shape_cast %swap3A_16 : vector<1x1264x80xf32> to vector<1264x80xf32>
    %swap3A_18 = vector.shape_cast %concatenate3A : vector<1264x80xf32> to vector<1x1264x80xf32>
    tpu.vector_store %arg4[%swap3A, %swap3A_14, %swap3A_15], %swap3A_18 {strides = array<i32>} : memref<2x1264x80xf32, #tpu.memory_space<vmem>>, vector<1x1264x80xf32>,
    %slice3A_19 = vector.extract_strided_slice %add3A_9 {offsets = [0, 64], sizes = [1264, 64], strides = [1, 1]} : vector<1264x128xf32> to vector<1264x64xf32>
    %concatenate3A_20 = tpu.concatenate %slice3A_19, %select_n3A in 1 : vector<1264x64xf32>, vector<1264x16xf32> -> vector<1264x80xf32>
    %swap3A_21 = arith.constant 1 : index
    %swap3A_22 = arith.constant 0 : index
    %swap3A_23 = arith.constant 0 : index
    %swap3A_24 = vector.load %arg4[%swap3A_21, %swap3A_22, %swap3A_23] : memref<2x1264x80xf32, #tpu.memory_space<vmem>>, vector<1x1264x80xf32>
    %swap3A_25 = vector.shape_cast %swap3A_24 : vector<1x1264x80xf32> to vector<1264x80xf32>
    %swap3A_26 = vector.shape_cast %concatenate3A_20 : vector<1264x80xf32> to vector<1x1264x80xf32>
    tpu.vector_store %arg4[%swap3A_21, %swap3A_22, %swap3A_23], %swap3A_26 {strides = array<i32>} : memref<2x1264x80xf32, #tpu.memory_space<vmem>>, vector<1x1264x80xf32>,
    return
  }
  func.func @transform_0(%arg0: i32) -> (i32, i32) {
    %c0_i32 = arith.constant 0 : i32
    %c0_i32_0 = arith.constant 0 : i32
    return %arg0, %c0_i32 : i32, i32
  }
  func.func @transform_1(%arg0: i32) -> (i32, i32) {
    %c0_i32 = arith.constant 0 : i32
    %c0_i32_0 = arith.constant 0 : i32
    %c0_i32_1 = arith.constant 0 : i32
    return %c0_i32, %c0_i32_0 : i32, i32
  }
  func.func @transform_2(%arg0: i32) -> (i32, i32) {
    %c0_i32 = arith.constant 0 : i32
    %c0_i32_0 = arith.constant 0 : i32
    %c0_i32_1 = arith.constant 0 : i32
    return %c0_i32, %c0_i32_0 : i32, i32
  }
  func.func @transform_3(%arg0: i32) -> (i32, i32, i32) {
    %c0_i32 = arith.constant 0 : i32
    %c0_i32_0 = arith.constant 0 : i32
    %c0_i32_1 = arith.constant 0 : i32
    return %c0_i32, %arg0, %c0_i32_0 : i32, i32, i32
  }
}

</mosaic_0001>

<sc_bundles>
// kernel: kernel.4.cloned.1.call-start
scs
__scs_entry_jumppad:
0x0: {  	(pc) =	sbr.rel $0x88, $3  }
0x1: {  	(tag) =	ssettag $0x0;
	lr =	simm.s32 $0x1  }
0x2: {  	[smem:$0x3F9D] =	sst lr;
	_ =	strace $0xD0000000  }
0x3: {  	_ = 	snop  }
0x4: {  	_ = 	snop  }
0x5: {  	_ = 	snop  }
0x6: {  	_ = 	snop  }
0x7: {  	_ = 	snop  }
__scs_overlays_trampoline_lowered:
0x8: {  	[smem:$0x3FAC] =	sst s0  }
0x9: {  	[smem:$0x3FAD] =	sst s1  }
0xa: {  	[smem:$0x3FAE] =	sst s2  }
0xb: {  	[smem:$0x3FAF] =	sst s3  }
0xc: {  	[smem:$0x3FB0] =	sst s4  }
0xd: {  	[smem:$0x3FB1] =	sst s5  }
0xe: {  	[smem:$0x3FB2] =	sst s6  }
0xf: {  	[smem:$0x3FB3] =	sst s7  }
0x10: {  	[smem:$0x3FB4] =	sst s8  }
0x11: {  	[smem:$0x3FB5] =	sst s9;
	s0 =	simm.s32 @!p0 $0x0  }
0x12: {  	s1 =	sld [smem:$0x3F9B];
	s0 =	simm.s32 @p0 $0x1  }
0x13: {  	[smem:$0x3FB6] =	sst s0;
	s0 =	simm.s32 @!p1 $0x0  }
0x14: {  	s2 =	sld [smem:$0x3F9A];
	s0 =	simm.s32 @p1 $0x1  }
0x15: {  	[smem:$0x3FB7] =	sst s0;
	s0 =	simm.s32 @!p2 $0x0  }
0x16: {  	s3 =	sld [smem:$0x3FDB];
	s0 =	simm.s32 @p2 $0x1  }
0x17: {  	s4 =	simm.s32 $0x1BF5;
	[smem:$0x3FB9] =	sst s0  }
0x18: {  	s0 =	sld [smem:$0x3F9C];
	_ =	swait.ge [sflag:s4], $0x0  }
0x19: {  	s7 =	sld [smem:$0x3F9D]  }
0x1a: {  	s8 =	sadd.s32 $0xFFFFE003, lr  }
0x1b: {  	s9 =	sadd.s32 $0xFFFFFEF7, lr;
	s5 =	simm.s32 $0xFFFFFFFF;
	p2 =	slt.u32 s8, $0xFFFFF086  }
0x1c: {  	p1 =	slt.u32 s9, $0xF7A;
	s5 =	simm.s32 @!p2 $0x0  }
0x1d: {  	s5 =	simm.s32 @p1 $0x1;
	p0 =	seq.s32 s7, s2  }
0x1e: {  	s7 =	smul.u32 @!p0 $0xF7A, s2;
	p2 =	seq.s32 @!p0 s5, $0x0  }
0x1f: {  	s9 =	smul.u32 $0xF7A, s1;
	s8 =	simm.s32 @!p0 $0x1BF5;
	p2 =	por !p2, p0  }
0x20: {  	[sflag:s8] =	ssyncset.s32 @!p0 $0xFFFFF086;
	s6 =	sadd.s32 @!p0 s3, s7;
	s7 =	simm.s32 @!p0 $0x108  }
0x21: {  	s3 =	sadd.s32 s3, s9;
	s6 =	sadd.s32 @!p0 $0x88, s6;
	s7 =	simm.s32 @p2 $0x1082  }
0x22: {  	[simem:s7], [sflag:s8] =	dma.local @!p0 [hbm:s6], $0xF7A  }
0x23: {  	s9 =	sor.u32 $0xD0000000, s2;
	s6 =	simm.s32 $0x108;
	_ =	swait.ge @!p0 [sflag:s8], $0x0  }
0x24: {  	s3 =	sadd.s32 $0x88, s3;
	s6 =	simm.s32 @!p1 $0x1082;
	[sflag:s4] =	ssyncset.s32 $0xFFFFF086  }
0x25: {  	[simem:s6], [sflag:s4] =	dma.local [hbm:s3], $0xF7A  }
0x26: {  	[smem:$0x3F9D] =	sst s1;
	(tag) =	ssettag s2;
	_ =	strace s9  }
0x27: {  	s1 =	sld [smem:$0x3FAD]  }
0x28: {  	s2 =	sld [smem:$0x3FAE]  }
0x29: {  	s4 =	sld [smem:$0x3FB0]  }
0x2a: {  	p0 =	seq.s32 s5, $0x0;
	s5 =	sld [smem:$0x3FB1]  }
0x2b: {  	s6 =	sld [smem:$0x3FB2]  }
0x2c: {  	s7 =	sld [smem:$0x3FB3]  }
0x2d: {  	s3 =	simm.s32 $0x108;
	s8 =	sld [smem:$0x3FB4]  }
0x2e: {  	s3 =	simm.s32 @!p0 $0x1082;
	s9 =	sld [smem:$0x3FB5]  }
0x2f: {  	lr =	sadd.s32 s0, s3;
	s0 =	sld [smem:$0x3FAC]  }
0x30: {  	s3 =	sld [smem:$0x3FAF]  }
0x31: {  	[smem:$0x3FB8] =	sst s10  }
0x32: {  	s10 =	sld [smem:$0x3FB6];
	_ =	sdelay $0x3  }
0x33: {  	p0 =	seq.s32 s10, $0x1;
	s10 =	sld [smem:$0x3FB8];
	_ =	sdelay $0x3  }
0x34: {  	[smem:$0x3FB8] =	sst s10  }
0x35: {  	s10 =	sld [smem:$0x3FB7];
	_ =	sdelay $0x3  }
0x36: {  	p1 =	seq.s32 s10, $0x1;
	s10 =	sld [smem:$0x3FB8];
	_ =	sdelay $0x3  }
0x37: {  	[smem:$0x3FB8] =	sst s10  }
0x38: {  	s10 =	sld [smem:$0x3FB9]  }
0x39: {  	_ = 	snop;
	(pc) =	sbr.ind lr, $3  }
0x3a: {  	_ = 	snop  }
0x3b: {  	_ = 	snop  }
0x3c: {  	p2 =	seq.s32 s10, $0x1;
	s10 =	sld [smem:$0x3FB8]  }
0x3d: {  	_ =	shalt  }
0x3e: {  	_ =	shalt  }
0x3f: {  	_ =	shalt  }
0x40: {  	_ =	shalt  }
0x41: {  	_ =	shalt  }
0x42: {  	_ =	shalt  }
0x43: {  	_ =	shalt  }
0x44: {  	_ =	shalt  }
0x45: {  	_ =	shalt  }
0x46: {  	_ =	shalt  }
0x47: {  	_ =	shalt  }
0x48: {  	_ =	shalt  }
0x49: {  	_ =	shalt  }
0x4a: {  	_ =	shalt  }
0x4b: {  	_ =	shalt  }
0x4c: {  	_ =	shalt  }
0x4d: {  	_ =	shalt  }
0x4e: {  	_ =	shalt  }
0x4f: {  	_ =	shalt  }
0x50: {  	_ =	shalt  }
0x51: {  	_ =	shalt  }
0x52: {  	_ =	shalt  }
0x53: {  	_ =	shalt  }
0x54: {  	_ =	shalt  }
0x55: {  	_ =	shalt  }
0x56: {  	_ =	shalt  }
0x57: {  	_ =	shalt  }
0x58: {  	_ =	shalt  }
0x59: {  	_ =	shalt  }
0x5a: {  	_ =	shalt  }
0x5b: {  	_ =	shalt  }
0x5c: {  	_ =	shalt  }
0x5d: {  	_ =	shalt  }
0x5e: {  	_ =	shalt  }
0x5f: {  	_ =	shalt  }
0x60: {  	_ =	shalt  }
0x61: {  	_ =	shalt  }
0x62: {  	_ =	shalt  }
0x63: {  	_ =	shalt  }
0x64: {  	_ =	shalt  }
0x65: {  	_ =	shalt  }
0x66: {  	_ =	shalt  }
0x67: {  	_ =	shalt  }
0x68: {  	_ =	shalt  }
0x69: {  	_ =	shalt  }
0x6a: {  	_ =	shalt  }
0x6b: {  	_ =	shalt  }
0x6c: {  	_ =	shalt  }
0x6d: {  	_ =	shalt  }
0x6e: {  	_ =	shalt  }
0x6f: {  	_ =	shalt  }
0x70: {  	_ =	shalt  }
0x71: {  	_ =	shalt  }
0x72: {  	_ =	shalt  }
0x73: {  	_ =	shalt  }
0x74: {  	_ =	shalt  }
0x75: {  	_ =	shalt  }
0x76: {  	_ =	shalt  }
0x77: {  	_ =	shalt  }
0x78: {  	_ =	shalt  }
0x79: {  	_ =	shalt  }
0x7a: {  	_ =	shalt  }
0x7b: {  	_ =	shalt  }
0x7c: {  	_ =	shalt  }
0x7d: {  	_ =	shalt  }
0x7e: {  	_ =	shalt  }
0x7f: {  	_ =	shalt  }
0x80: {  	_ =	shalt  }
0x81: {  	_ =	shalt  }
0x82: {  	_ =	shalt  }
0x83: {  	_ =	shalt  }
0x84: {  	_ =	shalt  }
0x85: {  	_ =	shalt  }
0x86: {  	_ =	shalt  }
0x87: {  	_ =	shalt  }
.Lfunc_end0:
.L_simem_size_0:
called_computation_lowered:
.L_overlay_start_0:
0x88: {  	s2 =	sld [smem:$0x3FD9]  }
0x89: {  	s3 =	sld [smem:$0x3FFE];
	_ =	sdelay $0x1  }
0x8a: {  	s1 =	srdreg.scid  }
0x8b: {  	s0 =	sand.u32 $0x1, s1  }
0x8c: {  	s17 =	sshll.u32 s0, $0xA;
	s2 =	sadd.s32 s3, s2  }
0x8d: {  	s2 =	sadd.s32 s2, s17  }
0x8e: {  	[smem:$0x3FC4] =	sst s2  }
0x8f: {  	_ = 	snop  }
0x90: {  	s2 =	sld [smem:$0x3FD0];
	(tm) =	ssettm $0x1  }
0x91: {  	s18 =	sld [smem:$0x3FFB];
	_ =	sdelay $0x3  }
0x92: {  	_ =	strace s18  }
0x93: {  	s3 =	sld [smem:$0x3FFC];
	_ =	sdelay $0x3  }
0x94: {  	_ =	strace s3  }
0x95: {  	s3 =	sld [smem:$0x3FFD];
	_ =	sdelay $0x3  }
0x96: {  	_ =	strace s3  }
0x97: {  	_ =	strace $0x8FFFFFFF  }
0x98: {  	s19 =	sld [smem:$0x3FDB];
	_ =	sdelay $0x1  }
0x99: {  	s4 =	simm.s32 $_scs_section_size  }
0x9a: {  	s5 =	simm.s32 $_size__tile_overlayer_lowered;
	s6 =	simm.s32 $_tile_overlayer_lowered  }
0x9b: {  	s22 =	simm.s32 $0x1BFF;
	s21 =	sshll.u32 s6, $0x1;
	s3 =	sadd.s32 s4, s19  }
0x9c: {  	s7 =	simm.s32 $0x0;
	s20 =	sshll.u32 s5, $0x1;
	s5 =	sadd.s32 s21, s3  }
0x9d: {  	[timem:s7], [sflag:s22] =	dma.local [hbm:s5], s20  }
0x9e: {  	_ =	swait.ge [sflag:s22], s20  }
0x9f: {  	s4 =	ssub.s32 $0x0, s20;
	[sflag:s22] =	ssyncset.done $0x0  }
0xa0: {  	[sflag:s22] =	ssyncadd.s32 s4;
	_ =	sdelay $0x1  }
0xa1: {  	s23 =	simm.s32 $0x1B8B  }
0xa2: {  	_ =	swait.ge [sflag:s23], $0x1  }
0xa3: {  	[sflag:s23] =	ssyncset.done $0x0  }
0xa4: {  	s25 =	simm.s32 $0x1B8E;
	s24 =	sld [smem:$0x3FFE];
	[sflag:s23] =	ssyncadd.s32 $0xFFFFFFFF  }
0xa5: {  	s26 =	simm.s32 $execute0_lowered;
	[smem:$0x3FD2] =	sst s25  }
0xa6: {  	s5 =	sshll.u32 s26, $0x1;
	_ =	strace $0x80000046;
	[dreg:$0x1] =	wrdreg $0xFFFFFFFF  }
0xa7: {  	s28 =	simm.s32 $_size_execute0_lowered;
	s3 =	sadd.s32 s3, s5;
	[dreg:$0x0] =	wrdreg $0x0  }
0xa8: {  	s5 =	sshll.u32 s28, $0x1;
	[dreg:$0x2] =	wrdreg s3  }
0xa9: {  	[dreg:$0x3] =	wrdreg s5  }
0xaa: {  	[dreg:$0x4] =	wrdreg $0xC0  }
0xab: {  	_ =	task [dreg:s7], $0x5FFFF  }
0xac: {  	[dreg:$0x1] =	wrdreg $0xFFFFFFFF  }
0xad: {  	[dreg:$0x0] =	wrdreg $0x60  }
0xae: {  	[dreg:$0x2] =	wrdreg s24  }
0xaf: {  	[dreg:$0x3] =	wrdreg s2  }
0xb0: {  	[dreg:$0x4] =	wrdreg $0x4C000  }
0xb1: {  	[dreg:$0x5] =	wrdreg $0x111800  }
0xb2: {  	[dreg:$0x6] =	wrdreg $0x9  }
0xb3: {  	_ =	task.clear_ibuf [dreg:s7], $0x7FFFF;
	_ =	strace $0x90000046  }
0xb4: {  	s29 =	simm.s32 $0x9;
	_ =	strace $0x80000048  }
0xb5: {  	_ =	swait.ge [sflag:s29], $0x1  }
0xb6: {  	[sflag:s29] =	ssyncadd.s32 $0xFFFFFFFF  }
0xb7: {  	_ =	strace $0x90000048  }
0xb8: {  	_ =	sfence  }
0xb9: {  	s30 =	sld [smem:$0x0];
	_ =	sdelay $0x2  }
0xba: {  	s31 =	sshll.u32 s1, $0xD;
	s1 =	sshrl.u32 s1, $0x2  }
0xbb: {  	s3 =	sand.u32 $0x4000, s31;
	s1 =	sadd.s32 s1, s30  }
0xbc: {  	s0 =	sor.u32 s3, s0;
	s1 =	sshll.u32 s1, $0x11  }
0xbd: {  	s0 =	sor.u32 s1, s0  }
0xbe: {  	s0 =	sadd.s32 $0x8F2B, s0  }
0xbf: {  	[sflag:s0] =	ssyncadd.remote.s32 $0x1  }
0xc0: {  	_ =	sfence.sel $0xFFFF  }
0xc1: {  	[dreg:$0x0] =	wrdreg $0xFFFFFFFF;
	(pc) =	sbr.abs _section_cstart, $3  }
0xc2: {  	[dreg:$0x1] =	wrdreg $0xFFFFFFFF  }
0xc3: {  	_ =	task.clear_ibuf [dreg:s7], $0x2FFFF;
	_ =	strace $0x9FFFFFFF  }
0xc4: {  	(tm) =	ssettm $0x7FFFFFFF  }
0xc5: {  	_ =	shalt  }
tec
execute0_lowered:
.L_overlay_start_1:
0x0: {  	(tag) =	ssettag $0x1  }
0x1: {  	s0 =	rddreg [dreg:$0x0]  }
0x2: {  	s6 =	rddreg [dreg:$0x1]  }
0x3: {  	s2 =	rddreg [dreg:$0x2];
	s1 =	srdreg.scid  }
0x4: {  	s16 =	stileid.u32;
	s3 =	rddreg [dreg:$0x3];
	s4 =	simm.s32 $0x0  }
0x5: {  	s29 =	simm.s32 $0x40;
	s30 =	simm.s32 $0x2800;
	s8 =	smul.u32 $0xC580, s16  }
0x6: {  	s31 =	simm.s32 $0x1;
	s7 =	sand.u32 $0x1, s1;
	s9 =	smul.u32 $0x278, s16  }
0x7: {  	[smem:$0x7FF] =	sst s4;
	s5 =	sadd.s32 $0x800, s0;
	s13 =	smul.u32 $0x31600, s16  }
0x8: {  	s22 =	sshll.u32 s16, $0x6;
	s23 =	smul.u32 $0x13C00, s16;
	p0 =	seq.s32 s16, $0xF  }
0x9: {  	s1 =	smul.u32 $0xC5800, s7;
	_ =	strace $0x80000047;
	s10 =	ssub.s32 $0x2, s7  }
0xa: {  	s14 =	sshll.u32 s7, $0x6;
	s7 =	sshll.u32 s7, $0x3;
	s20 =	sshrl.u32 s10, $0x1  }
0xb: {  	s12 =	sadd.s32 $0x40, s9;
	s28 =	sadd.s32 s8, s3;
	s9 =	sshll.u32 s9, $0x7  }
0xc: {  	s15 =	sadd.s32 $0xA000, s13;
	s1 =	sadd.s32 s8, s1;
	s21 =	smul.u32 $0x140, s12  }
0xd: {  	s12 =	sshll.u32 s12, $0x7;
	s9 =	sor.u32 s14, s9;
	s1 =	sshrl.u32 s1, $0x3  }
0xe: {  	s12 =	sor.u32 s14, s12;
	s26 =	sadd.s32 $0x4000, s9;
	s17 =	sadd.s32 $0x6000, s9  }
0xf: {  	s11 =	sadd.s32 s1, s0;
	s1 =	ssub.s32 s10, s20;
	s0 =	sadd.s32 s8, s2  }
0x10: {  	s10 =	sshrl.u32 s21, $0x2;
	s25 =	sshrl.u32 s12, $0x3;
	s19 =	sshrl.u32 s17, $0x3  }
0x11: {  	s20 =	sadd.s32 $0x8000, s9;
	s8 =	sshrl.u32 s15, $0x2;
	s11 =	sadd.s32 $0x14800, s11  }
0x12: {  	s12 =	sadd.s32 $0x1E000, s13;
	s21 =	sadd.s32 s6, s19;
	[dreg:$0x5] =	wrdreg s11  }
0x13: {  	s1 =	smax.u32 s1, $0x1;
	s0 =	sshrl.u32 s0, $0x3;
	[dreg:$0xa] =	wrdreg s21  }
0x14: {  	s11 =	sor.u32 $0x1C02, s22;
	s22 =	sshrl.u32 s20, $0x3;
	[dreg:$0x1c] =	wrdreg s1  }
0x15: {  	s21 =	sadd.s32 $0x10000, s9;
	[dreg:$0x1d] =	wrdreg s0;
	s1 =	simm.s32 $0x1380  }
0x16: {  	s0 =	simm.s32 $0x1340;
	[dreg:$0x6] =	wrdreg s11;
	s11 =	sor.u32 s14, s23  }
0x17: {  	s14 =	sshrl.u32 s26, $0x3;
	s23 =	sadd.s32 $0xA000, s9;
	s26 =	sadd.s32 $0xC000, s9  }
0x18: {  	s11 =	sshrl.u32 s11, $0x3;
	s18 =	sadd.s32 s6, s14;
	s17 =	sshrl.u32 s26, $0x3  }
0x19: {  	s26 =	sadd.s32 $0xF000, s13;
	s24 =	sadd.s32 s6, s11;
	s11 =	sadd.s32 s6, s25  }
0x1a: {  	[dreg:$0x9] =	wrdreg s18;
	s25 =	sshrl.u32 s23, $0x3;
	s18 =	sadd.s32 $0xE000, s9  }
0x1b: {  	s19 =	sadd.s32 s6, s17;
	s23 =	sshrl.u32 s21, $0x3;
	[dreg:$0x7] =	wrdreg s24  }
0x1c: {  	s9 =	sadd.s32 $0x12000, s9;
	s17 =	sshrl.u32 s12, $0x2;
	[dreg:$0x8] =	wrdreg s11  }
0x1d: {  	s24 =	sadd.s32 s6, s22;
	s14 =	sadd.s32 s6, s25;
	[dreg:$0xd] =	wrdreg s19  }
0x1e: {  	s20 =	sshrl.u32 s18, $0x3;
	s9 =	sshrl.u32 s9, $0x3;
	s11 =	sadd.s32 $0x19000, s13  }
0x1f: {  	s18 =	sadd.s32 $0x23000, s13;
	s19 =	sadd.s32 $0x28000, s13;
	[dreg:$0xb] =	wrdreg s24  }
0x20: {  	[dreg:$0xc] =	wrdreg s14;
	s22 =	sadd.s32 s6, s20;
	s24 =	sadd.s32 s6, s23  }
0x21: {  	s25 =	sadd.s32 s6, s9;
	s6 =	sadd.s32 s7, s6;
	s14 =	sadd.s32 s10, s3  }
0x22: {  	s7 =	sshrl.u32 s26, $0x2;
	s9 =	sadd.s32 s8, s3;
	[dreg:$0xe] =	wrdreg s22  }
0x23: {  	s10 =	sadd.s32 $0x14000, s13;
	s15 =	sshrl.u32 s11, $0x2;
	[dreg:$0xf] =	wrdreg s24  }
0x24: {  	s20 =	sadd.s32 $0x2D000, s13;
	s26 =	sshrl.u32 s19, $0x2;
	[dreg:$0x10] =	wrdreg s25  }
0x25: {  	[dreg:$0x11] =	wrdreg s9;
	s21 =	sadd.s32 s7, s3;
	s7 =	sshrl.u32 s10, $0x2  }
0x26: {  	s23 =	sadd.s32 s15, s3;
	s24 =	sadd.s32 s17, s3;
	s11 =	sadd.s32 $0x25080, s6  }
0x27: {  	s8 =	sshrl.u32 s20, $0x2;
	s12 =	sadd.s32 $0x25480, s6;
	[dreg:$0x13] =	wrdreg s11  }
0x28: {  	s26 =	sadd.s32 s26, s3;
	s13 =	sadd.s32 $0x25880, s6;
	[dreg:$0x14] =	wrdreg s12  }
0x29: {  	s15 =	sadd.s32 $0x25C80, s6;
	s17 =	sadd.s32 $0x26080, s6;
	[dreg:$0x15] =	wrdreg s13  }
0x2a: {  	s19 =	sadd.s32 $0x26880, s6;
	s20 =	sadd.s32 $0x26C80, s6;
	[dreg:$0x16] =	wrdreg s15  }
0x2b: {  	s9 =	simm.s32 $0x13C0;
	s22 =	sadd.s32 s7, s3;
	[dreg:$0x17] =	wrdreg s17  }
0x2c: {  	s7 =	sshrl.u32 s18, $0x2;
	s10 =	sadd.s32 s8, s3;
	[dreg:$0x19] =	wrdreg s19  }
.Ltmp0:
0x2d: {  	s18 =	sadd.s32 $0x26480, s6;
	[dreg:$0x1a] =	wrdreg s20;
	(pc) =	sbr.rel .LBB2_1-.Ltmp0, $4  }
0x2e: {  	s6 =	sadd.s32 $0x27080, s6;
	s15 =	smul.u32 $0x140, s16;
	s16 =	simm.s32 $0x1400  }
0x2f: {  	s17 =	simm.s32 $0x3;
	s11 =	simm.s32 $0x3C00;
	[dreg:$0x12] =	wrdreg s10  }
0x30: {  	s12 =	simm.s32 $0x0;
	s25 =	sadd.s32 s7, s3;
	[dreg:$0x18] =	wrdreg s18  }
0x31: {  	v0 =	vimm.f32 $0.0e+00;
	[dreg:$0x1b] =	wrdreg s6;
	s18 =	simm.s32 $0x2;
	s10 =	simm.s32 $0x80  }
.LBB2_48:
0x32: {  	s12 =	sadd.s32 $0x1, s12;
	s6 =	rddreg [dreg:$0x1c]  }
0x33: {  	p1 =	sne.s32 s12, s6  }
.Ltmp1:
0x34: {  	_ = 	snop;
	(pc) =	sbr.rel @!p1 .LBB2_49-.Ltmp1, $1  }
0x35: {  	_ =	sdelay $0x3  }
.LBB2_1:
0x36: {  	s6 =	rddreg [dreg:$0x5]  }
0x37: {  	s7 =	rddreg [dreg:$0x6]  }
0x38: {  	s8 =	rddreg [dreg:$0x1d]  }
0x39: {  	[spmem:s8], [sflag:s7] =	dma.local [hbm:s6], $0x18B0  }
0x3a: {  	s7 =	simm.s32 $0x240;
	s6 =	simm.s32 $0x40  }
.LBB2_2:
0x3b: {  	p1 =	sne.s32 s7, $0x4FC0;
	[tilespmem:s6+$0x1400] =	vst v0;
	s13 =	smov.u32 s7;
	s7 =	sadd.s32 $0x140, s7  }
.Ltmp2:
0x3c: {  	[tilespmem:s6+$0x13F0] =	vst v0;
	(pc) =	sbr.rel @p1 .LBB2_2-.Ltmp2, $4  }
0x3d: {  	[tilespmem:s6+$0x13E0] =	vst v0  }
0x3e: {  	[tilespmem:s6+$0x13C0] =	vst v0  }
0x3f: {  	[tilespmem:s6+$0x13D0] =	vst v0  }
0x40: {  	s6 =	sshra.s32 s13, $0x2  }
0x41: {  	[tilespmem:s6+$0x1400] =	vst v0  }
0x42: {  	[tilespmem:s6+$0x13F0] =	vst v0  }
0x43: {  	[tilespmem:s6+$0x13E0] =	vst v0  }
0x44: {  	[tilespmem:s6+$0x13C0] =	vst v0  }
0x45: {  	[tilespmem:s6+$0x13D0] =	vst v0  }
0x46: {  	[spmem:s28] =	stream.linear.scatter [tilespmem:s16], [sflag:$0x3], $0x1400, $0x38;
	[tilespmem:$0x1D700] =	vst v63  }
0x47: {  	_ =	swait.ge [sflag:s17], $0x1400  }
0x48: {  	[sflag:s17] =	ssyncset.done $0x0  }
0x49: {  	[sflag:s17] =	ssyncadd.s32 $0xFFFFEC00  }
0x4a: {  	[spmem:s14] =	stream.linear.scatter [tilespmem:s16], [sflag:$0x3], $0x1400, $0x38;
	[tilespmem:$0x1D700] =	vst v63  }
0x4b: {  	_ =	swait.ge [sflag:s17], $0x1400  }
0x4c: {  	[sflag:s17] =	ssyncset.done $0x0  }
0x4d: {  	s20 =	smov.u32 s14;
	s14 =	rddreg [dreg:$0x11];
	[sflag:s17] =	ssyncadd.s32 $0xFFFFEC00  }
0x4e: {  	[spmem:s14] =	stream.linear.scatter [tilespmem:s16], [sflag:$0x3], $0x1400, $0x38;
	[tilespmem:$0x1D700] =	vst v63  }
0x4f: {  	_ =	swait.ge [sflag:s17], $0x1400  }
0x50: {  	[sflag:s17] =	ssyncset.done $0x0  }
0x51: {  	[sflag:s17] =	ssyncadd.s32 $0xFFFFEC00  }
0x52: {  	[spmem:s21] =	stream.linear.scatter [tilespmem:s16], [sflag:$0x3], $0x1400, $0x38;
	[tilespmem:$0x1D700] =	vst v63  }
0x53: {  	_ =	swait.ge [sflag:s17], $0x1400  }
0x54: {  	[sflag:s17] =	ssyncset.done $0x0  }
0x55: {  	[sflag:s17] =	ssyncadd.s32 $0xFFFFEC00  }
0x56: {  	[spmem:s22] =	stream.linear.scatter [tilespmem:s16], [sflag:$0x3], $0x1400, $0x38;
	[tilespmem:$0x1D700] =	vst v63  }
0x57: {  	_ =	swait.ge [sflag:s17], $0x1400  }
0x58: {  	[sflag:s17] =	ssyncset.done $0x0  }
0x59: {  	[sflag:s17] =	ssyncadd.s32 $0xFFFFEC00  }
0x5a: {  	[spmem:s23] =	stream.linear.scatter [tilespmem:s16], [sflag:$0x3], $0x1400, $0x38;
	[tilespmem:$0x1D700] =	vst v63  }
0x5b: {  	_ =	swait.ge [sflag:s17], $0x1400  }
0x5c: {  	[sflag:s17] =	ssyncset.done $0x0  }
0x5d: {  	[sflag:s17] =	ssyncadd.s32 $0xFFFFEC00  }
0x5e: {  	[spmem:s24] =	stream.linear.scatter [tilespmem:s16], [sflag:$0x3], $0x1400, $0x38;
	[tilespmem:$0x1D700] =	vst v63  }
0x5f: {  	_ =	swait.ge [sflag:s17], $0x1400  }
0x60: {  	[sflag:s17] =	ssyncset.done $0x0  }
0x61: {  	[sflag:s17] =	ssyncadd.s32 $0xFFFFEC00  }
0x62: {  	[spmem:s25] =	stream.linear.scatter [tilespmem:s16], [sflag:$0x3], $0x1400, $0x38;
	[tilespmem:$0x1D700] =	vst v63  }
0x63: {  	_ =	swait.ge [sflag:s17], $0x1400  }
0x64: {  	[sflag:s17] =	ssyncset.done $0x0  }
0x65: {  	[sflag:s17] =	ssyncadd.s32 $0xFFFFEC00  }
0x66: {  	[spmem:s26] =	stream.linear.scatter [tilespmem:s16], [sflag:$0x3], $0x1400, $0x38;
	[tilespmem:$0x1D700] =	vst v63  }
0x67: {  	_ =	swait.ge [sflag:s17], $0x1400  }
0x68: {  	[sflag:s17] =	ssyncset.done $0x0  }
0x69: {  	s19 =	smov.u32 s28;
	s28 =	rddreg [dreg:$0x12];
	[sflag:s17] =	ssyncadd.s32 $0xFFFFEC00  }
0x6a: {  	[spmem:s28] =	stream.linear.scatter [tilespmem:s16], [sflag:$0x3], $0x1180, $0x38;
	[tilespmem:$0x1D700] =	vst v63  }
0x6b: {  	_ =	swait.ge [sflag:s17], $0x1180  }
0x6c: {  	[sflag:s17] =	ssyncset.done $0x0  }
0x6d: {  	[sflag:s17] =	ssyncadd.s32 $0xFFFFEE80  }
0x6e: {  	_ =	swait.ge [sflag:s18], $0x18B0  }
0x6f: {  	[sflag:s18] =	ssyncset.done $0x0  }
0x70: {  	[sflag:s18] =	ssyncadd.s32 $0xFFFFE750  }
0x71: {  	s6 =	simm.s32 $0x0;
	[bflag:$0x0] =	sbarrier.arrive $0xFFFF  }
.LBB2_4:
0x72: {  	s7 =	smul.u32 $0x28, s6;
	_ =	sdelay $0x1  }
0x73: {  	s7 =	sadd.s32 s15, s7  }
0x74: {  	s7 =	sshll.u32 s7, $0x4  }
0x75: {  	s7 =	sadd.s32 s5, s7  }
0x76: {  	[tilespmem:s4], [sflag:$0x3] =	stream.linear.gather [hbm4b:s7+s4], $0x1400, $0x38;
	[tilespmem:$0x1D700] =	vst v63  }
0x77: {  	_ =	swait.ge [sflag:s17], $0x1400  }
0x78: {  	[sflag:s17] =	ssyncset.done $0x0  }
0x79: {  	[sflag:s17] =	ssyncadd.s32 $0xFFFFEC00  }
0x7a: {  	[tilespmem:s16], [sflag:$0x1] =	stream.indirect.gather [spmem:s2], $0x50, s4, s29, $0xb8;
	[tilespmem:$0x1D700] =	vst v63  }
0x7b: {  	s8 =	simm.s32 $0x80  }
0x7c: {  	[tilespmem:s30], [sflag:$0x2] =	stream.indirect.gather [spmem:s2], $0x50, s8, s29, $0xb8;
	[tilespmem:$0x1D700] =	vst v63  }
0x7d: {  	_ =	swait.ge [sflag:s31], $0x1400  }
0x7e: {  	[sflag:s31] =	ssyncset.done $0x0  }
0x7f: {  	s13 =	simm.s32 $0x40;
	[sflag:s31] =	ssyncadd.s32 $0xFFFFEC00  }
0x80: {  	[spmem:s3] =	stream.indirect.scatter.add.f32 [tilespmem:s16], [sflag:$0x3], $0x50, s13, s29, $0xb8;
	[tilespmem:$0x1D700] =	vst v63  }
0x81: {  	_ =	swait.ge [sflag:s17], $0x1400  }
0x82: {  	[sflag:s17] =	ssyncset.done $0x0  }
0x83: {  	s14 =	simm.s32 $0x100;
	[sflag:s17] =	ssyncadd.s32 $0xFFFFEC00  }
0x84: {  	[tilespmem:s16], [sflag:$0x1] =	stream.indirect.gather [spmem:s2], $0x50, s14, s29, $0xb8;
	[tilespmem:$0x1D700] =	vst v63  }
0x85: {  	_ =	swait.ge [sflag:s18], $0x1400  }
0x86: {  	[sflag:s18] =	ssyncset.done $0x0  }
0x87: {  	s28 =	simm.s32 $0xC0;
	[sflag:s18] =	ssyncadd.s32 $0xFFFFEC00  }
0x88: {  	[spmem:s3] =	stream.indirect.scatter.add.f32 [tilespmem:s30], [sflag:$0x3], $0x50, s28, s29, $0xb8;
	[tilespmem:$0x1D700] =	vst v63  }
0x89: {  	_ =	swait.ge [sflag:s17], $0x1400  }
0x8a: {  	s7 =	simm.s32 $0xFFFFEE00;
	s13 =	simm.s32 $0xFFFFBC00;
	[sflag:s17] =	ssyncset.done $0x0  }
.LBB2_5:
0x8b: {  	s14 =	sadd.s32 $0x1380, s7  }
0x8c: {  	[sflag:s17] =	ssyncadd.s32 $0xFFFFEC00;
	s28 =	smov.u32 s13;
	s8 =	sadd.s32 $0x400, s13  }
0x8d: {  	[tilespmem:s30], [sflag:$0x2] =	stream.indirect.gather [spmem:s2], $0x50, s14, s29, $0xb8;
	[tilespmem:$0x1D700] =	vst v63  }
0x8e: {  	p1 =	sne.s32 s13, $0xFFFFFC00;
	_ =	swait.ge [sflag:s31], $0x1400  }
0x8f: {  	[sflag:s31] =	ssyncset.done $0x0  }
0x90: {  	s13 =	sadd.s32 $0x1340, s7;
	[sflag:s31] =	ssyncadd.s32 $0xFFFFEC00  }
0x91: {  	[spmem:s3] =	stream.indirect.scatter.add.f32 [tilespmem:s16], [sflag:$0x3], $0x50, s13, s29, $0xb8;
	[tilespmem:$0x1D700] =	vst v63  }
0x92: {  	_ =	swait.ge [sflag:s17], $0x1400  }
0x93: {  	[sflag:s17] =	ssyncset.done $0x0  }
0x94: {  	s13 =	sadd.s32 $0x1400, s7;
	[sflag:s17] =	ssyncadd.s32 $0xFFFFEC00  }
0x95: {  	[tilespmem:s16], [sflag:$0x1] =	stream.indirect.gather [spmem:s2], $0x50, s13, s29, $0xb8;
	[tilespmem:$0x1D700] =	vst v63  }
0x96: {  	_ =	swait.ge [sflag:s18], $0x1400  }
.Ltmp3:
0x97: {  	[sflag:s18] =	ssyncset.done $0x0;
	(pc) =	sbr.rel @p1 .LBB2_5-.Ltmp3, $4  }
0x98: {  	s7 =	sadd.s32 $0x13C0, s7;
	[sflag:s18] =	ssyncadd.s32 $0xFFFFEC00  }
0x99: {  	[spmem:s3] =	stream.indirect.scatter.add.f32 [tilespmem:s30], [sflag:$0x3], $0x50, s7, s29, $0xb8;
	[tilespmem:$0x1D700] =	vst v63  }
0x9a: {  	_ =	swait.ge [sflag:s17], $0x1400  }
0x9b: {  	s13 =	smov.u32 s8;
	s7 =	sshra.s32 s28, $0x2;
	[sflag:s17] =	ssyncset.done $0x0  }
0x9c: {  	s8 =	sadd.s32 $0x1380, s7;
	[sflag:s17] =	ssyncadd.s32 $0xFFFFEC00  }
0x9d: {  	[tilespmem:s30], [sflag:$0x2] =	stream.indirect.gather [spmem:s2], $0x50, s8, s29, $0xb8;
	[tilespmem:$0x1D700] =	vst v63  }
0x9e: {  	_ =	swait.ge [sflag:s31], $0x1400  }
0x9f: {  	[sflag:s31] =	ssyncset.done $0x0  }
0xa0: {  	s13 =	sadd.s32 $0x1340, s7;
	[sflag:s31] =	ssyncadd.s32 $0xFFFFEC00  }
0xa1: {  	[spmem:s3] =	stream.indirect.scatter.add.f32 [tilespmem:s16], [sflag:$0x3], $0x50, s13, s29, $0xb8;
	[tilespmem:$0x1D700] =	vst v63  }
0xa2: {  	_ =	swait.ge [sflag:s17], $0x1400  }
0xa3: {  	[sflag:s17] =	ssyncset.done $0x0  }
0xa4: {  	s14 =	sadd.s32 $0x1400, s7;
	[sflag:s17] =	ssyncadd.s32 $0xFFFFEC00  }
0xa5: {  	[tilespmem:s16], [sflag:$0x1] =	stream.indirect.gather [spmem:s2], $0x50, s14, s29, $0xb8;
	[tilespmem:$0x1D700] =	vst v63  }
0xa6: {  	_ =	swait.ge [sflag:s18], $0x1400  }
0xa7: {  	[sflag:s18] =	ssyncset.done $0x0  }
0xa8: {  	s28 =	sadd.s32 $0x13C0, s7;
	[sflag:s18] =	ssyncadd.s32 $0xFFFFEC00  }
0xa9: {  	[spmem:s3] =	stream.indirect.scatter.add.f32 [tilespmem:s30], [sflag:$0x3], $0x50, s28, s29, $0xb8;
	[tilespmem:$0x1D700] =	vst v63  }
0xaa: {  	_ =	swait.ge [sflag:s17], $0x1400  }
0xab: {  	[sflag:s17] =	ssyncset.done $0x0  }
0xac: {  	[sflag:s17] =	ssyncadd.s32 $0xFFFFEC00  }
0xad: {  	[tilespmem:s30], [sflag:$0x2] =	stream.indirect.gather [spmem:s2], $0x50, s1, s29, $0xb8;
	[tilespmem:$0x1D700] =	vst v63  }
0xae: {  	_ =	swait.ge [sflag:s31], $0x1400  }
0xaf: {  	[sflag:s31] =	ssyncset.done $0x0  }
0xb0: {  	[sflag:s31] =	ssyncadd.s32 $0xFFFFEC00  }
0xb1: {  	[spmem:s3] =	stream.indirect.scatter.add.f32 [tilespmem:s16], [sflag:$0x3], $0x50, s0, s29, $0xb8;
	[tilespmem:$0x1D700] =	vst v63  }
0xb2: {  	_ =	swait.ge [sflag:s17], $0x1400  }
0xb3: {  	[sflag:s17] =	ssyncset.done $0x0  }
0xb4: {  	[sflag:s17] =	ssyncadd.s32 $0xFFFFEC00  }
0xb5: {  	s6 =	sadd.s32 $0x1, s6;
	_ =	swait.ge [sflag:s18], $0x1400  }
0xb6: {  	p1 =	sne.s32 s6, $0x8;
	[sflag:s18] =	ssyncset.done $0x0  }
.Ltmp4:
0xb7: {  	[sflag:s18] =	ssyncadd.s32 $0xFFFFEC00;
	(pc) =	sbr.rel @p1 .LBB2_4-.Ltmp4, $4  }
0xb8: {  	[spmem:s3] =	stream.indirect.scatter.add.f32 [tilespmem:s30], [sflag:$0x3], $0x50, s9, s29, $0xb8;
	[tilespmem:$0x1D700] =	vst v63  }
0xb9: {  	_ =	swait.ge [sflag:s17], $0x1400  }
0xba: {  	[sflag:s17] =	ssyncset.done $0x0  }
0xbb: {  	[sflag:s17] =	ssyncadd.s32 $0xFFFFEC00  }
.Ltmp5:
0xbc: {  	[bflag:$0x0] =	sbarrier.arrive $0xFFFF;
	(pc) =	sbr.rel @!p0 .LBB2_8-.Ltmp5, $4  }
0xbd: {  	[tilespmem:s16], [sflag:$0x3] =	stream.linear.gather [spmem:s19], $0x1400, $0x38;
	[tilespmem:$0x1D700] =	vst v63  }
0xbe: {  	_ =	swait.ge [sflag:s17], $0x1400  }
0xbf: {  	s28 =	smov.u32 s19;
	[sflag:s17] =	ssyncset.done $0x0  }
0xc0: {  	s7 =	simm.s32 $0x0;
	s6 =	simm.s32 $0x1420;
	[sflag:s17] =	ssyncadd.s32 $0xFFFFEC00  }
0xc1: {  	v1 =	vld [tilespmem:s6+$0x20];
	s13 =	simm.s32 $0x100;
	s14 =	smov.u32 s20  }
.LBB2_30:
0xc2: {  	p1 =	sne.s32 s13, $0x3F00;
	v2 =	vld [tilespmem:s6+$0xFFFFFFE0];
	_ =	sdelay $0x3  }
0xc3: {  	v1 =	vmax.f32 v1, $1.000000000e+00  }
0xc4: {  	v1 =	vbroadcast v1, $0x0;
	_ =	sdelay $0x1  }
0xc5: {  	(erf) = vrcp.f32 v1;
	_ =	sdelay $0x8  }
0xc6: {  	v1 =	vpop (erf)  }
0xc7: {  	v2 =	vmul.f32 v1, v2  }
0xc8: {  	s8 =	sshra.s32 s7, $0x2;
	s7 =	smov.u32 s13  }
0xc9: {  	[tilespmem:s8+$0x3C00] =	vst v2  }
0xca: {  	v2 =	vld [tilespmem:s6+$0xFFFFFFF0];
	_ =	sdelay $0x4  }
0xcb: {  	v2 =	vmul.f32 v1, v2;
	_ =	sdelay $0x1  }
0xcc: {  	[tilespmem:s8+$0x3C10] =	vst v2  }
0xcd: {  	v2 =	vld [tilespmem:s6+$0x0];
	_ =	sdelay $0x4  }
0xce: {  	v2 =	vmul.f32 v2, v1;
	_ =	sdelay $0x1  }
0xcf: {  	[tilespmem:s8+$0x3C20] =	vst v2  }
0xd0: {  	v2 =	vld [tilespmem:s6+$0x10];
	_ =	sdelay $0x3  }
.Ltmp6:
0xd1: {  	(pc) =	sbr.rel @p1 .LBB2_30-.Ltmp6, $3  }
0xd2: {  	v1 =	vmul.f32 v2, v1;
	_ =	sdelay $0x1  }
0xd3: {  	s6 =	sadd.s32 $0x50, s6;
	[tilespmem:s8+$0x3C30] =	vst v1  }
0xd4: {  	s13 =	sadd.s32 $0x100, s13;
	v1 =	vld [tilespmem:s6+$0x20]  }
0xd5: {  	_ =	sdelay $0x3  }
0xd6: {  	v1 =	vmax.f32 v1, $1.000000000e+00  }
0xd7: {  	v1 =	vbroadcast v1, $0x0;
	_ =	sdelay $0x1  }
0xd8: {  	(erf) = vrcp.f32 v1;
	_ =	sdelay $0x4  }
0xd9: {  	v1 =	vld [tilespmem:s6+$0xFFFFFFE0];
	_ =	sdelay $0x3  }
0xda: {  	v2 =	vpop (erf)  }
0xdb: {  	v1 =	vmul.f32 v2, v1  }
0xdc: {  	s7 =	sshra.s32 s7, $0x2  }
0xdd: {  	[tilespmem:s7+$0x3C00] =	vst v1  }
0xde: {  	v1 =	vld [tilespmem:s6+$0xFFFFFFF0];
	_ =	sdelay $0x4  }
0xdf: {  	v1 =	vmul.f32 v2, v1;
	_ =	sdelay $0x1  }
0xe0: {  	[tilespmem:s7+$0x3C10] =	vst v1  }
0xe1: {  	v1 =	vld [tilespmem:s6+$0x0];
	_ =	sdelay $0x4  }
0xe2: {  	v1 =	vmul.f32 v1, v2;
	_ =	sdelay $0x1  }
0xe3: {  	[tilespmem:s7+$0x3C20] =	vst v1  }
0xe4: {  	v1 =	vld [tilespmem:s6+$0x10];
	_ =	sdelay $0x4  }
0xe5: {  	v1 =	vmul.f32 v1, v2;
	_ =	sdelay $0x1  }
0xe6: {  	s20 =	rddreg [dreg:$0x13];
	[tilespmem:s7+$0x3C30] =	vst v1  }
0xe7: {  	[hbm4b:s20+s29] =	stream.strided.scatter [tilespmem:s11], [sflag:$0x3], $0x1000, s10, s29, $0x38;
	[tilespmem:$0x1D700] =	vst v63  }
0xe8: {  	_ =	swait.ge [sflag:s17], $0x1000  }
0xe9: {  	[sflag:s17] =	ssyncset.done $0x0  }
0xea: {  	[sflag:s17] =	ssyncadd.s32 $0xFFFFF000  }
0xeb: {  	[tilespmem:s16], [sflag:$0x3] =	stream.linear.gather [spmem:s14], $0x1400, $0x38;
	[tilespmem:$0x1D700] =	vst v63  }
0xec: {  	_ =	swait.ge [sflag:s17], $0x1400  }
0xed: {  	[sflag:s17] =	ssyncset.done $0x0  }
0xee: {  	s6 =	simm.s32 $0x1420;
	[sflag:s17] =	ssyncadd.s32 $0xFFFFEC00  }
0xef: {  	s13 =	simm.s32 $0x100;
	s7 =	simm.s32 $0x0;
	v1 =	vld [tilespmem:s6+$0x20]  }
.LBB2_32:
0xf0: {  	p1 =	sne.s32 s13, $0x3F00;
	v2 =	vld [tilespmem:s6+$0xFFFFFFE0];
	_ =	sdelay $0x3  }
0xf1: {  	v1 =	vmax.f32 v1, $1.000000000e+00  }
0xf2: {  	v1 =	vbroadcast v1, $0x0;
	_ =	sdelay $0x1  }
0xf3: {  	(erf) = vrcp.f32 v1;
	_ =	sdelay $0x8  }
0xf4: {  	v1 =	vpop (erf)  }
0xf5: {  	v2 =	vmul.f32 v1, v2  }
0xf6: {  	s8 =	sshra.s32 s7, $0x2;
	s7 =	smov.u32 s13  }
0xf7: {  	[tilespmem:s8+$0x3C00] =	vst v2  }
0xf8: {  	v2 =	vld [tilespmem:s6+$0xFFFFFFF0];
	_ =	sdelay $0x4  }
0xf9: {  	v2 =	vmul.f32 v1, v2;
	_ =	sdelay $0x1  }
0xfa: {  	[tilespmem:s8+$0x3C10] =	vst v2  }
0xfb: {  	v2 =	vld [tilespmem:s6+$0x0];
	_ =	sdelay $0x4  }
0xfc: {  	v2 =	vmul.f32 v2, v1;
	_ =	sdelay $0x1  }
0xfd: {  	[tilespmem:s8+$0x3C20] =	vst v2  }
0xfe: {  	v2 =	vld [tilespmem:s6+$0x10];
	_ =	sdelay $0x3  }
.Ltmp7:
0xff: {  	(pc) =	sbr.rel @p1 .LBB2_32-.Ltmp7, $3  }
0x100: {  	v1 =	vmul.f32 v2, v1;
	_ =	sdelay $0x1  }
0x101: {  	s6 =	sadd.s32 $0x50, s6;
	[tilespmem:s8+$0x3C30] =	vst v1  }
0x102: {  	s13 =	sadd.s32 $0x100, s13;
	v1 =	vld [tilespmem:s6+$0x20]  }
0x103: {  	_ =	sdelay $0x3  }
0x104: {  	v1 =	vmax.f32 v1, $1.000000000e+00  }
0x105: {  	v1 =	vbroadcast v1, $0x0;
	_ =	sdelay $0x1  }
0x106: {  	(erf) = vrcp.f32 v1;
	_ =	sdelay $0x4  }
0x107: {  	v1 =	vld [tilespmem:s6+$0xFFFFFFE0];
	_ =	sdelay $0x3  }
0x108: {  	v2 =	vpop (erf)  }
0x109: {  	v1 =	vmul.f32 v2, v1  }
0x10a: {  	s7 =	sshra.s32 s7, $0x2  }
0x10b: {  	[tilespmem:s7+$0x3C00] =	vst v1  }
0x10c: {  	v1 =	vld [tilespmem:s6+$0xFFFFFFF0];
	_ =	sdelay $0x4  }
0x10d: {  	v1 =	vmul.f32 v2, v1;
	_ =	sdelay $0x1  }
0x10e: {  	[tilespmem:s7+$0x3C10] =	vst v1  }
0x10f: {  	v1 =	vld [tilespmem:s6+$0x0];
	_ =	sdelay $0x4  }
0x110: {  	v1 =	vmul.f32 v1, v2;
	_ =	sdelay $0x1  }
0x111: {  	[tilespmem:s7+$0x3C20] =	vst v1  }
0x112: {  	v1 =	vld [tilespmem:s6+$0x10];
	_ =	sdelay $0x4  }
0x113: {  	v1 =	vmul.f32 v1, v2;
	_ =	sdelay $0x1  }
0x114: {  	s19 =	rddreg [dreg:$0x14];
	[tilespmem:s7+$0x3C30] =	vst v1  }
0x115: {  	[hbm4b:s19+s29] =	stream.strided.scatter [tilespmem:s11], [sflag:$0x3], $0x1000, s10, s29, $0x38;
	[tilespmem:$0x1D700] =	vst v63  }
0x116: {  	_ =	swait.ge [sflag:s17], $0x1000  }
0x117: {  	[sflag:s17] =	ssyncset.done $0x0  }
0x118: {  	s20 =	rddreg [dreg:$0x11];
	[sflag:s17] =	ssyncadd.s32 $0xFFFFF000  }
0x119: {  	[tilespmem:s16], [sflag:$0x3] =	stream.linear.gather [spmem:s20], $0x1400, $0x38;
	[tilespmem:$0x1D700] =	vst v63  }
0x11a: {  	_ =	swait.ge [sflag:s17], $0x1400  }
0x11b: {  	[sflag:s17] =	ssyncset.done $0x0  }
0x11c: {  	s6 =	simm.s32 $0x1420;
	[sflag:s17] =	ssyncadd.s32 $0xFFFFEC00  }
0x11d: {  	s13 =	simm.s32 $0x100;
	s7 =	simm.s32 $0x0;
	v1 =	vld [tilespmem:s6+$0x20]  }
.LBB2_34:
0x11e: {  	p1 =	sne.s32 s13, $0x3F00;
	v2 =	vld [tilespmem:s6+$0xFFFFFFE0];
	_ =	sdelay $0x3  }
0x11f: {  	v1 =	vmax.f32 v1, $1.000000000e+00  }
0x120: {  	v1 =	vbroadcast v1, $0x0;
	_ =	sdelay $0x1  }
0x121: {  	(erf) = vrcp.f32 v1;
	_ =	sdelay $0x8  }
0x122: {  	v1 =	vpop (erf)  }
0x123: {  	v2 =	vmul.f32 v1, v2  }
0x124: {  	s8 =	sshra.s32 s7, $0x2;
	s7 =	smov.u32 s13  }
0x125: {  	[tilespmem:s8+$0x3C00] =	vst v2  }
0x126: {  	v2 =	vld [tilespmem:s6+$0xFFFFFFF0];
	_ =	sdelay $0x4  }
0x127: {  	v2 =	vmul.f32 v1, v2;
	_ =	sdelay $0x1  }
0x128: {  	[tilespmem:s8+$0x3C10] =	vst v2  }
0x129: {  	v2 =	vld [tilespmem:s6+$0x0];
	_ =	sdelay $0x4  }
0x12a: {  	v2 =	vmul.f32 v2, v1;
	_ =	sdelay $0x1  }
0x12b: {  	[tilespmem:s8+$0x3C20] =	vst v2  }
0x12c: {  	v2 =	vld [tilespmem:s6+$0x10];
	_ =	sdelay $0x3  }
.Ltmp8:
0x12d: {  	(pc) =	sbr.rel @p1 .LBB2_34-.Ltmp8, $3  }
0x12e: {  	v1 =	vmul.f32 v2, v1;
	_ =	sdelay $0x1  }
0x12f: {  	s6 =	sadd.s32 $0x50, s6;
	[tilespmem:s8+$0x3C30] =	vst v1  }
0x130: {  	s13 =	sadd.s32 $0x100, s13;
	v1 =	vld [tilespmem:s6+$0x20]  }
0x131: {  	_ =	sdelay $0x3  }
0x132: {  	v1 =	vmax.f32 v1, $1.000000000e+00  }
0x133: {  	v1 =	vbroadcast v1, $0x0;
	_ =	sdelay $0x1  }
0x134: {  	(erf) = vrcp.f32 v1;
	_ =	sdelay $0x4  }
0x135: {  	v1 =	vld [tilespmem:s6+$0xFFFFFFE0];
	_ =	sdelay $0x3  }
0x136: {  	v2 =	vpop (erf)  }
0x137: {  	v1 =	vmul.f32 v2, v1  }
0x138: {  	s7 =	sshra.s32 s7, $0x2  }
0x139: {  	[tilespmem:s7+$0x3C00] =	vst v1  }
0x13a: {  	v1 =	vld [tilespmem:s6+$0xFFFFFFF0];
	_ =	sdelay $0x4  }
0x13b: {  	v1 =	vmul.f32 v2, v1;
	_ =	sdelay $0x1  }
0x13c: {  	[tilespmem:s7+$0x3C10] =	vst v1  }
0x13d: {  	v1 =	vld [tilespmem:s6+$0x0];
	_ =	sdelay $0x4  }
0x13e: {  	v1 =	vmul.f32 v1, v2;
	_ =	sdelay $0x1  }
0x13f: {  	[tilespmem:s7+$0x3C20] =	vst v1  }
0x140: {  	v1 =	vld [tilespmem:s6+$0x10];
	_ =	sdelay $0x4  }
0x141: {  	v1 =	vmul.f32 v1, v2;
	_ =	sdelay $0x1  }
0x142: {  	s20 =	rddreg [dreg:$0x15];
	[tilespmem:s7+$0x3C30] =	vst v1  }
0x143: {  	[hbm4b:s20+s29] =	stream.strided.scatter [tilespmem:s11], [sflag:$0x3], $0x1000, s10, s29, $0x38;
	[tilespmem:$0x1D700] =	vst v63  }
0x144: {  	_ =	swait.ge [sflag:s17], $0x1000  }
0x145: {  	[sflag:s17] =	ssyncset.done $0x0  }
0x146: {  	[sflag:s17] =	ssyncadd.s32 $0xFFFFF000  }
0x147: {  	[tilespmem:s16], [sflag:$0x3] =	stream.linear.gather [spmem:s21], $0x1400, $0x38;
	[tilespmem:$0x1D700] =	vst v63  }
0x148: {  	_ =	swait.ge [sflag:s17], $0x1400  }
0x149: {  	[sflag:s17] =	ssyncset.done $0x0  }
0x14a: {  	s6 =	simm.s32 $0x1420;
	[sflag:s17] =	ssyncadd.s32 $0xFFFFEC00  }
0x14b: {  	s13 =	simm.s32 $0x100;
	s7 =	simm.s32 $0x0;
	v1 =	vld [tilespmem:s6+$0x20]  }
.LBB2_36:
0x14c: {  	p1 =	sne.s32 s13, $0x3F00;
	v2 =	vld [tilespmem:s6+$0xFFFFFFE0];
	_ =	sdelay $0x3  }
0x14d: {  	v1 =	vmax.f32 v1, $1.000000000e+00  }
0x14e: {  	v1 =	vbroadcast v1, $0x0;
	_ =	sdelay $0x1  }
0x14f: {  	(erf) = vrcp.f32 v1;
	_ =	sdelay $0x8  }
0x150: {  	v1 =	vpop (erf)  }
0x151: {  	v2 =	vmul.f32 v1, v2  }
0x152: {  	s8 =	sshra.s32 s7, $0x2;
	s7 =	smov.u32 s13  }
0x153: {  	[tilespmem:s8+$0x3C00] =	vst v2  }
0x154: {  	v2 =	vld [tilespmem:s6+$0xFFFFFFF0];
	_ =	sdelay $0x4  }
0x155: {  	v2 =	vmul.f32 v1, v2;
	_ =	sdelay $0x1  }
0x156: {  	[tilespmem:s8+$0x3C10] =	vst v2  }
0x157: {  	v2 =	vld [tilespmem:s6+$0x0];
	_ =	sdelay $0x4  }
0x158: {  	v2 =	vmul.f32 v2, v1;
	_ =	sdelay $0x1  }
0x159: {  	[tilespmem:s8+$0x3C20] =	vst v2  }
0x15a: {  	v2 =	vld [tilespmem:s6+$0x10];
	_ =	sdelay $0x3  }
.Ltmp9:
0x15b: {  	(pc) =	sbr.rel @p1 .LBB2_36-.Ltmp9, $3  }
0x15c: {  	v1 =	vmul.f32 v2, v1;
	_ =	sdelay $0x1  }
0x15d: {  	s6 =	sadd.s32 $0x50, s6;
	[tilespmem:s8+$0x3C30] =	vst v1  }
0x15e: {  	s13 =	sadd.s32 $0x100, s13;
	v1 =	vld [tilespmem:s6+$0x20]  }
0x15f: {  	_ =	sdelay $0x3  }
0x160: {  	v1 =	vmax.f32 v1, $1.000000000e+00  }
0x161: {  	v1 =	vbroadcast v1, $0x0;
	_ =	sdelay $0x1  }
0x162: {  	(erf) = vrcp.f32 v1;
	_ =	sdelay $0x4  }
0x163: {  	v1 =	vld [tilespmem:s6+$0xFFFFFFE0];
	_ =	sdelay $0x3  }
0x164: {  	v2 =	vpop (erf)  }
0x165: {  	v1 =	vmul.f32 v2, v1  }
0x166: {  	s7 =	sshra.s32 s7, $0x2  }
0x167: {  	[tilespmem:s7+$0x3C00] =	vst v1  }
0x168: {  	v1 =	vld [tilespmem:s6+$0xFFFFFFF0];
	_ =	sdelay $0x4  }
0x169: {  	v1 =	vmul.f32 v2, v1;
	_ =	sdelay $0x1  }
0x16a: {  	[tilespmem:s7+$0x3C10] =	vst v1  }
0x16b: {  	v1 =	vld [tilespmem:s6+$0x0];
	_ =	sdelay $0x4  }
0x16c: {  	v1 =	vmul.f32 v1, v2;
	_ =	sdelay $0x1  }
0x16d: {  	[tilespmem:s7+$0x3C20] =	vst v1  }
0x16e: {  	v1 =	vld [tilespmem:s6+$0x10];
	_ =	sdelay $0x4  }
0x16f: {  	v1 =	vmul.f32 v1, v2;
	_ =	sdelay $0x1  }
0x170: {  	s20 =	rddreg [dreg:$0x16];
	[tilespmem:s7+$0x3C30] =	vst v1  }
0x171: {  	[hbm4b:s20+s29] =	stream.strided.scatter [tilespmem:s11], [sflag:$0x3], $0x1000, s10, s29, $0x38;
	[tilespmem:$0x1D700] =	vst v63  }
0x172: {  	_ =	swait.ge [sflag:s17], $0x1000  }
0x173: {  	[sflag:s17] =	ssyncset.done $0x0  }
0x174: {  	[sflag:s17] =	ssyncadd.s32 $0xFFFFF000  }
0x175: {  	[tilespmem:s16], [sflag:$0x3] =	stream.linear.gather [spmem:s22], $0x1400, $0x38;
	[tilespmem:$0x1D700] =	vst v63  }
0x176: {  	_ =	swait.ge [sflag:s17], $0x1400  }
0x177: {  	[sflag:s17] =	ssyncset.done $0x0  }
0x178: {  	s6 =	simm.s32 $0x1420;
	[sflag:s17] =	ssyncadd.s32 $0xFFFFEC00  }
0x179: {  	s13 =	simm.s32 $0x100;
	s7 =	simm.s32 $0x0;
	v1 =	vld [tilespmem:s6+$0x20]  }
.LBB2_38:
0x17a: {  	p1 =	sne.s32 s13, $0x3F00;
	v2 =	vld [tilespmem:s6+$0xFFFFFFE0];
	_ =	sdelay $0x3  }
0x17b: {  	v1 =	vmax.f32 v1, $1.000000000e+00  }
0x17c: {  	v1 =	vbroadcast v1, $0x0;
	_ =	sdelay $0x1  }
0x17d: {  	(erf) = vrcp.f32 v1;
	_ =	sdelay $0x8  }
0x17e: {  	v1 =	vpop (erf)  }
0x17f: {  	v2 =	vmul.f32 v1, v2  }
0x180: {  	s8 =	sshra.s32 s7, $0x2;
	s7 =	smov.u32 s13  }
0x181: {  	[tilespmem:s8+$0x3C00] =	vst v2  }
0x182: {  	v2 =	vld [tilespmem:s6+$0xFFFFFFF0];
	_ =	sdelay $0x4  }
0x183: {  	v2 =	vmul.f32 v1, v2;
	_ =	sdelay $0x1  }
0x184: {  	[tilespmem:s8+$0x3C10] =	vst v2  }
0x185: {  	v2 =	vld [tilespmem:s6+$0x0];
	_ =	sdelay $0x4  }
0x186: {  	v2 =	vmul.f32 v2, v1;
	_ =	sdelay $0x1  }
0x187: {  	[tilespmem:s8+$0x3C20] =	vst v2  }
0x188: {  	v2 =	vld [tilespmem:s6+$0x10];
	_ =	sdelay $0x3  }
.Ltmp10:
0x189: {  	(pc) =	sbr.rel @p1 .LBB2_38-.Ltmp10, $3  }
0x18a: {  	v1 =	vmul.f32 v2, v1;
	_ =	sdelay $0x1  }
0x18b: {  	s6 =	sadd.s32 $0x50, s6;
	[tilespmem:s8+$0x3C30] =	vst v1  }
0x18c: {  	s13 =	sadd.s32 $0x100, s13;
	v1 =	vld [tilespmem:s6+$0x20]  }
0x18d: {  	_ =	sdelay $0x3  }
0x18e: {  	v1 =	vmax.f32 v1, $1.000000000e+00  }
0x18f: {  	v1 =	vbroadcast v1, $0x0;
	_ =	sdelay $0x1  }
0x190: {  	(erf) = vrcp.f32 v1;
	_ =	sdelay $0x4  }
0x191: {  	v1 =	vld [tilespmem:s6+$0xFFFFFFE0];
	_ =	sdelay $0x3  }
0x192: {  	v2 =	vpop (erf)  }
0x193: {  	v1 =	vmul.f32 v2, v1  }
0x194: {  	s7 =	sshra.s32 s7, $0x2  }
0x195: {  	[tilespmem:s7+$0x3C00] =	vst v1  }
0x196: {  	v1 =	vld [tilespmem:s6+$0xFFFFFFF0];
	_ =	sdelay $0x4  }
0x197: {  	v1 =	vmul.f32 v2, v1;
	_ =	sdelay $0x1  }
0x198: {  	[tilespmem:s7+$0x3C10] =	vst v1  }
0x199: {  	v1 =	vld [tilespmem:s6+$0x0];
	_ =	sdelay $0x4  }
0x19a: {  	v1 =	vmul.f32 v1, v2;
	_ =	sdelay $0x1  }
0x19b: {  	[tilespmem:s7+$0x3C20] =	vst v1  }
0x19c: {  	v1 =	vld [tilespmem:s6+$0x10];
	_ =	sdelay $0x4  }
0x19d: {  	v1 =	vmul.f32 v1, v2;
	_ =	sdelay $0x1  }
0x19e: {  	s20 =	rddreg [dreg:$0x17];
	[tilespmem:s7+$0x3C30] =	vst v1  }
0x19f: {  	[hbm4b:s20+s29] =	stream.strided.scatter [tilespmem:s11], [sflag:$0x3], $0x1000, s10, s29, $0x38;
	[tilespmem:$0x1D700] =	vst v63  }
0x1a0: {  	_ =	swait.ge [sflag:s17], $0x1000  }
0x1a1: {  	[sflag:s17] =	ssyncset.done $0x0  }
0x1a2: {  	[sflag:s17] =	ssyncadd.s32 $0xFFFFF000  }
0x1a3: {  	[tilespmem:s16], [sflag:$0x3] =	stream.linear.gather [spmem:s23], $0x1400, $0x38;
	[tilespmem:$0x1D700] =	vst v63  }
0x1a4: {  	_ =	swait.ge [sflag:s17], $0x1400  }
0x1a5: {  	[sflag:s17] =	ssyncset.done $0x0  }
0x1a6: {  	s6 =	simm.s32 $0x1420;
	[sflag:s17] =	ssyncadd.s32 $0xFFFFEC00  }
0x1a7: {  	s13 =	simm.s32 $0x100;
	s7 =	simm.s32 $0x0;
	v1 =	vld [tilespmem:s6+$0x20]  }
.LBB2_40:
0x1a8: {  	p1 =	sne.s32 s13, $0x3F00;
	v2 =	vld [tilespmem:s6+$0xFFFFFFE0];
	_ =	sdelay $0x3  }
0x1a9: {  	v1 =	vmax.f32 v1, $1.000000000e+00  }
0x1aa: {  	v1 =	vbroadcast v1, $0x0;
	_ =	sdelay $0x1  }
0x1ab: {  	(erf) = vrcp.f32 v1;
	_ =	sdelay $0x8  }
0x1ac: {  	v1 =	vpop (erf)  }
0x1ad: {  	v2 =	vmul.f32 v1, v2  }
0x1ae: {  	s8 =	sshra.s32 s7, $0x2;
	s7 =	smov.u32 s13  }
0x1af: {  	[tilespmem:s8+$0x3C00] =	vst v2  }
0x1b0: {  	v2 =	vld [tilespmem:s6+$0xFFFFFFF0];
	_ =	sdelay $0x4  }
0x1b1: {  	v2 =	vmul.f32 v1, v2;
	_ =	sdelay $0x1  }
0x1b2: {  	[tilespmem:s8+$0x3C10] =	vst v2  }
0x1b3: {  	v2 =	vld [tilespmem:s6+$0x0];
	_ =	sdelay $0x4  }
0x1b4: {  	v2 =	vmul.f32 v2, v1;
	_ =	sdelay $0x1  }
0x1b5: {  	[tilespmem:s8+$0x3C20] =	vst v2  }
0x1b6: {  	v2 =	vld [tilespmem:s6+$0x10];
	_ =	sdelay $0x3  }
.Ltmp11:
0x1b7: {  	(pc) =	sbr.rel @p1 .LBB2_40-.Ltmp11, $3  }
0x1b8: {  	v1 =	vmul.f32 v2, v1;
	_ =	sdelay $0x1  }
0x1b9: {  	s6 =	sadd.s32 $0x50, s6;
	[tilespmem:s8+$0x3C30] =	vst v1  }
0x1ba: {  	s13 =	sadd.s32 $0x100, s13;
	v1 =	vld [tilespmem:s6+$0x20]  }
0x1bb: {  	_ =	sdelay $0x3  }
0x1bc: {  	v1 =	vmax.f32 v1, $1.000000000e+00  }
0x1bd: {  	v1 =	vbroadcast v1, $0x0;
	_ =	sdelay $0x1  }
0x1be: {  	(erf) = vrcp.f32 v1;
	_ =	sdelay $0x4  }
0x1bf: {  	v1 =	vld [tilespmem:s6+$0xFFFFFFE0];
	_ =	sdelay $0x3  }
0x1c0: {  	v2 =	vpop (erf)  }
0x1c1: {  	v1 =	vmul.f32 v2, v1  }
0x1c2: {  	s7 =	sshra.s32 s7, $0x2  }
0x1c3: {  	[tilespmem:s7+$0x3C00] =	vst v1  }
0x1c4: {  	v1 =	vld [tilespmem:s6+$0xFFFFFFF0];
	_ =	sdelay $0x4  }
0x1c5: {  	v1 =	vmul.f32 v2, v1;
	_ =	sdelay $0x1  }
0x1c6: {  	[tilespmem:s7+$0x3C10] =	vst v1  }
0x1c7: {  	v1 =	vld [tilespmem:s6+$0x0];
	_ =	sdelay $0x4  }
0x1c8: {  	v1 =	vmul.f32 v1, v2;
	_ =	sdelay $0x1  }
0x1c9: {  	[tilespmem:s7+$0x3C20] =	vst v1  }
0x1ca: {  	v1 =	vld [tilespmem:s6+$0x10];
	_ =	sdelay $0x4  }
0x1cb: {  	v1 =	vmul.f32 v1, v2;
	_ =	sdelay $0x1  }
0x1cc: {  	s20 =	rddreg [dreg:$0x18];
	[tilespmem:s7+$0x3C30] =	vst v1  }
0x1cd: {  	[hbm4b:s20+s29] =	stream.strided.scatter [tilespmem:s11], [sflag:$0x3], $0x1000, s10, s29, $0x38;
	[tilespmem:$0x1D700] =	vst v63  }
0x1ce: {  	_ =	swait.ge [sflag:s17], $0x1000  }
0x1cf: {  	[sflag:s17] =	ssyncset.done $0x0  }
0x1d0: {  	[sflag:s17] =	ssyncadd.s32 $0xFFFFF000  }
0x1d1: {  	[tilespmem:s16], [sflag:$0x3] =	stream.linear.gather [spmem:s24], $0x1400, $0x38;
	[tilespmem:$0x1D700] =	vst v63  }
0x1d2: {  	_ =	swait.ge [sflag:s17], $0x1400  }
0x1d3: {  	[sflag:s17] =	ssyncset.done $0x0  }
0x1d4: {  	s6 =	simm.s32 $0x1420;
	[sflag:s17] =	ssyncadd.s32 $0xFFFFEC00  }
0x1d5: {  	s13 =	simm.s32 $0x100;
	s7 =	simm.s32 $0x0;
	v1 =	vld [tilespmem:s6+$0x20]  }
.LBB2_42:
0x1d6: {  	p1 =	sne.s32 s13, $0x3F00;
	v2 =	vld [tilespmem:s6+$0xFFFFFFE0];
	_ =	sdelay $0x3  }
0x1d7: {  	v1 =	vmax.f32 v1, $1.000000000e+00  }
0x1d8: {  	v1 =	vbroadcast v1, $0x0;
	_ =	sdelay $0x1  }
0x1d9: {  	(erf) = vrcp.f32 v1;
	_ =	sdelay $0x8  }
0x1da: {  	v1 =	vpop (erf)  }
0x1db: {  	v2 =	vmul.f32 v1, v2  }
0x1dc: {  	s8 =	sshra.s32 s7, $0x2;
	s7 =	smov.u32 s13  }
0x1dd: {  	[tilespmem:s8+$0x3C00] =	vst v2  }
0x1de: {  	v2 =	vld [tilespmem:s6+$0xFFFFFFF0];
	_ =	sdelay $0x4  }
0x1df: {  	v2 =	vmul.f32 v1, v2;
	_ =	sdelay $0x1  }
0x1e0: {  	[tilespmem:s8+$0x3C10] =	vst v2  }
0x1e1: {  	v2 =	vld [tilespmem:s6+$0x0];
	_ =	sdelay $0x4  }
0x1e2: {  	v2 =	vmul.f32 v2, v1;
	_ =	sdelay $0x1  }
0x1e3: {  	[tilespmem:s8+$0x3C20] =	vst v2  }
0x1e4: {  	v2 =	vld [tilespmem:s6+$0x10];
	_ =	sdelay $0x3  }
.Ltmp12:
0x1e5: {  	(pc) =	sbr.rel @p1 .LBB2_42-.Ltmp12, $3  }
0x1e6: {  	v1 =	vmul.f32 v2, v1;
	_ =	sdelay $0x1  }
0x1e7: {  	s6 =	sadd.s32 $0x50, s6;
	[tilespmem:s8+$0x3C30] =	vst v1  }
0x1e8: {  	s13 =	sadd.s32 $0x100, s13;
	v1 =	vld [tilespmem:s6+$0x20]  }
0x1e9: {  	_ =	sdelay $0x3  }
0x1ea: {  	v1 =	vmax.f32 v1, $1.000000000e+00  }
0x1eb: {  	v1 =	vbroadcast v1, $0x0;
	_ =	sdelay $0x1  }
0x1ec: {  	(erf) = vrcp.f32 v1;
	_ =	sdelay $0x4  }
0x1ed: {  	v1 =	vld [tilespmem:s6+$0xFFFFFFE0];
	_ =	sdelay $0x3  }
0x1ee: {  	v2 =	vpop (erf)  }
0x1ef: {  	v1 =	vmul.f32 v2, v1  }
0x1f0: {  	s7 =	sshra.s32 s7, $0x2  }
0x1f1: {  	[tilespmem:s7+$0x3C00] =	vst v1  }
0x1f2: {  	v1 =	vld [tilespmem:s6+$0xFFFFFFF0];
	_ =	sdelay $0x4  }
0x1f3: {  	v1 =	vmul.f32 v2, v1;
	_ =	sdelay $0x1  }
0x1f4: {  	[tilespmem:s7+$0x3C10] =	vst v1  }
0x1f5: {  	v1 =	vld [tilespmem:s6+$0x0];
	_ =	sdelay $0x4  }
0x1f6: {  	v1 =	vmul.f32 v1, v2;
	_ =	sdelay $0x1  }
0x1f7: {  	[tilespmem:s7+$0x3C20] =	vst v1  }
0x1f8: {  	v1 =	vld [tilespmem:s6+$0x10];
	_ =	sdelay $0x4  }
0x1f9: {  	v1 =	vmul.f32 v1, v2;
	_ =	sdelay $0x1  }
0x1fa: {  	s20 =	rddreg [dreg:$0x19];
	[tilespmem:s7+$0x3C30] =	vst v1  }
0x1fb: {  	[hbm4b:s20+s29] =	stream.strided.scatter [tilespmem:s11], [sflag:$0x3], $0x1000, s10, s29, $0x38;
	[tilespmem:$0x1D700] =	vst v63  }
0x1fc: {  	_ =	swait.ge [sflag:s17], $0x1000  }
0x1fd: {  	[sflag:s17] =	ssyncset.done $0x0  }
0x1fe: {  	[sflag:s17] =	ssyncadd.s32 $0xFFFFF000  }
0x1ff: {  	[tilespmem:s16], [sflag:$0x3] =	stream.linear.gather [spmem:s25], $0x1400, $0x38;
	[tilespmem:$0x1D700] =	vst v63  }
0x200: {  	_ =	swait.ge [sflag:s17], $0x1400  }
0x201: {  	[sflag:s17] =	ssyncset.done $0x0  }
0x202: {  	s6 =	simm.s32 $0x1420;
	[sflag:s17] =	ssyncadd.s32 $0xFFFFEC00  }
0x203: {  	s13 =	simm.s32 $0x100;
	s7 =	simm.s32 $0x0;
	v1 =	vld [tilespmem:s6+$0x20]  }
.LBB2_44:
0x204: {  	p1 =	sne.s32 s13, $0x3F00;
	v2 =	vld [tilespmem:s6+$0xFFFFFFE0];
	_ =	sdelay $0x3  }
0x205: {  	v1 =	vmax.f32 v1, $1.000000000e+00  }
0x206: {  	v1 =	vbroadcast v1, $0x0;
	_ =	sdelay $0x1  }
0x207: {  	(erf) = vrcp.f32 v1;
	_ =	sdelay $0x8  }
0x208: {  	v1 =	vpop (erf)  }
0x209: {  	v2 =	vmul.f32 v1, v2  }
0x20a: {  	s8 =	sshra.s32 s7, $0x2;
	s7 =	smov.u32 s13  }
0x20b: {  	[tilespmem:s8+$0x3C00] =	vst v2  }
0x20c: {  	v2 =	vld [tilespmem:s6+$0xFFFFFFF0];
	_ =	sdelay $0x4  }
0x20d: {  	v2 =	vmul.f32 v1, v2;
	_ =	sdelay $0x1  }
0x20e: {  	[tilespmem:s8+$0x3C10] =	vst v2  }
0x20f: {  	v2 =	vld [tilespmem:s6+$0x0];
	_ =	sdelay $0x4  }
0x210: {  	v2 =	vmul.f32 v2, v1;
	_ =	sdelay $0x1  }
0x211: {  	[tilespmem:s8+$0x3C20] =	vst v2  }
0x212: {  	v2 =	vld [tilespmem:s6+$0x10];
	_ =	sdelay $0x3  }
.Ltmp13:
0x213: {  	(pc) =	sbr.rel @p1 .LBB2_44-.Ltmp13, $3  }
0x214: {  	v1 =	vmul.f32 v2, v1;
	_ =	sdelay $0x1  }
0x215: {  	s6 =	sadd.s32 $0x50, s6;
	[tilespmem:s8+$0x3C30] =	vst v1  }
0x216: {  	s13 =	sadd.s32 $0x100, s13;
	v1 =	vld [tilespmem:s6+$0x20]  }
0x217: {  	_ =	sdelay $0x3  }
0x218: {  	v1 =	vmax.f32 v1, $1.000000000e+00  }
0x219: {  	v1 =	vbroadcast v1, $0x0;
	_ =	sdelay $0x1  }
0x21a: {  	(erf) = vrcp.f32 v1;
	_ =	sdelay $0x4  }
0x21b: {  	v1 =	vld [tilespmem:s6+$0xFFFFFFE0];
	_ =	sdelay $0x3  }
0x21c: {  	v2 =	vpop (erf)  }
0x21d: {  	v1 =	vmul.f32 v2, v1  }
0x21e: {  	s7 =	sshra.s32 s7, $0x2  }
0x21f: {  	[tilespmem:s7+$0x3C00] =	vst v1  }
0x220: {  	v1 =	vld [tilespmem:s6+$0xFFFFFFF0];
	_ =	sdelay $0x4  }
0x221: {  	v1 =	vmul.f32 v2, v1;
	_ =	sdelay $0x1  }
0x222: {  	[tilespmem:s7+$0x3C10] =	vst v1  }
0x223: {  	v1 =	vld [tilespmem:s6+$0x0];
	_ =	sdelay $0x4  }
0x224: {  	v1 =	vmul.f32 v1, v2;
	_ =	sdelay $0x1  }
0x225: {  	[tilespmem:s7+$0x3C20] =	vst v1  }
0x226: {  	v1 =	vld [tilespmem:s6+$0x10];
	_ =	sdelay $0x4  }
0x227: {  	v1 =	vmul.f32 v1, v2;
	_ =	sdelay $0x1  }
0x228: {  	s20 =	rddreg [dreg:$0x1a];
	[tilespmem:s7+$0x3C30] =	vst v1  }
0x229: {  	[hbm4b:s20+s29] =	stream.strided.scatter [tilespmem:s11], [sflag:$0x3], $0x1000, s10, s29, $0x38;
	[tilespmem:$0x1D700] =	vst v63  }
0x22a: {  	_ =	swait.ge [sflag:s17], $0x1000  }
0x22b: {  	[sflag:s17] =	ssyncset.done $0x0  }
0x22c: {  	[sflag:s17] =	ssyncadd.s32 $0xFFFFF000  }
0x22d: {  	[tilespmem:s16], [sflag:$0x3] =	stream.linear.gather [spmem:s26], $0x280, $0x38;
	[tilespmem:$0x1D700] =	vst v63  }
0x22e: {  	_ =	swait.ge [sflag:s17], $0x280  }
0x22f: {  	[sflag:s17] =	ssyncset.done $0x0  }
0x230: {  	s6 =	simm.s32 $0x1420;
	[sflag:s17] =	ssyncadd.s32 $0xFFFFFD80  }
0x231: {  	s13 =	simm.s32 $0x100;
	s7 =	simm.s32 $0x0;
	v1 =	vld [tilespmem:s6+$0x20]  }
.LBB2_46:
0x232: {  	p1 =	sne.s32 s13, $0x700;
	v2 =	vld [tilespmem:s6+$0xFFFFFFE0];
	_ =	sdelay $0x3  }
0x233: {  	v1 =	vmax.f32 v1, $1.000000000e+00  }
0x234: {  	v1 =	vbroadcast v1, $0x0;
	_ =	sdelay $0x1  }
0x235: {  	(erf) = vrcp.f32 v1;
	_ =	sdelay $0x8  }
0x236: {  	v1 =	vpop (erf)  }
0x237: {  	v2 =	vmul.f32 v1, v2  }
0x238: {  	s8 =	sshra.s32 s7, $0x2;
	s7 =	smov.u32 s13  }
0x239: {  	[tilespmem:s8+$0x3C00] =	vst v2  }
0x23a: {  	v2 =	vld [tilespmem:s6+$0xFFFFFFF0];
	_ =	sdelay $0x4  }
0x23b: {  	v2 =	vmul.f32 v1, v2;
	_ =	sdelay $0x1  }
0x23c: {  	[tilespmem:s8+$0x3C10] =	vst v2  }
0x23d: {  	v2 =	vld [tilespmem:s6+$0x0];
	_ =	sdelay $0x4  }
0x23e: {  	v2 =	vmul.f32 v2, v1;
	_ =	sdelay $0x1  }
0x23f: {  	[tilespmem:s8+$0x3C20] =	vst v2  }
0x240: {  	v2 =	vld [tilespmem:s6+$0x10];
	_ =	sdelay $0x3  }
.Ltmp14:
0x241: {  	(pc) =	sbr.rel @p1 .LBB2_46-.Ltmp14, $3  }
0x242: {  	v1 =	vmul.f32 v2, v1;
	_ =	sdelay $0x1  }
0x243: {  	s6 =	sadd.s32 $0x50, s6;
	[tilespmem:s8+$0x3C30] =	vst v1  }
0x244: {  	s13 =	sadd.s32 $0x100, s13;
	v1 =	vld [tilespmem:s6+$0x20]  }
0x245: {  	_ =	sdelay $0x3  }
0x246: {  	v1 =	vmax.f32 v1, $1.000000000e+00  }
0x247: {  	v1 =	vbroadcast v1, $0x0;
	_ =	sdelay $0x1  }
0x248: {  	(erf) = vrcp.f32 v1;
	_ =	sdelay $0x4  }
0x249: {  	v1 =	vld [tilespmem:s6+$0xFFFFFFE0];
	_ =	sdelay $0x3  }
0x24a: {  	v2 =	vpop (erf)  }
0x24b: {  	v1 =	vmul.f32 v2, v1  }
0x24c: {  	s7 =	sshra.s32 s7, $0x2  }
0x24d: {  	[tilespmem:s7+$0x3C00] =	vst v1  }
0x24e: {  	v1 =	vld [tilespmem:s6+$0xFFFFFFF0];
	_ =	sdelay $0x4  }
0x24f: {  	v1 =	vmul.f32 v2, v1;
	_ =	sdelay $0x1  }
0x250: {  	[tilespmem:s7+$0x3C10] =	vst v1  }
0x251: {  	v1 =	vld [tilespmem:s6+$0x0];
	_ =	sdelay $0x4  }
0x252: {  	v1 =	vmul.f32 v1, v2;
	_ =	sdelay $0x1  }
0x253: {  	[tilespmem:s7+$0x3C20] =	vst v1  }
0x254: {  	v1 =	vld [tilespmem:s6+$0x10];
	_ =	sdelay $0x4  }
0x255: {  	v1 =	vmul.f32 v1, v2;
	_ =	sdelay $0x1  }
.Ltmp15:
0x256: {  	s20 =	rddreg [dreg:$0x1b];
	[tilespmem:s7+$0x3C30] =	vst v1;
	(pc) =	sbr.rel .LBB2_48-.Ltmp15, $4  }
0x257: {  	[hbm4b:s20+s29] =	stream.strided.scatter [tilespmem:s11], [sflag:$0x3], $0x200, s10, s29, $0x38;
	[tilespmem:$0x1D700] =	vst v63  }
0x258: {  	_ =	swait.ge [sflag:s17], $0x200  }
0x259: {  	[sflag:s17] =	ssyncset.done $0x0  }
0x25a: {  	[sflag:s17] =	ssyncadd.s32 $0xFFFFFE00  }
.LBB2_8:
0x25b: {  	v1 =	vld [tilespmem:s6+$0x20];
	s13 =	simm.s32 $0x100;
	s14 =	smov.u32 s20  }
.LBB2_9:
0x25c: {  	p1 =	sne.s32 s13, $0x3F00;
	v2 =	vld [tilespmem:s6+$0xFFFFFFE0];
	_ =	sdelay $0x3  }
0x25d: {  	v1 =	vmax.f32 v1, $1.000000000e+00  }
0x25e: {  	v1 =	vbroadcast v1, $0x0;
	_ =	sdelay $0x1  }
0x25f: {  	(erf) = vrcp.f32 v1;
	_ =	sdelay $0x8  }
0x260: {  	v1 =	vpop (erf)  }
0x261: {  	v2 =	vmul.f32 v1, v2  }
0x262: {  	s8 =	sshra.s32 s7, $0x2;
	s7 =	smov.u32 s13  }
0x263: {  	[tilespmem:s8+$0x3C00] =	vst v2  }
0x264: {  	v2 =	vld [tilespmem:s6+$0xFFFFFFF0];
	_ =	sdelay $0x4  }
0x265: {  	v2 =	vmul.f32 v1, v2;
	_ =	sdelay $0x1  }
0x266: {  	[tilespmem:s8+$0x3C10] =	vst v2  }
0x267: {  	v2 =	vld [tilespmem:s6+$0x0];
	_ =	sdelay $0x4  }
0x268: {  	v2 =	vmul.f32 v2, v1;
	_ =	sdelay $0x1  }
0x269: {  	[tilespmem:s8+$0x3C20] =	vst v2  }
0x26a: {  	v2 =	vld [tilespmem:s6+$0x10];
	_ =	sdelay $0x3  }
.Ltmp16:
0x26b: {  	(pc) =	sbr.rel @p1 .LBB2_9-.Ltmp16, $3  }
0x26c: {  	v1 =	vmul.f32 v2, v1;
	_ =	sdelay $0x1  }
0x26d: {  	s6 =	sadd.s32 $0x50, s6;
	[tilespmem:s8+$0x3C30] =	vst v1  }
0x26e: {  	s13 =	sadd.s32 $0x100, s13;
	v1 =	vld [tilespmem:s6+$0x20]  }
0x26f: {  	_ =	sdelay $0x3  }
0x270: {  	v1 =	vmax.f32 v1, $1.000000000e+00  }
0x271: {  	v1 =	vbroadcast v1, $0x0;
	_ =	sdelay $0x1  }
0x272: {  	(erf) = vrcp.f32 v1;
	_ =	sdelay $0x4  }
0x273: {  	v1 =	vld [tilespmem:s6+$0xFFFFFFE0];
	_ =	sdelay $0x3  }
0x274: {  	v2 =	vpop (erf)  }
0x275: {  	v1 =	vmul.f32 v2, v1  }
0x276: {  	s7 =	sshra.s32 s7, $0x2  }
0x277: {  	[tilespmem:s7+$0x3C00] =	vst v1  }
0x278: {  	v1 =	vld [tilespmem:s6+$0xFFFFFFF0];
	_ =	sdelay $0x4  }
0x279: {  	v1 =	vmul.f32 v2, v1;
	_ =	sdelay $0x1  }
0x27a: {  	[tilespmem:s7+$0x3C10] =	vst v1  }
0x27b: {  	v1 =	vld [tilespmem:s6+$0x0];
	_ =	sdelay $0x4  }
0x27c: {  	v1 =	vmul.f32 v1, v2;
	_ =	sdelay $0x1  }
0x27d: {  	[tilespmem:s7+$0x3C20] =	vst v1  }
0x27e: {  	v1 =	vld [tilespmem:s6+$0x10];
	_ =	sdelay $0x4  }
0x27f: {  	v1 =	vmul.f32 v1, v2;
	_ =	sdelay $0x1  }
0x280: {  	s20 =	rddreg [dreg:$0x7];
	[tilespmem:s7+$0x3C30] =	vst v1  }
0x281: {  	[hbm4b:s20+s29] =	stream.strided.scatter [tilespmem:s11], [sflag:$0x3], $0x1000, s10, s29, $0x38;
	[tilespmem:$0x1D700] =	vst v63  }
0x282: {  	_ =	swait.ge [sflag:s17], $0x1000  }
0x283: {  	[sflag:s17] =	ssyncset.done $0x0  }
0x284: {  	[sflag:s17] =	ssyncadd.s32 $0xFFFFF000  }
0x285: {  	[tilespmem:s16], [sflag:$0x3] =	stream.linear.gather [spmem:s14], $0x1400, $0x38;
	[tilespmem:$0x1D700] =	vst v63  }
0x286: {  	_ =	swait.ge [sflag:s17], $0x1400  }
0x287: {  	[sflag:s17] =	ssyncset.done $0x0  }
0x288: {  	s6 =	simm.s32 $0x1420;
	[sflag:s17] =	ssyncadd.s32 $0xFFFFEC00  }
0x289: {  	s13 =	simm.s32 $0x100;
	s7 =	simm.s32 $0x0;
	v1 =	vld [tilespmem:s6+$0x20]  }
.LBB2_11:
0x28a: {  	p1 =	sne.s32 s13, $0x3F00;
	v2 =	vld [tilespmem:s6+$0xFFFFFFE0];
	_ =	sdelay $0x3  }
0x28b: {  	v1 =	vmax.f32 v1, $1.000000000e+00  }
0x28c: {  	v1 =	vbroadcast v1, $0x0;
	_ =	sdelay $0x1  }
0x28d: {  	(erf) = vrcp.f32 v1;
	_ =	sdelay $0x8  }
0x28e: {  	v1 =	vpop (erf)  }
0x28f: {  	v2 =	vmul.f32 v1, v2  }
0x290: {  	s8 =	sshra.s32 s7, $0x2;
	s7 =	smov.u32 s13  }
0x291: {  	[tilespmem:s8+$0x3C00] =	vst v2  }
0x292: {  	v2 =	vld [tilespmem:s6+$0xFFFFFFF0];
	_ =	sdelay $0x4  }
0x293: {  	v2 =	vmul.f32 v1, v2;
	_ =	sdelay $0x1  }
0x294: {  	[tilespmem:s8+$0x3C10] =	vst v2  }
0x295: {  	v2 =	vld [tilespmem:s6+$0x0];
	_ =	sdelay $0x4  }
0x296: {  	v2 =	vmul.f32 v2, v1;
	_ =	sdelay $0x1  }
0x297: {  	[tilespmem:s8+$0x3C20] =	vst v2  }
0x298: {  	v2 =	vld [tilespmem:s6+$0x10];
	_ =	sdelay $0x3  }
.Ltmp17:
0x299: {  	(pc) =	sbr.rel @p1 .LBB2_11-.Ltmp17, $3  }
0x29a: {  	v1 =	vmul.f32 v2, v1;
	_ =	sdelay $0x1  }
0x29b: {  	s6 =	sadd.s32 $0x50, s6;
	[tilespmem:s8+$0x3C30] =	vst v1  }
0x29c: {  	s13 =	sadd.s32 $0x100, s13;
	v1 =	vld [tilespmem:s6+$0x20]  }
0x29d: {  	_ =	sdelay $0x3  }
0x29e: {  	v1 =	vmax.f32 v1, $1.000000000e+00  }
0x29f: {  	v1 =	vbroadcast v1, $0x0;
	_ =	sdelay $0x1  }
0x2a0: {  	(erf) = vrcp.f32 v1;
	_ =	sdelay $0x4  }
0x2a1: {  	v1 =	vld [tilespmem:s6+$0xFFFFFFE0];
	_ =	sdelay $0x3  }
0x2a2: {  	v2 =	vpop (erf)  }
0x2a3: {  	v1 =	vmul.f32 v2, v1  }
0x2a4: {  	s7 =	sshra.s32 s7, $0x2  }
0x2a5: {  	[tilespmem:s7+$0x3C00] =	vst v1  }
0x2a6: {  	v1 =	vld [tilespmem:s6+$0xFFFFFFF0];
	_ =	sdelay $0x4  }
0x2a7: {  	v1 =	vmul.f32 v2, v1;
	_ =	sdelay $0x1  }
0x2a8: {  	[tilespmem:s7+$0x3C10] =	vst v1  }
0x2a9: {  	v1 =	vld [tilespmem:s6+$0x0];
	_ =	sdelay $0x4  }
0x2aa: {  	v1 =	vmul.f32 v1, v2;
	_ =	sdelay $0x1  }
0x2ab: {  	[tilespmem:s7+$0x3C20] =	vst v1  }
0x2ac: {  	v1 =	vld [tilespmem:s6+$0x10];
	_ =	sdelay $0x4  }
0x2ad: {  	v1 =	vmul.f32 v1, v2;
	_ =	sdelay $0x1  }
0x2ae: {  	s19 =	rddreg [dreg:$0x8];
	[tilespmem:s7+$0x3C30] =	vst v1  }
0x2af: {  	[hbm4b:s19+s29] =	stream.strided.scatter [tilespmem:s11], [sflag:$0x3], $0x1000, s10, s29, $0x38;
	[tilespmem:$0x1D700] =	vst v63  }
0x2b0: {  	_ =	swait.ge [sflag:s17], $0x1000  }
0x2b1: {  	[sflag:s17] =	ssyncset.done $0x0  }
0x2b2: {  	s20 =	rddreg [dreg:$0x11];
	[sflag:s17] =	ssyncadd.s32 $0xFFFFF000  }
0x2b3: {  	[tilespmem:s16], [sflag:$0x3] =	stream.linear.gather [spmem:s20], $0x1400, $0x38;
	[tilespmem:$0x1D700] =	vst v63  }
0x2b4: {  	_ =	swait.ge [sflag:s17], $0x1400  }
0x2b5: {  	[sflag:s17] =	ssyncset.done $0x0  }
0x2b6: {  	s6 =	simm.s32 $0x1420;
	[sflag:s17] =	ssyncadd.s32 $0xFFFFEC00  }
0x2b7: {  	s13 =	simm.s32 $0x100;
	s7 =	simm.s32 $0x0;
	v1 =	vld [tilespmem:s6+$0x20]  }
.LBB2_13:
0x2b8: {  	p1 =	sne.s32 s13, $0x3F00;
	v2 =	vld [tilespmem:s6+$0xFFFFFFE0];
	_ =	sdelay $0x3  }
0x2b9: {  	v1 =	vmax.f32 v1, $1.000000000e+00  }
0x2ba: {  	v1 =	vbroadcast v1, $0x0;
	_ =	sdelay $0x1  }
0x2bb: {  	(erf) = vrcp.f32 v1;
	_ =	sdelay $0x8  }
0x2bc: {  	v1 =	vpop (erf)  }
0x2bd: {  	v2 =	vmul.f32 v1, v2  }
0x2be: {  	s8 =	sshra.s32 s7, $0x2;
	s7 =	smov.u32 s13  }
0x2bf: {  	[tilespmem:s8+$0x3C00] =	vst v2  }
0x2c0: {  	v2 =	vld [tilespmem:s6+$0xFFFFFFF0];
	_ =	sdelay $0x4  }
0x2c1: {  	v2 =	vmul.f32 v1, v2;
	_ =	sdelay $0x1  }
0x2c2: {  	[tilespmem:s8+$0x3C10] =	vst v2  }
0x2c3: {  	v2 =	vld [tilespmem:s6+$0x0];
	_ =	sdelay $0x4  }
0x2c4: {  	v2 =	vmul.f32 v2, v1;
	_ =	sdelay $0x1  }
0x2c5: {  	[tilespmem:s8+$0x3C20] =	vst v2  }
0x2c6: {  	v2 =	vld [tilespmem:s6+$0x10];
	_ =	sdelay $0x3  }
.Ltmp18:
0x2c7: {  	(pc) =	sbr.rel @p1 .LBB2_13-.Ltmp18, $3  }
0x2c8: {  	v1 =	vmul.f32 v2, v1;
	_ =	sdelay $0x1  }
0x2c9: {  	s6 =	sadd.s32 $0x50, s6;
	[tilespmem:s8+$0x3C30] =	vst v1  }
0x2ca: {  	s13 =	sadd.s32 $0x100, s13;
	v1 =	vld [tilespmem:s6+$0x20]  }
0x2cb: {  	_ =	sdelay $0x3  }
0x2cc: {  	v1 =	vmax.f32 v1, $1.000000000e+00  }
0x2cd: {  	v1 =	vbroadcast v1, $0x0;
	_ =	sdelay $0x1  }
0x2ce: {  	(erf) = vrcp.f32 v1;
	_ =	sdelay $0x4  }
0x2cf: {  	v1 =	vld [tilespmem:s6+$0xFFFFFFE0];
	_ =	sdelay $0x3  }
0x2d0: {  	v2 =	vpop (erf)  }
0x2d1: {  	v1 =	vmul.f32 v2, v1  }
0x2d2: {  	s7 =	sshra.s32 s7, $0x2  }
0x2d3: {  	[tilespmem:s7+$0x3C00] =	vst v1  }
0x2d4: {  	v1 =	vld [tilespmem:s6+$0xFFFFFFF0];
	_ =	sdelay $0x4  }
0x2d5: {  	v1 =	vmul.f32 v2, v1;
	_ =	sdelay $0x1  }
0x2d6: {  	[tilespmem:s7+$0x3C10] =	vst v1  }
0x2d7: {  	v1 =	vld [tilespmem:s6+$0x0];
	_ =	sdelay $0x4  }
0x2d8: {  	v1 =	vmul.f32 v1, v2;
	_ =	sdelay $0x1  }
0x2d9: {  	[tilespmem:s7+$0x3C20] =	vst v1  }
0x2da: {  	v1 =	vld [tilespmem:s6+$0x10];
	_ =	sdelay $0x4  }
0x2db: {  	v1 =	vmul.f32 v1, v2;
	_ =	sdelay $0x1  }
0x2dc: {  	s20 =	rddreg [dreg:$0x9];
	[tilespmem:s7+$0x3C30] =	vst v1  }
0x2dd: {  	[hbm4b:s20+s29] =	stream.strided.scatter [tilespmem:s11], [sflag:$0x3], $0x1000, s10, s29, $0x38;
	[tilespmem:$0x1D700] =	vst v63  }
0x2de: {  	_ =	swait.ge [sflag:s17], $0x1000  }
0x2df: {  	[sflag:s17] =	ssyncset.done $0x0  }
0x2e0: {  	[sflag:s17] =	ssyncadd.s32 $0xFFFFF000  }
0x2e1: {  	[tilespmem:s16], [sflag:$0x3] =	stream.linear.gather [spmem:s21], $0x1400, $0x38;
	[tilespmem:$0x1D700] =	vst v63  }
0x2e2: {  	_ =	swait.ge [sflag:s17], $0x1400  }
0x2e3: {  	[sflag:s17] =	ssyncset.done $0x0  }
0x2e4: {  	s6 =	simm.s32 $0x1420;
	[sflag:s17] =	ssyncadd.s32 $0xFFFFEC00  }
0x2e5: {  	s13 =	simm.s32 $0x100;
	s7 =	simm.s32 $0x0;
	v1 =	vld [tilespmem:s6+$0x20]  }
.LBB2_15:
0x2e6: {  	p1 =	sne.s32 s13, $0x3F00;
	v2 =	vld [tilespmem:s6+$0xFFFFFFE0];
	_ =	sdelay $0x3  }
0x2e7: {  	v1 =	vmax.f32 v1, $1.000000000e+00  }
0x2e8: {  	v1 =	vbroadcast v1, $0x0;
	_ =	sdelay $0x1  }
0x2e9: {  	(erf) = vrcp.f32 v1;
	_ =	sdelay $0x8  }
0x2ea: {  	v1 =	vpop (erf)  }
0x2eb: {  	v2 =	vmul.f32 v1, v2  }
0x2ec: {  	s8 =	sshra.s32 s7, $0x2;
	s7 =	smov.u32 s13  }
0x2ed: {  	[tilespmem:s8+$0x3C00] =	vst v2  }
0x2ee: {  	v2 =	vld [tilespmem:s6+$0xFFFFFFF0];
	_ =	sdelay $0x4  }
0x2ef: {  	v2 =	vmul.f32 v1, v2;
	_ =	sdelay $0x1  }
0x2f0: {  	[tilespmem:s8+$0x3C10] =	vst v2  }
0x2f1: {  	v2 =	vld [tilespmem:s6+$0x0];
	_ =	sdelay $0x4  }
0x2f2: {  	v2 =	vmul.f32 v2, v1;
	_ =	sdelay $0x1  }
0x2f3: {  	[tilespmem:s8+$0x3C20] =	vst v2  }
0x2f4: {  	v2 =	vld [tilespmem:s6+$0x10];
	_ =	sdelay $0x3  }
.Ltmp19:
0x2f5: {  	(pc) =	sbr.rel @p1 .LBB2_15-.Ltmp19, $3  }
0x2f6: {  	v1 =	vmul.f32 v2, v1;
	_ =	sdelay $0x1  }
0x2f7: {  	s6 =	sadd.s32 $0x50, s6;
	[tilespmem:s8+$0x3C30] =	vst v1  }
0x2f8: {  	s13 =	sadd.s32 $0x100, s13;
	v1 =	vld [tilespmem:s6+$0x20]  }
0x2f9: {  	_ =	sdelay $0x3  }
0x2fa: {  	v1 =	vmax.f32 v1, $1.000000000e+00  }
0x2fb: {  	v1 =	vbroadcast v1, $0x0;
	_ =	sdelay $0x1  }
0x2fc: {  	(erf) = vrcp.f32 v1;
	_ =	sdelay $0x4  }
0x2fd: {  	v1 =	vld [tilespmem:s6+$0xFFFFFFE0];
	_ =	sdelay $0x3  }
0x2fe: {  	v2 =	vpop (erf)  }
0x2ff: {  	v1 =	vmul.f32 v2, v1  }
0x300: {  	s7 =	sshra.s32 s7, $0x2  }
0x301: {  	[tilespmem:s7+$0x3C00] =	vst v1  }
0x302: {  	v1 =	vld [tilespmem:s6+$0xFFFFFFF0];
	_ =	sdelay $0x4  }
0x303: {  	v1 =	vmul.f32 v2, v1;
	_ =	sdelay $0x1  }
0x304: {  	[tilespmem:s7+$0x3C10] =	vst v1  }
0x305: {  	v1 =	vld [tilespmem:s6+$0x0];
	_ =	sdelay $0x4  }
0x306: {  	v1 =	vmul.f32 v1, v2;
	_ =	sdelay $0x1  }
0x307: {  	[tilespmem:s7+$0x3C20] =	vst v1  }
0x308: {  	v1 =	vld [tilespmem:s6+$0x10];
	_ =	sdelay $0x4  }
0x309: {  	v1 =	vmul.f32 v1, v2;
	_ =	sdelay $0x1  }
0x30a: {  	s20 =	rddreg [dreg:$0xa];
	[tilespmem:s7+$0x3C30] =	vst v1  }
0x30b: {  	[hbm4b:s20+s29] =	stream.strided.scatter [tilespmem:s11], [sflag:$0x3], $0x1000, s10, s29, $0x38;
	[tilespmem:$0x1D700] =	vst v63  }
0x30c: {  	_ =	swait.ge [sflag:s17], $0x1000  }
0x30d: {  	[sflag:s17] =	ssyncset.done $0x0  }
0x30e: {  	[sflag:s17] =	ssyncadd.s32 $0xFFFFF000  }
0x30f: {  	[tilespmem:s16], [sflag:$0x3] =	stream.linear.gather [spmem:s22], $0x1400, $0x38;
	[tilespmem:$0x1D700] =	vst v63  }
0x310: {  	_ =	swait.ge [sflag:s17], $0x1400  }
0x311: {  	[sflag:s17] =	ssyncset.done $0x0  }
0x312: {  	s6 =	simm.s32 $0x1420;
	[sflag:s17] =	ssyncadd.s32 $0xFFFFEC00  }
0x313: {  	s13 =	simm.s32 $0x100;
	s7 =	simm.s32 $0x0;
	v1 =	vld [tilespmem:s6+$0x20]  }
.LBB2_17:
0x314: {  	p1 =	sne.s32 s13, $0x3F00;
	v2 =	vld [tilespmem:s6+$0xFFFFFFE0];
	_ =	sdelay $0x3  }
0x315: {  	v1 =	vmax.f32 v1, $1.000000000e+00  }
0x316: {  	v1 =	vbroadcast v1, $0x0;
	_ =	sdelay $0x1  }
0x317: {  	(erf) = vrcp.f32 v1;
	_ =	sdelay $0x8  }
0x318: {  	v1 =	vpop (erf)  }
0x319: {  	v2 =	vmul.f32 v1, v2  }
0x31a: {  	s8 =	sshra.s32 s7, $0x2;
	s7 =	smov.u32 s13  }
0x31b: {  	[tilespmem:s8+$0x3C00] =	vst v2  }
0x31c: {  	v2 =	vld [tilespmem:s6+$0xFFFFFFF0];
	_ =	sdelay $0x4  }
0x31d: {  	v2 =	vmul.f32 v1, v2;
	_ =	sdelay $0x1  }
0x31e: {  	[tilespmem:s8+$0x3C10] =	vst v2  }
0x31f: {  	v2 =	vld [tilespmem:s6+$0x0];
	_ =	sdelay $0x4  }
0x320: {  	v2 =	vmul.f32 v2, v1;
	_ =	sdelay $0x1  }
0x321: {  	[tilespmem:s8+$0x3C20] =	vst v2  }
0x322: {  	v2 =	vld [tilespmem:s6+$0x10];
	_ =	sdelay $0x3  }
.Ltmp20:
0x323: {  	(pc) =	sbr.rel @p1 .LBB2_17-.Ltmp20, $3  }
0x324: {  	v1 =	vmul.f32 v2, v1;
	_ =	sdelay $0x1  }
0x325: {  	s6 =	sadd.s32 $0x50, s6;
	[tilespmem:s8+$0x3C30] =	vst v1  }
0x326: {  	s13 =	sadd.s32 $0x100, s13;
	v1 =	vld [tilespmem:s6+$0x20]  }
0x327: {  	_ =	sdelay $0x3  }
0x328: {  	v1 =	vmax.f32 v1, $1.000000000e+00  }
0x329: {  	v1 =	vbroadcast v1, $0x0;
	_ =	sdelay $0x1  }
0x32a: {  	(erf) = vrcp.f32 v1;
	_ =	sdelay $0x4  }
0x32b: {  	v1 =	vld [tilespmem:s6+$0xFFFFFFE0];
	_ =	sdelay $0x3  }
0x32c: {  	v2 =	vpop (erf)  }
0x32d: {  	v1 =	vmul.f32 v2, v1  }
0x32e: {  	s7 =	sshra.s32 s7, $0x2  }
0x32f: {  	[tilespmem:s7+$0x3C00] =	vst v1  }
0x330: {  	v1 =	vld [tilespmem:s6+$0xFFFFFFF0];
	_ =	sdelay $0x4  }
0x331: {  	v1 =	vmul.f32 v2, v1;
	_ =	sdelay $0x1  }
0x332: {  	[tilespmem:s7+$0x3C10] =	vst v1  }
0x333: {  	v1 =	vld [tilespmem:s6+$0x0];
	_ =	sdelay $0x4  }
0x334: {  	v1 =	vmul.f32 v1, v2;
	_ =	sdelay $0x1  }
0x335: {  	[tilespmem:s7+$0x3C20] =	vst v1  }
0x336: {  	v1 =	vld [tilespmem:s6+$0x10];
	_ =	sdelay $0x4  }
0x337: {  	v1 =	vmul.f32 v1, v2;
	_ =	sdelay $0x1  }
0x338: {  	s20 =	rddreg [dreg:$0xb];
	[tilespmem:s7+$0x3C30] =	vst v1  }
0x339: {  	[hbm4b:s20+s29] =	stream.strided.scatter [tilespmem:s11], [sflag:$0x3], $0x1000, s10, s29, $0x38;
	[tilespmem:$0x1D700] =	vst v63  }
0x33a: {  	_ =	swait.ge [sflag:s17], $0x1000  }
0x33b: {  	[sflag:s17] =	ssyncset.done $0x0  }
0x33c: {  	[sflag:s17] =	ssyncadd.s32 $0xFFFFF000  }
0x33d: {  	[tilespmem:s16], [sflag:$0x3] =	stream.linear.gather [spmem:s23], $0x1400, $0x38;
	[tilespmem:$0x1D700] =	vst v63  }
0x33e: {  	_ =	swait.ge [sflag:s17], $0x1400  }
0x33f: {  	[sflag:s17] =	ssyncset.done $0x0  }
0x340: {  	s6 =	simm.s32 $0x1420;
	[sflag:s17] =	ssyncadd.s32 $0xFFFFEC00  }
0x341: {  	s13 =	simm.s32 $0x100;
	s7 =	simm.s32 $0x0;
	v1 =	vld [tilespmem:s6+$0x20]  }
.LBB2_19:
0x342: {  	p1 =	sne.s32 s13, $0x3F00;
	v2 =	vld [tilespmem:s6+$0xFFFFFFE0];
	_ =	sdelay $0x3  }
0x343: {  	v1 =	vmax.f32 v1, $1.000000000e+00  }
0x344: {  	v1 =	vbroadcast v1, $0x0;
	_ =	sdelay $0x1  }
0x345: {  	(erf) = vrcp.f32 v1;
	_ =	sdelay $0x8  }
0x346: {  	v1 =	vpop (erf)  }
0x347: {  	v2 =	vmul.f32 v1, v2  }
0x348: {  	s8 =	sshra.s32 s7, $0x2;
	s7 =	smov.u32 s13  }
0x349: {  	[tilespmem:s8+$0x3C00] =	vst v2  }
0x34a: {  	v2 =	vld [tilespmem:s6+$0xFFFFFFF0];
	_ =	sdelay $0x4  }
0x34b: {  	v2 =	vmul.f32 v1, v2;
	_ =	sdelay $0x1  }
0x34c: {  	[tilespmem:s8+$0x3C10] =	vst v2  }
0x34d: {  	v2 =	vld [tilespmem:s6+$0x0];
	_ =	sdelay $0x4  }
0x34e: {  	v2 =	vmul.f32 v2, v1;
	_ =	sdelay $0x1  }
0x34f: {  	[tilespmem:s8+$0x3C20] =	vst v2  }
0x350: {  	v2 =	vld [tilespmem:s6+$0x10];
	_ =	sdelay $0x3  }
.Ltmp21:
0x351: {  	(pc) =	sbr.rel @p1 .LBB2_19-.Ltmp21, $3  }
0x352: {  	v1 =	vmul.f32 v2, v1;
	_ =	sdelay $0x1  }
0x353: {  	s6 =	sadd.s32 $0x50, s6;
	[tilespmem:s8+$0x3C30] =	vst v1  }
0x354: {  	s13 =	sadd.s32 $0x100, s13;
	v1 =	vld [tilespmem:s6+$0x20]  }
0x355: {  	_ =	sdelay $0x3  }
0x356: {  	v1 =	vmax.f32 v1, $1.000000000e+00  }
0x357: {  	v1 =	vbroadcast v1, $0x0;
	_ =	sdelay $0x1  }
0x358: {  	(erf) = vrcp.f32 v1;
	_ =	sdelay $0x4  }
0x359: {  	v1 =	vld [tilespmem:s6+$0xFFFFFFE0];
	_ =	sdelay $0x3  }
0x35a: {  	v2 =	vpop (erf)  }
0x35b: {  	v1 =	vmul.f32 v2, v1  }
0x35c: {  	s7 =	sshra.s32 s7, $0x2  }
0x35d: {  	[tilespmem:s7+$0x3C00] =	vst v1  }
0x35e: {  	v1 =	vld [tilespmem:s6+$0xFFFFFFF0];
	_ =	sdelay $0x4  }
0x35f: {  	v1 =	vmul.f32 v2, v1;
	_ =	sdelay $0x1  }
0x360: {  	[tilespmem:s7+$0x3C10] =	vst v1  }
0x361: {  	v1 =	vld [tilespmem:s6+$0x0];
	_ =	sdelay $0x4  }
0x362: {  	v1 =	vmul.f32 v1, v2;
	_ =	sdelay $0x1  }
0x363: {  	[tilespmem:s7+$0x3C20] =	vst v1  }
0x364: {  	v1 =	vld [tilespmem:s6+$0x10];
	_ =	sdelay $0x4  }
0x365: {  	v1 =	vmul.f32 v1, v2;
	_ =	sdelay $0x1  }
0x366: {  	s20 =	rddreg [dreg:$0xc];
	[tilespmem:s7+$0x3C30] =	vst v1  }
0x367: {  	[hbm4b:s20+s29] =	stream.strided.scatter [tilespmem:s11], [sflag:$0x3], $0x1000, s10, s29, $0x38;
	[tilespmem:$0x1D700] =	vst v63  }
0x368: {  	_ =	swait.ge [sflag:s17], $0x1000  }
0x369: {  	[sflag:s17] =	ssyncset.done $0x0  }
0x36a: {  	[sflag:s17] =	ssyncadd.s32 $0xFFFFF000  }
0x36b: {  	[tilespmem:s16], [sflag:$0x3] =	stream.linear.gather [spmem:s24], $0x1400, $0x38;
	[tilespmem:$0x1D700] =	vst v63  }
0x36c: {  	_ =	swait.ge [sflag:s17], $0x1400  }
0x36d: {  	[sflag:s17] =	ssyncset.done $0x0  }
0x36e: {  	s6 =	simm.s32 $0x1420;
	[sflag:s17] =	ssyncadd.s32 $0xFFFFEC00  }
0x36f: {  	s13 =	simm.s32 $0x100;
	s7 =	simm.s32 $0x0;
	v1 =	vld [tilespmem:s6+$0x20]  }
.LBB2_21:
0x370: {  	p1 =	sne.s32 s13, $0x3F00;
	v2 =	vld [tilespmem:s6+$0xFFFFFFE0];
	_ =	sdelay $0x3  }
0x371: {  	v1 =	vmax.f32 v1, $1.000000000e+00  }
0x372: {  	v1 =	vbroadcast v1, $0x0;
	_ =	sdelay $0x1  }
0x373: {  	(erf) = vrcp.f32 v1;
	_ =	sdelay $0x8  }
0x374: {  	v1 =	vpop (erf)  }
0x375: {  	v2 =	vmul.f32 v1, v2  }
0x376: {  	s8 =	sshra.s32 s7, $0x2;
	s7 =	smov.u32 s13  }
0x377: {  	[tilespmem:s8+$0x3C00] =	vst v2  }
0x378: {  	v2 =	vld [tilespmem:s6+$0xFFFFFFF0];
	_ =	sdelay $0x4  }
0x379: {  	v2 =	vmul.f32 v1, v2;
	_ =	sdelay $0x1  }
0x37a: {  	[tilespmem:s8+$0x3C10] =	vst v2  }
0x37b: {  	v2 =	vld [tilespmem:s6+$0x0];
	_ =	sdelay $0x4  }
0x37c: {  	v2 =	vmul.f32 v2, v1;
	_ =	sdelay $0x1  }
0x37d: {  	[tilespmem:s8+$0x3C20] =	vst v2  }
0x37e: {  	v2 =	vld [tilespmem:s6+$0x10];
	_ =	sdelay $0x3  }
.Ltmp22:
0x37f: {  	(pc) =	sbr.rel @p1 .LBB2_21-.Ltmp22, $3  }
0x380: {  	v1 =	vmul.f32 v2, v1;
	_ =	sdelay $0x1  }
0x381: {  	s6 =	sadd.s32 $0x50, s6;
	[tilespmem:s8+$0x3C30] =	vst v1  }
0x382: {  	s13 =	sadd.s32 $0x100, s13;
	v1 =	vld [tilespmem:s6+$0x20]  }
0x383: {  	_ =	sdelay $0x3  }
0x384: {  	v1 =	vmax.f32 v1, $1.000000000e+00  }
0x385: {  	v1 =	vbroadcast v1, $0x0;
	_ =	sdelay $0x1  }
0x386: {  	(erf) = vrcp.f32 v1;
	_ =	sdelay $0x4  }
0x387: {  	v1 =	vld [tilespmem:s6+$0xFFFFFFE0];
	_ =	sdelay $0x3  }
0x388: {  	v2 =	vpop (erf)  }
0x389: {  	v1 =	vmul.f32 v2, v1  }
0x38a: {  	s7 =	sshra.s32 s7, $0x2  }
0x38b: {  	[tilespmem:s7+$0x3C00] =	vst v1  }
0x38c: {  	v1 =	vld [tilespmem:s6+$0xFFFFFFF0];
	_ =	sdelay $0x4  }
0x38d: {  	v1 =	vmul.f32 v2, v1;
	_ =	sdelay $0x1  }
0x38e: {  	[tilespmem:s7+$0x3C10] =	vst v1  }
0x38f: {  	v1 =	vld [tilespmem:s6+$0x0];
	_ =	sdelay $0x4  }
0x390: {  	v1 =	vmul.f32 v1, v2;
	_ =	sdelay $0x1  }
0x391: {  	[tilespmem:s7+$0x3C20] =	vst v1  }
0x392: {  	v1 =	vld [tilespmem:s6+$0x10];
	_ =	sdelay $0x4  }
0x393: {  	v1 =	vmul.f32 v1, v2;
	_ =	sdelay $0x1  }
0x394: {  	s20 =	rddreg [dreg:$0xd];
	[tilespmem:s7+$0x3C30] =	vst v1  }
0x395: {  	[hbm4b:s20+s29] =	stream.strided.scatter [tilespmem:s11], [sflag:$0x3], $0x1000, s10, s29, $0x38;
	[tilespmem:$0x1D700] =	vst v63  }
0x396: {  	_ =	swait.ge [sflag:s17], $0x1000  }
0x397: {  	[sflag:s17] =	ssyncset.done $0x0  }
0x398: {  	[sflag:s17] =	ssyncadd.s32 $0xFFFFF000  }
0x399: {  	[tilespmem:s16], [sflag:$0x3] =	stream.linear.gather [spmem:s25], $0x1400, $0x38;
	[tilespmem:$0x1D700] =	vst v63  }
0x39a: {  	_ =	swait.ge [sflag:s17], $0x1400  }
0x39b: {  	[sflag:s17] =	ssyncset.done $0x0  }
0x39c: {  	s6 =	simm.s32 $0x1420;
	[sflag:s17] =	ssyncadd.s32 $0xFFFFEC00  }
0x39d: {  	s13 =	simm.s32 $0x100;
	s7 =	simm.s32 $0x0;
	v1 =	vld [tilespmem:s6+$0x20]  }
.LBB2_23:
0x39e: {  	p1 =	sne.s32 s13, $0x3F00;
	v2 =	vld [tilespmem:s6+$0xFFFFFFE0];
	_ =	sdelay $0x3  }
0x39f: {  	v1 =	vmax.f32 v1, $1.000000000e+00  }
0x3a0: {  	v1 =	vbroadcast v1, $0x0;
	_ =	sdelay $0x1  }
0x3a1: {  	(erf) = vrcp.f32 v1;
	_ =	sdelay $0x8  }
0x3a2: {  	v1 =	vpop (erf)  }
0x3a3: {  	v2 =	vmul.f32 v1, v2  }
0x3a4: {  	s8 =	sshra.s32 s7, $0x2;
	s7 =	smov.u32 s13  }
0x3a5: {  	[tilespmem:s8+$0x3C00] =	vst v2  }
0x3a6: {  	v2 =	vld [tilespmem:s6+$0xFFFFFFF0];
	_ =	sdelay $0x4  }
0x3a7: {  	v2 =	vmul.f32 v1, v2;
	_ =	sdelay $0x1  }
0x3a8: {  	[tilespmem:s8+$0x3C10] =	vst v2  }
0x3a9: {  	v2 =	vld [tilespmem:s6+$0x0];
	_ =	sdelay $0x4  }
0x3aa: {  	v2 =	vmul.f32 v2, v1;
	_ =	sdelay $0x1  }
0x3ab: {  	[tilespmem:s8+$0x3C20] =	vst v2  }
0x3ac: {  	v2 =	vld [tilespmem:s6+$0x10];
	_ =	sdelay $0x3  }
.Ltmp23:
0x3ad: {  	(pc) =	sbr.rel @p1 .LBB2_23-.Ltmp23, $3  }
0x3ae: {  	v1 =	vmul.f32 v2, v1;
	_ =	sdelay $0x1  }
0x3af: {  	s6 =	sadd.s32 $0x50, s6;
	[tilespmem:s8+$0x3C30] =	vst v1  }
0x3b0: {  	s13 =	sadd.s32 $0x100, s13;
	v1 =	vld [tilespmem:s6+$0x20]  }
0x3b1: {  	_ =	sdelay $0x3  }
0x3b2: {  	v1 =	vmax.f32 v1, $1.000000000e+00  }
0x3b3: {  	v1 =	vbroadcast v1, $0x0;
	_ =	sdelay $0x1  }
0x3b4: {  	(erf) = vrcp.f32 v1;
	_ =	sdelay $0x4  }
0x3b5: {  	v1 =	vld [tilespmem:s6+$0xFFFFFFE0];
	_ =	sdelay $0x3  }
0x3b6: {  	v2 =	vpop (erf)  }
0x3b7: {  	v1 =	vmul.f32 v2, v1  }
0x3b8: {  	s7 =	sshra.s32 s7, $0x2  }
0x3b9: {  	[tilespmem:s7+$0x3C00] =	vst v1  }
0x3ba: {  	v1 =	vld [tilespmem:s6+$0xFFFFFFF0];
	_ =	sdelay $0x4  }
0x3bb: {  	v1 =	vmul.f32 v2, v1;
	_ =	sdelay $0x1  }
0x3bc: {  	[tilespmem:s7+$0x3C10] =	vst v1  }
0x3bd: {  	v1 =	vld [tilespmem:s6+$0x0];
	_ =	sdelay $0x4  }
0x3be: {  	v1 =	vmul.f32 v1, v2;
	_ =	sdelay $0x1  }
0x3bf: {  	[tilespmem:s7+$0x3C20] =	vst v1  }
0x3c0: {  	v1 =	vld [tilespmem:s6+$0x10];
	_ =	sdelay $0x4  }
0x3c1: {  	v1 =	vmul.f32 v1, v2;
	_ =	sdelay $0x1  }
0x3c2: {  	s20 =	rddreg [dreg:$0xe];
	[tilespmem:s7+$0x3C30] =	vst v1  }
0x3c3: {  	[hbm4b:s20+s29] =	stream.strided.scatter [tilespmem:s11], [sflag:$0x3], $0x1000, s10, s29, $0x38;
	[tilespmem:$0x1D700] =	vst v63  }
0x3c4: {  	_ =	swait.ge [sflag:s17], $0x1000  }
0x3c5: {  	[sflag:s17] =	ssyncset.done $0x0  }
0x3c6: {  	[sflag:s17] =	ssyncadd.s32 $0xFFFFF000  }
0x3c7: {  	[tilespmem:s16], [sflag:$0x3] =	stream.linear.gather [spmem:s26], $0x1400, $0x38;
	[tilespmem:$0x1D700] =	vst v63  }
0x3c8: {  	_ =	swait.ge [sflag:s17], $0x1400  }
0x3c9: {  	[sflag:s17] =	ssyncset.done $0x0  }
0x3ca: {  	s6 =	simm.s32 $0x1420;
	[sflag:s17] =	ssyncadd.s32 $0xFFFFEC00  }
0x3cb: {  	s13 =	simm.s32 $0x100;
	s7 =	simm.s32 $0x0;
	v1 =	vld [tilespmem:s6+$0x20]  }
.LBB2_25:
0x3cc: {  	p1 =	sne.s32 s13, $0x3F00;
	v2 =	vld [tilespmem:s6+$0xFFFFFFE0];
	_ =	sdelay $0x3  }
0x3cd: {  	v1 =	vmax.f32 v1, $1.000000000e+00  }
0x3ce: {  	v1 =	vbroadcast v1, $0x0;
	_ =	sdelay $0x1  }
0x3cf: {  	(erf) = vrcp.f32 v1;
	_ =	sdelay $0x8  }
0x3d0: {  	v1 =	vpop (erf)  }
0x3d1: {  	v2 =	vmul.f32 v1, v2  }
0x3d2: {  	s8 =	sshra.s32 s7, $0x2;
	s7 =	smov.u32 s13  }
0x3d3: {  	[tilespmem:s8+$0x3C00] =	vst v2  }
0x3d4: {  	v2 =	vld [tilespmem:s6+$0xFFFFFFF0];
	_ =	sdelay $0x4  }
0x3d5: {  	v2 =	vmul.f32 v1, v2;
	_ =	sdelay $0x1  }
0x3d6: {  	[tilespmem:s8+$0x3C10] =	vst v2  }
0x3d7: {  	v2 =	vld [tilespmem:s6+$0x0];
	_ =	sdelay $0x4  }
0x3d8: {  	v2 =	vmul.f32 v2, v1;
	_ =	sdelay $0x1  }
0x3d9: {  	[tilespmem:s8+$0x3C20] =	vst v2  }
0x3da: {  	v2 =	vld [tilespmem:s6+$0x10];
	_ =	sdelay $0x3  }
.Ltmp24:
0x3db: {  	(pc) =	sbr.rel @p1 .LBB2_25-.Ltmp24, $3  }
0x3dc: {  	v1 =	vmul.f32 v2, v1;
	_ =	sdelay $0x1  }
0x3dd: {  	s6 =	sadd.s32 $0x50, s6;
	[tilespmem:s8+$0x3C30] =	vst v1  }
0x3de: {  	s13 =	sadd.s32 $0x100, s13;
	v1 =	vld [tilespmem:s6+$0x20]  }
0x3df: {  	_ =	sdelay $0x3  }
0x3e0: {  	v1 =	vmax.f32 v1, $1.000000000e+00  }
0x3e1: {  	v1 =	vbroadcast v1, $0x0;
	_ =	sdelay $0x1  }
0x3e2: {  	(erf) = vrcp.f32 v1;
	_ =	sdelay $0x4  }
0x3e3: {  	v1 =	vld [tilespmem:s6+$0xFFFFFFE0];
	_ =	sdelay $0x3  }
0x3e4: {  	v2 =	vpop (erf)  }
0x3e5: {  	v1 =	vmul.f32 v2, v1  }
0x3e6: {  	s7 =	sshra.s32 s7, $0x2  }
0x3e7: {  	[tilespmem:s7+$0x3C00] =	vst v1  }
0x3e8: {  	v1 =	vld [tilespmem:s6+$0xFFFFFFF0];
	_ =	sdelay $0x4  }
0x3e9: {  	v1 =	vmul.f32 v2, v1;
	_ =	sdelay $0x1  }
0x3ea: {  	[tilespmem:s7+$0x3C10] =	vst v1  }
0x3eb: {  	v1 =	vld [tilespmem:s6+$0x0];
	_ =	sdelay $0x4  }
0x3ec: {  	v1 =	vmul.f32 v1, v2;
	_ =	sdelay $0x1  }
0x3ed: {  	[tilespmem:s7+$0x3C20] =	vst v1  }
0x3ee: {  	v1 =	vld [tilespmem:s6+$0x10];
	_ =	sdelay $0x4  }
0x3ef: {  	v1 =	vmul.f32 v1, v2;
	_ =	sdelay $0x1  }
0x3f0: {  	s19 =	rddreg [dreg:$0xf];
	[tilespmem:s7+$0x3C30] =	vst v1  }
0x3f1: {  	[hbm4b:s19+s29] =	stream.strided.scatter [tilespmem:s11], [sflag:$0x3], $0x1000, s10, s29, $0x38;
	[tilespmem:$0x1D700] =	vst v63  }
0x3f2: {  	_ =	swait.ge [sflag:s17], $0x1000  }
0x3f3: {  	[sflag:s17] =	ssyncset.done $0x0  }
0x3f4: {  	s20 =	rddreg [dreg:$0x12];
	[sflag:s17] =	ssyncadd.s32 $0xFFFFF000  }
0x3f5: {  	[tilespmem:s16], [sflag:$0x3] =	stream.linear.gather [spmem:s20], $0x1180, $0x38;
	[tilespmem:$0x1D700] =	vst v63  }
0x3f6: {  	_ =	swait.ge [sflag:s17], $0x1180  }
0x3f7: {  	[sflag:s17] =	ssyncset.done $0x0  }
0x3f8: {  	s6 =	simm.s32 $0x1420;
	[sflag:s17] =	ssyncadd.s32 $0xFFFFEE80  }
0x3f9: {  	s13 =	simm.s32 $0x100;
	s7 =	simm.s32 $0x0;
	v1 =	vld [tilespmem:s6+$0x20]  }
.LBB2_27:
0x3fa: {  	p1 =	sne.s32 s13, $0x3700;
	v2 =	vld [tilespmem:s6+$0xFFFFFFE0];
	_ =	sdelay $0x3  }
0x3fb: {  	v1 =	vmax.f32 v1, $1.000000000e+00  }
0x3fc: {  	v1 =	vbroadcast v1, $0x0;
	_ =	sdelay $0x1  }
0x3fd: {  	(erf) = vrcp.f32 v1;
	_ =	sdelay $0x8  }
0x3fe: {  	v1 =	vpop (erf)  }
0x3ff: {  	v2 =	vmul.f32 v1, v2  }
0x400: {  	s8 =	sshra.s32 s7, $0x2;
	s7 =	smov.u32 s13  }
0x401: {  	[tilespmem:s8+$0x3C00] =	vst v2  }
0x402: {  	v2 =	vld [tilespmem:s6+$0xFFFFFFF0];
	_ =	sdelay $0x4  }
0x403: {  	v2 =	vmul.f32 v1, v2;
	_ =	sdelay $0x1  }
0x404: {  	[tilespmem:s8+$0x3C10] =	vst v2  }
0x405: {  	v2 =	vld [tilespmem:s6+$0x0];
	_ =	sdelay $0x4  }
0x406: {  	v2 =	vmul.f32 v2, v1;
	_ =	sdelay $0x1  }
0x407: {  	[tilespmem:s8+$0x3C20] =	vst v2  }
0x408: {  	v2 =	vld [tilespmem:s6+$0x10];
	_ =	sdelay $0x3  }
.Ltmp25:
0x409: {  	(pc) =	sbr.rel @p1 .LBB2_27-.Ltmp25, $3  }
0x40a: {  	v1 =	vmul.f32 v2, v1;
	_ =	sdelay $0x1  }
0x40b: {  	s6 =	sadd.s32 $0x50, s6;
	[tilespmem:s8+$0x3C30] =	vst v1  }
0x40c: {  	s13 =	sadd.s32 $0x100, s13;
	v1 =	vld [tilespmem:s6+$0x20]  }
0x40d: {  	_ =	sdelay $0x3  }
0x40e: {  	v1 =	vmax.f32 v1, $1.000000000e+00  }
0x40f: {  	v1 =	vbroadcast v1, $0x0;
	_ =	sdelay $0x1  }
0x410: {  	(erf) = vrcp.f32 v1;
	_ =	sdelay $0x4  }
0x411: {  	v1 =	vld [tilespmem:s6+$0xFFFFFFE0];
	_ =	sdelay $0x3  }
0x412: {  	v2 =	vpop (erf)  }
0x413: {  	v1 =	vmul.f32 v2, v1  }
0x414: {  	s7 =	sshra.s32 s7, $0x2  }
0x415: {  	[tilespmem:s7+$0x3C00] =	vst v1  }
0x416: {  	v1 =	vld [tilespmem:s6+$0xFFFFFFF0];
	_ =	sdelay $0x4  }
0x417: {  	v1 =	vmul.f32 v2, v1;
	_ =	sdelay $0x1  }
0x418: {  	[tilespmem:s7+$0x3C10] =	vst v1  }
0x419: {  	v1 =	vld [tilespmem:s6+$0x0];
	_ =	sdelay $0x4  }
0x41a: {  	v1 =	vmul.f32 v1, v2;
	_ =	sdelay $0x1  }
0x41b: {  	[tilespmem:s7+$0x3C20] =	vst v1  }
0x41c: {  	v1 =	vld [tilespmem:s6+$0x10];
	_ =	sdelay $0x4  }
0x41d: {  	v1 =	vmul.f32 v1, v2;
	_ =	sdelay $0x1  }
.Ltmp26:
0x41e: {  	s20 =	rddreg [dreg:$0x10];
	[tilespmem:s7+$0x3C30] =	vst v1;
	(pc) =	sbr.rel .LBB2_48-.Ltmp26, $4  }
0x41f: {  	[hbm4b:s20+s29] =	stream.strided.scatter [tilespmem:s11], [sflag:$0x3], $0xE00, s10, s29, $0x38;
	[tilespmem:$0x1D700] =	vst v63  }
0x420: {  	_ =	swait.ge [sflag:s17], $0xE00  }
0x421: {  	[sflag:s17] =	ssyncset.done $0x0  }
0x422: {  	[sflag:s17] =	ssyncadd.s32 $0xFFFFF200  }
.LBB2_49:
0x423: {  	_ =	sfence.sel $0x180000  }
0x424: {  	[bflag:$0x0] =	sbarrier.arrive $0xFFFF  }
0x425: {  	_ =	strace $0x90000047  }
0x426: {  	s0 =	stileid.u32;
	[bflag:$0x2] =	sbarrier.arrive $0xFFFF  }
0x427: {  	p0 =	sne.s32 s0, $0x0;
	s0 =	rddreg [dreg:$0x4]  }
0x428: {  	s0 =	sadd.s32 @!p0 $0x100000, s0  }
0x429: {  	[sflag:s0] =	ssyncadd.tile.s32 @!p0 $0x1;
	_ =	shalt  }
.Lfunc_end2:
_tile_overlayer_lowered:
.L_overlay_start_2:
0x42a: {  	(tag) =	ssettag $0x2  }
0x42b: {  	s0 =	rddreg [dreg:$0x0];
	s2 =	stileid.u32  }
0x42c: {  	s1 =	rddreg [dreg:$0x1];
	p0 =	sne.s32 s2, $0x0  }
0x42d: {  	s3 =	rddreg [dreg:$0x2];
	[bflag:$0x3] =	sbarrier.arrive $0xFFFF;
	s2 =	simm.s32 @!p0 $0x1C03  }
0x42e: {  	[timem:s3], [sflag:s2] =	dma.local @!p0 [hbm:s0], s1  }
0x42f: {  	s0 =	simm.s32 @!p0 $0x3  }
0x430: {  	_ =	swait.ge @!p0 [sflag:s0], s1  }
0x431: {  	s1 =	ssub.s32 @!p0 $0x0, s1;
	[sflag:s0] =	ssyncset.done @!p0 $0x0  }
0x432: {  	[sflag:s0] =	ssyncadd.s32 @!p0 s1  }
0x433: {  	[bflag:$0x3] =	sbarrier.arrive $0xFFFF  }
0x434: {  	_ =	shalt  }

</sc_bundles>
